<compile_context>
chip_gen: v7x
topology: tpu7x:2x2x1
jax: 0.10.2.dev20260603
libtpu: 0.0.44.dev20260713+nightly
codegen_flags: <defaults>
</compile_context>

<pallas_src>
import functools

import jax
import jax.numpy as jnp
from jax import lax
from jax.experimental import pallas as pl
from jax.experimental.pallas import tpu as pltpu
from jax.experimental.pallas import tpu_sc as plsc

N = 10000
D = 128
E = 320000

NC = 2
NS = 16
NW = NC * NS
EW = 128
RPW = 80
ROWS_PAD = NW * RPW
CH = 8
NSEC = 5
SECR = RPW // NSEC
NPAD = 10112
SEG = NPAD // NS

_MESH = plsc.VectorSubcoreMesh(core_axis_name="c", subcore_axis_name="s")


def _spmm_body(h_hbm, src_hbm, dst_hbm, zeros_hbm, out_hbm,
               src_v0, src_v1, dst_v0, dst_v1, buf0, buf1, acc,
               semi, sg0, sg1):
    c = lax.axis_index("c")
    s = lax.axis_index("s")
    wid = c * NS + s
    base = s * SEG
    row0 = wid * RPW
    srcs = [src_v0, src_v1]
    dsts = [dst_v0, dst_v1]
    ci = pltpu.async_copy(src_hbm.at[pl.ds(row0, SECR)], src_v0, semi)
    cd = pltpu.async_copy(dst_hbm.at[pl.ds(row0, SECR)], dst_v0, semi)
    pltpu.sync_copy(zeros_hbm.at[pl.ds(base, SEG)], acc.at[pl.ds(base, SEG)])
    ci.wait()
    cd.wait()
    plsc.subcore_barrier()

    def make_body(src_v, dst_v):
        def step(j, buf_a, sg_a, buf_b, sg_b):
            pltpu.make_async_copy(h_hbm.at[src_v.at[j]], buf_a, sg_a).wait()

            @pl.when(j < SECR - 1)
            def _():
                pltpu.async_copy(h_hbm.at[src_v.at[j + 1]], buf_b, sg_b)

            pltpu.sync_copy(buf_a, acc.at[dst_v.at[j]], add=True)

        def body(j, carry):
            even = (j & 1) == 0

            @pl.when(even)
            def _():
                step(j, buf0, sg0, buf1, sg1)

            @pl.when(jnp.logical_not(even))
            def _():
                step(j, buf1, sg1, buf0, sg0)

            return carry

        return body

    for sec in range(NSEC):
        bk = sec % 2
        src_v, dst_v = srcs[bk], dsts[bk]
        if sec + 1 < NSEC:
            r_next = row0 + (sec + 1) * SECR
            ci = pltpu.async_copy(src_hbm.at[pl.ds(r_next, SECR)],
                                  srcs[1 - bk], semi)
            cd = pltpu.async_copy(dst_hbm.at[pl.ds(r_next, SECR)],
                                  dsts[1 - bk], semi)
        pltpu.async_copy(h_hbm.at[src_v.at[0]], buf0, sg0)
        lax.fori_loop(0, SECR, make_body(src_v, dst_v), 0)
        if sec + 1 < NSEC:
            ci.wait()
            cd.wait()

    plsc.subcore_barrier()
    pltpu.sync_copy(acc.at[pl.ds(base, SEG)], out_hbm.at[c, pl.ds(base, SEG)])


def _spmm_sc(h, src_rows, dst_rows, zeros):
    kfn = pl.kernel(
        _spmm_body,
        out_type=jax.ShapeDtypeStruct((NC, NPAD, D), jnp.float32),
        mesh=_MESH,
        scratch_types=[
            pltpu.VMEM((SECR, EW), jnp.int32),
            pltpu.VMEM((SECR, EW), jnp.int32),
            pltpu.VMEM((SECR, EW), jnp.int32),
            pltpu.VMEM((SECR, EW), jnp.int32),
            pltpu.VMEM((EW, D), jnp.float32),
            pltpu.VMEM((EW, D), jnp.float32),
            pltpu.VMEM_SHARED((NPAD, D), jnp.float32),
        ] + [pltpu.SemaphoreType.DMA] * 3,
    )
    return kfn(h, src_rows, dst_rows, zeros)


def _deg_body(dst_hbm, zeros_hbm, out_hbm, dst_v, ones_v, acc):
    c = lax.axis_index("c")
    s = lax.axis_index("s")
    wid = c * NS + s
    for i in range(EW // 16):
        ones_v[pl.ds(i * 16, 16)] = jnp.ones((16,), jnp.float32)

    @pl.when(s == 0)
    def _():
        pltpu.sync_copy(zeros_hbm, acc)

    plsc.subcore_barrier()
    row0 = wid * RPW

    def chunk(k, carry):
        r = row0 + k * CH
        pltpu.sync_copy(dst_hbm.at[pl.ds(r, CH)], dst_v)
        for j in range(CH):
            pltpu.sync_copy(ones_v, acc.at[dst_v.at[j]], add=True)
        return carry

    lax.fori_loop(0, RPW // CH, chunk, 0)
    plsc.subcore_barrier()

    @pl.when(s == 0)
    def _():
        pltpu.sync_copy(acc, out_hbm.at[c])


def _deg_sc(dst_rows, zeros_n):
    kfn = pl.kernel(
        _deg_body,
        out_type=jax.ShapeDtypeStruct((NC, NPAD), jnp.float32),
        mesh=_MESH,
        scratch_types=[
            pltpu.VMEM((CH, EW), jnp.int32),
            pltpu.VMEM((EW,), jnp.float32),
            pltpu.VMEM_SHARED((NPAD,), jnp.float32),
        ],
    )
    return kfn(dst_rows, zeros_n)



_BLK = 1000
_GRID = N // _BLK

_row_spec = pl.BlockSpec((_BLK, D), lambda i: (i, 0))
_dis_spec = pl.BlockSpec((_BLK, 1), lambda i: (i, 0))
_w_spec = pl.BlockSpec((D, D), lambda i: (0, 0))
_b_spec = pl.BlockSpec((1, D), lambda i: (0, 0))
_deg_spec = pl.BlockSpec((_BLK, 2), lambda i: (i, 0))
_p0_spec = pl.BlockSpec((1, _BLK, D), lambda i: (0, i, 0))
_p1_spec = pl.BlockSpec((1, _BLK, D), lambda i: (1, i, 0))


def _mm_body(x_ref, w_ref, out_ref):
    out_ref[...] = jnp.dot(x_ref[...], w_ref[...],
                           preferred_element_type=jnp.float32)


def _tc_mm(x, W1):
    return pl.pallas_call(
        _mm_body,
        grid=(_GRID,),
        in_specs=[_row_spec, _w_spec],
        out_specs=_row_spec,
        out_shape=jax.ShapeDtypeStruct((N, D), jnp.float32),
    )(x, W1)


def _scale_body(t_ref, degT_ref, hp_ref, dis_ref):
    cnt = degT_ref[:, 0:1] + degT_ref[:, 1:2] + 1.0
    dis = lax.rsqrt(cnt)
    hp_ref[...] = t_ref[...] * dis
    dis_ref[...] = dis


def _tc_scale(t, degT):
    return pl.pallas_call(
        _scale_body,
        grid=(_GRID,),
        in_specs=[_row_spec, _deg_spec],
        out_specs=[_row_spec, _dis_spec],
        out_shape=[
            jax.ShapeDtypeStruct((N, D), jnp.float32),
            jax.ShapeDtypeStruct((N, 1), jnp.float32),
        ],
    )(t, degT)


def _mid_body(p0_ref, p1_ref, hp_ref, dis_ref, b_ref, w_ref, out_ref):
    dis = dis_ref[...]
    y = dis * (p0_ref[0] + p1_ref[0] + hp_ref[...]) + b_ref[...]
    z = jnp.maximum(y, 0.0)
    out_ref[...] = dis * jnp.dot(z, w_ref[...],
                                 preferred_element_type=jnp.float32)


def _tc_mid(p, hp, dis, b, W):
    return pl.pallas_call(
        _mid_body,
        grid=(_GRID,),
        in_specs=[_p0_spec, _p1_spec, _row_spec, _dis_spec, _b_spec, _w_spec],
        out_specs=_row_spec,
        out_shape=jax.ShapeDtypeStruct((N, D), jnp.float32),
    )(p, p, hp, dis, b, W)


def _post_body(p0_ref, p1_ref, hp_ref, dis_ref, b_ref, x_ref, out_ref):
    y = dis_ref[...] * (p0_ref[0] + p1_ref[0] + hp_ref[...]) + b_ref[...]
    out_ref[...] = y + x_ref[...]


def _tc_post(p, hp, dis, b, x):
    return pl.pallas_call(
        _post_body,
        grid=(_GRID,),
        in_specs=[_p0_spec, _p1_spec, _row_spec, _dis_spec, _b_spec,
                  _row_spec],
        out_specs=_row_spec,
        out_shape=jax.ShapeDtypeStruct((N, D), jnp.float32),
    )(p, p, hp, dis, b, x)


def kernel(x, edge_index, W1, b1, W2, b2, W3, b3):
    src = edge_index[0]
    dst = edge_index[1]
    npad_e = ROWS_PAD * EW - E
    pad_i = jnp.arange(npad_e, dtype=jnp.int32)
    pad_src = (pad_i * 37) % N
    pad_dst = N + (pad_i % (NPAD - N))
    src_rows = jnp.concatenate([src, pad_src]).reshape(ROWS_PAD, EW)
    dst_rows = jnp.concatenate([dst, pad_dst]).reshape(ROWS_PAD, EW)

    zeros = jnp.zeros((NPAD, D), jnp.float32)
    zeros_n = jnp.zeros((NPAD,), jnp.float32)

    degp = _deg_sc(dst_rows, zeros_n)
    t1 = _tc_mm(x, W1)
    degT = jnp.transpose(degp[:, :N])

    b1r = b1.reshape(1, D)
    b2r = b2.reshape(1, D)
    b3r = b3.reshape(1, D)

    hp1, dis = _tc_scale(t1, degT)
    p = _spmm_sc(hp1, src_rows, dst_rows, zeros)
    hp2 = _tc_mid(p, hp1, dis, b1r, W2)
    p = _spmm_sc(hp2, src_rows, dst_rows, zeros)
    hp3 = _tc_mid(p, hp2, dis, b2r, W3)
    p = _spmm_sc(hp3, src_rows, dst_rows, zeros)
    out = _tc_post(p, hp3, dis, b3r, x)
    return (out, x)

# --- scband reference (transcript-rebuilt; emitter-appended) ---
"""Pipeline reference for scband-gcnencoder-46875273068979 (READ-ONLY COPY).

The authoritative reference and input builder live on the scoring server;
editing this copy changes nothing except your own understanding.
"""

import jax, jax.numpy as jnp
import numpy as np

N = 10000
D = 128
E = 320000

def gcn_conv(x, edge_index, W, b):
    n = x.shape[0]
    loop = jnp.arange(n, dtype=edge_index.dtype)
    src = jnp.concatenate([edge_index[0], loop])
    dst = jnp.concatenate([edge_index[1], loop])
    deg = jnp.zeros((n,), dtype=x.dtype).at[dst].add(1.0)
    dis = jnp.where(deg > 0, jax.lax.rsqrt(deg), 0.0)
    norm = dis[src] * dis[dst]
    h = x @ W
    msg = h[src] * norm[:, None]
    out = jnp.zeros_like(h).at[dst].add(msg)
    return out + b

def setup_inputs(seed: int = 0):
    key = jax.random.key(seed)
    ks = jax.random.split(key, 8)
    x = jax.random.normal(ks[0], (N, D), dtype=jnp.float32)
    edge_index = jax.random.randint(ks[1], (2, E), 0, N, dtype=jnp.int32)
    scale = 1.0 / np.sqrt(D)
    W1 = jax.random.normal(ks[2], (D, D), dtype=jnp.float32) * scale
    W2 = jax.random.normal(ks[3], (D, D), dtype=jnp.float32) * scale
    W3 = jax.random.normal(ks[4], (D, D), dtype=jnp.float32) * scale
    b1 = jnp.zeros((D,), dtype=jnp.float32)
    b2 = jnp.zeros((D,), dtype=jnp.float32)
    b3 = jnp.zeros((D,), dtype=jnp.float32)
    return {"x": x, "edge_index": edge_index, "W1": W1, "b1": b1, "W2": W2, "b2": b2, "W3": W3, "b3": b3}

def reference(x, edge_index, W1, b1, W2, b2, W3, b3):
    # init_embedding output treated as x (init_h); dropout inactive (eval mode)
    init_h = x
    h = gcn_conv(init_h, edge_index, W1, b1)
    h = jax.nn.relu(h)
    h = gcn_conv(h, edge_index, W2, b2)
    h = jax.nn.relu(h)
    h = gcn_conv(h, edge_index, W3, b3)
    h = h + init_h  # residual
    return (h, init_h)

if __name__ == "__main__":
    import jax
    _d = setup_inputs()
    print(jax.jit(kernel)(*tuple(_d.values())))

</pallas_src>

<mosaic_0001>
#map = affine_map<(d0, d1) -> (0, 0)>
#map1 = affine_map<(d0, d1) -> (0)>
module attributes {stable_mosaic.version = 14 : i64} {
  func.func @_deg_body(%arg0: i32, %arg1: i32, %arg2: memref<2560x128xi32, #tpu.memory_space<hbm>>, %arg3: memref<10112xf32, #tpu.memory_space<hbm>>, %arg4: memref<2x10112xf32, #tpu.memory_space<hbm>>, %arg5: memref<8x128xi32, #tpu.memory_space<vmem>>, %arg6: memref<128xf32, #tpu.memory_space<vmem>>, %arg7: memref<10112xf32, #tpu.memory_space<vmem_shared>>) attributes {dimension_semantics = [#tpu.dimension_semantics<core_parallel>, #tpu.dimension_semantics<subcore_parallel>], iteration_bounds = array<i64: 2, 16>, scalar_prefetch = 0 : i64, scratch_operands = 3 : i64, tpu.core_type = #tpu.core_type<sc_vector_subcore>, window_params = [{transform_indices = #map}, {transform_indices = #map1}, {transform_indices = #map}]} {
    %mul3A = arith.constant 16 : i32
    %mul3A_0 = arith.muli %arg0, %mul3A : i32
    %add3A = arith.addi %mul3A_0, %arg1 : i32
    %broadcast_in_dim3A = arith.constant 1.000000e+00 : f32
    %broadcast_in_dim3A_1 = vector.broadcast %broadcast_in_dim3A : f32 to vector<16xf32>
    %swap3A = arith.constant 0 : index
    %swap3A_2 = tpu.vector_load %arg6[%swap3A] {strides = array<i32>} : memref<128xf32, #tpu.memory_space<vmem>>, vector<16xf32>,
    %swap3A_3 = vector.shape_cast %swap3A_2 : vector<16xf32> to vector<16xf32>
    %swap3A_4 = vector.shape_cast %broadcast_in_dim3A_1 : vector<16xf32> to vector<16xf32>
    tpu.vector_store %arg6[%swap3A], %swap3A_4 {strides = array<i32>} : memref<128xf32, #tpu.memory_space<vmem>>, vector<16xf32>,
    %broadcast_in_dim3A_5 = arith.constant 1.000000e+00 : f32
    %broadcast_in_dim3A_6 = vector.broadcast %broadcast_in_dim3A_5 : f32 to vector<16xf32>
    %swap3A_7 = arith.constant 16 : index
    %swap3A_8 = tpu.vector_load %arg6[%swap3A_7] {strides = array<i32>} : memref<128xf32, #tpu.memory_space<vmem>>, vector<16xf32>,
    %swap3A_9 = vector.shape_cast %swap3A_8 : vector<16xf32> to vector<16xf32>
    %swap3A_10 = vector.shape_cast %broadcast_in_dim3A_6 : vector<16xf32> to vector<16xf32>
    tpu.vector_store %arg6[%swap3A_7], %swap3A_10 {strides = array<i32>} : memref<128xf32, #tpu.memory_space<vmem>>, vector<16xf32>,
    %broadcast_in_dim3A_11 = arith.constant 1.000000e+00 : f32
    %broadcast_in_dim3A_12 = vector.broadcast %broadcast_in_dim3A_11 : f32 to vector<16xf32>
    %swap3A_13 = arith.constant 32 : index
    %swap3A_14 = tpu.vector_load %arg6[%swap3A_13] {strides = array<i32>} : memref<128xf32, #tpu.memory_space<vmem>>, vector<16xf32>,
    %swap3A_15 = vector.shape_cast %swap3A_14 : vector<16xf32> to vector<16xf32>
    %swap3A_16 = vector.shape_cast %broadcast_in_dim3A_12 : vector<16xf32> to vector<16xf32>
    tpu.vector_store %arg6[%swap3A_13], %swap3A_16 {strides = array<i32>} : memref<128xf32, #tpu.memory_space<vmem>>, vector<16xf32>,
    %broadcast_in_dim3A_17 = arith.constant 1.000000e+00 : f32
    %broadcast_in_dim3A_18 = vector.broadcast %broadcast_in_dim3A_17 : f32 to vector<16xf32>
    %swap3A_19 = arith.constant 48 : index
    %swap3A_20 = tpu.vector_load %arg6[%swap3A_19] {strides = array<i32>} : memref<128xf32, #tpu.memory_space<vmem>>, vector<16xf32>,
    %swap3A_21 = vector.shape_cast %swap3A_20 : vector<16xf32> to vector<16xf32>
    %swap3A_22 = vector.shape_cast %broadcast_in_dim3A_18 : vector<16xf32> to vector<16xf32>
    tpu.vector_store %arg6[%swap3A_19], %swap3A_22 {strides = array<i32>} : memref<128xf32, #tpu.memory_space<vmem>>, vector<16xf32>,
    %broadcast_in_dim3A_23 = arith.constant 1.000000e+00 : f32
    %broadcast_in_dim3A_24 = vector.broadcast %broadcast_in_dim3A_23 : f32 to vector<16xf32>
    %swap3A_25 = arith.constant 64 : index
    %swap3A_26 = tpu.vector_load %arg6[%swap3A_25] {strides = array<i32>} : memref<128xf32, #tpu.memory_space<vmem>>, vector<16xf32>,
    %swap3A_27 = vector.shape_cast %swap3A_26 : vector<16xf32> to vector<16xf32>
    %swap3A_28 = vector.shape_cast %broadcast_in_dim3A_24 : vector<16xf32> to vector<16xf32>
    tpu.vector_store %arg6[%swap3A_25], %swap3A_28 {strides = array<i32>} : memref<128xf32, #tpu.memory_space<vmem>>, vector<16xf32>,
    %broadcast_in_dim3A_29 = arith.constant 1.000000e+00 : f32
    %broadcast_in_dim3A_30 = vector.broadcast %broadcast_in_dim3A_29 : f32 to vector<16xf32>
    %swap3A_31 = arith.constant 80 : index
    %swap3A_32 = tpu.vector_load %arg6[%swap3A_31] {strides = array<i32>} : memref<128xf32, #tpu.memory_space<vmem>>, vector<16xf32>,
    %swap3A_33 = vector.shape_cast %swap3A_32 : vector<16xf32> to vector<16xf32>
    %swap3A_34 = vector.shape_cast %broadcast_in_dim3A_30 : vector<16xf32> to vector<16xf32>
    tpu.vector_store %arg6[%swap3A_31], %swap3A_34 {strides = array<i32>} : memref<128xf32, #tpu.memory_space<vmem>>, vector<16xf32>,
    %broadcast_in_dim3A_35 = arith.constant 1.000000e+00 : f32
    %broadcast_in_dim3A_36 = vector.broadcast %broadcast_in_dim3A_35 : f32 to vector<16xf32>
    %swap3A_37 = arith.constant 96 : index
    %swap3A_38 = tpu.vector_load %arg6[%swap3A_37] {strides = array<i32>} : memref<128xf32, #tpu.memory_space<vmem>>, vector<16xf32>,
    %swap3A_39 = vector.shape_cast %swap3A_38 : vector<16xf32> to vector<16xf32>
    %swap3A_40 = vector.shape_cast %broadcast_in_dim3A_36 : vector<16xf32> to vector<16xf32>
    tpu.vector_store %arg6[%swap3A_37], %swap3A_40 {strides = array<i32>} : memref<128xf32, #tpu.memory_space<vmem>>, vector<16xf32>,
    %broadcast_in_dim3A_41 = arith.constant 1.000000e+00 : f32
    %broadcast_in_dim3A_42 = vector.broadcast %broadcast_in_dim3A_41 : f32 to vector<16xf32>
    %swap3A_43 = arith.constant 112 : index
    %swap3A_44 = tpu.vector_load %arg6[%swap3A_43] {strides = array<i32>} : memref<128xf32, #tpu.memory_space<vmem>>, vector<16xf32>,
    %swap3A_45 = vector.shape_cast %swap3A_44 : vector<16xf32> to vector<16xf32>
    %swap3A_46 = vector.shape_cast %broadcast_in_dim3A_42 : vector<16xf32> to vector<16xf32>
    tpu.vector_store %arg6[%swap3A_43], %swap3A_46 {strides = array<i32>} : memref<128xf32, #tpu.memory_space<vmem>>, vector<16xf32>,
    %eq3A = arith.constant 0 : i32
    %eq3A_47 = arith.cmpi eq, %arg1, %eq3A : i32
    %convert_element_type3A = arith.extui %eq3A_47 : i1 to i32
    %cond3A = arith.constant 0 : i32
    %cond3A_48 = arith.cmpi ne, %convert_element_type3A, %cond3A : i32
    scf.if %cond3A_48 {
      "tpu.region"() ({
        %run_scoped3A = tpu.sem_alloc : memref<!tpu.dma_semaphore, #tpu.memory_space<semaphore_mem>>
        tpu.enqueue_dma source(%arg3 : memref<10112xf32, #tpu.memory_space<hbm>>) target(%arg7 : memref<10112xf32, #tpu.memory_space<vmem_shared>>) target_semaphore(%run_scoped3A : memref<!tpu.dma_semaphore, #tpu.memory_space<semaphore_mem>>)
        tpu.wait_dma2 semaphore(%run_scoped3A : memref<!tpu.dma_semaphore, #tpu.memory_space<semaphore_mem>>) src(%arg3 : memref<10112xf32, #tpu.memory_space<hbm>>) dst(%arg7 : memref<10112xf32, #tpu.memory_space<vmem_shared>>)
        tpu.yield
      }) : () -> ()
    } else {
    }
    %barrier3A = arith.constant 0 : index
    tpu.barrier barrier_id(%barrier3A)
    %mul3A_49 = arith.constant 80 : i32
    %mul3A_50 = arith.muli %add3A, %mul3A_49 : i32
    %scan3A = arith.constant 0 : i32
    %scan3A_51 = arith.constant 0 : i32
    %scan3A_52 = arith.constant 10 : i32
    %scan3A_53 = arith.addi %scan3A_51, %scan3A_52 : i32
    %scan3A_54 = arith.constant 1 : i32
    scf.for %scan3A_62 = %scan3A_51 to %scan3A_53 step %scan3A_54  : i32 {
      %mul3A_63 = arith.constant 8 : i32
      %mul3A_64 = arith.muli %scan3A_62, %mul3A_63 : i32
      %add3A_65 = arith.addi %mul3A_50, %mul3A_64 : i32
      "tpu.region"() ({
        %run_scoped3A_73 = tpu.sem_alloc : memref<!tpu.dma_semaphore, #tpu.memory_space<semaphore_mem>>
        %dma_start3A = arith.constant 0 : i32
        %dma_start3A_74 = tpu.memref_slice %arg2[%add3A_65, %dma_start3A] : memref<2560x128xi32, #tpu.memory_space<hbm>> -> memref<8x128xi32, #tpu.memory_space<hbm>>
        %dma_start3A_75 = arith.constant 0 : i32
        %dma_start3A_76 = tpu.memref_slice %arg2[%add3A_65, %dma_start3A_75] : memref<2560x128xi32, #tpu.memory_space<hbm>> -> memref<8x128xi32, #tpu.memory_space<hbm>>
        tpu.enqueue_dma source(%dma_start3A_76 : memref<8x128xi32, #tpu.memory_space<hbm>>) target(%arg5 : memref<8x128xi32, #tpu.memory_space<vmem>>) target_semaphore(%run_scoped3A_73 : memref<!tpu.dma_semaphore, #tpu.memory_space<semaphore_mem>>)
        %dma_wait3A = arith.constant 0 : i32
        %dma_wait3A_77 = tpu.memref_slice %arg2[%add3A_65, %dma_wait3A] : memref<2560x128xi32, #tpu.memory_space<hbm>> -> memref<8x128xi32, #tpu.memory_space<hbm>>
        %dma_wait3A_78 = arith.constant 0 : i32
        %dma_wait3A_79 = tpu.memref_slice %arg2[%add3A_65, %dma_wait3A_78] : memref<2560x128xi32, #tpu.memory_space<hbm>> -> memref<8x128xi32, #tpu.memory_space<hbm>>
        tpu.wait_dma2 semaphore(%run_scoped3A_73 : memref<!tpu.dma_semaphore, #tpu.memory_space<semaphore_mem>>) src(%dma_wait3A_79 : memref<8x128xi32, #tpu.memory_space<hbm>>) dst(%arg5 : memref<8x128xi32, #tpu.memory_space<vmem>>)
        tpu.yield
      }) : () -> ()
      %run_scoped3A = arith.constant 0 : i32
      "tpu.region"() ({
        %run_scoped3A_73 = tpu.sem_alloc : memref<!tpu.dma_semaphore, #tpu.memory_space<semaphore_mem>>
        %dma_start3A = arith.constant 0 : i32
        %dma_start3A_74 = tpu.memref_slice %arg5[%run_scoped3A, %dma_start3A] : memref<8x128xi32, #tpu.memory_space<vmem>> -> memref<1x128xi32, #tpu.memory_space<vmem>>
        %dma_start3A_75 = tpu.memref_squeeze %dma_start3A_74 : memref<1x128xi32, #tpu.memory_space<vmem>> -> memref<128xi32, #tpu.memory_space<vmem>>
        %dma_start3A_76 = arith.constant 0 : i32
        %dma_start3A_77 = tpu.memref_slice %arg7[%dma_start3A_76] : memref<10112xf32, #tpu.memory_space<vmem_shared>> -> memref<10112xf32, #tpu.memory_space<vmem_shared>>
        tpu.enqueue_indirect_dma source(%arg6 : memref<128xf32, #tpu.memory_space<vmem>>) target(%dma_start3A_77 : memref<10112xf32, #tpu.memory_space<vmem_shared>>) offsets(%dma_start3A_75 : memref<128xi32, #tpu.memory_space<vmem>>) semaphore(%run_scoped3A_73 : memref<!tpu.dma_semaphore, #tpu.memory_space<semaphore_mem>>) {add = true}
        %dma_wait3A = arith.constant 0 : i32
        %dma_wait3A_78 = tpu.memref_slice %arg5[%run_scoped3A, %dma_wait3A] : memref<8x128xi32, #tpu.memory_space<vmem>> -> memref<1x128xi32, #tpu.memory_space<vmem>>
        %dma_wait3A_79 = tpu.memref_squeeze %dma_wait3A_78 : memref<1x128xi32, #tpu.memory_space<vmem>> -> memref<128xi32, #tpu.memory_space<vmem>>
        %dma_wait3A_80 = arith.constant 0 : i32
        %dma_wait3A_81 = tpu.memref_slice %arg7[%dma_wait3A_80] : memref<10112xf32, #tpu.memory_space<vmem_shared>> -> memref<10112xf32, #tpu.memory_space<vmem_shared>>
        tpu.wait_indirect_dma semaphore(%run_scoped3A_73 : memref<!tpu.dma_semaphore, #tpu.memory_space<semaphore_mem>>) src(%arg6 : memref<128xf32, #tpu.memory_space<vmem>>) dst(%dma_wait3A_81 : memref<10112xf32, #tpu.memory_space<vmem_shared>>)
        tpu.yield
      }) : () -> ()
      %run_scoped3A_66 = arith.constant 1 : i32
      "tpu.region"() ({
        %run_scoped3A_73 = tpu.sem_alloc : memref<!tpu.dma_semaphore, #tpu.memory_space<semaphore_mem>>
        %dma_start3A = arith.constant 0 : i32
        %dma_start3A_74 = tpu.memref_slice %arg5[%run_scoped3A_66, %dma_start3A] : memref<8x128xi32, #tpu.memory_space<vmem>> -> memref<1x128xi32, #tpu.memory_space<vmem>>
        %dma_start3A_75 = tpu.memref_squeeze %dma_start3A_74 : memref<1x128xi32, #tpu.memory_space<vmem>> -> memref<128xi32, #tpu.memory_space<vmem>>
        %dma_start3A_76 = arith.constant 0 : i32
        %dma_start3A_77 = tpu.memref_slice %arg7[%dma_start3A_76] : memref<10112xf32, #tpu.memory_space<vmem_shared>> -> memref<10112xf32, #tpu.memory_space<vmem_shared>>
        tpu.enqueue_indirect_dma source(%arg6 : memref<128xf32, #tpu.memory_space<vmem>>) target(%dma_start3A_77 : memref<10112xf32, #tpu.memory_space<vmem_shared>>) offsets(%dma_start3A_75 : memref<128xi32, #tpu.memory_space<vmem>>) semaphore(%run_scoped3A_73 : memref<!tpu.dma_semaphore, #tpu.memory_space<semaphore_mem>>) {add = true}
        %dma_wait3A = arith.constant 0 : i32
        %dma_wait3A_78 = tpu.memref_slice %arg5[%run_scoped3A_66, %dma_wait3A] : memref<8x128xi32, #tpu.memory_space<vmem>> -> memref<1x128xi32, #tpu.memory_space<vmem>>
        %dma_wait3A_79 = tpu.memref_squeeze %dma_wait3A_78 : memref<1x128xi32, #tpu.memory_space<vmem>> -> memref<128xi32, #tpu.memory_space<vmem>>
        %dma_wait3A_80 = arith.constant 0 : i32
        %dma_wait3A_81 = tpu.memref_slice %arg7[%dma_wait3A_80] : memref<10112xf32, #tpu.memory_space<vmem_shared>> -> memref<10112xf32, #tpu.memory_space<vmem_shared>>
        tpu.wait_indirect_dma semaphore(%run_scoped3A_73 : memref<!tpu.dma_semaphore, #tpu.memory_space<semaphore_mem>>) src(%arg6 : memref<128xf32, #tpu.memory_space<vmem>>) dst(%dma_wait3A_81 : memref<10112xf32, #tpu.memory_space<vmem_shared>>)
        tpu.yield
      }) : () -> ()
      %run_scoped3A_67 = arith.constant 2 : i32
      "tpu.region"() ({
        %run_scoped3A_73 = tpu.sem_alloc : memref<!tpu.dma_semaphore, #tpu.memory_space<semaphore_mem>>
        %dma_start3A = arith.constant 0 : i32
        %dma_start3A_74 = tpu.memref_slice %arg5[%run_scoped3A_67, %dma_start3A] : memref<8x128xi32, #tpu.memory_space<vmem>> -> memref<1x128xi32, #tpu.memory_space<vmem>>
        %dma_start3A_75 = tpu.memref_squeeze %dma_start3A_74 : memref<1x128xi32, #tpu.memory_space<vmem>> -> memref<128xi32, #tpu.memory_space<vmem>>
        %dma_start3A_76 = arith.constant 0 : i32
        %dma_start3A_77 = tpu.memref_slice %arg7[%dma_start3A_76] : memref<10112xf32, #tpu.memory_space<vmem_shared>> -> memref<10112xf32, #tpu.memory_space<vmem_shared>>
        tpu.enqueue_indirect_dma source(%arg6 : memref<128xf32, #tpu.memory_space<vmem>>) target(%dma_start3A_77 : memref<10112xf32, #tpu.memory_space<vmem_shared>>) offsets(%dma_start3A_75 : memref<128xi32, #tpu.memory_space<vmem>>) semaphore(%run_scoped3A_73 : memref<!tpu.dma_semaphore, #tpu.memory_space<semaphore_mem>>) {add = true}
        %dma_wait3A = arith.constant 0 : i32
        %dma_wait3A_78 = tpu.memref_slice %arg5[%run_scoped3A_67, %dma_wait3A] : memref<8x128xi32, #tpu.memory_space<vmem>> -> memref<1x128xi32, #tpu.memory_space<vmem>>
        %dma_wait3A_79 = tpu.memref_squeeze %dma_wait3A_78 : memref<1x128xi32, #tpu.memory_space<vmem>> -> memref<128xi32, #tpu.memory_space<vmem>>
        %dma_wait3A_80 = arith.constant 0 : i32
        %dma_wait3A_81 = tpu.memref_slice %arg7[%dma_wait3A_80] : memref<10112xf32, #tpu.memory_space<vmem_shared>> -> memref<10112xf32, #tpu.memory_space<vmem_shared>>
        tpu.wait_indirect_dma semaphore(%run_scoped3A_73 : memref<!tpu.dma_semaphore, #tpu.memory_space<semaphore_mem>>) src(%arg6 : memref<128xf32, #tpu.memory_space<vmem>>) dst(%dma_wait3A_81 : memref<10112xf32, #tpu.memory_space<vmem_shared>>)
        tpu.yield
      }) : () -> ()
      %run_scoped3A_68 = arith.constant 3 : i32
      "tpu.region"() ({
        %run_scoped3A_73 = tpu.sem_alloc : memref<!tpu.dma_semaphore, #tpu.memory_space<semaphore_mem>>
        %dma_start3A = arith.constant 0 : i32
        %dma_start3A_74 = tpu.memref_slice %arg5[%run_scoped3A_68, %dma_start3A] : memref<8x128xi32, #tpu.memory_space<vmem>> -> memref<1x128xi32, #tpu.memory_space<vmem>>
        %dma_start3A_75 = tpu.memref_squeeze %dma_start3A_74 : memref<1x128xi32, #tpu.memory_space<vmem>> -> memref<128xi32, #tpu.memory_space<vmem>>
        %dma_start3A_76 = arith.constant 0 : i32
        %dma_start3A_77 = tpu.memref_slice %arg7[%dma_start3A_76] : memref<10112xf32, #tpu.memory_space<vmem_shared>> -> memref<10112xf32, #tpu.memory_space<vmem_shared>>
        tpu.enqueue_indirect_dma source(%arg6 : memref<128xf32, #tpu.memory_space<vmem>>) target(%dma_start3A_77 : memref<10112xf32, #tpu.memory_space<vmem_shared>>) offsets(%dma_start3A_75 : memref<128xi32, #tpu.memory_space<vmem>>) semaphore(%run_scoped3A_73 : memref<!tpu.dma_semaphore, #tpu.memory_space<semaphore_mem>>) {add = true}
        %dma_wait3A = arith.constant 0 : i32
        %dma_wait3A_78 = tpu.memref_slice %arg5[%run_scoped3A_68, %dma_wait3A] : memref<8x128xi32, #tpu.memory_space<vmem>> -> memref<1x128xi32, #tpu.memory_space<vmem>>
        %dma_wait3A_79 = tpu.memref_squeeze %dma_wait3A_78 : memref<1x128xi32, #tpu.memory_space<vmem>> -> memref<128xi32, #tpu.memory_space<vmem>>
        %dma_wait3A_80 = arith.constant 0 : i32
        %dma_wait3A_81 = tpu.memref_slice %arg7[%dma_wait3A_80] : memref<10112xf32, #tpu.memory_space<vmem_shared>> -> memref<10112xf32, #tpu.memory_space<vmem_shared>>
        tpu.wait_indirect_dma semaphore(%run_scoped3A_73 : memref<!tpu.dma_semaphore, #tpu.memory_space<semaphore_mem>>) src(%arg6 : memref<128xf32, #tpu.memory_space<vmem>>) dst(%dma_wait3A_81 : memref<10112xf32, #tpu.memory_space<vmem_shared>>)
        tpu.yield
      }) : () -> ()
      %run_scoped3A_69 = arith.constant 4 : i32
      "tpu.region"() ({
        %run_scoped3A_73 = tpu.sem_alloc : memref<!tpu.dma_semaphore, #tpu.memory_space<semaphore_mem>>
        %dma_start3A = arith.constant 0 : i32
        %dma_start3A_74 = tpu.memref_slice %arg5[%run_scoped3A_69, %dma_start3A] : memref<8x128xi32, #tpu.memory_space<vmem>> -> memref<1x128xi32, #tpu.memory_space<vmem>>
        %dma_start3A_75 = tpu.memref_squeeze %dma_start3A_74 : memref<1x128xi32, #tpu.memory_space<vmem>> -> memref<128xi32, #tpu.memory_space<vmem>>
        %dma_start3A_76 = arith.constant 0 : i32
        %dma_start3A_77 = tpu.memref_slice %arg7[%dma_start3A_76] : memref<10112xf32, #tpu.memory_space<vmem_shared>> -> memref<10112xf32, #tpu.memory_space<vmem_shared>>
        tpu.enqueue_indirect_dma source(%arg6 : memref<128xf32, #tpu.memory_space<vmem>>) target(%dma_start3A_77 : memref<10112xf32, #tpu.memory_space<vmem_shared>>) offsets(%dma_start3A_75 : memref<128xi32, #tpu.memory_space<vmem>>) semaphore(%run_scoped3A_73 : memref<!tpu.dma_semaphore, #tpu.memory_space<semaphore_mem>>) {add = true}
        %dma_wait3A = arith.constant 0 : i32
        %dma_wait3A_78 = tpu.memref_slice %arg5[%run_scoped3A_69, %dma_wait3A] : memref<8x128xi32, #tpu.memory_space<vmem>> -> memref<1x128xi32, #tpu.memory_space<vmem>>
        %dma_wait3A_79 = tpu.memref_squeeze %dma_wait3A_78 : memref<1x128xi32, #tpu.memory_space<vmem>> -> memref<128xi32, #tpu.memory_space<vmem>>
        %dma_wait3A_80 = arith.constant 0 : i32
        %dma_wait3A_81 = tpu.memref_slice %arg7[%dma_wait3A_80] : memref<10112xf32, #tpu.memory_space<vmem_shared>> -> memref<10112xf32, #tpu.memory_space<vmem_shared>>
        tpu.wait_indirect_dma semaphore(%run_scoped3A_73 : memref<!tpu.dma_semaphore, #tpu.memory_space<semaphore_mem>>) src(%arg6 : memref<128xf32, #tpu.memory_space<vmem>>) dst(%dma_wait3A_81 : memref<10112xf32, #tpu.memory_space<vmem_shared>>)
        tpu.yield
      }) : () -> ()
      %run_scoped3A_70 = arith.constant 5 : i32
      "tpu.region"() ({
        %run_scoped3A_73 = tpu.sem_alloc : memref<!tpu.dma_semaphore, #tpu.memory_space<semaphore_mem>>
        %dma_start3A = arith.constant 0 : i32
        %dma_start3A_74 = tpu.memref_slice %arg5[%run_scoped3A_70, %dma_start3A] : memref<8x128xi32, #tpu.memory_space<vmem>> -> memref<1x128xi32, #tpu.memory_space<vmem>>
        %dma_start3A_75 = tpu.memref_squeeze %dma_start3A_74 : memref<1x128xi32, #tpu.memory_space<vmem>> -> memref<128xi32, #tpu.memory_space<vmem>>
        %dma_start3A_76 = arith.constant 0 : i32
        %dma_start3A_77 = tpu.memref_slice %arg7[%dma_start3A_76] : memref<10112xf32, #tpu.memory_space<vmem_shared>> -> memref<10112xf32, #tpu.memory_space<vmem_shared>>
        tpu.enqueue_indirect_dma source(%arg6 : memref<128xf32, #tpu.memory_space<vmem>>) target(%dma_start3A_77 : memref<10112xf32, #tpu.memory_space<vmem_shared>>) offsets(%dma_start3A_75 : memref<128xi32, #tpu.memory_space<vmem>>) semaphore(%run_scoped3A_73 : memref<!tpu.dma_semaphore, #tpu.memory_space<semaphore_mem>>) {add = true}
        %dma_wait3A = arith.constant 0 : i32
        %dma_wait3A_78 = tpu.memref_slice %arg5[%run_scoped3A_70, %dma_wait3A] : memref<8x128xi32, #tpu.memory_space<vmem>> -> memref<1x128xi32, #tpu.memory_space<vmem>>
        %dma_wait3A_79 = tpu.memref_squeeze %dma_wait3A_78 : memref<1x128xi32, #tpu.memory_space<vmem>> -> memref<128xi32, #tpu.memory_space<vmem>>
        %dma_wait3A_80 = arith.constant 0 : i32
        %dma_wait3A_81 = tpu.memref_slice %arg7[%dma_wait3A_80] : memref<10112xf32, #tpu.memory_space<vmem_shared>> -> memref<10112xf32, #tpu.memory_space<vmem_shared>>
        tpu.wait_indirect_dma semaphore(%run_scoped3A_73 : memref<!tpu.dma_semaphore, #tpu.memory_space<semaphore_mem>>) src(%arg6 : memref<128xf32, #tpu.memory_space<vmem>>) dst(%dma_wait3A_81 : memref<10112xf32, #tpu.memory_space<vmem_shared>>)
        tpu.yield
      }) : () -> ()
      %run_scoped3A_71 = arith.constant 6 : i32
      "tpu.region"() ({
        %run_scoped3A_73 = tpu.sem_alloc : memref<!tpu.dma_semaphore, #tpu.memory_space<semaphore_mem>>
        %dma_start3A = arith.constant 0 : i32
        %dma_start3A_74 = tpu.memref_slice %arg5[%run_scoped3A_71, %dma_start3A] : memref<8x128xi32, #tpu.memory_space<vmem>> -> memref<1x128xi32, #tpu.memory_space<vmem>>
        %dma_start3A_75 = tpu.memref_squeeze %dma_start3A_74 : memref<1x128xi32, #tpu.memory_space<vmem>> -> memref<128xi32, #tpu.memory_space<vmem>>
        %dma_start3A_76 = arith.constant 0 : i32
        %dma_start3A_77 = tpu.memref_slice %arg7[%dma_start3A_76] : memref<10112xf32, #tpu.memory_space<vmem_shared>> -> memref<10112xf32, #tpu.memory_space<vmem_shared>>
        tpu.enqueue_indirect_dma source(%arg6 : memref<128xf32, #tpu.memory_space<vmem>>) target(%dma_start3A_77 : memref<10112xf32, #tpu.memory_space<vmem_shared>>) offsets(%dma_start3A_75 : memref<128xi32, #tpu.memory_space<vmem>>) semaphore(%run_scoped3A_73 : memref<!tpu.dma_semaphore, #tpu.memory_space<semaphore_mem>>) {add = true}
        %dma_wait3A = arith.constant 0 : i32
        %dma_wait3A_78 = tpu.memref_slice %arg5[%run_scoped3A_71, %dma_wait3A] : memref<8x128xi32, #tpu.memory_space<vmem>> -> memref<1x128xi32, #tpu.memory_space<vmem>>
        %dma_wait3A_79 = tpu.memref_squeeze %dma_wait3A_78 : memref<1x128xi32, #tpu.memory_space<vmem>> -> memref<128xi32, #tpu.memory_space<vmem>>
        %dma_wait3A_80 = arith.constant 0 : i32
        %dma_wait3A_81 = tpu.memref_slice %arg7[%dma_wait3A_80] : memref<10112xf32, #tpu.memory_space<vmem_shared>> -> memref<10112xf32, #tpu.memory_space<vmem_shared>>
        tpu.wait_indirect_dma semaphore(%run_scoped3A_73 : memref<!tpu.dma_semaphore, #tpu.memory_space<semaphore_mem>>) src(%arg6 : memref<128xf32, #tpu.memory_space<vmem>>) dst(%dma_wait3A_81 : memref<10112xf32, #tpu.memory_space<vmem_shared>>)
        tpu.yield
      }) : () -> ()
      %run_scoped3A_72 = arith.constant 7 : i32
      "tpu.region"() ({
        %run_scoped3A_73 = tpu.sem_alloc : memref<!tpu.dma_semaphore, #tpu.memory_space<semaphore_mem>>
        %dma_start3A = arith.constant 0 : i32
        %dma_start3A_74 = tpu.memref_slice %arg5[%run_scoped3A_72, %dma_start3A] : memref<8x128xi32, #tpu.memory_space<vmem>> -> memref<1x128xi32, #tpu.memory_space<vmem>>
        %dma_start3A_75 = tpu.memref_squeeze %dma_start3A_74 : memref<1x128xi32, #tpu.memory_space<vmem>> -> memref<128xi32, #tpu.memory_space<vmem>>
        %dma_start3A_76 = arith.constant 0 : i32
        %dma_start3A_77 = tpu.memref_slice %arg7[%dma_start3A_76] : memref<10112xf32, #tpu.memory_space<vmem_shared>> -> memref<10112xf32, #tpu.memory_space<vmem_shared>>
        tpu.enqueue_indirect_dma source(%arg6 : memref<128xf32, #tpu.memory_space<vmem>>) target(%dma_start3A_77 : memref<10112xf32, #tpu.memory_space<vmem_shared>>) offsets(%dma_start3A_75 : memref<128xi32, #tpu.memory_space<vmem>>) semaphore(%run_scoped3A_73 : memref<!tpu.dma_semaphore, #tpu.memory_space<semaphore_mem>>) {add = true}
        %dma_wait3A = arith.constant 0 : i32
        %dma_wait3A_78 = tpu.memref_slice %arg5[%run_scoped3A_72, %dma_wait3A] : memref<8x128xi32, #tpu.memory_space<vmem>> -> memref<1x128xi32, #tpu.memory_space<vmem>>
        %dma_wait3A_79 = tpu.memref_squeeze %dma_wait3A_78 : memref<1x128xi32, #tpu.memory_space<vmem>> -> memref<128xi32, #tpu.memory_space<vmem>>
        %dma_wait3A_80 = arith.constant 0 : i32
        %dma_wait3A_81 = tpu.memref_slice %arg7[%dma_wait3A_80] : memref<10112xf32, #tpu.memory_space<vmem_shared>> -> memref<10112xf32, #tpu.memory_space<vmem_shared>>
        tpu.wait_indirect_dma semaphore(%run_scoped3A_73 : memref<!tpu.dma_semaphore, #tpu.memory_space<semaphore_mem>>) src(%arg6 : memref<128xf32, #tpu.memory_space<vmem>>) dst(%dma_wait3A_81 : memref<10112xf32, #tpu.memory_space<vmem_shared>>)
        tpu.yield
      }) : () -> ()
    }
    %scan3A_55 = arith.constant 10 : i32
    %barrier3A_56 = arith.constant 0 : index
    tpu.barrier barrier_id(%barrier3A_56)
    %eq3A_57 = arith.constant 0 : i32
    %eq3A_58 = arith.cmpi eq, %arg1, %eq3A_57 : i32
    %convert_element_type3A_59 = arith.extui %eq3A_58 : i1 to i32
    %cond3A_60 = arith.constant 0 : i32
    %cond3A_61 = arith.cmpi ne, %convert_element_type3A_59, %cond3A_60 : i32
    scf.if %cond3A_61 {
      "tpu.region"() ({
        %run_scoped3A = tpu.sem_alloc : memref<!tpu.dma_semaphore, #tpu.memory_space<semaphore_mem>>
        %dma_start3A = arith.constant 0 : i32
        %dma_start3A_62 = tpu.memref_slice %arg4[%arg0, %dma_start3A] : memref<2x10112xf32, #tpu.memory_space<hbm>> -> memref<1x10112xf32, #tpu.memory_space<hbm>>
        %dma_start3A_63 = tpu.memref_squeeze %dma_start3A_62 : memref<1x10112xf32, #tpu.memory_space<hbm>> -> memref<10112xf32, #tpu.memory_space<hbm>>
        tpu.enqueue_dma source(%arg7 : memref<10112xf32, #tpu.memory_space<vmem_shared>>) target(%dma_start3A_63 : memref<10112xf32, #tpu.memory_space<hbm>>) target_semaphore(%run_scoped3A : memref<!tpu.dma_semaphore, #tpu.memory_space<semaphore_mem>>)
        %dma_wait3A = arith.constant 0 : i32
        %dma_wait3A_64 = tpu.memref_slice %arg4[%arg0, %dma_wait3A] : memref<2x10112xf32, #tpu.memory_space<hbm>> -> memref<1x10112xf32, #tpu.memory_space<hbm>>
        %dma_wait3A_65 = tpu.memref_squeeze %dma_wait3A_64 : memref<1x10112xf32, #tpu.memory_space<hbm>> -> memref<10112xf32, #tpu.memory_space<hbm>>
        tpu.wait_dma2 semaphore(%run_scoped3A : memref<!tpu.dma_semaphore, #tpu.memory_space<semaphore_mem>>) src(%arg7 : memref<10112xf32, #tpu.memory_space<vmem_shared>>) dst(%dma_wait3A_65 : memref<10112xf32, #tpu.memory_space<hbm>>)
        tpu.yield
      }) : () -> ()
    } else {
    }
    return
  }
}

#map = affine_map<(d0, d1) -> (0, 0)>
#map1 = affine_map<(d0, d1) -> (0, 0, 0)>
module attributes {stable_mosaic.version = 14 : i64} {
  func.func @_spmm_body(%arg0: i32, %arg1: i32, %arg2: memref<10000x128xf32, #tpu.memory_space<hbm>>, %arg3: memref<2560x128xi32, #tpu.memory_space<hbm>>, %arg4: memref<2560x128xi32, #tpu.memory_space<hbm>>, %arg5: memref<10112x128xf32, #tpu.memory_space<hbm>>, %arg6: memref<2x10112x128xf32, #tpu.memory_space<hbm>>, %arg7: memref<16x128xi32, #tpu.memory_space<vmem>>, %arg8: memref<16x128xi32, #tpu.memory_space<vmem>>, %arg9: memref<16x128xi32, #tpu.memory_space<vmem>>, %arg10: memref<16x128xi32, #tpu.memory_space<vmem>>, %arg11: memref<128x128xf32, #tpu.memory_space<vmem>>, %arg12: memref<128x128xf32, #tpu.memory_space<vmem>>, %arg13: memref<10112x128xf32, #tpu.memory_space<vmem_shared>>, %arg14: memref<!tpu.dma_semaphore, #tpu.memory_space<semaphore_mem>>, %arg15: memref<!tpu.dma_semaphore, #tpu.memory_space<semaphore_mem>>, %arg16: memref<!tpu.dma_semaphore, #tpu.memory_space<semaphore_mem>>) attributes {dimension_semantics = [#tpu.dimension_semantics<core_parallel>, #tpu.dimension_semantics<subcore_parallel>], iteration_bounds = array<i64: 2, 16>, scalar_prefetch = 0 : i64, scratch_operands = 10 : i64, tpu.core_type = #tpu.core_type<sc_vector_subcore>, window_params = [{transform_indices = #map}, {transform_indices = #map}, {transform_indices = #map}, {transform_indices = #map}, {transform_indices = #map1}]} {
    %mul3A = arith.constant 16 : i32
    %mul3A_0 = arith.muli %arg0, %mul3A : i32
    %add3A = arith.addi %mul3A_0, %arg1 : i32
    %mul3A_1 = arith.constant 632 : i32
    %mul3A_2 = arith.muli %arg1, %mul3A_1 : i32
    %mul3A_3 = arith.constant 80 : i32
    %mul3A_4 = arith.muli %add3A, %mul3A_3 : i32
    %dma_start3A = arith.constant 0 : i32
    %dma_start3A_5 = tpu.memref_slice %arg3[%mul3A_4, %dma_start3A] : memref<2560x128xi32, #tpu.memory_space<hbm>> -> memref<16x128xi32, #tpu.memory_space<hbm>>
    %dma_start3A_6 = arith.constant 0 : i32
    %dma_start3A_7 = tpu.memref_slice %arg3[%mul3A_4, %dma_start3A_6] : memref<2560x128xi32, #tpu.memory_space<hbm>> -> memref<16x128xi32, #tpu.memory_space<hbm>>
    tpu.enqueue_dma source(%dma_start3A_7 : memref<16x128xi32, #tpu.memory_space<hbm>>) target(%arg7 : memref<16x128xi32, #tpu.memory_space<vmem>>) target_semaphore(%arg14 : memref<!tpu.dma_semaphore, #tpu.memory_space<semaphore_mem>>)
    %dma_start3A_8 = arith.constant 0 : i32
    %dma_start3A_9 = tpu.memref_slice %arg4[%mul3A_4, %dma_start3A_8] : memref<2560x128xi32, #tpu.memory_space<hbm>> -> memref<16x128xi32, #tpu.memory_space<hbm>>
    %dma_start3A_10 = arith.constant 0 : i32
    %dma_start3A_11 = tpu.memref_slice %arg4[%mul3A_4, %dma_start3A_10] : memref<2560x128xi32, #tpu.memory_space<hbm>> -> memref<16x128xi32, #tpu.memory_space<hbm>>
    tpu.enqueue_dma source(%dma_start3A_11 : memref<16x128xi32, #tpu.memory_space<hbm>>) target(%arg9 : memref<16x128xi32, #tpu.memory_space<vmem>>) target_semaphore(%arg14 : memref<!tpu.dma_semaphore, #tpu.memory_space<semaphore_mem>>)
    "tpu.region"() ({
      %run_scoped3A = tpu.sem_alloc : memref<!tpu.dma_semaphore, #tpu.memory_space<semaphore_mem>>
      %dma_start3A_156 = arith.constant 0 : i32
      %dma_start3A_157 = tpu.memref_slice %arg13[%mul3A_2, %dma_start3A_156] : memref<10112x128xf32, #tpu.memory_space<vmem_shared>> -> memref<632x128xf32, #tpu.memory_space<vmem_shared>>
      %dma_start3A_158 = arith.constant 0 : i32
      %dma_start3A_159 = tpu.memref_slice %arg5[%mul3A_2, %dma_start3A_158] : memref<10112x128xf32, #tpu.memory_space<hbm>> -> memref<632x128xf32, #tpu.memory_space<hbm>>
      tpu.enqueue_dma source(%dma_start3A_159 : memref<632x128xf32, #tpu.memory_space<hbm>>) target(%dma_start3A_157 : memref<632x128xf32, #tpu.memory_space<vmem_shared>>) target_semaphore(%run_scoped3A : memref<!tpu.dma_semaphore, #tpu.memory_space<semaphore_mem>>)
      %dma_wait3A_160 = arith.constant 0 : i32
      %dma_wait3A_161 = tpu.memref_slice %arg13[%mul3A_2, %dma_wait3A_160] : memref<10112x128xf32, #tpu.memory_space<vmem_shared>> -> memref<632x128xf32, #tpu.memory_space<vmem_shared>>
      %dma_wait3A_162 = arith.constant 0 : i32
      %dma_wait3A_163 = tpu.memref_slice %arg5[%mul3A_2, %dma_wait3A_162] : memref<10112x128xf32, #tpu.memory_space<hbm>> -> memref<632x128xf32, #tpu.memory_space<hbm>>
      tpu.wait_dma2 semaphore(%run_scoped3A : memref<!tpu.dma_semaphore, #tpu.memory_space<semaphore_mem>>) src(%dma_wait3A_163 : memref<632x128xf32, #tpu.memory_space<hbm>>) dst(%dma_wait3A_161 : memref<632x128xf32, #tpu.memory_space<vmem_shared>>)
      tpu.yield
    }) : () -> ()
    %dma_wait3A = arith.constant 0 : i32
    %dma_wait3A_12 = tpu.memref_slice %arg3[%mul3A_4, %dma_wait3A] : memref<2560x128xi32, #tpu.memory_space<hbm>> -> memref<16x128xi32, #tpu.memory_space<hbm>>
    %dma_wait3A_13 = arith.constant 0 : i32
    %dma_wait3A_14 = tpu.memref_slice %arg3[%mul3A_4, %dma_wait3A_13] : memref<2560x128xi32, #tpu.memory_space<hbm>> -> memref<16x128xi32, #tpu.memory_space<hbm>>
    tpu.wait_dma2 semaphore(%arg14 : memref<!tpu.dma_semaphore, #tpu.memory_space<semaphore_mem>>) src(%dma_wait3A_14 : memref<16x128xi32, #tpu.memory_space<hbm>>) dst(%arg7 : memref<16x128xi32, #tpu.memory_space<vmem>>)
    %dma_wait3A_15 = arith.constant 0 : i32
    %dma_wait3A_16 = tpu.memref_slice %arg4[%mul3A_4, %dma_wait3A_15] : memref<2560x128xi32, #tpu.memory_space<hbm>> -> memref<16x128xi32, #tpu.memory_space<hbm>>
    %dma_wait3A_17 = arith.constant 0 : i32
    %dma_wait3A_18 = tpu.memref_slice %arg4[%mul3A_4, %dma_wait3A_17] : memref<2560x128xi32, #tpu.memory_space<hbm>> -> memref<16x128xi32, #tpu.memory_space<hbm>>
    tpu.wait_dma2 semaphore(%arg14 : memref<!tpu.dma_semaphore, #tpu.memory_space<semaphore_mem>>) src(%dma_wait3A_18 : memref<16x128xi32, #tpu.memory_space<hbm>>) dst(%arg9 : memref<16x128xi32, #tpu.memory_space<vmem>>)
    %barrier3A = arith.constant 0 : index
    tpu.barrier barrier_id(%barrier3A)
    %add3A_19 = arith.constant 16 : i32
    %add3A_20 = arith.addi %mul3A_4, %add3A_19 : i32
    %dma_start3A_21 = arith.constant 0 : i32
    %dma_start3A_22 = tpu.memref_slice %arg3[%add3A_20, %dma_start3A_21] : memref<2560x128xi32, #tpu.memory_space<hbm>> -> memref<16x128xi32, #tpu.memory_space<hbm>>
    %dma_start3A_23 = arith.constant 0 : i32
    %dma_start3A_24 = tpu.memref_slice %arg3[%add3A_20, %dma_start3A_23] : memref<2560x128xi32, #tpu.memory_space<hbm>> -> memref<16x128xi32, #tpu.memory_space<hbm>>
    tpu.enqueue_dma source(%dma_start3A_24 : memref<16x128xi32, #tpu.memory_space<hbm>>) target(%arg8 : memref<16x128xi32, #tpu.memory_space<vmem>>) target_semaphore(%arg14 : memref<!tpu.dma_semaphore, #tpu.memory_space<semaphore_mem>>)
    %dma_start3A_25 = arith.constant 0 : i32
    %dma_start3A_26 = tpu.memref_slice %arg4[%add3A_20, %dma_start3A_25] : memref<2560x128xi32, #tpu.memory_space<hbm>> -> memref<16x128xi32, #tpu.memory_space<hbm>>
    %dma_start3A_27 = arith.constant 0 : i32
    %dma_start3A_28 = tpu.memref_slice %arg4[%add3A_20, %dma_start3A_27] : memref<2560x128xi32, #tpu.memory_space<hbm>> -> memref<16x128xi32, #tpu.memory_space<hbm>>
    tpu.enqueue_dma source(%dma_start3A_28 : memref<16x128xi32, #tpu.memory_space<hbm>>) target(%arg10 : memref<16x128xi32, #tpu.memory_space<vmem>>) target_semaphore(%arg14 : memref<!tpu.dma_semaphore, #tpu.memory_space<semaphore_mem>>)
    %dma_start3A_29 = arith.constant 0 : i32
    %dma_start3A_30 = arith.constant 0 : i32
    %dma_start3A_31 = tpu.memref_slice %arg7[%dma_start3A_29, %dma_start3A_30] : memref<16x128xi32, #tpu.memory_space<vmem>> -> memref<1x128xi32, #tpu.memory_space<vmem>>
    %dma_start3A_32 = tpu.memref_squeeze %dma_start3A_31 : memref<1x128xi32, #tpu.memory_space<vmem>> -> memref<128xi32, #tpu.memory_space<vmem>>
    %dma_start3A_33 = arith.constant 0 : i32
    %dma_start3A_34 = arith.constant 0 : i32
    %dma_start3A_35 = tpu.memref_slice %arg2[%dma_start3A_33, %dma_start3A_34] : memref<10000x128xf32, #tpu.memory_space<hbm>> -> memref<10000x128xf32, #tpu.memory_space<hbm>>
    tpu.enqueue_indirect_dma source(%dma_start3A_35 : memref<10000x128xf32, #tpu.memory_space<hbm>>) target(%arg11 : memref<128x128xf32, #tpu.memory_space<vmem>>) offsets(%dma_start3A_32 : memref<128xi32, #tpu.memory_space<vmem>>) semaphore(%arg15 : memref<!tpu.dma_semaphore, #tpu.memory_space<semaphore_mem>>)
    %scan3A = arith.constant 0 : i32
    %scan3A_36 = arith.constant 0 : i32
    %scan3A_37 = arith.constant 16 : i32
    %scan3A_38 = arith.addi %scan3A_36, %scan3A_37 : i32
    %scan3A_39 = arith.constant 1 : i32
    scf.for %scan3A_156 = %scan3A_36 to %scan3A_38 step %scan3A_39  : i32 {
      %and3A = arith.constant 1 : i32
      %and3A_157 = arith.andi %scan3A_156, %and3A : i32
      %eq3A = arith.constant 0 : i32
      %eq3A_158 = arith.cmpi eq, %and3A_157, %eq3A : i32
      %convert_element_type3A = arith.extui %eq3A_158 : i1 to i32
      %cond3A = arith.constant 0 : i32
      %cond3A_159 = arith.cmpi ne, %convert_element_type3A, %cond3A : i32
      scf.if %cond3A_159 {
        %dma_wait3A_164 = arith.constant 0 : i32
        %dma_wait3A_165 = tpu.memref_slice %arg7[%scan3A_156, %dma_wait3A_164] : memref<16x128xi32, #tpu.memory_space<vmem>> -> memref<1x128xi32, #tpu.memory_space<vmem>>
        %dma_wait3A_166 = tpu.memref_squeeze %dma_wait3A_165 : memref<1x128xi32, #tpu.memory_space<vmem>> -> memref<128xi32, #tpu.memory_space<vmem>>
        %dma_wait3A_167 = arith.constant 0 : i32
        %dma_wait3A_168 = arith.constant 0 : i32
        %dma_wait3A_169 = tpu.memref_slice %arg2[%dma_wait3A_167, %dma_wait3A_168] : memref<10000x128xf32, #tpu.memory_space<hbm>> -> memref<10000x128xf32, #tpu.memory_space<hbm>>
        tpu.wait_indirect_dma semaphore(%arg15 : memref<!tpu.dma_semaphore, #tpu.memory_space<semaphore_mem>>) src(%dma_wait3A_169 : memref<10000x128xf32, #tpu.memory_space<hbm>>) dst(%arg11 : memref<128x128xf32, #tpu.memory_space<vmem>>)
        %lt3A = arith.constant 15 : i32
        %lt3A_170 = arith.cmpi slt, %scan3A_156, %lt3A : i32
        %convert_element_type3A_171 = arith.extui %lt3A_170 : i1 to i32
        %cond3A_172 = arith.constant 0 : i32
        %cond3A_173 = arith.cmpi ne, %convert_element_type3A_171, %cond3A_172 : i32
        scf.if %cond3A_173 {
          %add3A_174 = arith.constant 1 : i32
          %add3A_175 = arith.addi %scan3A_156, %add3A_174 : i32
          %dma_start3A_176 = arith.constant 0 : i32
          %dma_start3A_177 = tpu.memref_slice %arg7[%add3A_175, %dma_start3A_176] : memref<16x128xi32, #tpu.memory_space<vmem>> -> memref<1x128xi32, #tpu.memory_space<vmem>>
          %dma_start3A_178 = tpu.memref_squeeze %dma_start3A_177 : memref<1x128xi32, #tpu.memory_space<vmem>> -> memref<128xi32, #tpu.memory_space<vmem>>
          %dma_start3A_179 = arith.constant 0 : i32
          %dma_start3A_180 = arith.constant 0 : i32
          %dma_start3A_181 = tpu.memref_slice %arg2[%dma_start3A_179, %dma_start3A_180] : memref<10000x128xf32, #tpu.memory_space<hbm>> -> memref<10000x128xf32, #tpu.memory_space<hbm>>
          tpu.enqueue_indirect_dma source(%dma_start3A_181 : memref<10000x128xf32, #tpu.memory_space<hbm>>) target(%arg12 : memref<128x128xf32, #tpu.memory_space<vmem>>) offsets(%dma_start3A_178 : memref<128xi32, #tpu.memory_space<vmem>>) semaphore(%arg16 : memref<!tpu.dma_semaphore, #tpu.memory_space<semaphore_mem>>)
        } else {
        }
        "tpu.region"() ({
          %run_scoped3A = tpu.sem_alloc : memref<!tpu.dma_semaphore, #tpu.memory_space<semaphore_mem>>
          %dma_start3A_174 = arith.constant 0 : i32
          %dma_start3A_175 = tpu.memref_slice %arg9[%scan3A_156, %dma_start3A_174] : memref<16x128xi32, #tpu.memory_space<vmem>> -> memref<1x128xi32, #tpu.memory_space<vmem>>
          %dma_start3A_176 = tpu.memref_squeeze %dma_start3A_175 : memref<1x128xi32, #tpu.memory_space<vmem>> -> memref<128xi32, #tpu.memory_space<vmem>>
          %dma_start3A_177 = arith.constant 0 : i32
          %dma_start3A_178 = arith.constant 0 : i32
          %dma_start3A_179 = tpu.memref_slice %arg13[%dma_start3A_177, %dma_start3A_178] : memref<10112x128xf32, #tpu.memory_space<vmem_shared>> -> memref<10112x128xf32, #tpu.memory_space<vmem_shared>>
          tpu.enqueue_indirect_dma source(%arg11 : memref<128x128xf32, #tpu.memory_space<vmem>>) target(%dma_start3A_179 : memref<10112x128xf32, #tpu.memory_space<vmem_shared>>) offsets(%dma_start3A_176 : memref<128xi32, #tpu.memory_space<vmem>>) semaphore(%run_scoped3A : memref<!tpu.dma_semaphore, #tpu.memory_space<semaphore_mem>>) {add = true}
          %dma_wait3A_180 = arith.constant 0 : i32
          %dma_wait3A_181 = tpu.memref_slice %arg9[%scan3A_156, %dma_wait3A_180] : memref<16x128xi32, #tpu.memory_space<vmem>> -> memref<1x128xi32, #tpu.memory_space<vmem>>
          %dma_wait3A_182 = tpu.memref_squeeze %dma_wait3A_181 : memref<1x128xi32, #tpu.memory_space<vmem>> -> memref<128xi32, #tpu.memory_space<vmem>>
          %dma_wait3A_183 = arith.constant 0 : i32
          %dma_wait3A_184 = arith.constant 0 : i32
          %dma_wait3A_185 = tpu.memref_slice %arg13[%dma_wait3A_183, %dma_wait3A_184] : memref<10112x128xf32, #tpu.memory_space<vmem_shared>> -> memref<10112x128xf32, #tpu.memory_space<vmem_shared>>
          tpu.wait_indirect_dma semaphore(%run_scoped3A : memref<!tpu.dma_semaphore, #tpu.memory_space<semaphore_mem>>) src(%arg11 : memref<128x128xf32, #tpu.memory_space<vmem>>) dst(%dma_wait3A_185 : memref<10112x128xf32, #tpu.memory_space<vmem_shared>>)
          tpu.yield
        }) : () -> ()
      } else {
      }
      %not3A = arith.constant true
      %not3A_160 = arith.xori %eq3A_158, %not3A : i1
      %convert_element_type3A_161 = arith.extui %not3A_160 : i1 to i32
      %cond3A_162 = arith.constant 0 : i32
      %cond3A_163 = arith.cmpi ne, %convert_element_type3A_161, %cond3A_162 : i32
      scf.if %cond3A_163 {
        %dma_wait3A_164 = arith.constant 0 : i32
        %dma_wait3A_165 = tpu.memref_slice %arg7[%scan3A_156, %dma_wait3A_164] : memref<16x128xi32, #tpu.memory_space<vmem>> -> memref<1x128xi32, #tpu.memory_space<vmem>>
        %dma_wait3A_166 = tpu.memref_squeeze %dma_wait3A_165 : memref<1x128xi32, #tpu.memory_space<vmem>> -> memref<128xi32, #tpu.memory_space<vmem>>
        %dma_wait3A_167 = arith.constant 0 : i32
        %dma_wait3A_168 = arith.constant 0 : i32
        %dma_wait3A_169 = tpu.memref_slice %arg2[%dma_wait3A_167, %dma_wait3A_168] : memref<10000x128xf32, #tpu.memory_space<hbm>> -> memref<10000x128xf32, #tpu.memory_space<hbm>>
        tpu.wait_indirect_dma semaphore(%arg16 : memref<!tpu.dma_semaphore, #tpu.memory_space<semaphore_mem>>) src(%dma_wait3A_169 : memref<10000x128xf32, #tpu.memory_space<hbm>>) dst(%arg12 : memref<128x128xf32, #tpu.memory_space<vmem>>)
        %lt3A = arith.constant 15 : i32
        %lt3A_170 = arith.cmpi slt, %scan3A_156, %lt3A : i32
        %convert_element_type3A_171 = arith.extui %lt3A_170 : i1 to i32
        %cond3A_172 = arith.constant 0 : i32
        %cond3A_173 = arith.cmpi ne, %convert_element_type3A_171, %cond3A_172 : i32
        scf.if %cond3A_173 {
          %add3A_174 = arith.constant 1 : i32
          %add3A_175 = arith.addi %scan3A_156, %add3A_174 : i32
          %dma_start3A_176 = arith.constant 0 : i32
          %dma_start3A_177 = tpu.memref_slice %arg7[%add3A_175, %dma_start3A_176] : memref<16x128xi32, #tpu.memory_space<vmem>> -> memref<1x128xi32, #tpu.memory_space<vmem>>
          %dma_start3A_178 = tpu.memref_squeeze %dma_start3A_177 : memref<1x128xi32, #tpu.memory_space<vmem>> -> memref<128xi32, #tpu.memory_space<vmem>>
          %dma_start3A_179 = arith.constant 0 : i32
          %dma_start3A_180 = arith.constant 0 : i32
          %dma_start3A_181 = tpu.memref_slice %arg2[%dma_start3A_179, %dma_start3A_180] : memref<10000x128xf32, #tpu.memory_space<hbm>> -> memref<10000x128xf32, #tpu.memory_space<hbm>>
          tpu.enqueue_indirect_dma source(%dma_start3A_181 : memref<10000x128xf32, #tpu.memory_space<hbm>>) target(%arg11 : memref<128x128xf32, #tpu.memory_space<vmem>>) offsets(%dma_start3A_178 : memref<128xi32, #tpu.memory_space<vmem>>) semaphore(%arg15 : memref<!tpu.dma_semaphore, #tpu.memory_space<semaphore_mem>>)
        } else {
        }
        "tpu.region"() ({
          %run_scoped3A = tpu.sem_alloc : memref<!tpu.dma_semaphore, #tpu.memory_space<semaphore_mem>>
          %dma_start3A_174 = arith.constant 0 : i32
          %dma_start3A_175 = tpu.memref_slice %arg9[%scan3A_156, %dma_start3A_174] : memref<16x128xi32, #tpu.memory_space<vmem>> -> memref<1x128xi32, #tpu.memory_space<vmem>>
          %dma_start3A_176 = tpu.memref_squeeze %dma_start3A_175 : memref<1x128xi32, #tpu.memory_space<vmem>> -> memref<128xi32, #tpu.memory_space<vmem>>
          %dma_start3A_177 = arith.constant 0 : i32
          %dma_start3A_178 = arith.constant 0 : i32
          %dma_start3A_179 = tpu.memref_slice %arg13[%dma_start3A_177, %dma_start3A_178] : memref<10112x128xf32, #tpu.memory_space<vmem_shared>> -> memref<10112x128xf32, #tpu.memory_space<vmem_shared>>
          tpu.enqueue_indirect_dma source(%arg12 : memref<128x128xf32, #tpu.memory_space<vmem>>) target(%dma_start3A_179 : memref<10112x128xf32, #tpu.memory_space<vmem_shared>>) offsets(%dma_start3A_176 : memref<128xi32, #tpu.memory_space<vmem>>) semaphore(%run_scoped3A : memref<!tpu.dma_semaphore, #tpu.memory_space<semaphore_mem>>) {add = true}
          %dma_wait3A_180 = arith.constant 0 : i32
          %dma_wait3A_181 = tpu.memref_slice %arg9[%scan3A_156, %dma_wait3A_180] : memref<16x128xi32, #tpu.memory_space<vmem>> -> memref<1x128xi32, #tpu.memory_space<vmem>>
          %dma_wait3A_182 = tpu.memref_squeeze %dma_wait3A_181 : memref<1x128xi32, #tpu.memory_space<vmem>> -> memref<128xi32, #tpu.memory_space<vmem>>
          %dma_wait3A_183 = arith.constant 0 : i32
          %dma_wait3A_184 = arith.constant 0 : i32
          %dma_wait3A_185 = tpu.memref_slice %arg13[%dma_wait3A_183, %dma_wait3A_184] : memref<10112x128xf32, #tpu.memory_space<vmem_shared>> -> memref<10112x128xf32, #tpu.memory_space<vmem_shared>>
          tpu.wait_indirect_dma semaphore(%run_scoped3A : memref<!tpu.dma_semaphore, #tpu.memory_space<semaphore_mem>>) src(%arg12 : memref<128x128xf32, #tpu.memory_space<vmem>>) dst(%dma_wait3A_185 : memref<10112x128xf32, #tpu.memory_space<vmem_shared>>)
          tpu.yield
        }) : () -> ()
      } else {
      }
    }
    %scan3A_40 = arith.constant 16 : i32
    %dma_wait3A_41 = arith.constant 0 : i32
    %dma_wait3A_42 = tpu.memref_slice %arg3[%add3A_20, %dma_wait3A_41] : memref<2560x128xi32, #tpu.memory_space<hbm>> -> memref<16x128xi32, #tpu.memory_space<hbm>>
    %dma_wait3A_43 = arith.constant 0 : i32
    %dma_wait3A_44 = tpu.memref_slice %arg3[%add3A_20, %dma_wait3A_43] : memref<2560x128xi32, #tpu.memory_space<hbm>> -> memref<16x128xi32, #tpu.memory_space<hbm>>
    tpu.wait_dma2 semaphore(%arg14 : memref<!tpu.dma_semaphore, #tpu.memory_space<semaphore_mem>>) src(%dma_wait3A_44 : memref<16x128xi32, #tpu.memory_space<hbm>>) dst(%arg8 : memref<16x128xi32, #tpu.memory_space<vmem>>)
    %dma_wait3A_45 = arith.constant 0 : i32
    %dma_wait3A_46 = tpu.memref_slice %arg4[%add3A_20, %dma_wait3A_45] : memref<2560x128xi32, #tpu.memory_space<hbm>> -> memref<16x128xi32, #tpu.memory_space<hbm>>
    %dma_wait3A_47 = arith.constant 0 : i32
    %dma_wait3A_48 = tpu.memref_slice %arg4[%add3A_20, %dma_wait3A_47] : memref<2560x128xi32, #tpu.memory_space<hbm>> -> memref<16x128xi32, #tpu.memory_space<hbm>>
    tpu.wait_dma2 semaphore(%arg14 : memref<!tpu.dma_semaphore, #tpu.memory_space<semaphore_mem>>) src(%dma_wait3A_48 : memref<16x128xi32, #tpu.memory_space<hbm>>) dst(%arg10 : memref<16x128xi32, #tpu.memory_space<vmem>>)
    %add3A_49 = arith.constant 32 : i32
    %add3A_50 = arith.addi %mul3A_4, %add3A_49 : i32
    %dma_start3A_51 = arith.constant 0 : i32
    %dma_start3A_52 = tpu.memref_slice %arg3[%add3A_50, %dma_start3A_51] : memref<2560x128xi32, #tpu.memory_space<hbm>> -> memref<16x128xi32, #tpu.memory_space<hbm>>
    %dma_start3A_53 = arith.constant 0 : i32
    %dma_start3A_54 = tpu.memref_slice %arg3[%add3A_50, %dma_start3A_53] : memref<2560x128xi32, #tpu.memory_space<hbm>> -> memref<16x128xi32, #tpu.memory_space<hbm>>
    tpu.enqueue_dma source(%dma_start3A_54 : memref<16x128xi32, #tpu.memory_space<hbm>>) target(%arg7 : memref<16x128xi32, #tpu.memory_space<vmem>>) target_semaphore(%arg14 : memref<!tpu.dma_semaphore, #tpu.memory_space<semaphore_mem>>)
    %dma_start3A_55 = arith.constant 0 : i32
    %dma_start3A_56 = tpu.memref_slice %arg4[%add3A_50, %dma_start3A_55] : memref<2560x128xi32, #tpu.memory_space<hbm>> -> memref<16x128xi32, #tpu.memory_space<hbm>>
    %dma_start3A_57 = arith.constant 0 : i32
    %dma_start3A_58 = tpu.memref_slice %arg4[%add3A_50, %dma_start3A_57] : memref<2560x128xi32, #tpu.memory_space<hbm>> -> memref<16x128xi32, #tpu.memory_space<hbm>>
    tpu.enqueue_dma source(%dma_start3A_58 : memref<16x128xi32, #tpu.memory_space<hbm>>) target(%arg9 : memref<16x128xi32, #tpu.memory_space<vmem>>) target_semaphore(%arg14 : memref<!tpu.dma_semaphore, #tpu.memory_space<semaphore_mem>>)
    %dma_start3A_59 = arith.constant 0 : i32
    %dma_start3A_60 = arith.constant 0 : i32
    %dma_start3A_61 = tpu.memref_slice %arg8[%dma_start3A_59, %dma_start3A_60] : memref<16x128xi32, #tpu.memory_space<vmem>> -> memref<1x128xi32, #tpu.memory_space<vmem>>
    %dma_start3A_62 = tpu.memref_squeeze %dma_start3A_61 : memref<1x128xi32, #tpu.memory_space<vmem>> -> memref<128xi32, #tpu.memory_space<vmem>>
    %dma_start3A_63 = arith.constant 0 : i32
    %dma_start3A_64 = arith.constant 0 : i32
    %dma_start3A_65 = tpu.memref_slice %arg2[%dma_start3A_63, %dma_start3A_64] : memref<10000x128xf32, #tpu.memory_space<hbm>> -> memref<10000x128xf32, #tpu.memory_space<hbm>>
    tpu.enqueue_indirect_dma source(%dma_start3A_65 : memref<10000x128xf32, #tpu.memory_space<hbm>>) target(%arg11 : memref<128x128xf32, #tpu.memory_space<vmem>>) offsets(%dma_start3A_62 : memref<128xi32, #tpu.memory_space<vmem>>) semaphore(%arg15 : memref<!tpu.dma_semaphore, #tpu.memory_space<semaphore_mem>>)
    %scan3A_66 = arith.constant 0 : i32
    %scan3A_67 = arith.constant 0 : i32
    %scan3A_68 = arith.constant 16 : i32
    %scan3A_69 = arith.addi %scan3A_67, %scan3A_68 : i32
    %scan3A_70 = arith.constant 1 : i32
    scf.for %scan3A_156 = %scan3A_67 to %scan3A_69 step %scan3A_70  : i32 {
      %and3A = arith.constant 1 : i32
      %and3A_157 = arith.andi %scan3A_156, %and3A : i32
      %eq3A = arith.constant 0 : i32
      %eq3A_158 = arith.cmpi eq, %and3A_157, %eq3A : i32
      %convert_element_type3A = arith.extui %eq3A_158 : i1 to i32
      %cond3A = arith.constant 0 : i32
      %cond3A_159 = arith.cmpi ne, %convert_element_type3A, %cond3A : i32
      scf.if %cond3A_159 {
        %dma_wait3A_164 = arith.constant 0 : i32
        %dma_wait3A_165 = tpu.memref_slice %arg8[%scan3A_156, %dma_wait3A_164] : memref<16x128xi32, #tpu.memory_space<vmem>> -> memref<1x128xi32, #tpu.memory_space<vmem>>
        %dma_wait3A_166 = tpu.memref_squeeze %dma_wait3A_165 : memref<1x128xi32, #tpu.memory_space<vmem>> -> memref<128xi32, #tpu.memory_space<vmem>>
        %dma_wait3A_167 = arith.constant 0 : i32
        %dma_wait3A_168 = arith.constant 0 : i32
        %dma_wait3A_169 = tpu.memref_slice %arg2[%dma_wait3A_167, %dma_wait3A_168] : memref<10000x128xf32, #tpu.memory_space<hbm>> -> memref<10000x128xf32, #tpu.memory_space<hbm>>
        tpu.wait_indirect_dma semaphore(%arg15 : memref<!tpu.dma_semaphore, #tpu.memory_space<semaphore_mem>>) src(%dma_wait3A_169 : memref<10000x128xf32, #tpu.memory_space<hbm>>) dst(%arg11 : memref<128x128xf32, #tpu.memory_space<vmem>>)
        %lt3A = arith.constant 15 : i32
        %lt3A_170 = arith.cmpi slt, %scan3A_156, %lt3A : i32
        %convert_element_type3A_171 = arith.extui %lt3A_170 : i1 to i32
        %cond3A_172 = arith.constant 0 : i32
        %cond3A_173 = arith.cmpi ne, %convert_element_type3A_171, %cond3A_172 : i32
        scf.if %cond3A_173 {
          %add3A_174 = arith.constant 1 : i32
          %add3A_175 = arith.addi %scan3A_156, %add3A_174 : i32
          %dma_start3A_176 = arith.constant 0 : i32
          %dma_start3A_177 = tpu.memref_slice %arg8[%add3A_175, %dma_start3A_176] : memref<16x128xi32, #tpu.memory_space<vmem>> -> memref<1x128xi32, #tpu.memory_space<vmem>>
          %dma_start3A_178 = tpu.memref_squeeze %dma_start3A_177 : memref<1x128xi32, #tpu.memory_space<vmem>> -> memref<128xi32, #tpu.memory_space<vmem>>
          %dma_start3A_179 = arith.constant 0 : i32
          %dma_start3A_180 = arith.constant 0 : i32
          %dma_start3A_181 = tpu.memref_slice %arg2[%dma_start3A_179, %dma_start3A_180] : memref<10000x128xf32, #tpu.memory_space<hbm>> -> memref<10000x128xf32, #tpu.memory_space<hbm>>
          tpu.enqueue_indirect_dma source(%dma_start3A_181 : memref<10000x128xf32, #tpu.memory_space<hbm>>) target(%arg12 : memref<128x128xf32, #tpu.memory_space<vmem>>) offsets(%dma_start3A_178 : memref<128xi32, #tpu.memory_space<vmem>>) semaphore(%arg16 : memref<!tpu.dma_semaphore, #tpu.memory_space<semaphore_mem>>)
        } else {
        }
        "tpu.region"() ({
          %run_scoped3A = tpu.sem_alloc : memref<!tpu.dma_semaphore, #tpu.memory_space<semaphore_mem>>
          %dma_start3A_174 = arith.constant 0 : i32
          %dma_start3A_175 = tpu.memref_slice %arg10[%scan3A_156, %dma_start3A_174] : memref<16x128xi32, #tpu.memory_space<vmem>> -> memref<1x128xi32, #tpu.memory_space<vmem>>
          %dma_start3A_176 = tpu.memref_squeeze %dma_start3A_175 : memref<1x128xi32, #tpu.memory_space<vmem>> -> memref<128xi32, #tpu.memory_space<vmem>>
          %dma_start3A_177 = arith.constant 0 : i32
          %dma_start3A_178 = arith.constant 0 : i32
          %dma_start3A_179 = tpu.memref_slice %arg13[%dma_start3A_177, %dma_start3A_178] : memref<10112x128xf32, #tpu.memory_space<vmem_shared>> -> memref<10112x128xf32, #tpu.memory_space<vmem_shared>>
          tpu.enqueue_indirect_dma source(%arg11 : memref<128x128xf32, #tpu.memory_space<vmem>>) target(%dma_start3A_179 : memref<10112x128xf32, #tpu.memory_space<vmem_shared>>) offsets(%dma_start3A_176 : memref<128xi32, #tpu.memory_space<vmem>>) semaphore(%run_scoped3A : memref<!tpu.dma_semaphore, #tpu.memory_space<semaphore_mem>>) {add = true}
          %dma_wait3A_180 = arith.constant 0 : i32
          %dma_wait3A_181 = tpu.memref_slice %arg10[%scan3A_156, %dma_wait3A_180] : memref<16x128xi32, #tpu.memory_space<vmem>> -> memref<1x128xi32, #tpu.memory_space<vmem>>
          %dma_wait3A_182 = tpu.memref_squeeze %dma_wait3A_181 : memref<1x128xi32, #tpu.memory_space<vmem>> -> memref<128xi32, #tpu.memory_space<vmem>>
          %dma_wait3A_183 = arith.constant 0 : i32
          %dma_wait3A_184 = arith.constant 0 : i32
          %dma_wait3A_185 = tpu.memref_slice %arg13[%dma_wait3A_183, %dma_wait3A_184] : memref<10112x128xf32, #tpu.memory_space<vmem_shared>> -> memref<10112x128xf32, #tpu.memory_space<vmem_shared>>
          tpu.wait_indirect_dma semaphore(%run_scoped3A : memref<!tpu.dma_semaphore, #tpu.memory_space<semaphore_mem>>) src(%arg11 : memref<128x128xf32, #tpu.memory_space<vmem>>) dst(%dma_wait3A_185 : memref<10112x128xf32, #tpu.memory_space<vmem_shared>>)
          tpu.yield
        }) : () -> ()
      } else {
      }
      %not3A = arith.constant true
      %not3A_160 = arith.xori %eq3A_158, %not3A : i1
      %convert_element_type3A_161 = arith.extui %not3A_160 : i1 to i32
      %cond3A_162 = arith.constant 0 : i32
      %cond3A_163 = arith.cmpi ne, %convert_element_type3A_161, %cond3A_162 : i32
      scf.if %cond3A_163 {
        %dma_wait3A_164 = arith.constant 0 : i32
        %dma_wait3A_165 = tpu.memref_slice %arg8[%scan3A_156, %dma_wait3A_164] : memref<16x128xi32, #tpu.memory_space<vmem>> -> memref<1x128xi32, #tpu.memory_space<vmem>>
        %dma_wait3A_166 = tpu.memref_squeeze %dma_wait3A_165 : memref<1x128xi32, #tpu.memory_space<vmem>> -> memref<128xi32, #tpu.memory_space<vmem>>
        %dma_wait3A_167 = arith.constant 0 : i32
        %dma_wait3A_168 = arith.constant 0 : i32
        %dma_wait3A_169 = tpu.memref_slice %arg2[%dma_wait3A_167, %dma_wait3A_168] : memref<10000x128xf32, #tpu.memory_space<hbm>> -> memref<10000x128xf32, #tpu.memory_space<hbm>>
        tpu.wait_indirect_dma semaphore(%arg16 : memref<!tpu.dma_semaphore, #tpu.memory_space<semaphore_mem>>) src(%dma_wait3A_169 : memref<10000x128xf32, #tpu.memory_space<hbm>>) dst(%arg12 : memref<128x128xf32, #tpu.memory_space<vmem>>)
        %lt3A = arith.constant 15 : i32
        %lt3A_170 = arith.cmpi slt, %scan3A_156, %lt3A : i32
        %convert_element_type3A_171 = arith.extui %lt3A_170 : i1 to i32
        %cond3A_172 = arith.constant 0 : i32
        %cond3A_173 = arith.cmpi ne, %convert_element_type3A_171, %cond3A_172 : i32
        scf.if %cond3A_173 {
          %add3A_174 = arith.constant 1 : i32
          %add3A_175 = arith.addi %scan3A_156, %add3A_174 : i32
          %dma_start3A_176 = arith.constant 0 : i32
          %dma_start3A_177 = tpu.memref_slice %arg8[%add3A_175, %dma_start3A_176] : memref<16x128xi32, #tpu.memory_space<vmem>> -> memref<1x128xi32, #tpu.memory_space<vmem>>
          %dma_start3A_178 = tpu.memref_squeeze %dma_start3A_177 : memref<1x128xi32, #tpu.memory_space<vmem>> -> memref<128xi32, #tpu.memory_space<vmem>>
          %dma_start3A_179 = arith.constant 0 : i32
          %dma_start3A_180 = arith.constant 0 : i32
          %dma_start3A_181 = tpu.memref_slice %arg2[%dma_start3A_179, %dma_start3A_180] : memref<10000x128xf32, #tpu.memory_space<hbm>> -> memref<10000x128xf32, #tpu.memory_space<hbm>>
          tpu.enqueue_indirect_dma source(%dma_start3A_181 : memref<10000x128xf32, #tpu.memory_space<hbm>>) target(%arg11 : memref<128x128xf32, #tpu.memory_space<vmem>>) offsets(%dma_start3A_178 : memref<128xi32, #tpu.memory_space<vmem>>) semaphore(%arg15 : memref<!tpu.dma_semaphore, #tpu.memory_space<semaphore_mem>>)
        } else {
        }
        "tpu.region"() ({
          %run_scoped3A = tpu.sem_alloc : memref<!tpu.dma_semaphore, #tpu.memory_space<semaphore_mem>>
          %dma_start3A_174 = arith.constant 0 : i32
          %dma_start3A_175 = tpu.memref_slice %arg10[%scan3A_156, %dma_start3A_174] : memref<16x128xi32, #tpu.memory_space<vmem>> -> memref<1x128xi32, #tpu.memory_space<vmem>>
          %dma_start3A_176 = tpu.memref_squeeze %dma_start3A_175 : memref<1x128xi32, #tpu.memory_space<vmem>> -> memref<128xi32, #tpu.memory_space<vmem>>
          %dma_start3A_177 = arith.constant 0 : i32
          %dma_start3A_178 = arith.constant 0 : i32
          %dma_start3A_179 = tpu.memref_slice %arg13[%dma_start3A_177, %dma_start3A_178] : memref<10112x128xf32, #tpu.memory_space<vmem_shared>> -> memref<10112x128xf32, #tpu.memory_space<vmem_shared>>
          tpu.enqueue_indirect_dma source(%arg12 : memref<128x128xf32, #tpu.memory_space<vmem>>) target(%dma_start3A_179 : memref<10112x128xf32, #tpu.memory_space<vmem_shared>>) offsets(%dma_start3A_176 : memref<128xi32, #tpu.memory_space<vmem>>) semaphore(%run_scoped3A : memref<!tpu.dma_semaphore, #tpu.memory_space<semaphore_mem>>) {add = true}
          %dma_wait3A_180 = arith.constant 0 : i32
          %dma_wait3A_181 = tpu.memref_slice %arg10[%scan3A_156, %dma_wait3A_180] : memref<16x128xi32, #tpu.memory_space<vmem>> -> memref<1x128xi32, #tpu.memory_space<vmem>>
          %dma_wait3A_182 = tpu.memref_squeeze %dma_wait3A_181 : memref<1x128xi32, #tpu.memory_space<vmem>> -> memref<128xi32, #tpu.memory_space<vmem>>
          %dma_wait3A_183 = arith.constant 0 : i32
          %dma_wait3A_184 = arith.constant 0 : i32
          %dma_wait3A_185 = tpu.memref_slice %arg13[%dma_wait3A_183, %dma_wait3A_184] : memref<10112x128xf32, #tpu.memory_space<vmem_shared>> -> memref<10112x128xf32, #tpu.memory_space<vmem_shared>>
          tpu.wait_indirect_dma semaphore(%run_scoped3A : memref<!tpu.dma_semaphore, #tpu.memory_space<semaphore_mem>>) src(%arg12 : memref<128x128xf32, #tpu.memory_space<vmem>>) dst(%dma_wait3A_185 : memref<10112x128xf32, #tpu.memory_space<vmem_shared>>)
          tpu.yield
        }) : () -> ()
      } else {
      }
    }
    %scan3A_71 = arith.constant 16 : i32
    %dma_wait3A_72 = arith.constant 0 : i32
    %dma_wait3A_73 = tpu.memref_slice %arg3[%add3A_50, %dma_wait3A_72] : memref<2560x128xi32, #tpu.memory_space<hbm>> -> memref<16x128xi32, #tpu.memory_space<hbm>>
    %dma_wait3A_74 = arith.constant 0 : i32
    %dma_wait3A_75 = tpu.memref_slice %arg3[%add3A_50, %dma_wait3A_74] : memref<2560x128xi32, #tpu.memory_space<hbm>> -> memref<16x128xi32, #tpu.memory_space<hbm>>
    tpu.wait_dma2 semaphore(%arg14 : memref<!tpu.dma_semaphore, #tpu.memory_space<semaphore_mem>>) src(%dma_wait3A_75 : memref<16x128xi32, #tpu.memory_space<hbm>>) dst(%arg7 : memref<16x128xi32, #tpu.memory_space<vmem>>)
    %dma_wait3A_76 = arith.constant 0 : i32
    %dma_wait3A_77 = tpu.memref_slice %arg4[%add3A_50, %dma_wait3A_76] : memref<2560x128xi32, #tpu.memory_space<hbm>> -> memref<16x128xi32, #tpu.memory_space<hbm>>
    %dma_wait3A_78 = arith.constant 0 : i32
    %dma_wait3A_79 = tpu.memref_slice %arg4[%add3A_50, %dma_wait3A_78] : memref<2560x128xi32, #tpu.memory_space<hbm>> -> memref<16x128xi32, #tpu.memory_space<hbm>>
    tpu.wait_dma2 semaphore(%arg14 : memref<!tpu.dma_semaphore, #tpu.memory_space<semaphore_mem>>) src(%dma_wait3A_79 : memref<16x128xi32, #tpu.memory_space<hbm>>) dst(%arg9 : memref<16x128xi32, #tpu.memory_space<vmem>>)
    %add3A_80 = arith.constant 48 : i32
    %add3A_81 = arith.addi %mul3A_4, %add3A_80 : i32
    %dma_start3A_82 = arith.constant 0 : i32
    %dma_start3A_83 = tpu.memref_slice %arg3[%add3A_81, %dma_start3A_82] : memref<2560x128xi32, #tpu.memory_space<hbm>> -> memref<16x128xi32, #tpu.memory_space<hbm>>
    %dma_start3A_84 = arith.constant 0 : i32
    %dma_start3A_85 = tpu.memref_slice %arg3[%add3A_81, %dma_start3A_84] : memref<2560x128xi32, #tpu.memory_space<hbm>> -> memref<16x128xi32, #tpu.memory_space<hbm>>
    tpu.enqueue_dma source(%dma_start3A_85 : memref<16x128xi32, #tpu.memory_space<hbm>>) target(%arg8 : memref<16x128xi32, #tpu.memory_space<vmem>>) target_semaphore(%arg14 : memref<!tpu.dma_semaphore, #tpu.memory_space<semaphore_mem>>)
    %dma_start3A_86 = arith.constant 0 : i32
    %dma_start3A_87 = tpu.memref_slice %arg4[%add3A_81, %dma_start3A_86] : memref<2560x128xi32, #tpu.memory_space<hbm>> -> memref<16x128xi32, #tpu.memory_space<hbm>>
    %dma_start3A_88 = arith.constant 0 : i32
    %dma_start3A_89 = tpu.memref_slice %arg4[%add3A_81, %dma_start3A_88] : memref<2560x128xi32, #tpu.memory_space<hbm>> -> memref<16x128xi32, #tpu.memory_space<hbm>>
    tpu.enqueue_dma source(%dma_start3A_89 : memref<16x128xi32, #tpu.memory_space<hbm>>) target(%arg10 : memref<16x128xi32, #tpu.memory_space<vmem>>) target_semaphore(%arg14 : memref<!tpu.dma_semaphore, #tpu.memory_space<semaphore_mem>>)
    %dma_start3A_90 = arith.constant 0 : i32
    %dma_start3A_91 = arith.constant 0 : i32
    %dma_start3A_92 = tpu.memref_slice %arg7[%dma_start3A_90, %dma_start3A_91] : memref<16x128xi32, #tpu.memory_space<vmem>> -> memref<1x128xi32, #tpu.memory_space<vmem>>
    %dma_start3A_93 = tpu.memref_squeeze %dma_start3A_92 : memref<1x128xi32, #tpu.memory_space<vmem>> -> memref<128xi32, #tpu.memory_space<vmem>>
    %dma_start3A_94 = arith.constant 0 : i32
    %dma_start3A_95 = arith.constant 0 : i32
    %dma_start3A_96 = tpu.memref_slice %arg2[%dma_start3A_94, %dma_start3A_95] : memref<10000x128xf32, #tpu.memory_space<hbm>> -> memref<10000x128xf32, #tpu.memory_space<hbm>>
    tpu.enqueue_indirect_dma source(%dma_start3A_96 : memref<10000x128xf32, #tpu.memory_space<hbm>>) target(%arg11 : memref<128x128xf32, #tpu.memory_space<vmem>>) offsets(%dma_start3A_93 : memref<128xi32, #tpu.memory_space<vmem>>) semaphore(%arg15 : memref<!tpu.dma_semaphore, #tpu.memory_space<semaphore_mem>>)
    %scan3A_97 = arith.constant 0 : i32
    %scan3A_98 = arith.constant 0 : i32
    %scan3A_99 = arith.constant 16 : i32
    %scan3A_100 = arith.addi %scan3A_98, %scan3A_99 : i32
    %scan3A_101 = arith.constant 1 : i32
    scf.for %scan3A_156 = %scan3A_98 to %scan3A_100 step %scan3A_101  : i32 {
      %and3A = arith.constant 1 : i32
      %and3A_157 = arith.andi %scan3A_156, %and3A : i32
      %eq3A = arith.constant 0 : i32
      %eq3A_158 = arith.cmpi eq, %and3A_157, %eq3A : i32
      %convert_element_type3A = arith.extui %eq3A_158 : i1 to i32
      %cond3A = arith.constant 0 : i32
      %cond3A_159 = arith.cmpi ne, %convert_element_type3A, %cond3A : i32
      scf.if %cond3A_159 {
        %dma_wait3A_164 = arith.constant 0 : i32
        %dma_wait3A_165 = tpu.memref_slice %arg7[%scan3A_156, %dma_wait3A_164] : memref<16x128xi32, #tpu.memory_space<vmem>> -> memref<1x128xi32, #tpu.memory_space<vmem>>
        %dma_wait3A_166 = tpu.memref_squeeze %dma_wait3A_165 : memref<1x128xi32, #tpu.memory_space<vmem>> -> memref<128xi32, #tpu.memory_space<vmem>>
        %dma_wait3A_167 = arith.constant 0 : i32
        %dma_wait3A_168 = arith.constant 0 : i32
        %dma_wait3A_169 = tpu.memref_slice %arg2[%dma_wait3A_167, %dma_wait3A_168] : memref<10000x128xf32, #tpu.memory_space<hbm>> -> memref<10000x128xf32, #tpu.memory_space<hbm>>
        tpu.wait_indirect_dma semaphore(%arg15 : memref<!tpu.dma_semaphore, #tpu.memory_space<semaphore_mem>>) src(%dma_wait3A_169 : memref<10000x128xf32, #tpu.memory_space<hbm>>) dst(%arg11 : memref<128x128xf32, #tpu.memory_space<vmem>>)
        %lt3A = arith.constant 15 : i32
        %lt3A_170 = arith.cmpi slt, %scan3A_156, %lt3A : i32
        %convert_element_type3A_171 = arith.extui %lt3A_170 : i1 to i32
        %cond3A_172 = arith.constant 0 : i32
        %cond3A_173 = arith.cmpi ne, %convert_element_type3A_171, %cond3A_172 : i32
        scf.if %cond3A_173 {
          %add3A_174 = arith.constant 1 : i32
          %add3A_175 = arith.addi %scan3A_156, %add3A_174 : i32
          %dma_start3A_176 = arith.constant 0 : i32
          %dma_start3A_177 = tpu.memref_slice %arg7[%add3A_175, %dma_start3A_176] : memref<16x128xi32, #tpu.memory_space<vmem>> -> memref<1x128xi32, #tpu.memory_space<vmem>>
          %dma_start3A_178 = tpu.memref_squeeze %dma_start3A_177 : memref<1x128xi32, #tpu.memory_space<vmem>> -> memref<128xi32, #tpu.memory_space<vmem>>
          %dma_start3A_179 = arith.constant 0 : i32
          %dma_start3A_180 = arith.constant 0 : i32
          %dma_start3A_181 = tpu.memref_slice %arg2[%dma_start3A_179, %dma_start3A_180] : memref<10000x128xf32, #tpu.memory_space<hbm>> -> memref<10000x128xf32, #tpu.memory_space<hbm>>
          tpu.enqueue_indirect_dma source(%dma_start3A_181 : memref<10000x128xf32, #tpu.memory_space<hbm>>) target(%arg12 : memref<128x128xf32, #tpu.memory_space<vmem>>) offsets(%dma_start3A_178 : memref<128xi32, #tpu.memory_space<vmem>>) semaphore(%arg16 : memref<!tpu.dma_semaphore, #tpu.memory_space<semaphore_mem>>)
        } else {
        }
        "tpu.region"() ({
          %run_scoped3A = tpu.sem_alloc : memref<!tpu.dma_semaphore, #tpu.memory_space<semaphore_mem>>
          %dma_start3A_174 = arith.constant 0 : i32
          %dma_start3A_175 = tpu.memref_slice %arg9[%scan3A_156, %dma_start3A_174] : memref<16x128xi32, #tpu.memory_space<vmem>> -> memref<1x128xi32, #tpu.memory_space<vmem>>
          %dma_start3A_176 = tpu.memref_squeeze %dma_start3A_175 : memref<1x128xi32, #tpu.memory_space<vmem>> -> memref<128xi32, #tpu.memory_space<vmem>>
          %dma_start3A_177 = arith.constant 0 : i32
          %dma_start3A_178 = arith.constant 0 : i32
          %dma_start3A_179 = tpu.memref_slice %arg13[%dma_start3A_177, %dma_start3A_178] : memref<10112x128xf32, #tpu.memory_space<vmem_shared>> -> memref<10112x128xf32, #tpu.memory_space<vmem_shared>>
          tpu.enqueue_indirect_dma source(%arg11 : memref<128x128xf32, #tpu.memory_space<vmem>>) target(%dma_start3A_179 : memref<10112x128xf32, #tpu.memory_space<vmem_shared>>) offsets(%dma_start3A_176 : memref<128xi32, #tpu.memory_space<vmem>>) semaphore(%run_scoped3A : memref<!tpu.dma_semaphore, #tpu.memory_space<semaphore_mem>>) {add = true}
          %dma_wait3A_180 = arith.constant 0 : i32
          %dma_wait3A_181 = tpu.memref_slice %arg9[%scan3A_156, %dma_wait3A_180] : memref<16x128xi32, #tpu.memory_space<vmem>> -> memref<1x128xi32, #tpu.memory_space<vmem>>
          %dma_wait3A_182 = tpu.memref_squeeze %dma_wait3A_181 : memref<1x128xi32, #tpu.memory_space<vmem>> -> memref<128xi32, #tpu.memory_space<vmem>>
          %dma_wait3A_183 = arith.constant 0 : i32
          %dma_wait3A_184 = arith.constant 0 : i32
          %dma_wait3A_185 = tpu.memref_slice %arg13[%dma_wait3A_183, %dma_wait3A_184] : memref<10112x128xf32, #tpu.memory_space<vmem_shared>> -> memref<10112x128xf32, #tpu.memory_space<vmem_shared>>
          tpu.wait_indirect_dma semaphore(%run_scoped3A : memref<!tpu.dma_semaphore, #tpu.memory_space<semaphore_mem>>) src(%arg11 : memref<128x128xf32, #tpu.memory_space<vmem>>) dst(%dma_wait3A_185 : memref<10112x128xf32, #tpu.memory_space<vmem_shared>>)
          tpu.yield
        }) : () -> ()
      } else {
      }
      %not3A = arith.constant true
      %not3A_160 = arith.xori %eq3A_158, %not3A : i1
      %convert_element_type3A_161 = arith.extui %not3A_160 : i1 to i32
      %cond3A_162 = arith.constant 0 : i32
      %cond3A_163 = arith.cmpi ne, %convert_element_type3A_161, %cond3A_162 : i32
      scf.if %cond3A_163 {
        %dma_wait3A_164 = arith.constant 0 : i32
        %dma_wait3A_165 = tpu.memref_slice %arg7[%scan3A_156, %dma_wait3A_164] : memref<16x128xi32, #tpu.memory_space<vmem>> -> memref<1x128xi32, #tpu.memory_space<vmem>>
        %dma_wait3A_166 = tpu.memref_squeeze %dma_wait3A_165 : memref<1x128xi32, #tpu.memory_space<vmem>> -> memref<128xi32, #tpu.memory_space<vmem>>
        %dma_wait3A_167 = arith.constant 0 : i32
        %dma_wait3A_168 = arith.constant 0 : i32
        %dma_wait3A_169 = tpu.memref_slice %arg2[%dma_wait3A_167, %dma_wait3A_168] : memref<10000x128xf32, #tpu.memory_space<hbm>> -> memref<10000x128xf32, #tpu.memory_space<hbm>>
        tpu.wait_indirect_dma semaphore(%arg16 : memref<!tpu.dma_semaphore, #tpu.memory_space<semaphore_mem>>) src(%dma_wait3A_169 : memref<10000x128xf32, #tpu.memory_space<hbm>>) dst(%arg12 : memref<128x128xf32, #tpu.memory_space<vmem>>)
        %lt3A = arith.constant 15 : i32
        %lt3A_170 = arith.cmpi slt, %scan3A_156, %lt3A : i32
        %convert_element_type3A_171 = arith.extui %lt3A_170 : i1 to i32
        %cond3A_172 = arith.constant 0 : i32
        %cond3A_173 = arith.cmpi ne, %convert_element_type3A_171, %cond3A_172 : i32
        scf.if %cond3A_173 {
          %add3A_174 = arith.constant 1 : i32
          %add3A_175 = arith.addi %scan3A_156, %add3A_174 : i32
          %dma_start3A_176 = arith.constant 0 : i32
          %dma_start3A_177 = tpu.memref_slice %arg7[%add3A_175, %dma_start3A_176] : memref<16x128xi32, #tpu.memory_space<vmem>> -> memref<1x128xi32, #tpu.memory_space<vmem>>
          %dma_start3A_178 = tpu.memref_squeeze %dma_start3A_177 : memref<1x128xi32, #tpu.memory_space<vmem>> -> memref<128xi32, #tpu.memory_space<vmem>>
          %dma_start3A_179 = arith.constant 0 : i32
          %dma_start3A_180 = arith.constant 0 : i32
          %dma_start3A_181 = tpu.memref_slice %arg2[%dma_start3A_179, %dma_start3A_180] : memref<10000x128xf32, #tpu.memory_space<hbm>> -> memref<10000x128xf32, #tpu.memory_space<hbm>>
          tpu.enqueue_indirect_dma source(%dma_start3A_181 : memref<10000x128xf32, #tpu.memory_space<hbm>>) target(%arg11 : memref<128x128xf32, #tpu.memory_space<vmem>>) offsets(%dma_start3A_178 : memref<128xi32, #tpu.memory_space<vmem>>) semaphore(%arg15 : memref<!tpu.dma_semaphore, #tpu.memory_space<semaphore_mem>>)
        } else {
        }
        "tpu.region"() ({
          %run_scoped3A = tpu.sem_alloc : memref<!tpu.dma_semaphore, #tpu.memory_space<semaphore_mem>>
          %dma_start3A_174 = arith.constant 0 : i32
          %dma_start3A_175 = tpu.memref_slice %arg9[%scan3A_156, %dma_start3A_174] : memref<16x128xi32, #tpu.memory_space<vmem>> -> memref<1x128xi32, #tpu.memory_space<vmem>>
          %dma_start3A_176 = tpu.memref_squeeze %dma_start3A_175 : memref<1x128xi32, #tpu.memory_space<vmem>> -> memref<128xi32, #tpu.memory_space<vmem>>
          %dma_start3A_177 = arith.constant 0 : i32
          %dma_start3A_178 = arith.constant 0 : i32
          %dma_start3A_179 = tpu.memref_slice %arg13[%dma_start3A_177, %dma_start3A_178] : memref<10112x128xf32, #tpu.memory_space<vmem_shared>> -> memref<10112x128xf32, #tpu.memory_space<vmem_shared>>
          tpu.enqueue_indirect_dma source(%arg12 : memref<128x128xf32, #tpu.memory_space<vmem>>) target(%dma_start3A_179 : memref<10112x128xf32, #tpu.memory_space<vmem_shared>>) offsets(%dma_start3A_176 : memref<128xi32, #tpu.memory_space<vmem>>) semaphore(%run_scoped3A : memref<!tpu.dma_semaphore, #tpu.memory_space<semaphore_mem>>) {add = true}
          %dma_wait3A_180 = arith.constant 0 : i32
          %dma_wait3A_181 = tpu.memref_slice %arg9[%scan3A_156, %dma_wait3A_180] : memref<16x128xi32, #tpu.memory_space<vmem>> -> memref<1x128xi32, #tpu.memory_space<vmem>>
          %dma_wait3A_182 = tpu.memref_squeeze %dma_wait3A_181 : memref<1x128xi32, #tpu.memory_space<vmem>> -> memref<128xi32, #tpu.memory_space<vmem>>
          %dma_wait3A_183 = arith.constant 0 : i32
          %dma_wait3A_184 = arith.constant 0 : i32
          %dma_wait3A_185 = tpu.memref_slice %arg13[%dma_wait3A_183, %dma_wait3A_184] : memref<10112x128xf32, #tpu.memory_space<vmem_shared>> -> memref<10112x128xf32, #tpu.memory_space<vmem_shared>>
          tpu.wait_indirect_dma semaphore(%run_scoped3A : memref<!tpu.dma_semaphore, #tpu.memory_space<semaphore_mem>>) src(%arg12 : memref<128x128xf32, #tpu.memory_space<vmem>>) dst(%dma_wait3A_185 : memref<10112x128xf32, #tpu.memory_space<vmem_shared>>)
          tpu.yield
        }) : () -> ()
      } else {
      }
    }
    %scan3A_102 = arith.constant 16 : i32
    %dma_wait3A_103 = arith.constant 0 : i32
    %dma_wait3A_104 = tpu.memref_slice %arg3[%add3A_81, %dma_wait3A_103] : memref<2560x128xi32, #tpu.memory_space<hbm>> -> memref<16x128xi32, #tpu.memory_space<hbm>>
    %dma_wait3A_105 = arith.constant 0 : i32
    %dma_wait3A_106 = tpu.memref_slice %arg3[%add3A_81, %dma_wait3A_105] : memref<2560x128xi32, #tpu.memory_space<hbm>> -> memref<16x128xi32, #tpu.memory_space<hbm>>
    tpu.wait_dma2 semaphore(%arg14 : memref<!tpu.dma_semaphore, #tpu.memory_space<semaphore_mem>>) src(%dma_wait3A_106 : memref<16x128xi32, #tpu.memory_space<hbm>>) dst(%arg8 : memref<16x128xi32, #tpu.memory_space<vmem>>)
    %dma_wait3A_107 = arith.constant 0 : i32
    %dma_wait3A_108 = tpu.memref_slice %arg4[%add3A_81, %dma_wait3A_107] : memref<2560x128xi32, #tpu.memory_space<hbm>> -> memref<16x128xi32, #tpu.memory_space<hbm>>
    %dma_wait3A_109 = arith.constant 0 : i32
    %dma_wait3A_110 = tpu.memref_slice %arg4[%add3A_81, %dma_wait3A_109] : memref<2560x128xi32, #tpu.memory_space<hbm>> -> memref<16x128xi32, #tpu.memory_space<hbm>>
    tpu.wait_dma2 semaphore(%arg14 : memref<!tpu.dma_semaphore, #tpu.memory_space<semaphore_mem>>) src(%dma_wait3A_110 : memref<16x128xi32, #tpu.memory_space<hbm>>) dst(%arg10 : memref<16x128xi32, #tpu.memory_space<vmem>>)
    %add3A_111 = arith.constant 64 : i32
    %add3A_112 = arith.addi %mul3A_4, %add3A_111 : i32
    %dma_start3A_113 = arith.constant 0 : i32
    %dma_start3A_114 = tpu.memref_slice %arg3[%add3A_112, %dma_start3A_113] : memref<2560x128xi32, #tpu.memory_space<hbm>> -> memref<16x128xi32, #tpu.memory_space<hbm>>
    %dma_start3A_115 = arith.constant 0 : i32
    %dma_start3A_116 = tpu.memref_slice %arg3[%add3A_112, %dma_start3A_115] : memref<2560x128xi32, #tpu.memory_space<hbm>> -> memref<16x128xi32, #tpu.memory_space<hbm>>
    tpu.enqueue_dma source(%dma_start3A_116 : memref<16x128xi32, #tpu.memory_space<hbm>>) target(%arg7 : memref<16x128xi32, #tpu.memory_space<vmem>>) target_semaphore(%arg14 : memref<!tpu.dma_semaphore, #tpu.memory_space<semaphore_mem>>)
    %dma_start3A_117 = arith.constant 0 : i32
    %dma_start3A_118 = tpu.memref_slice %arg4[%add3A_112, %dma_start3A_117] : memref<2560x128xi32, #tpu.memory_space<hbm>> -> memref<16x128xi32, #tpu.memory_space<hbm>>
    %dma_start3A_119 = arith.constant 0 : i32
    %dma_start3A_120 = tpu.memref_slice %arg4[%add3A_112, %dma_start3A_119] : memref<2560x128xi32, #tpu.memory_space<hbm>> -> memref<16x128xi32, #tpu.memory_space<hbm>>
    tpu.enqueue_dma source(%dma_start3A_120 : memref<16x128xi32, #tpu.memory_space<hbm>>) target(%arg9 : memref<16x128xi32, #tpu.memory_space<vmem>>) target_semaphore(%arg14 : memref<!tpu.dma_semaphore, #tpu.memory_space<semaphore_mem>>)
    %dma_start3A_121 = arith.constant 0 : i32
    %dma_start3A_122 = arith.constant 0 : i32
    %dma_start3A_123 = tpu.memref_slice %arg8[%dma_start3A_121, %dma_start3A_122] : memref<16x128xi32, #tpu.memory_space<vmem>> -> memref<1x128xi32, #tpu.memory_space<vmem>>
    %dma_start3A_124 = tpu.memref_squeeze %dma_start3A_123 : memref<1x128xi32, #tpu.memory_space<vmem>> -> memref<128xi32, #tpu.memory_space<vmem>>
    %dma_start3A_125 = arith.constant 0 : i32
    %dma_start3A_126 = arith.constant 0 : i32
    %dma_start3A_127 = tpu.memref_slice %arg2[%dma_start3A_125, %dma_start3A_126] : memref<10000x128xf32, #tpu.memory_space<hbm>> -> memref<10000x128xf32, #tpu.memory_space<hbm>>
    tpu.enqueue_indirect_dma source(%dma_start3A_127 : memref<10000x128xf32, #tpu.memory_space<hbm>>) target(%arg11 : memref<128x128xf32, #tpu.memory_space<vmem>>) offsets(%dma_start3A_124 : memref<128xi32, #tpu.memory_space<vmem>>) semaphore(%arg15 : memref<!tpu.dma_semaphore, #tpu.memory_space<semaphore_mem>>)
    %scan3A_128 = arith.constant 0 : i32
    %scan3A_129 = arith.constant 0 : i32
    %scan3A_130 = arith.constant 16 : i32
    %scan3A_131 = arith.addi %scan3A_129, %scan3A_130 : i32
    %scan3A_132 = arith.constant 1 : i32
    scf.for %scan3A_156 = %scan3A_129 to %scan3A_131 step %scan3A_132  : i32 {
      %and3A = arith.constant 1 : i32
      %and3A_157 = arith.andi %scan3A_156, %and3A : i32
      %eq3A = arith.constant 0 : i32
      %eq3A_158 = arith.cmpi eq, %and3A_157, %eq3A : i32
      %convert_element_type3A = arith.extui %eq3A_158 : i1 to i32
      %cond3A = arith.constant 0 : i32
      %cond3A_159 = arith.cmpi ne, %convert_element_type3A, %cond3A : i32
      scf.if %cond3A_159 {
        %dma_wait3A_164 = arith.constant 0 : i32
        %dma_wait3A_165 = tpu.memref_slice %arg8[%scan3A_156, %dma_wait3A_164] : memref<16x128xi32, #tpu.memory_space<vmem>> -> memref<1x128xi32, #tpu.memory_space<vmem>>
        %dma_wait3A_166 = tpu.memref_squeeze %dma_wait3A_165 : memref<1x128xi32, #tpu.memory_space<vmem>> -> memref<128xi32, #tpu.memory_space<vmem>>
        %dma_wait3A_167 = arith.constant 0 : i32
        %dma_wait3A_168 = arith.constant 0 : i32
        %dma_wait3A_169 = tpu.memref_slice %arg2[%dma_wait3A_167, %dma_wait3A_168] : memref<10000x128xf32, #tpu.memory_space<hbm>> -> memref<10000x128xf32, #tpu.memory_space<hbm>>
        tpu.wait_indirect_dma semaphore(%arg15 : memref<!tpu.dma_semaphore, #tpu.memory_space<semaphore_mem>>) src(%dma_wait3A_169 : memref<10000x128xf32, #tpu.memory_space<hbm>>) dst(%arg11 : memref<128x128xf32, #tpu.memory_space<vmem>>)
        %lt3A = arith.constant 15 : i32
        %lt3A_170 = arith.cmpi slt, %scan3A_156, %lt3A : i32
        %convert_element_type3A_171 = arith.extui %lt3A_170 : i1 to i32
        %cond3A_172 = arith.constant 0 : i32
        %cond3A_173 = arith.cmpi ne, %convert_element_type3A_171, %cond3A_172 : i32
        scf.if %cond3A_173 {
          %add3A_174 = arith.constant 1 : i32
          %add3A_175 = arith.addi %scan3A_156, %add3A_174 : i32
          %dma_start3A_176 = arith.constant 0 : i32
          %dma_start3A_177 = tpu.memref_slice %arg8[%add3A_175, %dma_start3A_176] : memref<16x128xi32, #tpu.memory_space<vmem>> -> memref<1x128xi32, #tpu.memory_space<vmem>>
          %dma_start3A_178 = tpu.memref_squeeze %dma_start3A_177 : memref<1x128xi32, #tpu.memory_space<vmem>> -> memref<128xi32, #tpu.memory_space<vmem>>
          %dma_start3A_179 = arith.constant 0 : i32
          %dma_start3A_180 = arith.constant 0 : i32
          %dma_start3A_181 = tpu.memref_slice %arg2[%dma_start3A_179, %dma_start3A_180] : memref<10000x128xf32, #tpu.memory_space<hbm>> -> memref<10000x128xf32, #tpu.memory_space<hbm>>
          tpu.enqueue_indirect_dma source(%dma_start3A_181 : memref<10000x128xf32, #tpu.memory_space<hbm>>) target(%arg12 : memref<128x128xf32, #tpu.memory_space<vmem>>) offsets(%dma_start3A_178 : memref<128xi32, #tpu.memory_space<vmem>>) semaphore(%arg16 : memref<!tpu.dma_semaphore, #tpu.memory_space<semaphore_mem>>)
        } else {
        }
        "tpu.region"() ({
          %run_scoped3A = tpu.sem_alloc : memref<!tpu.dma_semaphore, #tpu.memory_space<semaphore_mem>>
          %dma_start3A_174 = arith.constant 0 : i32
          %dma_start3A_175 = tpu.memref_slice %arg10[%scan3A_156, %dma_start3A_174] : memref<16x128xi32, #tpu.memory_space<vmem>> -> memref<1x128xi32, #tpu.memory_space<vmem>>
          %dma_start3A_176 = tpu.memref_squeeze %dma_start3A_175 : memref<1x128xi32, #tpu.memory_space<vmem>> -> memref<128xi32, #tpu.memory_space<vmem>>
          %dma_start3A_177 = arith.constant 0 : i32
          %dma_start3A_178 = arith.constant 0 : i32
          %dma_start3A_179 = tpu.memref_slice %arg13[%dma_start3A_177, %dma_start3A_178] : memref<10112x128xf32, #tpu.memory_space<vmem_shared>> -> memref<10112x128xf32, #tpu.memory_space<vmem_shared>>
          tpu.enqueue_indirect_dma source(%arg11 : memref<128x128xf32, #tpu.memory_space<vmem>>) target(%dma_start3A_179 : memref<10112x128xf32, #tpu.memory_space<vmem_shared>>) offsets(%dma_start3A_176 : memref<128xi32, #tpu.memory_space<vmem>>) semaphore(%run_scoped3A : memref<!tpu.dma_semaphore, #tpu.memory_space<semaphore_mem>>) {add = true}
          %dma_wait3A_180 = arith.constant 0 : i32
          %dma_wait3A_181 = tpu.memref_slice %arg10[%scan3A_156, %dma_wait3A_180] : memref<16x128xi32, #tpu.memory_space<vmem>> -> memref<1x128xi32, #tpu.memory_space<vmem>>
          %dma_wait3A_182 = tpu.memref_squeeze %dma_wait3A_181 : memref<1x128xi32, #tpu.memory_space<vmem>> -> memref<128xi32, #tpu.memory_space<vmem>>
          %dma_wait3A_183 = arith.constant 0 : i32
          %dma_wait3A_184 = arith.constant 0 : i32
          %dma_wait3A_185 = tpu.memref_slice %arg13[%dma_wait3A_183, %dma_wait3A_184] : memref<10112x128xf32, #tpu.memory_space<vmem_shared>> -> memref<10112x128xf32, #tpu.memory_space<vmem_shared>>
          tpu.wait_indirect_dma semaphore(%run_scoped3A : memref<!tpu.dma_semaphore, #tpu.memory_space<semaphore_mem>>) src(%arg11 : memref<128x128xf32, #tpu.memory_space<vmem>>) dst(%dma_wait3A_185 : memref<10112x128xf32, #tpu.memory_space<vmem_shared>>)
          tpu.yield
        }) : () -> ()
      } else {
      }
      %not3A = arith.constant true
      %not3A_160 = arith.xori %eq3A_158, %not3A : i1
      %convert_element_type3A_161 = arith.extui %not3A_160 : i1 to i32
      %cond3A_162 = arith.constant 0 : i32
      %cond3A_163 = arith.cmpi ne, %convert_element_type3A_161, %cond3A_162 : i32
      scf.if %cond3A_163 {
        %dma_wait3A_164 = arith.constant 0 : i32
        %dma_wait3A_165 = tpu.memref_slice %arg8[%scan3A_156, %dma_wait3A_164] : memref<16x128xi32, #tpu.memory_space<vmem>> -> memref<1x128xi32, #tpu.memory_space<vmem>>
        %dma_wait3A_166 = tpu.memref_squeeze %dma_wait3A_165 : memref<1x128xi32, #tpu.memory_space<vmem>> -> memref<128xi32, #tpu.memory_space<vmem>>
        %dma_wait3A_167 = arith.constant 0 : i32
        %dma_wait3A_168 = arith.constant 0 : i32
        %dma_wait3A_169 = tpu.memref_slice %arg2[%dma_wait3A_167, %dma_wait3A_168] : memref<10000x128xf32, #tpu.memory_space<hbm>> -> memref<10000x128xf32, #tpu.memory_space<hbm>>
        tpu.wait_indirect_dma semaphore(%arg16 : memref<!tpu.dma_semaphore, #tpu.memory_space<semaphore_mem>>) src(%dma_wait3A_169 : memref<10000x128xf32, #tpu.memory_space<hbm>>) dst(%arg12 : memref<128x128xf32, #tpu.memory_space<vmem>>)
        %lt3A = arith.constant 15 : i32
        %lt3A_170 = arith.cmpi slt, %scan3A_156, %lt3A : i32
        %convert_element_type3A_171 = arith.extui %lt3A_170 : i1 to i32
        %cond3A_172 = arith.constant 0 : i32
        %cond3A_173 = arith.cmpi ne, %convert_element_type3A_171, %cond3A_172 : i32
        scf.if %cond3A_173 {
          %add3A_174 = arith.constant 1 : i32
          %add3A_175 = arith.addi %scan3A_156, %add3A_174 : i32
          %dma_start3A_176 = arith.constant 0 : i32
          %dma_start3A_177 = tpu.memref_slice %arg8[%add3A_175, %dma_start3A_176] : memref<16x128xi32, #tpu.memory_space<vmem>> -> memref<1x128xi32, #tpu.memory_space<vmem>>
          %dma_start3A_178 = tpu.memref_squeeze %dma_start3A_177 : memref<1x128xi32, #tpu.memory_space<vmem>> -> memref<128xi32, #tpu.memory_space<vmem>>
          %dma_start3A_179 = arith.constant 0 : i32
          %dma_start3A_180 = arith.constant 0 : i32
          %dma_start3A_181 = tpu.memref_slice %arg2[%dma_start3A_179, %dma_start3A_180] : memref<10000x128xf32, #tpu.memory_space<hbm>> -> memref<10000x128xf32, #tpu.memory_space<hbm>>
          tpu.enqueue_indirect_dma source(%dma_start3A_181 : memref<10000x128xf32, #tpu.memory_space<hbm>>) target(%arg11 : memref<128x128xf32, #tpu.memory_space<vmem>>) offsets(%dma_start3A_178 : memref<128xi32, #tpu.memory_space<vmem>>) semaphore(%arg15 : memref<!tpu.dma_semaphore, #tpu.memory_space<semaphore_mem>>)
        } else {
        }
        "tpu.region"() ({
          %run_scoped3A = tpu.sem_alloc : memref<!tpu.dma_semaphore, #tpu.memory_space<semaphore_mem>>
          %dma_start3A_174 = arith.constant 0 : i32
          %dma_start3A_175 = tpu.memref_slice %arg10[%scan3A_156, %dma_start3A_174] : memref<16x128xi32, #tpu.memory_space<vmem>> -> memref<1x128xi32, #tpu.memory_space<vmem>>
          %dma_start3A_176 = tpu.memref_squeeze %dma_start3A_175 : memref<1x128xi32, #tpu.memory_space<vmem>> -> memref<128xi32, #tpu.memory_space<vmem>>
          %dma_start3A_177 = arith.constant 0 : i32
          %dma_start3A_178 = arith.constant 0 : i32
          %dma_start3A_179 = tpu.memref_slice %arg13[%dma_start3A_177, %dma_start3A_178] : memref<10112x128xf32, #tpu.memory_space<vmem_shared>> -> memref<10112x128xf32, #tpu.memory_space<vmem_shared>>
          tpu.enqueue_indirect_dma source(%arg12 : memref<128x128xf32, #tpu.memory_space<vmem>>) target(%dma_start3A_179 : memref<10112x128xf32, #tpu.memory_space<vmem_shared>>) offsets(%dma_start3A_176 : memref<128xi32, #tpu.memory_space<vmem>>) semaphore(%run_scoped3A : memref<!tpu.dma_semaphore, #tpu.memory_space<semaphore_mem>>) {add = true}
          %dma_wait3A_180 = arith.constant 0 : i32
          %dma_wait3A_181 = tpu.memref_slice %arg10[%scan3A_156, %dma_wait3A_180] : memref<16x128xi32, #tpu.memory_space<vmem>> -> memref<1x128xi32, #tpu.memory_space<vmem>>
          %dma_wait3A_182 = tpu.memref_squeeze %dma_wait3A_181 : memref<1x128xi32, #tpu.memory_space<vmem>> -> memref<128xi32, #tpu.memory_space<vmem>>
          %dma_wait3A_183 = arith.constant 0 : i32
          %dma_wait3A_184 = arith.constant 0 : i32
          %dma_wait3A_185 = tpu.memref_slice %arg13[%dma_wait3A_183, %dma_wait3A_184] : memref<10112x128xf32, #tpu.memory_space<vmem_shared>> -> memref<10112x128xf32, #tpu.memory_space<vmem_shared>>
          tpu.wait_indirect_dma semaphore(%run_scoped3A : memref<!tpu.dma_semaphore, #tpu.memory_space<semaphore_mem>>) src(%arg12 : memref<128x128xf32, #tpu.memory_space<vmem>>) dst(%dma_wait3A_185 : memref<10112x128xf32, #tpu.memory_space<vmem_shared>>)
          tpu.yield
        }) : () -> ()
      } else {
      }
    }
    %scan3A_133 = arith.constant 16 : i32
    %dma_wait3A_134 = arith.constant 0 : i32
    %dma_wait3A_135 = tpu.memref_slice %arg3[%add3A_112, %dma_wait3A_134] : memref<2560x128xi32, #tpu.memory_space<hbm>> -> memref<16x128xi32, #tpu.memory_space<hbm>>
    %dma_wait3A_136 = arith.constant 0 : i32
    %dma_wait3A_137 = tpu.memref_slice %arg3[%add3A_112, %dma_wait3A_136] : memref<2560x128xi32, #tpu.memory_space<hbm>> -> memref<16x128xi32, #tpu.memory_space<hbm>>
    tpu.wait_dma2 semaphore(%arg14 : memref<!tpu.dma_semaphore, #tpu.memory_space<semaphore_mem>>) src(%dma_wait3A_137 : memref<16x128xi32, #tpu.memory_space<hbm>>) dst(%arg7 : memref<16x128xi32, #tpu.memory_space<vmem>>)
    %dma_wait3A_138 = arith.constant 0 : i32
    %dma_wait3A_139 = tpu.memref_slice %arg4[%add3A_112, %dma_wait3A_138] : memref<2560x128xi32, #tpu.memory_space<hbm>> -> memref<16x128xi32, #tpu.memory_space<hbm>>
    %dma_wait3A_140 = arith.constant 0 : i32
    %dma_wait3A_141 = tpu.memref_slice %arg4[%add3A_112, %dma_wait3A_140] : memref<2560x128xi32, #tpu.memory_space<hbm>> -> memref<16x128xi32, #tpu.memory_space<hbm>>
    tpu.wait_dma2 semaphore(%arg14 : memref<!tpu.dma_semaphore, #tpu.memory_space<semaphore_mem>>) src(%dma_wait3A_141 : memref<16x128xi32, #tpu.memory_space<hbm>>) dst(%arg9 : memref<16x128xi32, #tpu.memory_space<vmem>>)
    %dma_start3A_142 = arith.constant 0 : i32
    %dma_start3A_143 = arith.constant 0 : i32
    %dma_start3A_144 = tpu.memref_slice %arg7[%dma_start3A_142, %dma_start3A_143] : memref<16x128xi32, #tpu.memory_space<vmem>> -> memref<1x128xi32, #tpu.memory_space<vmem>>
    %dma_start3A_145 = tpu.memref_squeeze %dma_start3A_144 : memref<1x128xi32, #tpu.memory_space<vmem>> -> memref<128xi32, #tpu.memory_space<vmem>>
    %dma_start3A_146 = arith.constant 0 : i32
    %dma_start3A_147 = arith.constant 0 : i32
    %dma_start3A_148 = tpu.memref_slice %arg2[%dma_start3A_146, %dma_start3A_147] : memref<10000x128xf32, #tpu.memory_space<hbm>> -> memref<10000x128xf32, #tpu.memory_space<hbm>>
    tpu.enqueue_indirect_dma source(%dma_start3A_148 : memref<10000x128xf32, #tpu.memory_space<hbm>>) target(%arg11 : memref<128x128xf32, #tpu.memory_space<vmem>>) offsets(%dma_start3A_145 : memref<128xi32, #tpu.memory_space<vmem>>) semaphore(%arg15 : memref<!tpu.dma_semaphore, #tpu.memory_space<semaphore_mem>>)
    %scan3A_149 = arith.constant 0 : i32
    %scan3A_150 = arith.constant 0 : i32
    %scan3A_151 = arith.constant 16 : i32
    %scan3A_152 = arith.addi %scan3A_150, %scan3A_151 : i32
    %scan3A_153 = arith.constant 1 : i32
    scf.for %scan3A_156 = %scan3A_150 to %scan3A_152 step %scan3A_153  : i32 {
      %and3A = arith.constant 1 : i32
      %and3A_157 = arith.andi %scan3A_156, %and3A : i32
      %eq3A = arith.constant 0 : i32
      %eq3A_158 = arith.cmpi eq, %and3A_157, %eq3A : i32
      %convert_element_type3A = arith.extui %eq3A_158 : i1 to i32
      %cond3A = arith.constant 0 : i32
      %cond3A_159 = arith.cmpi ne, %convert_element_type3A, %cond3A : i32
      scf.if %cond3A_159 {
        %dma_wait3A_164 = arith.constant 0 : i32
        %dma_wait3A_165 = tpu.memref_slice %arg7[%scan3A_156, %dma_wait3A_164] : memref<16x128xi32, #tpu.memory_space<vmem>> -> memref<1x128xi32, #tpu.memory_space<vmem>>
        %dma_wait3A_166 = tpu.memref_squeeze %dma_wait3A_165 : memref<1x128xi32, #tpu.memory_space<vmem>> -> memref<128xi32, #tpu.memory_space<vmem>>
        %dma_wait3A_167 = arith.constant 0 : i32
        %dma_wait3A_168 = arith.constant 0 : i32
        %dma_wait3A_169 = tpu.memref_slice %arg2[%dma_wait3A_167, %dma_wait3A_168] : memref<10000x128xf32, #tpu.memory_space<hbm>> -> memref<10000x128xf32, #tpu.memory_space<hbm>>
        tpu.wait_indirect_dma semaphore(%arg15 : memref<!tpu.dma_semaphore, #tpu.memory_space<semaphore_mem>>) src(%dma_wait3A_169 : memref<10000x128xf32, #tpu.memory_space<hbm>>) dst(%arg11 : memref<128x128xf32, #tpu.memory_space<vmem>>)
        %lt3A = arith.constant 15 : i32
        %lt3A_170 = arith.cmpi slt, %scan3A_156, %lt3A : i32
        %convert_element_type3A_171 = arith.extui %lt3A_170 : i1 to i32
        %cond3A_172 = arith.constant 0 : i32
        %cond3A_173 = arith.cmpi ne, %convert_element_type3A_171, %cond3A_172 : i32
        scf.if %cond3A_173 {
          %add3A_174 = arith.constant 1 : i32
          %add3A_175 = arith.addi %scan3A_156, %add3A_174 : i32
          %dma_start3A_176 = arith.constant 0 : i32
          %dma_start3A_177 = tpu.memref_slice %arg7[%add3A_175, %dma_start3A_176] : memref<16x128xi32, #tpu.memory_space<vmem>> -> memref<1x128xi32, #tpu.memory_space<vmem>>
          %dma_start3A_178 = tpu.memref_squeeze %dma_start3A_177 : memref<1x128xi32, #tpu.memory_space<vmem>> -> memref<128xi32, #tpu.memory_space<vmem>>
          %dma_start3A_179 = arith.constant 0 : i32
          %dma_start3A_180 = arith.constant 0 : i32
          %dma_start3A_181 = tpu.memref_slice %arg2[%dma_start3A_179, %dma_start3A_180] : memref<10000x128xf32, #tpu.memory_space<hbm>> -> memref<10000x128xf32, #tpu.memory_space<hbm>>
          tpu.enqueue_indirect_dma source(%dma_start3A_181 : memref<10000x128xf32, #tpu.memory_space<hbm>>) target(%arg12 : memref<128x128xf32, #tpu.memory_space<vmem>>) offsets(%dma_start3A_178 : memref<128xi32, #tpu.memory_space<vmem>>) semaphore(%arg16 : memref<!tpu.dma_semaphore, #tpu.memory_space<semaphore_mem>>)
        } else {
        }
        "tpu.region"() ({
          %run_scoped3A = tpu.sem_alloc : memref<!tpu.dma_semaphore, #tpu.memory_space<semaphore_mem>>
          %dma_start3A_174 = arith.constant 0 : i32
          %dma_start3A_175 = tpu.memref_slice %arg9[%scan3A_156, %dma_start3A_174] : memref<16x128xi32, #tpu.memory_space<vmem>> -> memref<1x128xi32, #tpu.memory_space<vmem>>
          %dma_start3A_176 = tpu.memref_squeeze %dma_start3A_175 : memref<1x128xi32, #tpu.memory_space<vmem>> -> memref<128xi32, #tpu.memory_space<vmem>>
          %dma_start3A_177 = arith.constant 0 : i32
          %dma_start3A_178 = arith.constant 0 : i32
          %dma_start3A_179 = tpu.memref_slice %arg13[%dma_start3A_177, %dma_start3A_178] : memref<10112x128xf32, #tpu.memory_space<vmem_shared>> -> memref<10112x128xf32, #tpu.memory_space<vmem_shared>>
          tpu.enqueue_indirect_dma source(%arg11 : memref<128x128xf32, #tpu.memory_space<vmem>>) target(%dma_start3A_179 : memref<10112x128xf32, #tpu.memory_space<vmem_shared>>) offsets(%dma_start3A_176 : memref<128xi32, #tpu.memory_space<vmem>>) semaphore(%run_scoped3A : memref<!tpu.dma_semaphore, #tpu.memory_space<semaphore_mem>>) {add = true}
          %dma_wait3A_180 = arith.constant 0 : i32
          %dma_wait3A_181 = tpu.memref_slice %arg9[%scan3A_156, %dma_wait3A_180] : memref<16x128xi32, #tpu.memory_space<vmem>> -> memref<1x128xi32, #tpu.memory_space<vmem>>
          %dma_wait3A_182 = tpu.memref_squeeze %dma_wait3A_181 : memref<1x128xi32, #tpu.memory_space<vmem>> -> memref<128xi32, #tpu.memory_space<vmem>>
          %dma_wait3A_183 = arith.constant 0 : i32
          %dma_wait3A_184 = arith.constant 0 : i32
          %dma_wait3A_185 = tpu.memref_slice %arg13[%dma_wait3A_183, %dma_wait3A_184] : memref<10112x128xf32, #tpu.memory_space<vmem_shared>> -> memref<10112x128xf32, #tpu.memory_space<vmem_shared>>
          tpu.wait_indirect_dma semaphore(%run_scoped3A : memref<!tpu.dma_semaphore, #tpu.memory_space<semaphore_mem>>) src(%arg11 : memref<128x128xf32, #tpu.memory_space<vmem>>) dst(%dma_wait3A_185 : memref<10112x128xf32, #tpu.memory_space<vmem_shared>>)
          tpu.yield
        }) : () -> ()
      } else {
      }
      %not3A = arith.constant true
      %not3A_160 = arith.xori %eq3A_158, %not3A : i1
      %convert_element_type3A_161 = arith.extui %not3A_160 : i1 to i32
      %cond3A_162 = arith.constant 0 : i32
      %cond3A_163 = arith.cmpi ne, %convert_element_type3A_161, %cond3A_162 : i32
      scf.if %cond3A_163 {
        %dma_wait3A_164 = arith.constant 0 : i32
        %dma_wait3A_165 = tpu.memref_slice %arg7[%scan3A_156, %dma_wait3A_164] : memref<16x128xi32, #tpu.memory_space<vmem>> -> memref<1x128xi32, #tpu.memory_space<vmem>>
        %dma_wait3A_166 = tpu.memref_squeeze %dma_wait3A_165 : memref<1x128xi32, #tpu.memory_space<vmem>> -> memref<128xi32, #tpu.memory_space<vmem>>
        %dma_wait3A_167 = arith.constant 0 : i32
        %dma_wait3A_168 = arith.constant 0 : i32
        %dma_wait3A_169 = tpu.memref_slice %arg2[%dma_wait3A_167, %dma_wait3A_168] : memref<10000x128xf32, #tpu.memory_space<hbm>> -> memref<10000x128xf32, #tpu.memory_space<hbm>>
        tpu.wait_indirect_dma semaphore(%arg16 : memref<!tpu.dma_semaphore, #tpu.memory_space<semaphore_mem>>) src(%dma_wait3A_169 : memref<10000x128xf32, #tpu.memory_space<hbm>>) dst(%arg12 : memref<128x128xf32, #tpu.memory_space<vmem>>)
        %lt3A = arith.constant 15 : i32
        %lt3A_170 = arith.cmpi slt, %scan3A_156, %lt3A : i32
        %convert_element_type3A_171 = arith.extui %lt3A_170 : i1 to i32
        %cond3A_172 = arith.constant 0 : i32
        %cond3A_173 = arith.cmpi ne, %convert_element_type3A_171, %cond3A_172 : i32
        scf.if %cond3A_173 {
          %add3A_174 = arith.constant 1 : i32
          %add3A_175 = arith.addi %scan3A_156, %add3A_174 : i32
          %dma_start3A_176 = arith.constant 0 : i32
          %dma_start3A_177 = tpu.memref_slice %arg7[%add3A_175, %dma_start3A_176] : memref<16x128xi32, #tpu.memory_space<vmem>> -> memref<1x128xi32, #tpu.memory_space<vmem>>
          %dma_start3A_178 = tpu.memref_squeeze %dma_start3A_177 : memref<1x128xi32, #tpu.memory_space<vmem>> -> memref<128xi32, #tpu.memory_space<vmem>>
          %dma_start3A_179 = arith.constant 0 : i32
          %dma_start3A_180 = arith.constant 0 : i32
          %dma_start3A_181 = tpu.memref_slice %arg2[%dma_start3A_179, %dma_start3A_180] : memref<10000x128xf32, #tpu.memory_space<hbm>> -> memref<10000x128xf32, #tpu.memory_space<hbm>>
          tpu.enqueue_indirect_dma source(%dma_start3A_181 : memref<10000x128xf32, #tpu.memory_space<hbm>>) target(%arg11 : memref<128x128xf32, #tpu.memory_space<vmem>>) offsets(%dma_start3A_178 : memref<128xi32, #tpu.memory_space<vmem>>) semaphore(%arg15 : memref<!tpu.dma_semaphore, #tpu.memory_space<semaphore_mem>>)
        } else {
        }
        "tpu.region"() ({
          %run_scoped3A = tpu.sem_alloc : memref<!tpu.dma_semaphore, #tpu.memory_space<semaphore_mem>>
          %dma_start3A_174 = arith.constant 0 : i32
          %dma_start3A_175 = tpu.memref_slice %arg9[%scan3A_156, %dma_start3A_174] : memref<16x128xi32, #tpu.memory_space<vmem>> -> memref<1x128xi32, #tpu.memory_space<vmem>>
          %dma_start3A_176 = tpu.memref_squeeze %dma_start3A_175 : memref<1x128xi32, #tpu.memory_space<vmem>> -> memref<128xi32, #tpu.memory_space<vmem>>
          %dma_start3A_177 = arith.constant 0 : i32
          %dma_start3A_178 = arith.constant 0 : i32
          %dma_start3A_179 = tpu.memref_slice %arg13[%dma_start3A_177, %dma_start3A_178] : memref<10112x128xf32, #tpu.memory_space<vmem_shared>> -> memref<10112x128xf32, #tpu.memory_space<vmem_shared>>
          tpu.enqueue_indirect_dma source(%arg12 : memref<128x128xf32, #tpu.memory_space<vmem>>) target(%dma_start3A_179 : memref<10112x128xf32, #tpu.memory_space<vmem_shared>>) offsets(%dma_start3A_176 : memref<128xi32, #tpu.memory_space<vmem>>) semaphore(%run_scoped3A : memref<!tpu.dma_semaphore, #tpu.memory_space<semaphore_mem>>) {add = true}
          %dma_wait3A_180 = arith.constant 0 : i32
          %dma_wait3A_181 = tpu.memref_slice %arg9[%scan3A_156, %dma_wait3A_180] : memref<16x128xi32, #tpu.memory_space<vmem>> -> memref<1x128xi32, #tpu.memory_space<vmem>>
          %dma_wait3A_182 = tpu.memref_squeeze %dma_wait3A_181 : memref<1x128xi32, #tpu.memory_space<vmem>> -> memref<128xi32, #tpu.memory_space<vmem>>
          %dma_wait3A_183 = arith.constant 0 : i32
          %dma_wait3A_184 = arith.constant 0 : i32
          %dma_wait3A_185 = tpu.memref_slice %arg13[%dma_wait3A_183, %dma_wait3A_184] : memref<10112x128xf32, #tpu.memory_space<vmem_shared>> -> memref<10112x128xf32, #tpu.memory_space<vmem_shared>>
          tpu.wait_indirect_dma semaphore(%run_scoped3A : memref<!tpu.dma_semaphore, #tpu.memory_space<semaphore_mem>>) src(%arg12 : memref<128x128xf32, #tpu.memory_space<vmem>>) dst(%dma_wait3A_185 : memref<10112x128xf32, #tpu.memory_space<vmem_shared>>)
          tpu.yield
        }) : () -> ()
      } else {
      }
    }
    %scan3A_154 = arith.constant 16 : i32
    %barrier3A_155 = arith.constant 0 : index
    tpu.barrier barrier_id(%barrier3A_155)
    "tpu.region"() ({
      %run_scoped3A = tpu.sem_alloc : memref<!tpu.dma_semaphore, #tpu.memory_space<semaphore_mem>>
      %dma_start3A_156 = arith.constant 0 : i32
      %dma_start3A_157 = tpu.memref_slice %arg6[%arg0, %mul3A_2, %dma_start3A_156] : memref<2x10112x128xf32, #tpu.memory_space<hbm>> -> memref<1x632x128xf32, #tpu.memory_space<hbm>>
      %dma_start3A_158 = tpu.memref_squeeze %dma_start3A_157 : memref<1x632x128xf32, #tpu.memory_space<hbm>> -> memref<632x128xf32, #tpu.memory_space<hbm>>
      %dma_start3A_159 = arith.constant 0 : i32
      %dma_start3A_160 = tpu.memref_slice %arg13[%mul3A_2, %dma_start3A_159] : memref<10112x128xf32, #tpu.memory_space<vmem_shared>> -> memref<632x128xf32, #tpu.memory_space<vmem_shared>>
      tpu.enqueue_dma source(%dma_start3A_160 : memref<632x128xf32, #tpu.memory_space<vmem_shared>>) target(%dma_start3A_158 : memref<632x128xf32, #tpu.memory_space<hbm>>) target_semaphore(%run_scoped3A : memref<!tpu.dma_semaphore, #tpu.memory_space<semaphore_mem>>)
      %dma_wait3A_161 = arith.constant 0 : i32
      %dma_wait3A_162 = tpu.memref_slice %arg6[%arg0, %mul3A_2, %dma_wait3A_161] : memref<2x10112x128xf32, #tpu.memory_space<hbm>> -> memref<1x632x128xf32, #tpu.memory_space<hbm>>
      %dma_wait3A_163 = tpu.memref_squeeze %dma_wait3A_162 : memref<1x632x128xf32, #tpu.memory_space<hbm>> -> memref<632x128xf32, #tpu.memory_space<hbm>>
      %dma_wait3A_164 = arith.constant 0 : i32
      %dma_wait3A_165 = tpu.memref_slice %arg13[%mul3A_2, %dma_wait3A_164] : memref<10112x128xf32, #tpu.memory_space<vmem_shared>> -> memref<632x128xf32, #tpu.memory_space<vmem_shared>>
      tpu.wait_dma2 semaphore(%run_scoped3A : memref<!tpu.dma_semaphore, #tpu.memory_space<semaphore_mem>>) src(%dma_wait3A_165 : memref<632x128xf32, #tpu.memory_space<vmem_shared>>) dst(%dma_wait3A_163 : memref<632x128xf32, #tpu.memory_space<hbm>>)
      tpu.yield
    }) : () -> ()
    return
  }
}

#map = affine_map<(d0, d1) -> (0, 0)>
#map1 = affine_map<(d0, d1) -> (0, 0, 0)>
module attributes {stable_mosaic.version = 14 : i64} {
  func.func @_spmm_body(%arg0: i32, %arg1: i32, %arg2: memref<10000x128xf32, #tpu.memory_space<hbm>>, %arg3: memref<2560x128xi32, #tpu.memory_space<hbm>>, %arg4: memref<2560x128xi32, #tpu.memory_space<hbm>>, %arg5: memref<10112x128xf32, #tpu.memory_space<hbm>>, %arg6: memref<2x10112x128xf32, #tpu.memory_space<hbm>>, %arg7: memref<16x128xi32, #tpu.memory_space<vmem>>, %arg8: memref<16x128xi32, #tpu.memory_space<vmem>>, %arg9: memref<16x128xi32, #tpu.memory_space<vmem>>, %arg10: memref<16x128xi32, #tpu.memory_space<vmem>>, %arg11: memref<128x128xf32, #tpu.memory_space<vmem>>, %arg12: memref<128x128xf32, #tpu.memory_space<vmem>>, %arg13: memref<10112x128xf32, #tpu.memory_space<vmem_shared>>, %arg14: memref<!tpu.dma_semaphore, #tpu.memory_space<semaphore_mem>>, %arg15: memref<!tpu.dma_semaphore, #tpu.memory_space<semaphore_mem>>, %arg16: memref<!tpu.dma_semaphore, #tpu.memory_space<semaphore_mem>>) attributes {dimension_semantics = [#tpu.dimension_semantics<core_parallel>, #tpu.dimension_semantics<subcore_parallel>], iteration_bounds = array<i64: 2, 16>, scalar_prefetch = 0 : i64, scratch_operands = 10 : i64, tpu.core_type = #tpu.core_type<sc_vector_subcore>, window_params = [{transform_indices = #map}, {transform_indices = #map}, {transform_indices = #map}, {transform_indices = #map}, {transform_indices = #map1}]} {
    %mul3A = arith.constant 16 : i32
    %mul3A_0 = arith.muli %arg0, %mul3A : i32
    %add3A = arith.addi %mul3A_0, %arg1 : i32
    %mul3A_1 = arith.constant 632 : i32
    %mul3A_2 = arith.muli %arg1, %mul3A_1 : i32
    %mul3A_3 = arith.constant 80 : i32
    %mul3A_4 = arith.muli %add3A, %mul3A_3 : i32
    %dma_start3A = arith.constant 0 : i32
    %dma_start3A_5 = tpu.memref_slice %arg3[%mul3A_4, %dma_start3A] : memref<2560x128xi32, #tpu.memory_space<hbm>> -> memref<16x128xi32, #tpu.memory_space<hbm>>
    %dma_start3A_6 = arith.constant 0 : i32
    %dma_start3A_7 = tpu.memref_slice %arg3[%mul3A_4, %dma_start3A_6] : memref<2560x128xi32, #tpu.memory_space<hbm>> -> memref<16x128xi32, #tpu.memory_space<hbm>>
    tpu.enqueue_dma source(%dma_start3A_7 : memref<16x128xi32, #tpu.memory_space<hbm>>) target(%arg7 : memref<16x128xi32, #tpu.memory_space<vmem>>) target_semaphore(%arg14 : memref<!tpu.dma_semaphore, #tpu.memory_space<semaphore_mem>>)
    %dma_start3A_8 = arith.constant 0 : i32
    %dma_start3A_9 = tpu.memref_slice %arg4[%mul3A_4, %dma_start3A_8] : memref<2560x128xi32, #tpu.memory_space<hbm>> -> memref<16x128xi32, #tpu.memory_space<hbm>>
    %dma_start3A_10 = arith.constant 0 : i32
    %dma_start3A_11 = tpu.memref_slice %arg4[%mul3A_4, %dma_start3A_10] : memref<2560x128xi32, #tpu.memory_space<hbm>> -> memref<16x128xi32, #tpu.memory_space<hbm>>
    tpu.enqueue_dma source(%dma_start3A_11 : memref<16x128xi32, #tpu.memory_space<hbm>>) target(%arg9 : memref<16x128xi32, #tpu.memory_space<vmem>>) target_semaphore(%arg14 : memref<!tpu.dma_semaphore, #tpu.memory_space<semaphore_mem>>)
    "tpu.region"() ({
      %run_scoped3A = tpu.sem_alloc : memref<!tpu.dma_semaphore, #tpu.memory_space<semaphore_mem>>
      %dma_start3A_156 = arith.constant 0 : i32
      %dma_start3A_157 = tpu.memref_slice %arg13[%mul3A_2, %dma_start3A_156] : memref<10112x128xf32, #tpu.memory_space<vmem_shared>> -> memref<632x128xf32, #tpu.memory_space<vmem_shared>>
      %dma_start3A_158 = arith.constant 0 : i32
      %dma_start3A_159 = tpu.memref_slice %arg5[%mul3A_2, %dma_start3A_158] : memref<10112x128xf32, #tpu.memory_space<hbm>> -> memref<632x128xf32, #tpu.memory_space<hbm>>
      tpu.enqueue_dma source(%dma_start3A_159 : memref<632x128xf32, #tpu.memory_space<hbm>>) target(%dma_start3A_157 : memref<632x128xf32, #tpu.memory_space<vmem_shared>>) target_semaphore(%run_scoped3A : memref<!tpu.dma_semaphore, #tpu.memory_space<semaphore_mem>>)
      %dma_wait3A_160 = arith.constant 0 : i32
      %dma_wait3A_161 = tpu.memref_slice %arg13[%mul3A_2, %dma_wait3A_160] : memref<10112x128xf32, #tpu.memory_space<vmem_shared>> -> memref<632x128xf32, #tpu.memory_space<vmem_shared>>
      %dma_wait3A_162 = arith.constant 0 : i32
      %dma_wait3A_163 = tpu.memref_slice %arg5[%mul3A_2, %dma_wait3A_162] : memref<10112x128xf32, #tpu.memory_space<hbm>> -> memref<632x128xf32, #tpu.memory_space<hbm>>
      tpu.wait_dma2 semaphore(%run_scoped3A : memref<!tpu.dma_semaphore, #tpu.memory_space<semaphore_mem>>) src(%dma_wait3A_163 : memref<632x128xf32, #tpu.memory_space<hbm>>) dst(%dma_wait3A_161 : memref<632x128xf32, #tpu.memory_space<vmem_shared>>)
      tpu.yield
    }) : () -> ()
    %dma_wait3A = arith.constant 0 : i32
    %dma_wait3A_12 = tpu.memref_slice %arg3[%mul3A_4, %dma_wait3A] : memref<2560x128xi32, #tpu.memory_space<hbm>> -> memref<16x128xi32, #tpu.memory_space<hbm>>
    %dma_wait3A_13 = arith.constant 0 : i32
    %dma_wait3A_14 = tpu.memref_slice %arg3[%mul3A_4, %dma_wait3A_13] : memref<2560x128xi32, #tpu.memory_space<hbm>> -> memref<16x128xi32, #tpu.memory_space<hbm>>
    tpu.wait_dma2 semaphore(%arg14 : memref<!tpu.dma_semaphore, #tpu.memory_space<semaphore_mem>>) src(%dma_wait3A_14 : memref<16x128xi32, #tpu.memory_space<hbm>>) dst(%arg7 : memref<16x128xi32, #tpu.memory_space<vmem>>)
    %dma_wait3A_15 = arith.constant 0 : i32
    %dma_wait3A_16 = tpu.memref_slice %arg4[%mul3A_4, %dma_wait3A_15] : memref<2560x128xi32, #tpu.memory_space<hbm>> -> memref<16x128xi32, #tpu.memory_space<hbm>>
    %dma_wait3A_17 = arith.constant 0 : i32
    %dma_wait3A_18 = tpu.memref_slice %arg4[%mul3A_4, %dma_wait3A_17] : memref<2560x128xi32, #tpu.memory_space<hbm>> -> memref<16x128xi32, #tpu.memory_space<hbm>>
    tpu.wait_dma2 semaphore(%arg14 : memref<!tpu.dma_semaphore, #tpu.memory_space<semaphore_mem>>) src(%dma_wait3A_18 : memref<16x128xi32, #tpu.memory_space<hbm>>) dst(%arg9 : memref<16x128xi32, #tpu.memory_space<vmem>>)
    %barrier3A = arith.constant 0 : index
    tpu.barrier barrier_id(%barrier3A)
    %add3A_19 = arith.constant 16 : i32
    %add3A_20 = arith.addi %mul3A_4, %add3A_19 : i32
    %dma_start3A_21 = arith.constant 0 : i32
    %dma_start3A_22 = tpu.memref_slice %arg3[%add3A_20, %dma_start3A_21] : memref<2560x128xi32, #tpu.memory_space<hbm>> -> memref<16x128xi32, #tpu.memory_space<hbm>>
    %dma_start3A_23 = arith.constant 0 : i32
    %dma_start3A_24 = tpu.memref_slice %arg3[%add3A_20, %dma_start3A_23] : memref<2560x128xi32, #tpu.memory_space<hbm>> -> memref<16x128xi32, #tpu.memory_space<hbm>>
    tpu.enqueue_dma source(%dma_start3A_24 : memref<16x128xi32, #tpu.memory_space<hbm>>) target(%arg8 : memref<16x128xi32, #tpu.memory_space<vmem>>) target_semaphore(%arg14 : memref<!tpu.dma_semaphore, #tpu.memory_space<semaphore_mem>>)
    %dma_start3A_25 = arith.constant 0 : i32
    %dma_start3A_26 = tpu.memref_slice %arg4[%add3A_20, %dma_start3A_25] : memref<2560x128xi32, #tpu.memory_space<hbm>> -> memref<16x128xi32, #tpu.memory_space<hbm>>
    %dma_start3A_27 = arith.constant 0 : i32
    %dma_start3A_28 = tpu.memref_slice %arg4[%add3A_20, %dma_start3A_27] : memref<2560x128xi32, #tpu.memory_space<hbm>> -> memref<16x128xi32, #tpu.memory_space<hbm>>
    tpu.enqueue_dma source(%dma_start3A_28 : memref<16x128xi32, #tpu.memory_space<hbm>>) target(%arg10 : memref<16x128xi32, #tpu.memory_space<vmem>>) target_semaphore(%arg14 : memref<!tpu.dma_semaphore, #tpu.memory_space<semaphore_mem>>)
    %dma_start3A_29 = arith.constant 0 : i32
    %dma_start3A_30 = arith.constant 0 : i32
    %dma_start3A_31 = tpu.memref_slice %arg7[%dma_start3A_29, %dma_start3A_30] : memref<16x128xi32, #tpu.memory_space<vmem>> -> memref<1x128xi32, #tpu.memory_space<vmem>>
    %dma_start3A_32 = tpu.memref_squeeze %dma_start3A_31 : memref<1x128xi32, #tpu.memory_space<vmem>> -> memref<128xi32, #tpu.memory_space<vmem>>
    %dma_start3A_33 = arith.constant 0 : i32
    %dma_start3A_34 = arith.constant 0 : i32
    %dma_start3A_35 = tpu.memref_slice %arg2[%dma_start3A_33, %dma_start3A_34] : memref<10000x128xf32, #tpu.memory_space<hbm>> -> memref<10000x128xf32, #tpu.memory_space<hbm>>
    tpu.enqueue_indirect_dma source(%dma_start3A_35 : memref<10000x128xf32, #tpu.memory_space<hbm>>) target(%arg11 : memref<128x128xf32, #tpu.memory_space<vmem>>) offsets(%dma_start3A_32 : memref<128xi32, #tpu.memory_space<vmem>>) semaphore(%arg15 : memref<!tpu.dma_semaphore, #tpu.memory_space<semaphore_mem>>)
    %scan3A = arith.constant 0 : i32
    %scan3A_36 = arith.constant 0 : i32
    %scan3A_37 = arith.constant 16 : i32
    %scan3A_38 = arith.addi %scan3A_36, %scan3A_37 : i32
    %scan3A_39 = arith.constant 1 : i32
    scf.for %scan3A_156 = %scan3A_36 to %scan3A_38 step %scan3A_39  : i32 {
      %and3A = arith.constant 1 : i32
      %and3A_157 = arith.andi %scan3A_156, %and3A : i32
      %eq3A = arith.constant 0 : i32
      %eq3A_158 = arith.cmpi eq, %and3A_157, %eq3A : i32
      %convert_element_type3A = arith.extui %eq3A_158 : i1 to i32
      %cond3A = arith.constant 0 : i32
      %cond3A_159 = arith.cmpi ne, %convert_element_type3A, %cond3A : i32
      scf.if %cond3A_159 {
        %dma_wait3A_164 = arith.constant 0 : i32
        %dma_wait3A_165 = tpu.memref_slice %arg7[%scan3A_156, %dma_wait3A_164] : memref<16x128xi32, #tpu.memory_space<vmem>> -> memref<1x128xi32, #tpu.memory_space<vmem>>
        %dma_wait3A_166 = tpu.memref_squeeze %dma_wait3A_165 : memref<1x128xi32, #tpu.memory_space<vmem>> -> memref<128xi32, #tpu.memory_space<vmem>>
        %dma_wait3A_167 = arith.constant 0 : i32
        %dma_wait3A_168 = arith.constant 0 : i32
        %dma_wait3A_169 = tpu.memref_slice %arg2[%dma_wait3A_167, %dma_wait3A_168] : memref<10000x128xf32, #tpu.memory_space<hbm>> -> memref<10000x128xf32, #tpu.memory_space<hbm>>
        tpu.wait_indirect_dma semaphore(%arg15 : memref<!tpu.dma_semaphore, #tpu.memory_space<semaphore_mem>>) src(%dma_wait3A_169 : memref<10000x128xf32, #tpu.memory_space<hbm>>) dst(%arg11 : memref<128x128xf32, #tpu.memory_space<vmem>>)
        %lt3A = arith.constant 15 : i32
        %lt3A_170 = arith.cmpi slt, %scan3A_156, %lt3A : i32
        %convert_element_type3A_171 = arith.extui %lt3A_170 : i1 to i32
        %cond3A_172 = arith.constant 0 : i32
        %cond3A_173 = arith.cmpi ne, %convert_element_type3A_171, %cond3A_172 : i32
        scf.if %cond3A_173 {
          %add3A_174 = arith.constant 1 : i32
          %add3A_175 = arith.addi %scan3A_156, %add3A_174 : i32
          %dma_start3A_176 = arith.constant 0 : i32
          %dma_start3A_177 = tpu.memref_slice %arg7[%add3A_175, %dma_start3A_176] : memref<16x128xi32, #tpu.memory_space<vmem>> -> memref<1x128xi32, #tpu.memory_space<vmem>>
          %dma_start3A_178 = tpu.memref_squeeze %dma_start3A_177 : memref<1x128xi32, #tpu.memory_space<vmem>> -> memref<128xi32, #tpu.memory_space<vmem>>
          %dma_start3A_179 = arith.constant 0 : i32
          %dma_start3A_180 = arith.constant 0 : i32
          %dma_start3A_181 = tpu.memref_slice %arg2[%dma_start3A_179, %dma_start3A_180] : memref<10000x128xf32, #tpu.memory_space<hbm>> -> memref<10000x128xf32, #tpu.memory_space<hbm>>
          tpu.enqueue_indirect_dma source(%dma_start3A_181 : memref<10000x128xf32, #tpu.memory_space<hbm>>) target(%arg12 : memref<128x128xf32, #tpu.memory_space<vmem>>) offsets(%dma_start3A_178 : memref<128xi32, #tpu.memory_space<vmem>>) semaphore(%arg16 : memref<!tpu.dma_semaphore, #tpu.memory_space<semaphore_mem>>)
        } else {
        }
        "tpu.region"() ({
          %run_scoped3A = tpu.sem_alloc : memref<!tpu.dma_semaphore, #tpu.memory_space<semaphore_mem>>
          %dma_start3A_174 = arith.constant 0 : i32
          %dma_start3A_175 = tpu.memref_slice %arg9[%scan3A_156, %dma_start3A_174] : memref<16x128xi32, #tpu.memory_space<vmem>> -> memref<1x128xi32, #tpu.memory_space<vmem>>
          %dma_start3A_176 = tpu.memref_squeeze %dma_start3A_175 : memref<1x128xi32, #tpu.memory_space<vmem>> -> memref<128xi32, #tpu.memory_space<vmem>>
          %dma_start3A_177 = arith.constant 0 : i32
          %dma_start3A_178 = arith.constant 0 : i32
          %dma_start3A_179 = tpu.memref_slice %arg13[%dma_start3A_177, %dma_start3A_178] : memref<10112x128xf32, #tpu.memory_space<vmem_shared>> -> memref<10112x128xf32, #tpu.memory_space<vmem_shared>>
          tpu.enqueue_indirect_dma source(%arg11 : memref<128x128xf32, #tpu.memory_space<vmem>>) target(%dma_start3A_179 : memref<10112x128xf32, #tpu.memory_space<vmem_shared>>) offsets(%dma_start3A_176 : memref<128xi32, #tpu.memory_space<vmem>>) semaphore(%run_scoped3A : memref<!tpu.dma_semaphore, #tpu.memory_space<semaphore_mem>>) {add = true}
          %dma_wait3A_180 = arith.constant 0 : i32
          %dma_wait3A_181 = tpu.memref_slice %arg9[%scan3A_156, %dma_wait3A_180] : memref<16x128xi32, #tpu.memory_space<vmem>> -> memref<1x128xi32, #tpu.memory_space<vmem>>
          %dma_wait3A_182 = tpu.memref_squeeze %dma_wait3A_181 : memref<1x128xi32, #tpu.memory_space<vmem>> -> memref<128xi32, #tpu.memory_space<vmem>>
          %dma_wait3A_183 = arith.constant 0 : i32
          %dma_wait3A_184 = arith.constant 0 : i32
          %dma_wait3A_185 = tpu.memref_slice %arg13[%dma_wait3A_183, %dma_wait3A_184] : memref<10112x128xf32, #tpu.memory_space<vmem_shared>> -> memref<10112x128xf32, #tpu.memory_space<vmem_shared>>
          tpu.wait_indirect_dma semaphore(%run_scoped3A : memref<!tpu.dma_semaphore, #tpu.memory_space<semaphore_mem>>) src(%arg11 : memref<128x128xf32, #tpu.memory_space<vmem>>) dst(%dma_wait3A_185 : memref<10112x128xf32, #tpu.memory_space<vmem_shared>>)
          tpu.yield
        }) : () -> ()
      } else {
      }
      %not3A = arith.constant true
      %not3A_160 = arith.xori %eq3A_158, %not3A : i1
      %convert_element_type3A_161 = arith.extui %not3A_160 : i1 to i32
      %cond3A_162 = arith.constant 0 : i32
      %cond3A_163 = arith.cmpi ne, %convert_element_type3A_161, %cond3A_162 : i32
      scf.if %cond3A_163 {
        %dma_wait3A_164 = arith.constant 0 : i32
        %dma_wait3A_165 = tpu.memref_slice %arg7[%scan3A_156, %dma_wait3A_164] : memref<16x128xi32, #tpu.memory_space<vmem>> -> memref<1x128xi32, #tpu.memory_space<vmem>>
        %dma_wait3A_166 = tpu.memref_squeeze %dma_wait3A_165 : memref<1x128xi32, #tpu.memory_space<vmem>> -> memref<128xi32, #tpu.memory_space<vmem>>
        %dma_wait3A_167 = arith.constant 0 : i32
        %dma_wait3A_168 = arith.constant 0 : i32
        %dma_wait3A_169 = tpu.memref_slice %arg2[%dma_wait3A_167, %dma_wait3A_168] : memref<10000x128xf32, #tpu.memory_space<hbm>> -> memref<10000x128xf32, #tpu.memory_space<hbm>>
        tpu.wait_indirect_dma semaphore(%arg16 : memref<!tpu.dma_semaphore, #tpu.memory_space<semaphore_mem>>) src(%dma_wait3A_169 : memref<10000x128xf32, #tpu.memory_space<hbm>>) dst(%arg12 : memref<128x128xf32, #tpu.memory_space<vmem>>)
        %lt3A = arith.constant 15 : i32
        %lt3A_170 = arith.cmpi slt, %scan3A_156, %lt3A : i32
        %convert_element_type3A_171 = arith.extui %lt3A_170 : i1 to i32
        %cond3A_172 = arith.constant 0 : i32
        %cond3A_173 = arith.cmpi ne, %convert_element_type3A_171, %cond3A_172 : i32
        scf.if %cond3A_173 {
          %add3A_174 = arith.constant 1 : i32
          %add3A_175 = arith.addi %scan3A_156, %add3A_174 : i32
          %dma_start3A_176 = arith.constant 0 : i32
          %dma_start3A_177 = tpu.memref_slice %arg7[%add3A_175, %dma_start3A_176] : memref<16x128xi32, #tpu.memory_space<vmem>> -> memref<1x128xi32, #tpu.memory_space<vmem>>
          %dma_start3A_178 = tpu.memref_squeeze %dma_start3A_177 : memref<1x128xi32, #tpu.memory_space<vmem>> -> memref<128xi32, #tpu.memory_space<vmem>>
          %dma_start3A_179 = arith.constant 0 : i32
          %dma_start3A_180 = arith.constant 0 : i32
          %dma_start3A_181 = tpu.memref_slice %arg2[%dma_start3A_179, %dma_start3A_180] : memref<10000x128xf32, #tpu.memory_space<hbm>> -> memref<10000x128xf32, #tpu.memory_space<hbm>>
          tpu.enqueue_indirect_dma source(%dma_start3A_181 : memref<10000x128xf32, #tpu.memory_space<hbm>>) target(%arg11 : memref<128x128xf32, #tpu.memory_space<vmem>>) offsets(%dma_start3A_178 : memref<128xi32, #tpu.memory_space<vmem>>) semaphore(%arg15 : memref<!tpu.dma_semaphore, #tpu.memory_space<semaphore_mem>>)
        } else {
        }
        "tpu.region"() ({
          %run_scoped3A = tpu.sem_alloc : memref<!tpu.dma_semaphore, #tpu.memory_space<semaphore_mem>>
          %dma_start3A_174 = arith.constant 0 : i32
          %dma_start3A_175 = tpu.memref_slice %arg9[%scan3A_156, %dma_start3A_174] : memref<16x128xi32, #tpu.memory_space<vmem>> -> memref<1x128xi32, #tpu.memory_space<vmem>>
          %dma_start3A_176 = tpu.memref_squeeze %dma_start3A_175 : memref<1x128xi32, #tpu.memory_space<vmem>> -> memref<128xi32, #tpu.memory_space<vmem>>
          %dma_start3A_177 = arith.constant 0 : i32
          %dma_start3A_178 = arith.constant 0 : i32
          %dma_start3A_179 = tpu.memref_slice %arg13[%dma_start3A_177, %dma_start3A_178] : memref<10112x128xf32, #tpu.memory_space<vmem_shared>> -> memref<10112x128xf32, #tpu.memory_space<vmem_shared>>
          tpu.enqueue_indirect_dma source(%arg12 : memref<128x128xf32, #tpu.memory_space<vmem>>) target(%dma_start3A_179 : memref<10112x128xf32, #tpu.memory_space<vmem_shared>>) offsets(%dma_start3A_176 : memref<128xi32, #tpu.memory_space<vmem>>) semaphore(%run_scoped3A : memref<!tpu.dma_semaphore, #tpu.memory_space<semaphore_mem>>) {add = true}
          %dma_wait3A_180 = arith.constant 0 : i32
          %dma_wait3A_181 = tpu.memref_slice %arg9[%scan3A_156, %dma_wait3A_180] : memref<16x128xi32, #tpu.memory_space<vmem>> -> memref<1x128xi32, #tpu.memory_space<vmem>>
          %dma_wait3A_182 = tpu.memref_squeeze %dma_wait3A_181 : memref<1x128xi32, #tpu.memory_space<vmem>> -> memref<128xi32, #tpu.memory_space<vmem>>
          %dma_wait3A_183 = arith.constant 0 : i32
          %dma_wait3A_184 = arith.constant 0 : i32
          %dma_wait3A_185 = tpu.memref_slice %arg13[%dma_wait3A_183, %dma_wait3A_184] : memref<10112x128xf32, #tpu.memory_space<vmem_shared>> -> memref<10112x128xf32, #tpu.memory_space<vmem_shared>>
          tpu.wait_indirect_dma semaphore(%run_scoped3A : memref<!tpu.dma_semaphore, #tpu.memory_space<semaphore_mem>>) src(%arg12 : memref<128x128xf32, #tpu.memory_space<vmem>>) dst(%dma_wait3A_185 : memref<10112x128xf32, #tpu.memory_space<vmem_shared>>)
          tpu.yield
        }) : () -> ()
      } else {
      }
    }
    %scan3A_40 = arith.constant 16 : i32
    %dma_wait3A_41 = arith.constant 0 : i32
    %dma_wait3A_42 = tpu.memref_slice %arg3[%add3A_20, %dma_wait3A_41] : memref<2560x128xi32, #tpu.memory_space<hbm>> -> memref<16x128xi32, #tpu.memory_space<hbm>>
    %dma_wait3A_43 = arith.constant 0 : i32
    %dma_wait3A_44 = tpu.memref_slice %arg3[%add3A_20, %dma_wait3A_43] : memref<2560x128xi32, #tpu.memory_space<hbm>> -> memref<16x128xi32, #tpu.memory_space<hbm>>
    tpu.wait_dma2 semaphore(%arg14 : memref<!tpu.dma_semaphore, #tpu.memory_space<semaphore_mem>>) src(%dma_wait3A_44 : memref<16x128xi32, #tpu.memory_space<hbm>>) dst(%arg8 : memref<16x128xi32, #tpu.memory_space<vmem>>)
    %dma_wait3A_45 = arith.constant 0 : i32
    %dma_wait3A_46 = tpu.memref_slice %arg4[%add3A_20, %dma_wait3A_45] : memref<2560x128xi32, #tpu.memory_space<hbm>> -> memref<16x128xi32, #tpu.memory_space<hbm>>
    %dma_wait3A_47 = arith.constant 0 : i32
    %dma_wait3A_48 = tpu.memref_slice %arg4[%add3A_20, %dma_wait3A_47] : memref<2560x128xi32, #tpu.memory_space<hbm>> -> memref<16x128xi32, #tpu.memory_space<hbm>>
    tpu.wait_dma2 semaphore(%arg14 : memref<!tpu.dma_semaphore, #tpu.memory_space<semaphore_mem>>) src(%dma_wait3A_48 : memref<16x128xi32, #tpu.memory_space<hbm>>) dst(%arg10 : memref<16x128xi32, #tpu.memory_space<vmem>>)
    %add3A_49 = arith.constant 32 : i32
    %add3A_50 = arith.addi %mul3A_4, %add3A_49 : i32
    %dma_start3A_51 = arith.constant 0 : i32
    %dma_start3A_52 = tpu.memref_slice %arg3[%add3A_50, %dma_start3A_51] : memref<2560x128xi32, #tpu.memory_space<hbm>> -> memref<16x128xi32, #tpu.memory_space<hbm>>
    %dma_start3A_53 = arith.constant 0 : i32
    %dma_start3A_54 = tpu.memref_slice %arg3[%add3A_50, %dma_start3A_53] : memref<2560x128xi32, #tpu.memory_space<hbm>> -> memref<16x128xi32, #tpu.memory_space<hbm>>
    tpu.enqueue_dma source(%dma_start3A_54 : memref<16x128xi32, #tpu.memory_space<hbm>>) target(%arg7 : memref<16x128xi32, #tpu.memory_space<vmem>>) target_semaphore(%arg14 : memref<!tpu.dma_semaphore, #tpu.memory_space<semaphore_mem>>)
    %dma_start3A_55 = arith.constant 0 : i32
    %dma_start3A_56 = tpu.memref_slice %arg4[%add3A_50, %dma_start3A_55] : memref<2560x128xi32, #tpu.memory_space<hbm>> -> memref<16x128xi32, #tpu.memory_space<hbm>>
    %dma_start3A_57 = arith.constant 0 : i32
    %dma_start3A_58 = tpu.memref_slice %arg4[%add3A_50, %dma_start3A_57] : memref<2560x128xi32, #tpu.memory_space<hbm>> -> memref<16x128xi32, #tpu.memory_space<hbm>>
    tpu.enqueue_dma source(%dma_start3A_58 : memref<16x128xi32, #tpu.memory_space<hbm>>) target(%arg9 : memref<16x128xi32, #tpu.memory_space<vmem>>) target_semaphore(%arg14 : memref<!tpu.dma_semaphore, #tpu.memory_space<semaphore_mem>>)
    %dma_start3A_59 = arith.constant 0 : i32
    %dma_start3A_60 = arith.constant 0 : i32
    %dma_start3A_61 = tpu.memref_slice %arg8[%dma_start3A_59, %dma_start3A_60] : memref<16x128xi32, #tpu.memory_space<vmem>> -> memref<1x128xi32, #tpu.memory_space<vmem>>
    %dma_start3A_62 = tpu.memref_squeeze %dma_start3A_61 : memref<1x128xi32, #tpu.memory_space<vmem>> -> memref<128xi32, #tpu.memory_space<vmem>>
    %dma_start3A_63 = arith.constant 0 : i32
    %dma_start3A_64 = arith.constant 0 : i32
    %dma_start3A_65 = tpu.memref_slice %arg2[%dma_start3A_63, %dma_start3A_64] : memref<10000x128xf32, #tpu.memory_space<hbm>> -> memref<10000x128xf32, #tpu.memory_space<hbm>>
    tpu.enqueue_indirect_dma source(%dma_start3A_65 : memref<10000x128xf32, #tpu.memory_space<hbm>>) target(%arg11 : memref<128x128xf32, #tpu.memory_space<vmem>>) offsets(%dma_start3A_62 : memref<128xi32, #tpu.memory_space<vmem>>) semaphore(%arg15 : memref<!tpu.dma_semaphore, #tpu.memory_space<semaphore_mem>>)
    %scan3A_66 = arith.constant 0 : i32
    %scan3A_67 = arith.constant 0 : i32
    %scan3A_68 = arith.constant 16 : i32
    %scan3A_69 = arith.addi %scan3A_67, %scan3A_68 : i32
    %scan3A_70 = arith.constant 1 : i32
    scf.for %scan3A_156 = %scan3A_67 to %scan3A_69 step %scan3A_70  : i32 {
      %and3A = arith.constant 1 : i32
      %and3A_157 = arith.andi %scan3A_156, %and3A : i32
      %eq3A = arith.constant 0 : i32
      %eq3A_158 = arith.cmpi eq, %and3A_157, %eq3A : i32
      %convert_element_type3A = arith.extui %eq3A_158 : i1 to i32
      %cond3A = arith.constant 0 : i32
      %cond3A_159 = arith.cmpi ne, %convert_element_type3A, %cond3A : i32
      scf.if %cond3A_159 {
        %dma_wait3A_164 = arith.constant 0 : i32
        %dma_wait3A_165 = tpu.memref_slice %arg8[%scan3A_156, %dma_wait3A_164] : memref<16x128xi32, #tpu.memory_space<vmem>> -> memref<1x128xi32, #tpu.memory_space<vmem>>
        %dma_wait3A_166 = tpu.memref_squeeze %dma_wait3A_165 : memref<1x128xi32, #tpu.memory_space<vmem>> -> memref<128xi32, #tpu.memory_space<vmem>>
        %dma_wait3A_167 = arith.constant 0 : i32
        %dma_wait3A_168 = arith.constant 0 : i32
        %dma_wait3A_169 = tpu.memref_slice %arg2[%dma_wait3A_167, %dma_wait3A_168] : memref<10000x128xf32, #tpu.memory_space<hbm>> -> memref<10000x128xf32, #tpu.memory_space<hbm>>
        tpu.wait_indirect_dma semaphore(%arg15 : memref<!tpu.dma_semaphore, #tpu.memory_space<semaphore_mem>>) src(%dma_wait3A_169 : memref<10000x128xf32, #tpu.memory_space<hbm>>) dst(%arg11 : memref<128x128xf32, #tpu.memory_space<vmem>>)
        %lt3A = arith.constant 15 : i32
        %lt3A_170 = arith.cmpi slt, %scan3A_156, %lt3A : i32
        %convert_element_type3A_171 = arith.extui %lt3A_170 : i1 to i32
        %cond3A_172 = arith.constant 0 : i32
        %cond3A_173 = arith.cmpi ne, %convert_element_type3A_171, %cond3A_172 : i32
        scf.if %cond3A_173 {
          %add3A_174 = arith.constant 1 : i32
          %add3A_175 = arith.addi %scan3A_156, %add3A_174 : i32
          %dma_start3A_176 = arith.constant 0 : i32
          %dma_start3A_177 = tpu.memref_slice %arg8[%add3A_175, %dma_start3A_176] : memref<16x128xi32, #tpu.memory_space<vmem>> -> memref<1x128xi32, #tpu.memory_space<vmem>>
          %dma_start3A_178 = tpu.memref_squeeze %dma_start3A_177 : memref<1x128xi32, #tpu.memory_space<vmem>> -> memref<128xi32, #tpu.memory_space<vmem>>
          %dma_start3A_179 = arith.constant 0 : i32
          %dma_start3A_180 = arith.constant 0 : i32
          %dma_start3A_181 = tpu.memref_slice %arg2[%dma_start3A_179, %dma_start3A_180] : memref<10000x128xf32, #tpu.memory_space<hbm>> -> memref<10000x128xf32, #tpu.memory_space<hbm>>
          tpu.enqueue_indirect_dma source(%dma_start3A_181 : memref<10000x128xf32, #tpu.memory_space<hbm>>) target(%arg12 : memref<128x128xf32, #tpu.memory_space<vmem>>) offsets(%dma_start3A_178 : memref<128xi32, #tpu.memory_space<vmem>>) semaphore(%arg16 : memref<!tpu.dma_semaphore, #tpu.memory_space<semaphore_mem>>)
        } else {
        }
        "tpu.region"() ({
          %run_scoped3A = tpu.sem_alloc : memref<!tpu.dma_semaphore, #tpu.memory_space<semaphore_mem>>
          %dma_start3A_174 = arith.constant 0 : i32
          %dma_start3A_175 = tpu.memref_slice %arg10[%scan3A_156, %dma_start3A_174] : memref<16x128xi32, #tpu.memory_space<vmem>> -> memref<1x128xi32, #tpu.memory_space<vmem>>
          %dma_start3A_176 = tpu.memref_squeeze %dma_start3A_175 : memref<1x128xi32, #tpu.memory_space<vmem>> -> memref<128xi32, #tpu.memory_space<vmem>>
          %dma_start3A_177 = arith.constant 0 : i32
          %dma_start3A_178 = arith.constant 0 : i32
          %dma_start3A_179 = tpu.memref_slice %arg13[%dma_start3A_177, %dma_start3A_178] : memref<10112x128xf32, #tpu.memory_space<vmem_shared>> -> memref<10112x128xf32, #tpu.memory_space<vmem_shared>>
          tpu.enqueue_indirect_dma source(%arg11 : memref<128x128xf32, #tpu.memory_space<vmem>>) target(%dma_start3A_179 : memref<10112x128xf32, #tpu.memory_space<vmem_shared>>) offsets(%dma_start3A_176 : memref<128xi32, #tpu.memory_space<vmem>>) semaphore(%run_scoped3A : memref<!tpu.dma_semaphore, #tpu.memory_space<semaphore_mem>>) {add = true}
          %dma_wait3A_180 = arith.constant 0 : i32
          %dma_wait3A_181 = tpu.memref_slice %arg10[%scan3A_156, %dma_wait3A_180] : memref<16x128xi32, #tpu.memory_space<vmem>> -> memref<1x128xi32, #tpu.memory_space<vmem>>
          %dma_wait3A_182 = tpu.memref_squeeze %dma_wait3A_181 : memref<1x128xi32, #tpu.memory_space<vmem>> -> memref<128xi32, #tpu.memory_space<vmem>>
          %dma_wait3A_183 = arith.constant 0 : i32
          %dma_wait3A_184 = arith.constant 0 : i32
          %dma_wait3A_185 = tpu.memref_slice %arg13[%dma_wait3A_183, %dma_wait3A_184] : memref<10112x128xf32, #tpu.memory_space<vmem_shared>> -> memref<10112x128xf32, #tpu.memory_space<vmem_shared>>
          tpu.wait_indirect_dma semaphore(%run_scoped3A : memref<!tpu.dma_semaphore, #tpu.memory_space<semaphore_mem>>) src(%arg11 : memref<128x128xf32, #tpu.memory_space<vmem>>) dst(%dma_wait3A_185 : memref<10112x128xf32, #tpu.memory_space<vmem_shared>>)
          tpu.yield
        }) : () -> ()
      } else {
      }
      %not3A = arith.constant true
      %not3A_160 = arith.xori %eq3A_158, %not3A : i1
      %convert_element_type3A_161 = arith.extui %not3A_160 : i1 to i32
      %cond3A_162 = arith.constant 0 : i32
      %cond3A_163 = arith.cmpi ne, %convert_element_type3A_161, %cond3A_162 : i32
      scf.if %cond3A_163 {
        %dma_wait3A_164 = arith.constant 0 : i32
        %dma_wait3A_165 = tpu.memref_slice %arg8[%scan3A_156, %dma_wait3A_164] : memref<16x128xi32, #tpu.memory_space<vmem>> -> memref<1x128xi32, #tpu.memory_space<vmem>>
        %dma_wait3A_166 = tpu.memref_squeeze %dma_wait3A_165 : memref<1x128xi32, #tpu.memory_space<vmem>> -> memref<128xi32, #tpu.memory_space<vmem>>
        %dma_wait3A_167 = arith.constant 0 : i32
        %dma_wait3A_168 = arith.constant 0 : i32
        %dma_wait3A_169 = tpu.memref_slice %arg2[%dma_wait3A_167, %dma_wait3A_168] : memref<10000x128xf32, #tpu.memory_space<hbm>> -> memref<10000x128xf32, #tpu.memory_space<hbm>>
        tpu.wait_indirect_dma semaphore(%arg16 : memref<!tpu.dma_semaphore, #tpu.memory_space<semaphore_mem>>) src(%dma_wait3A_169 : memref<10000x128xf32, #tpu.memory_space<hbm>>) dst(%arg12 : memref<128x128xf32, #tpu.memory_space<vmem>>)
        %lt3A = arith.constant 15 : i32
        %lt3A_170 = arith.cmpi slt, %scan3A_156, %lt3A : i32
        %convert_element_type3A_171 = arith.extui %lt3A_170 : i1 to i32
        %cond3A_172 = arith.constant 0 : i32
        %cond3A_173 = arith.cmpi ne, %convert_element_type3A_171, %cond3A_172 : i32
        scf.if %cond3A_173 {
          %add3A_174 = arith.constant 1 : i32
          %add3A_175 = arith.addi %scan3A_156, %add3A_174 : i32
          %dma_start3A_176 = arith.constant 0 : i32
          %dma_start3A_177 = tpu.memref_slice %arg8[%add3A_175, %dma_start3A_176] : memref<16x128xi32, #tpu.memory_space<vmem>> -> memref<1x128xi32, #tpu.memory_space<vmem>>
          %dma_start3A_178 = tpu.memref_squeeze %dma_start3A_177 : memref<1x128xi32, #tpu.memory_space<vmem>> -> memref<128xi32, #tpu.memory_space<vmem>>
          %dma_start3A_179 = arith.constant 0 : i32
          %dma_start3A_180 = arith.constant 0 : i32
          %dma_start3A_181 = tpu.memref_slice %arg2[%dma_start3A_179, %dma_start3A_180] : memref<10000x128xf32, #tpu.memory_space<hbm>> -> memref<10000x128xf32, #tpu.memory_space<hbm>>
          tpu.enqueue_indirect_dma source(%dma_start3A_181 : memref<10000x128xf32, #tpu.memory_space<hbm>>) target(%arg11 : memref<128x128xf32, #tpu.memory_space<vmem>>) offsets(%dma_start3A_178 : memref<128xi32, #tpu.memory_space<vmem>>) semaphore(%arg15 : memref<!tpu.dma_semaphore, #tpu.memory_space<semaphore_mem>>)
        } else {
        }
        "tpu.region"() ({
          %run_scoped3A = tpu.sem_alloc : memref<!tpu.dma_semaphore, #tpu.memory_space<semaphore_mem>>
          %dma_start3A_174 = arith.constant 0 : i32
          %dma_start3A_175 = tpu.memref_slice %arg10[%scan3A_156, %dma_start3A_174] : memref<16x128xi32, #tpu.memory_space<vmem>> -> memref<1x128xi32, #tpu.memory_space<vmem>>
          %dma_start3A_176 = tpu.memref_squeeze %dma_start3A_175 : memref<1x128xi32, #tpu.memory_space<vmem>> -> memref<128xi32, #tpu.memory_space<vmem>>
          %dma_start3A_177 = arith.constant 0 : i32
          %dma_start3A_178 = arith.constant 0 : i32
          %dma_start3A_179 = tpu.memref_slice %arg13[%dma_start3A_177, %dma_start3A_178] : memref<10112x128xf32, #tpu.memory_space<vmem_shared>> -> memref<10112x128xf32, #tpu.memory_space<vmem_shared>>
          tpu.enqueue_indirect_dma source(%arg12 : memref<128x128xf32, #tpu.memory_space<vmem>>) target(%dma_start3A_179 : memref<10112x128xf32, #tpu.memory_space<vmem_shared>>) offsets(%dma_start3A_176 : memref<128xi32, #tpu.memory_space<vmem>>) semaphore(%run_scoped3A : memref<!tpu.dma_semaphore, #tpu.memory_space<semaphore_mem>>) {add = true}
          %dma_wait3A_180 = arith.constant 0 : i32
          %dma_wait3A_181 = tpu.memref_slice %arg10[%scan3A_156, %dma_wait3A_180] : memref<16x128xi32, #tpu.memory_space<vmem>> -> memref<1x128xi32, #tpu.memory_space<vmem>>
          %dma_wait3A_182 = tpu.memref_squeeze %dma_wait3A_181 : memref<1x128xi32, #tpu.memory_space<vmem>> -> memref<128xi32, #tpu.memory_space<vmem>>
          %dma_wait3A_183 = arith.constant 0 : i32
          %dma_wait3A_184 = arith.constant 0 : i32
          %dma_wait3A_185 = tpu.memref_slice %arg13[%dma_wait3A_183, %dma_wait3A_184] : memref<10112x128xf32, #tpu.memory_space<vmem_shared>> -> memref<10112x128xf32, #tpu.memory_space<vmem_shared>>
          tpu.wait_indirect_dma semaphore(%run_scoped3A : memref<!tpu.dma_semaphore, #tpu.memory_space<semaphore_mem>>) src(%arg12 : memref<128x128xf32, #tpu.memory_space<vmem>>) dst(%dma_wait3A_185 : memref<10112x128xf32, #tpu.memory_space<vmem_shared>>)
          tpu.yield
        }) : () -> ()
      } else {
      }
    }
    %scan3A_71 = arith.constant 16 : i32
    %dma_wait3A_72 = arith.constant 0 : i32
    %dma_wait3A_73 = tpu.memref_slice %arg3[%add3A_50, %dma_wait3A_72] : memref<2560x128xi32, #tpu.memory_space<hbm>> -> memref<16x128xi32, #tpu.memory_space<hbm>>
    %dma_wait3A_74 = arith.constant 0 : i32
    %dma_wait3A_75 = tpu.memref_slice %arg3[%add3A_50, %dma_wait3A_74] : memref<2560x128xi32, #tpu.memory_space<hbm>> -> memref<16x128xi32, #tpu.memory_space<hbm>>
    tpu.wait_dma2 semaphore(%arg14 : memref<!tpu.dma_semaphore, #tpu.memory_space<semaphore_mem>>) src(%dma_wait3A_75 : memref<16x128xi32, #tpu.memory_space<hbm>>) dst(%arg7 : memref<16x128xi32, #tpu.memory_space<vmem>>)
    %dma_wait3A_76 = arith.constant 0 : i32
    %dma_wait3A_77 = tpu.memref_slice %arg4[%add3A_50, %dma_wait3A_76] : memref<2560x128xi32, #tpu.memory_space<hbm>> -> memref<16x128xi32, #tpu.memory_space<hbm>>
    %dma_wait3A_78 = arith.constant 0 : i32
    %dma_wait3A_79 = tpu.memref_slice %arg4[%add3A_50, %dma_wait3A_78] : memref<2560x128xi32, #tpu.memory_space<hbm>> -> memref<16x128xi32, #tpu.memory_space<hbm>>
    tpu.wait_dma2 semaphore(%arg14 : memref<!tpu.dma_semaphore, #tpu.memory_space<semaphore_mem>>) src(%dma_wait3A_79 : memref<16x128xi32, #tpu.memory_space<hbm>>) dst(%arg9 : memref<16x128xi32, #tpu.memory_space<vmem>>)
    %add3A_80 = arith.constant 48 : i32
    %add3A_81 = arith.addi %mul3A_4, %add3A_80 : i32
    %dma_start3A_82 = arith.constant 0 : i32
    %dma_start3A_83 = tpu.memref_slice %arg3[%add3A_81, %dma_start3A_82] : memref<2560x128xi32, #tpu.memory_space<hbm>> -> memref<16x128xi32, #tpu.memory_space<hbm>>
    %dma_start3A_84 = arith.constant 0 : i32
    %dma_start3A_85 = tpu.memref_slice %arg3[%add3A_81, %dma_start3A_84] : memref<2560x128xi32, #tpu.memory_space<hbm>> -> memref<16x128xi32, #tpu.memory_space<hbm>>
    tpu.enqueue_dma source(%dma_start3A_85 : memref<16x128xi32, #tpu.memory_space<hbm>>) target(%arg8 : memref<16x128xi32, #tpu.memory_space<vmem>>) target_semaphore(%arg14 : memref<!tpu.dma_semaphore, #tpu.memory_space<semaphore_mem>>)
    %dma_start3A_86 = arith.constant 0 : i32
    %dma_start3A_87 = tpu.memref_slice %arg4[%add3A_81, %dma_start3A_86] : memref<2560x128xi32, #tpu.memory_space<hbm>> -> memref<16x128xi32, #tpu.memory_space<hbm>>
    %dma_start3A_88 = arith.constant 0 : i32
    %dma_start3A_89 = tpu.memref_slice %arg4[%add3A_81, %dma_start3A_88] : memref<2560x128xi32, #tpu.memory_space<hbm>> -> memref<16x128xi32, #tpu.memory_space<hbm>>
    tpu.enqueue_dma source(%dma_start3A_89 : memref<16x128xi32, #tpu.memory_space<hbm>>) target(%arg10 : memref<16x128xi32, #tpu.memory_space<vmem>>) target_semaphore(%arg14 : memref<!tpu.dma_semaphore, #tpu.memory_space<semaphore_mem>>)
    %dma_start3A_90 = arith.constant 0 : i32
    %dma_start3A_91 = arith.constant 0 : i32
    %dma_start3A_92 = tpu.memref_slice %arg7[%dma_start3A_90, %dma_start3A_91] : memref<16x128xi32, #tpu.memory_space<vmem>> -> memref<1x128xi32, #tpu.memory_space<vmem>>
    %dma_start3A_93 = tpu.memref_squeeze %dma_start3A_92 : memref<1x128xi32, #tpu.memory_space<vmem>> -> memref<128xi32, #tpu.memory_space<vmem>>
    %dma_start3A_94 = arith.constant 0 : i32
    %dma_start3A_95 = arith.constant 0 : i32
    %dma_start3A_96 = tpu.memref_slice %arg2[%dma_start3A_94, %dma_start3A_95] : memref<10000x128xf32, #tpu.memory_space<hbm>> -> memref<10000x128xf32, #tpu.memory_space<hbm>>
    tpu.enqueue_indirect_dma source(%dma_start3A_96 : memref<10000x128xf32, #tpu.memory_space<hbm>>) target(%arg11 : memref<128x128xf32, #tpu.memory_space<vmem>>) offsets(%dma_start3A_93 : memref<128xi32, #tpu.memory_space<vmem>>) semaphore(%arg15 : memref<!tpu.dma_semaphore, #tpu.memory_space<semaphore_mem>>)
    %scan3A_97 = arith.constant 0 : i32
    %scan3A_98 = arith.constant 0 : i32
    %scan3A_99 = arith.constant 16 : i32
    %scan3A_100 = arith.addi %scan3A_98, %scan3A_99 : i32
    %scan3A_101 = arith.constant 1 : i32
    scf.for %scan3A_156 = %scan3A_98 to %scan3A_100 step %scan3A_101  : i32 {
      %and3A = arith.constant 1 : i32
      %and3A_157 = arith.andi %scan3A_156, %and3A : i32
      %eq3A = arith.constant 0 : i32
      %eq3A_158 = arith.cmpi eq, %and3A_157, %eq3A : i32
      %convert_element_type3A = arith.extui %eq3A_158 : i1 to i32
      %cond3A = arith.constant 0 : i32
      %cond3A_159 = arith.cmpi ne, %convert_element_type3A, %cond3A : i32
      scf.if %cond3A_159 {
        %dma_wait3A_164 = arith.constant 0 : i32
        %dma_wait3A_165 = tpu.memref_slice %arg7[%scan3A_156, %dma_wait3A_164] : memref<16x128xi32, #tpu.memory_space<vmem>> -> memref<1x128xi32, #tpu.memory_space<vmem>>
        %dma_wait3A_166 = tpu.memref_squeeze %dma_wait3A_165 : memref<1x128xi32, #tpu.memory_space<vmem>> -> memref<128xi32, #tpu.memory_space<vmem>>
        %dma_wait3A_167 = arith.constant 0 : i32
        %dma_wait3A_168 = arith.constant 0 : i32
        %dma_wait3A_169 = tpu.memref_slice %arg2[%dma_wait3A_167, %dma_wait3A_168] : memref<10000x128xf32, #tpu.memory_space<hbm>> -> memref<10000x128xf32, #tpu.memory_space<hbm>>
        tpu.wait_indirect_dma semaphore(%arg15 : memref<!tpu.dma_semaphore, #tpu.memory_space<semaphore_mem>>) src(%dma_wait3A_169 : memref<10000x128xf32, #tpu.memory_space<hbm>>) dst(%arg11 : memref<128x128xf32, #tpu.memory_space<vmem>>)
        %lt3A = arith.constant 15 : i32
        %lt3A_170 = arith.cmpi slt, %scan3A_156, %lt3A : i32
        %convert_element_type3A_171 = arith.extui %lt3A_170 : i1 to i32
        %cond3A_172 = arith.constant 0 : i32
        %cond3A_173 = arith.cmpi ne, %convert_element_type3A_171, %cond3A_172 : i32
        scf.if %cond3A_173 {
          %add3A_174 = arith.constant 1 : i32
          %add3A_175 = arith.addi %scan3A_156, %add3A_174 : i32
          %dma_start3A_176 = arith.constant 0 : i32
          %dma_start3A_177 = tpu.memref_slice %arg7[%add3A_175, %dma_start3A_176] : memref<16x128xi32, #tpu.memory_space<vmem>> -> memref<1x128xi32, #tpu.memory_space<vmem>>
          %dma_start3A_178 = tpu.memref_squeeze %dma_start3A_177 : memref<1x128xi32, #tpu.memory_space<vmem>> -> memref<128xi32, #tpu.memory_space<vmem>>
          %dma_start3A_179 = arith.constant 0 : i32
          %dma_start3A_180 = arith.constant 0 : i32
          %dma_start3A_181 = tpu.memref_slice %arg2[%dma_start3A_179, %dma_start3A_180] : memref<10000x128xf32, #tpu.memory_space<hbm>> -> memref<10000x128xf32, #tpu.memory_space<hbm>>
          tpu.enqueue_indirect_dma source(%dma_start3A_181 : memref<10000x128xf32, #tpu.memory_space<hbm>>) target(%arg12 : memref<128x128xf32, #tpu.memory_space<vmem>>) offsets(%dma_start3A_178 : memref<128xi32, #tpu.memory_space<vmem>>) semaphore(%arg16 : memref<!tpu.dma_semaphore, #tpu.memory_space<semaphore_mem>>)
        } else {
        }
        "tpu.region"() ({
          %run_scoped3A = tpu.sem_alloc : memref<!tpu.dma_semaphore, #tpu.memory_space<semaphore_mem>>
          %dma_start3A_174 = arith.constant 0 : i32
          %dma_start3A_175 = tpu.memref_slice %arg9[%scan3A_156, %dma_start3A_174] : memref<16x128xi32, #tpu.memory_space<vmem>> -> memref<1x128xi32, #tpu.memory_space<vmem>>
          %dma_start3A_176 = tpu.memref_squeeze %dma_start3A_175 : memref<1x128xi32, #tpu.memory_space<vmem>> -> memref<128xi32, #tpu.memory_space<vmem>>
          %dma_start3A_177 = arith.constant 0 : i32
          %dma_start3A_178 = arith.constant 0 : i32
          %dma_start3A_179 = tpu.memref_slice %arg13[%dma_start3A_177, %dma_start3A_178] : memref<10112x128xf32, #tpu.memory_space<vmem_shared>> -> memref<10112x128xf32, #tpu.memory_space<vmem_shared>>
          tpu.enqueue_indirect_dma source(%arg11 : memref<128x128xf32, #tpu.memory_space<vmem>>) target(%dma_start3A_179 : memref<10112x128xf32, #tpu.memory_space<vmem_shared>>) offsets(%dma_start3A_176 : memref<128xi32, #tpu.memory_space<vmem>>) semaphore(%run_scoped3A : memref<!tpu.dma_semaphore, #tpu.memory_space<semaphore_mem>>) {add = true}
          %dma_wait3A_180 = arith.constant 0 : i32
          %dma_wait3A_181 = tpu.memref_slice %arg9[%scan3A_156, %dma_wait3A_180] : memref<16x128xi32, #tpu.memory_space<vmem>> -> memref<1x128xi32, #tpu.memory_space<vmem>>
          %dma_wait3A_182 = tpu.memref_squeeze %dma_wait3A_181 : memref<1x128xi32, #tpu.memory_space<vmem>> -> memref<128xi32, #tpu.memory_space<vmem>>
          %dma_wait3A_183 = arith.constant 0 : i32
          %dma_wait3A_184 = arith.constant 0 : i32
          %dma_wait3A_185 = tpu.memref_slice %arg13[%dma_wait3A_183, %dma_wait3A_184] : memref<10112x128xf32, #tpu.memory_space<vmem_shared>> -> memref<10112x128xf32, #tpu.memory_space<vmem_shared>>
          tpu.wait_indirect_dma semaphore(%run_scoped3A : memref<!tpu.dma_semaphore, #tpu.memory_space<semaphore_mem>>) src(%arg11 : memref<128x128xf32, #tpu.memory_space<vmem>>) dst(%dma_wait3A_185 : memref<10112x128xf32, #tpu.memory_space<vmem_shared>>)
          tpu.yield
        }) : () -> ()
      } else {
      }
      %not3A = arith.constant true
      %not3A_160 = arith.xori %eq3A_158, %not3A : i1
      %convert_element_type3A_161 = arith.extui %not3A_160 : i1 to i32
      %cond3A_162 = arith.constant 0 : i32
      %cond3A_163 = arith.cmpi ne, %convert_element_type3A_161, %cond3A_162 : i32
      scf.if %cond3A_163 {
        %dma_wait3A_164 = arith.constant 0 : i32
        %dma_wait3A_165 = tpu.memref_slice %arg7[%scan3A_156, %dma_wait3A_164] : memref<16x128xi32, #tpu.memory_space<vmem>> -> memref<1x128xi32, #tpu.memory_space<vmem>>
        %dma_wait3A_166 = tpu.memref_squeeze %dma_wait3A_165 : memref<1x128xi32, #tpu.memory_space<vmem>> -> memref<128xi32, #tpu.memory_space<vmem>>
        %dma_wait3A_167 = arith.constant 0 : i32
        %dma_wait3A_168 = arith.constant 0 : i32
        %dma_wait3A_169 = tpu.memref_slice %arg2[%dma_wait3A_167, %dma_wait3A_168] : memref<10000x128xf32, #tpu.memory_space<hbm>> -> memref<10000x128xf32, #tpu.memory_space<hbm>>
        tpu.wait_indirect_dma semaphore(%arg16 : memref<!tpu.dma_semaphore, #tpu.memory_space<semaphore_mem>>) src(%dma_wait3A_169 : memref<10000x128xf32, #tpu.memory_space<hbm>>) dst(%arg12 : memref<128x128xf32, #tpu.memory_space<vmem>>)
        %lt3A = arith.constant 15 : i32
        %lt3A_170 = arith.cmpi slt, %scan3A_156, %lt3A : i32
        %convert_element_type3A_171 = arith.extui %lt3A_170 : i1 to i32
        %cond3A_172 = arith.constant 0 : i32
        %cond3A_173 = arith.cmpi ne, %convert_element_type3A_171, %cond3A_172 : i32
        scf.if %cond3A_173 {
          %add3A_174 = arith.constant 1 : i32
          %add3A_175 = arith.addi %scan3A_156, %add3A_174 : i32
          %dma_start3A_176 = arith.constant 0 : i32
          %dma_start3A_177 = tpu.memref_slice %arg7[%add3A_175, %dma_start3A_176] : memref<16x128xi32, #tpu.memory_space<vmem>> -> memref<1x128xi32, #tpu.memory_space<vmem>>
          %dma_start3A_178 = tpu.memref_squeeze %dma_start3A_177 : memref<1x128xi32, #tpu.memory_space<vmem>> -> memref<128xi32, #tpu.memory_space<vmem>>
          %dma_start3A_179 = arith.constant 0 : i32
          %dma_start3A_180 = arith.constant 0 : i32
          %dma_start3A_181 = tpu.memref_slice %arg2[%dma_start3A_179, %dma_start3A_180] : memref<10000x128xf32, #tpu.memory_space<hbm>> -> memref<10000x128xf32, #tpu.memory_space<hbm>>
          tpu.enqueue_indirect_dma source(%dma_start3A_181 : memref<10000x128xf32, #tpu.memory_space<hbm>>) target(%arg11 : memref<128x128xf32, #tpu.memory_space<vmem>>) offsets(%dma_start3A_178 : memref<128xi32, #tpu.memory_space<vmem>>) semaphore(%arg15 : memref<!tpu.dma_semaphore, #tpu.memory_space<semaphore_mem>>)
        } else {
        }
        "tpu.region"() ({
          %run_scoped3A = tpu.sem_alloc : memref<!tpu.dma_semaphore, #tpu.memory_space<semaphore_mem>>
          %dma_start3A_174 = arith.constant 0 : i32
          %dma_start3A_175 = tpu.memref_slice %arg9[%scan3A_156, %dma_start3A_174] : memref<16x128xi32, #tpu.memory_space<vmem>> -> memref<1x128xi32, #tpu.memory_space<vmem>>
          %dma_start3A_176 = tpu.memref_squeeze %dma_start3A_175 : memref<1x128xi32, #tpu.memory_space<vmem>> -> memref<128xi32, #tpu.memory_space<vmem>>
          %dma_start3A_177 = arith.constant 0 : i32
          %dma_start3A_178 = arith.constant 0 : i32
          %dma_start3A_179 = tpu.memref_slice %arg13[%dma_start3A_177, %dma_start3A_178] : memref<10112x128xf32, #tpu.memory_space<vmem_shared>> -> memref<10112x128xf32, #tpu.memory_space<vmem_shared>>
          tpu.enqueue_indirect_dma source(%arg12 : memref<128x128xf32, #tpu.memory_space<vmem>>) target(%dma_start3A_179 : memref<10112x128xf32, #tpu.memory_space<vmem_shared>>) offsets(%dma_start3A_176 : memref<128xi32, #tpu.memory_space<vmem>>) semaphore(%run_scoped3A : memref<!tpu.dma_semaphore, #tpu.memory_space<semaphore_mem>>) {add = true}
          %dma_wait3A_180 = arith.constant 0 : i32
          %dma_wait3A_181 = tpu.memref_slice %arg9[%scan3A_156, %dma_wait3A_180] : memref<16x128xi32, #tpu.memory_space<vmem>> -> memref<1x128xi32, #tpu.memory_space<vmem>>
          %dma_wait3A_182 = tpu.memref_squeeze %dma_wait3A_181 : memref<1x128xi32, #tpu.memory_space<vmem>> -> memref<128xi32, #tpu.memory_space<vmem>>
          %dma_wait3A_183 = arith.constant 0 : i32
          %dma_wait3A_184 = arith.constant 0 : i32
          %dma_wait3A_185 = tpu.memref_slice %arg13[%dma_wait3A_183, %dma_wait3A_184] : memref<10112x128xf32, #tpu.memory_space<vmem_shared>> -> memref<10112x128xf32, #tpu.memory_space<vmem_shared>>
          tpu.wait_indirect_dma semaphore(%run_scoped3A : memref<!tpu.dma_semaphore, #tpu.memory_space<semaphore_mem>>) src(%arg12 : memref<128x128xf32, #tpu.memory_space<vmem>>) dst(%dma_wait3A_185 : memref<10112x128xf32, #tpu.memory_space<vmem_shared>>)
          tpu.yield
        }) : () -> ()
      } else {
      }
    }
    %scan3A_102 = arith.constant 16 : i32
    %dma_wait3A_103 = arith.constant 0 : i32
    %dma_wait3A_104 = tpu.memref_slice %arg3[%add3A_81, %dma_wait3A_103] : memref<2560x128xi32, #tpu.memory_space<hbm>> -> memref<16x128xi32, #tpu.memory_space<hbm>>
    %dma_wait3A_105 = arith.constant 0 : i32
    %dma_wait3A_106 = tpu.memref_slice %arg3[%add3A_81, %dma_wait3A_105] : memref<2560x128xi32, #tpu.memory_space<hbm>> -> memref<16x128xi32, #tpu.memory_space<hbm>>
    tpu.wait_dma2 semaphore(%arg14 : memref<!tpu.dma_semaphore, #tpu.memory_space<semaphore_mem>>) src(%dma_wait3A_106 : memref<16x128xi32, #tpu.memory_space<hbm>>) dst(%arg8 : memref<16x128xi32, #tpu.memory_space<vmem>>)
    %dma_wait3A_107 = arith.constant 0 : i32
    %dma_wait3A_108 = tpu.memref_slice %arg4[%add3A_81, %dma_wait3A_107] : memref<2560x128xi32, #tpu.memory_space<hbm>> -> memref<16x128xi32, #tpu.memory_space<hbm>>
    %dma_wait3A_109 = arith.constant 0 : i32
    %dma_wait3A_110 = tpu.memref_slice %arg4[%add3A_81, %dma_wait3A_109] : memref<2560x128xi32, #tpu.memory_space<hbm>> -> memref<16x128xi32, #tpu.memory_space<hbm>>
    tpu.wait_dma2 semaphore(%arg14 : memref<!tpu.dma_semaphore, #tpu.memory_space<semaphore_mem>>) src(%dma_wait3A_110 : memref<16x128xi32, #tpu.memory_space<hbm>>) dst(%arg10 : memref<16x128xi32, #tpu.memory_space<vmem>>)
    %add3A_111 = arith.constant 64 : i32
    %add3A_112 = arith.addi %mul3A_4, %add3A_111 : i32
    %dma_start3A_113 = arith.constant 0 : i32
    %dma_start3A_114 = tpu.memref_slice %arg3[%add3A_112, %dma_start3A_113] : memref<2560x128xi32, #tpu.memory_space<hbm>> -> memref<16x128xi32, #tpu.memory_space<hbm>>
    %dma_start3A_115 = arith.constant 0 : i32
    %dma_start3A_116 = tpu.memref_slice %arg3[%add3A_112, %dma_start3A_115] : memref<2560x128xi32, #tpu.memory_space<hbm>> -> memref<16x128xi32, #tpu.memory_space<hbm>>
    tpu.enqueue_dma source(%dma_start3A_116 : memref<16x128xi32, #tpu.memory_space<hbm>>) target(%arg7 : memref<16x128xi32, #tpu.memory_space<vmem>>) target_semaphore(%arg14 : memref<!tpu.dma_semaphore, #tpu.memory_space<semaphore_mem>>)
    %dma_start3A_117 = arith.constant 0 : i32
    %dma_start3A_118 = tpu.memref_slice %arg4[%add3A_112, %dma_start3A_117] : memref<2560x128xi32, #tpu.memory_space<hbm>> -> memref<16x128xi32, #tpu.memory_space<hbm>>
    %dma_start3A_119 = arith.constant 0 : i32
    %dma_start3A_120 = tpu.memref_slice %arg4[%add3A_112, %dma_start3A_119] : memref<2560x128xi32, #tpu.memory_space<hbm>> -> memref<16x128xi32, #tpu.memory_space<hbm>>
    tpu.enqueue_dma source(%dma_start3A_120 : memref<16x128xi32, #tpu.memory_space<hbm>>) target(%arg9 : memref<16x128xi32, #tpu.memory_space<vmem>>) target_semaphore(%arg14 : memref<!tpu.dma_semaphore, #tpu.memory_space<semaphore_mem>>)
    %dma_start3A_121 = arith.constant 0 : i32
    %dma_start3A_122 = arith.constant 0 : i32
    %dma_start3A_123 = tpu.memref_slice %arg8[%dma_start3A_121, %dma_start3A_122] : memref<16x128xi32, #tpu.memory_space<vmem>> -> memref<1x128xi32, #tpu.memory_space<vmem>>
    %dma_start3A_124 = tpu.memref_squeeze %dma_start3A_123 : memref<1x128xi32, #tpu.memory_space<vmem>> -> memref<128xi32, #tpu.memory_space<vmem>>
    %dma_start3A_125 = arith.constant 0 : i32
    %dma_start3A_126 = arith.constant 0 : i32
    %dma_start3A_127 = tpu.memref_slice %arg2[%dma_start3A_125, %dma_start3A_126] : memref<10000x128xf32, #tpu.memory_space<hbm>> -> memref<10000x128xf32, #tpu.memory_space<hbm>>
    tpu.enqueue_indirect_dma source(%dma_start3A_127 : memref<10000x128xf32, #tpu.memory_space<hbm>>) target(%arg11 : memref<128x128xf32, #tpu.memory_space<vmem>>) offsets(%dma_start3A_124 : memref<128xi32, #tpu.memory_space<vmem>>) semaphore(%arg15 : memref<!tpu.dma_semaphore, #tpu.memory_space<semaphore_mem>>)
    %scan3A_128 = arith.constant 0 : i32
    %scan3A_129 = arith.constant 0 : i32
    %scan3A_130 = arith.constant 16 : i32
    %scan3A_131 = arith.addi %scan3A_129, %scan3A_130 : i32
    %scan3A_132 = arith.constant 1 : i32
    scf.for %scan3A_156 = %scan3A_129 to %scan3A_131 step %scan3A_132  : i32 {
      %and3A = arith.constant 1 : i32
      %and3A_157 = arith.andi %scan3A_156, %and3A : i32
      %eq3A = arith.constant 0 : i32
      %eq3A_158 = arith.cmpi eq, %and3A_157, %eq3A : i32
      %convert_element_type3A = arith.extui %eq3A_158 : i1 to i32
      %cond3A = arith.constant 0 : i32
      %cond3A_159 = arith.cmpi ne, %convert_element_type3A, %cond3A : i32
      scf.if %cond3A_159 {
        %dma_wait3A_164 = arith.constant 0 : i32
        %dma_wait3A_165 = tpu.memref_slice %arg8[%scan3A_156, %dma_wait3A_164] : memref<16x128xi32, #tpu.memory_space<vmem>> -> memref<1x128xi32, #tpu.memory_space<vmem>>
        %dma_wait3A_166 = tpu.memref_squeeze %dma_wait3A_165 : memref<1x128xi32, #tpu.memory_space<vmem>> -> memref<128xi32, #tpu.memory_space<vmem>>
        %dma_wait3A_167 = arith.constant 0 : i32
        %dma_wait3A_168 = arith.constant 0 : i32
        %dma_wait3A_169 = tpu.memref_slice %arg2[%dma_wait3A_167, %dma_wait3A_168] : memref<10000x128xf32, #tpu.memory_space<hbm>> -> memref<10000x128xf32, #tpu.memory_space<hbm>>
        tpu.wait_indirect_dma semaphore(%arg15 : memref<!tpu.dma_semaphore, #tpu.memory_space<semaphore_mem>>) src(%dma_wait3A_169 : memref<10000x128xf32, #tpu.memory_space<hbm>>) dst(%arg11 : memref<128x128xf32, #tpu.memory_space<vmem>>)
        %lt3A = arith.constant 15 : i32
        %lt3A_170 = arith.cmpi slt, %scan3A_156, %lt3A : i32
        %convert_element_type3A_171 = arith.extui %lt3A_170 : i1 to i32
        %cond3A_172 = arith.constant 0 : i32
        %cond3A_173 = arith.cmpi ne, %convert_element_type3A_171, %cond3A_172 : i32
        scf.if %cond3A_173 {
          %add3A_174 = arith.constant 1 : i32
          %add3A_175 = arith.addi %scan3A_156, %add3A_174 : i32
          %dma_start3A_176 = arith.constant 0 : i32
          %dma_start3A_177 = tpu.memref_slice %arg8[%add3A_175, %dma_start3A_176] : memref<16x128xi32, #tpu.memory_space<vmem>> -> memref<1x128xi32, #tpu.memory_space<vmem>>
          %dma_start3A_178 = tpu.memref_squeeze %dma_start3A_177 : memref<1x128xi32, #tpu.memory_space<vmem>> -> memref<128xi32, #tpu.memory_space<vmem>>
          %dma_start3A_179 = arith.constant 0 : i32
          %dma_start3A_180 = arith.constant 0 : i32
          %dma_start3A_181 = tpu.memref_slice %arg2[%dma_start3A_179, %dma_start3A_180] : memref<10000x128xf32, #tpu.memory_space<hbm>> -> memref<10000x128xf32, #tpu.memory_space<hbm>>
          tpu.enqueue_indirect_dma source(%dma_start3A_181 : memref<10000x128xf32, #tpu.memory_space<hbm>>) target(%arg12 : memref<128x128xf32, #tpu.memory_space<vmem>>) offsets(%dma_start3A_178 : memref<128xi32, #tpu.memory_space<vmem>>) semaphore(%arg16 : memref<!tpu.dma_semaphore, #tpu.memory_space<semaphore_mem>>)
        } else {
        }
        "tpu.region"() ({
          %run_scoped3A = tpu.sem_alloc : memref<!tpu.dma_semaphore, #tpu.memory_space<semaphore_mem>>
          %dma_start3A_174 = arith.constant 0 : i32
          %dma_start3A_175 = tpu.memref_slice %arg10[%scan3A_156, %dma_start3A_174] : memref<16x128xi32, #tpu.memory_space<vmem>> -> memref<1x128xi32, #tpu.memory_space<vmem>>
          %dma_start3A_176 = tpu.memref_squeeze %dma_start3A_175 : memref<1x128xi32, #tpu.memory_space<vmem>> -> memref<128xi32, #tpu.memory_space<vmem>>
          %dma_start3A_177 = arith.constant 0 : i32
          %dma_start3A_178 = arith.constant 0 : i32
          %dma_start3A_179 = tpu.memref_slice %arg13[%dma_start3A_177, %dma_start3A_178] : memref<10112x128xf32, #tpu.memory_space<vmem_shared>> -> memref<10112x128xf32, #tpu.memory_space<vmem_shared>>
          tpu.enqueue_indirect_dma source(%arg11 : memref<128x128xf32, #tpu.memory_space<vmem>>) target(%dma_start3A_179 : memref<10112x128xf32, #tpu.memory_space<vmem_shared>>) offsets(%dma_start3A_176 : memref<128xi32, #tpu.memory_space<vmem>>) semaphore(%run_scoped3A : memref<!tpu.dma_semaphore, #tpu.memory_space<semaphore_mem>>) {add = true}
          %dma_wait3A_180 = arith.constant 0 : i32
          %dma_wait3A_181 = tpu.memref_slice %arg10[%scan3A_156, %dma_wait3A_180] : memref<16x128xi32, #tpu.memory_space<vmem>> -> memref<1x128xi32, #tpu.memory_space<vmem>>
          %dma_wait3A_182 = tpu.memref_squeeze %dma_wait3A_181 : memref<1x128xi32, #tpu.memory_space<vmem>> -> memref<128xi32, #tpu.memory_space<vmem>>
          %dma_wait3A_183 = arith.constant 0 : i32
          %dma_wait3A_184 = arith.constant 0 : i32
          %dma_wait3A_185 = tpu.memref_slice %arg13[%dma_wait3A_183, %dma_wait3A_184] : memref<10112x128xf32, #tpu.memory_space<vmem_shared>> -> memref<10112x128xf32, #tpu.memory_space<vmem_shared>>
          tpu.wait_indirect_dma semaphore(%run_scoped3A : memref<!tpu.dma_semaphore, #tpu.memory_space<semaphore_mem>>) src(%arg11 : memref<128x128xf32, #tpu.memory_space<vmem>>) dst(%dma_wait3A_185 : memref<10112x128xf32, #tpu.memory_space<vmem_shared>>)
          tpu.yield
        }) : () -> ()
      } else {
      }
      %not3A = arith.constant true
      %not3A_160 = arith.xori %eq3A_158, %not3A : i1
      %convert_element_type3A_161 = arith.extui %not3A_160 : i1 to i32
      %cond3A_162 = arith.constant 0 : i32
      %cond3A_163 = arith.cmpi ne, %convert_element_type3A_161, %cond3A_162 : i32
      scf.if %cond3A_163 {
        %dma_wait3A_164 = arith.constant 0 : i32
        %dma_wait3A_165 = tpu.memref_slice %arg8[%scan3A_156, %dma_wait3A_164] : memref<16x128xi32, #tpu.memory_space<vmem>> -> memref<1x128xi32, #tpu.memory_space<vmem>>
        %dma_wait3A_166 = tpu.memref_squeeze %dma_wait3A_165 : memref<1x128xi32, #tpu.memory_space<vmem>> -> memref<128xi32, #tpu.memory_space<vmem>>
        %dma_wait3A_167 = arith.constant 0 : i32
        %dma_wait3A_168 = arith.constant 0 : i32
        %dma_wait3A_169 = tpu.memref_slice %arg2[%dma_wait3A_167, %dma_wait3A_168] : memref<10000x128xf32, #tpu.memory_space<hbm>> -> memref<10000x128xf32, #tpu.memory_space<hbm>>
        tpu.wait_indirect_dma semaphore(%arg16 : memref<!tpu.dma_semaphore, #tpu.memory_space<semaphore_mem>>) src(%dma_wait3A_169 : memref<10000x128xf32, #tpu.memory_space<hbm>>) dst(%arg12 : memref<128x128xf32, #tpu.memory_space<vmem>>)
        %lt3A = arith.constant 15 : i32
        %lt3A_170 = arith.cmpi slt, %scan3A_156, %lt3A : i32
        %convert_element_type3A_171 = arith.extui %lt3A_170 : i1 to i32
        %cond3A_172 = arith.constant 0 : i32
        %cond3A_173 = arith.cmpi ne, %convert_element_type3A_171, %cond3A_172 : i32
        scf.if %cond3A_173 {
          %add3A_174 = arith.constant 1 : i32
          %add3A_175 = arith.addi %scan3A_156, %add3A_174 : i32
          %dma_start3A_176 = arith.constant 0 : i32
          %dma_start3A_177 = tpu.memref_slice %arg8[%add3A_175, %dma_start3A_176] : memref<16x128xi32, #tpu.memory_space<vmem>> -> memref<1x128xi32, #tpu.memory_space<vmem>>
          %dma_start3A_178 = tpu.memref_squeeze %dma_start3A_177 : memref<1x128xi32, #tpu.memory_space<vmem>> -> memref<128xi32, #tpu.memory_space<vmem>>
          %dma_start3A_179 = arith.constant 0 : i32
          %dma_start3A_180 = arith.constant 0 : i32
          %dma_start3A_181 = tpu.memref_slice %arg2[%dma_start3A_179, %dma_start3A_180] : memref<10000x128xf32, #tpu.memory_space<hbm>> -> memref<10000x128xf32, #tpu.memory_space<hbm>>
          tpu.enqueue_indirect_dma source(%dma_start3A_181 : memref<10000x128xf32, #tpu.memory_space<hbm>>) target(%arg11 : memref<128x128xf32, #tpu.memory_space<vmem>>) offsets(%dma_start3A_178 : memref<128xi32, #tpu.memory_space<vmem>>) semaphore(%arg15 : memref<!tpu.dma_semaphore, #tpu.memory_space<semaphore_mem>>)
        } else {
        }
        "tpu.region"() ({
          %run_scoped3A = tpu.sem_alloc : memref<!tpu.dma_semaphore, #tpu.memory_space<semaphore_mem>>
          %dma_start3A_174 = arith.constant 0 : i32
          %dma_start3A_175 = tpu.memref_slice %arg10[%scan3A_156, %dma_start3A_174] : memref<16x128xi32, #tpu.memory_space<vmem>> -> memref<1x128xi32, #tpu.memory_space<vmem>>
          %dma_start3A_176 = tpu.memref_squeeze %dma_start3A_175 : memref<1x128xi32, #tpu.memory_space<vmem>> -> memref<128xi32, #tpu.memory_space<vmem>>
          %dma_start3A_177 = arith.constant 0 : i32
          %dma_start3A_178 = arith.constant 0 : i32
          %dma_start3A_179 = tpu.memref_slice %arg13[%dma_start3A_177, %dma_start3A_178] : memref<10112x128xf32, #tpu.memory_space<vmem_shared>> -> memref<10112x128xf32, #tpu.memory_space<vmem_shared>>
          tpu.enqueue_indirect_dma source(%arg12 : memref<128x128xf32, #tpu.memory_space<vmem>>) target(%dma_start3A_179 : memref<10112x128xf32, #tpu.memory_space<vmem_shared>>) offsets(%dma_start3A_176 : memref<128xi32, #tpu.memory_space<vmem>>) semaphore(%run_scoped3A : memref<!tpu.dma_semaphore, #tpu.memory_space<semaphore_mem>>) {add = true}
          %dma_wait3A_180 = arith.constant 0 : i32
          %dma_wait3A_181 = tpu.memref_slice %arg10[%scan3A_156, %dma_wait3A_180] : memref<16x128xi32, #tpu.memory_space<vmem>> -> memref<1x128xi32, #tpu.memory_space<vmem>>
          %dma_wait3A_182 = tpu.memref_squeeze %dma_wait3A_181 : memref<1x128xi32, #tpu.memory_space<vmem>> -> memref<128xi32, #tpu.memory_space<vmem>>
          %dma_wait3A_183 = arith.constant 0 : i32
          %dma_wait3A_184 = arith.constant 0 : i32
          %dma_wait3A_185 = tpu.memref_slice %arg13[%dma_wait3A_183, %dma_wait3A_184] : memref<10112x128xf32, #tpu.memory_space<vmem_shared>> -> memref<10112x128xf32, #tpu.memory_space<vmem_shared>>
          tpu.wait_indirect_dma semaphore(%run_scoped3A : memref<!tpu.dma_semaphore, #tpu.memory_space<semaphore_mem>>) src(%arg12 : memref<128x128xf32, #tpu.memory_space<vmem>>) dst(%dma_wait3A_185 : memref<10112x128xf32, #tpu.memory_space<vmem_shared>>)
          tpu.yield
        }) : () -> ()
      } else {
      }
    }
    %scan3A_133 = arith.constant 16 : i32
    %dma_wait3A_134 = arith.constant 0 : i32
    %dma_wait3A_135 = tpu.memref_slice %arg3[%add3A_112, %dma_wait3A_134] : memref<2560x128xi32, #tpu.memory_space<hbm>> -> memref<16x128xi32, #tpu.memory_space<hbm>>
    %dma_wait3A_136 = arith.constant 0 : i32
    %dma_wait3A_137 = tpu.memref_slice %arg3[%add3A_112, %dma_wait3A_136] : memref<2560x128xi32, #tpu.memory_space<hbm>> -> memref<16x128xi32, #tpu.memory_space<hbm>>
    tpu.wait_dma2 semaphore(%arg14 : memref<!tpu.dma_semaphore, #tpu.memory_space<semaphore_mem>>) src(%dma_wait3A_137 : memref<16x128xi32, #tpu.memory_space<hbm>>) dst(%arg7 : memref<16x128xi32, #tpu.memory_space<vmem>>)
    %dma_wait3A_138 = arith.constant 0 : i32
    %dma_wait3A_139 = tpu.memref_slice %arg4[%add3A_112, %dma_wait3A_138] : memref<2560x128xi32, #tpu.memory_space<hbm>> -> memref<16x128xi32, #tpu.memory_space<hbm>>
    %dma_wait3A_140 = arith.constant 0 : i32
    %dma_wait3A_141 = tpu.memref_slice %arg4[%add3A_112, %dma_wait3A_140] : memref<2560x128xi32, #tpu.memory_space<hbm>> -> memref<16x128xi32, #tpu.memory_space<hbm>>
    tpu.wait_dma2 semaphore(%arg14 : memref<!tpu.dma_semaphore, #tpu.memory_space<semaphore_mem>>) src(%dma_wait3A_141 : memref<16x128xi32, #tpu.memory_space<hbm>>) dst(%arg9 : memref<16x128xi32, #tpu.memory_space<vmem>>)
    %dma_start3A_142 = arith.constant 0 : i32
    %dma_start3A_143 = arith.constant 0 : i32
    %dma_start3A_144 = tpu.memref_slice %arg7[%dma_start3A_142, %dma_start3A_143] : memref<16x128xi32, #tpu.memory_space<vmem>> -> memref<1x128xi32, #tpu.memory_space<vmem>>
    %dma_start3A_145 = tpu.memref_squeeze %dma_start3A_144 : memref<1x128xi32, #tpu.memory_space<vmem>> -> memref<128xi32, #tpu.memory_space<vmem>>
    %dma_start3A_146 = arith.constant 0 : i32
    %dma_start3A_147 = arith.constant 0 : i32
    %dma_start3A_148 = tpu.memref_slice %arg2[%dma_start3A_146, %dma_start3A_147] : memref<10000x128xf32, #tpu.memory_space<hbm>> -> memref<10000x128xf32, #tpu.memory_space<hbm>>
    tpu.enqueue_indirect_dma source(%dma_start3A_148 : memref<10000x128xf32, #tpu.memory_space<hbm>>) target(%arg11 : memref<128x128xf32, #tpu.memory_space<vmem>>) offsets(%dma_start3A_145 : memref<128xi32, #tpu.memory_space<vmem>>) semaphore(%arg15 : memref<!tpu.dma_semaphore, #tpu.memory_space<semaphore_mem>>)
    %scan3A_149 = arith.constant 0 : i32
    %scan3A_150 = arith.constant 0 : i32
    %scan3A_151 = arith.constant 16 : i32
    %scan3A_152 = arith.addi %scan3A_150, %scan3A_151 : i32
    %scan3A_153 = arith.constant 1 : i32
    scf.for %scan3A_156 = %scan3A_150 to %scan3A_152 step %scan3A_153  : i32 {
      %and3A = arith.constant 1 : i32
      %and3A_157 = arith.andi %scan3A_156, %and3A : i32
      %eq3A = arith.constant 0 : i32
      %eq3A_158 = arith.cmpi eq, %and3A_157, %eq3A : i32
      %convert_element_type3A = arith.extui %eq3A_158 : i1 to i32
      %cond3A = arith.constant 0 : i32
      %cond3A_159 = arith.cmpi ne, %convert_element_type3A, %cond3A : i32
      scf.if %cond3A_159 {
        %dma_wait3A_164 = arith.constant 0 : i32
        %dma_wait3A_165 = tpu.memref_slice %arg7[%scan3A_156, %dma_wait3A_164] : memref<16x128xi32, #tpu.memory_space<vmem>> -> memref<1x128xi32, #tpu.memory_space<vmem>>
        %dma_wait3A_166 = tpu.memref_squeeze %dma_wait3A_165 : memref<1x128xi32, #tpu.memory_space<vmem>> -> memref<128xi32, #tpu.memory_space<vmem>>
        %dma_wait3A_167 = arith.constant 0 : i32
        %dma_wait3A_168 = arith.constant 0 : i32
        %dma_wait3A_169 = tpu.memref_slice %arg2[%dma_wait3A_167, %dma_wait3A_168] : memref<10000x128xf32, #tpu.memory_space<hbm>> -> memref<10000x128xf32, #tpu.memory_space<hbm>>
        tpu.wait_indirect_dma semaphore(%arg15 : memref<!tpu.dma_semaphore, #tpu.memory_space<semaphore_mem>>) src(%dma_wait3A_169 : memref<10000x128xf32, #tpu.memory_space<hbm>>) dst(%arg11 : memref<128x128xf32, #tpu.memory_space<vmem>>)
        %lt3A = arith.constant 15 : i32
        %lt3A_170 = arith.cmpi slt, %scan3A_156, %lt3A : i32
        %convert_element_type3A_171 = arith.extui %lt3A_170 : i1 to i32
        %cond3A_172 = arith.constant 0 : i32
        %cond3A_173 = arith.cmpi ne, %convert_element_type3A_171, %cond3A_172 : i32
        scf.if %cond3A_173 {
          %add3A_174 = arith.constant 1 : i32
          %add3A_175 = arith.addi %scan3A_156, %add3A_174 : i32
          %dma_start3A_176 = arith.constant 0 : i32
          %dma_start3A_177 = tpu.memref_slice %arg7[%add3A_175, %dma_start3A_176] : memref<16x128xi32, #tpu.memory_space<vmem>> -> memref<1x128xi32, #tpu.memory_space<vmem>>
          %dma_start3A_178 = tpu.memref_squeeze %dma_start3A_177 : memref<1x128xi32, #tpu.memory_space<vmem>> -> memref<128xi32, #tpu.memory_space<vmem>>
          %dma_start3A_179 = arith.constant 0 : i32
          %dma_start3A_180 = arith.constant 0 : i32
          %dma_start3A_181 = tpu.memref_slice %arg2[%dma_start3A_179, %dma_start3A_180] : memref<10000x128xf32, #tpu.memory_space<hbm>> -> memref<10000x128xf32, #tpu.memory_space<hbm>>
          tpu.enqueue_indirect_dma source(%dma_start3A_181 : memref<10000x128xf32, #tpu.memory_space<hbm>>) target(%arg12 : memref<128x128xf32, #tpu.memory_space<vmem>>) offsets(%dma_start3A_178 : memref<128xi32, #tpu.memory_space<vmem>>) semaphore(%arg16 : memref<!tpu.dma_semaphore, #tpu.memory_space<semaphore_mem>>)
        } else {
        }
        "tpu.region"() ({
          %run_scoped3A = tpu.sem_alloc : memref<!tpu.dma_semaphore, #tpu.memory_space<semaphore_mem>>
          %dma_start3A_174 = arith.constant 0 : i32
          %dma_start3A_175 = tpu.memref_slice %arg9[%scan3A_156, %dma_start3A_174] : memref<16x128xi32, #tpu.memory_space<vmem>> -> memref<1x128xi32, #tpu.memory_space<vmem>>
          %dma_start3A_176 = tpu.memref_squeeze %dma_start3A_175 : memref<1x128xi32, #tpu.memory_space<vmem>> -> memref<128xi32, #tpu.memory_space<vmem>>
          %dma_start3A_177 = arith.constant 0 : i32
          %dma_start3A_178 = arith.constant 0 : i32
          %dma_start3A_179 = tpu.memref_slice %arg13[%dma_start3A_177, %dma_start3A_178] : memref<10112x128xf32, #tpu.memory_space<vmem_shared>> -> memref<10112x128xf32, #tpu.memory_space<vmem_shared>>
          tpu.enqueue_indirect_dma source(%arg11 : memref<128x128xf32, #tpu.memory_space<vmem>>) target(%dma_start3A_179 : memref<10112x128xf32, #tpu.memory_space<vmem_shared>>) offsets(%dma_start3A_176 : memref<128xi32, #tpu.memory_space<vmem>>) semaphore(%run_scoped3A : memref<!tpu.dma_semaphore, #tpu.memory_space<semaphore_mem>>) {add = true}
          %dma_wait3A_180 = arith.constant 0 : i32
          %dma_wait3A_181 = tpu.memref_slice %arg9[%scan3A_156, %dma_wait3A_180] : memref<16x128xi32, #tpu.memory_space<vmem>> -> memref<1x128xi32, #tpu.memory_space<vmem>>
          %dma_wait3A_182 = tpu.memref_squeeze %dma_wait3A_181 : memref<1x128xi32, #tpu.memory_space<vmem>> -> memref<128xi32, #tpu.memory_space<vmem>>
          %dma_wait3A_183 = arith.constant 0 : i32
          %dma_wait3A_184 = arith.constant 0 : i32
          %dma_wait3A_185 = tpu.memref_slice %arg13[%dma_wait3A_183, %dma_wait3A_184] : memref<10112x128xf32, #tpu.memory_space<vmem_shared>> -> memref<10112x128xf32, #tpu.memory_space<vmem_shared>>
          tpu.wait_indirect_dma semaphore(%run_scoped3A : memref<!tpu.dma_semaphore, #tpu.memory_space<semaphore_mem>>) src(%arg11 : memref<128x128xf32, #tpu.memory_space<vmem>>) dst(%dma_wait3A_185 : memref<10112x128xf32, #tpu.memory_space<vmem_shared>>)
          tpu.yield
        }) : () -> ()
      } else {
      }
      %not3A = arith.constant true
      %not3A_160 = arith.xori %eq3A_158, %not3A : i1
      %convert_element_type3A_161 = arith.extui %not3A_160 : i1 to i32
      %cond3A_162 = arith.constant 0 : i32
      %cond3A_163 = arith.cmpi ne, %convert_element_type3A_161, %cond3A_162 : i32
      scf.if %cond3A_163 {
        %dma_wait3A_164 = arith.constant 0 : i32
        %dma_wait3A_165 = tpu.memref_slice %arg7[%scan3A_156, %dma_wait3A_164] : memref<16x128xi32, #tpu.memory_space<vmem>> -> memref<1x128xi32, #tpu.memory_space<vmem>>
        %dma_wait3A_166 = tpu.memref_squeeze %dma_wait3A_165 : memref<1x128xi32, #tpu.memory_space<vmem>> -> memref<128xi32, #tpu.memory_space<vmem>>
        %dma_wait3A_167 = arith.constant 0 : i32
        %dma_wait3A_168 = arith.constant 0 : i32
        %dma_wait3A_169 = tpu.memref_slice %arg2[%dma_wait3A_167, %dma_wait3A_168] : memref<10000x128xf32, #tpu.memory_space<hbm>> -> memref<10000x128xf32, #tpu.memory_space<hbm>>
        tpu.wait_indirect_dma semaphore(%arg16 : memref<!tpu.dma_semaphore, #tpu.memory_space<semaphore_mem>>) src(%dma_wait3A_169 : memref<10000x128xf32, #tpu.memory_space<hbm>>) dst(%arg12 : memref<128x128xf32, #tpu.memory_space<vmem>>)
        %lt3A = arith.constant 15 : i32
        %lt3A_170 = arith.cmpi slt, %scan3A_156, %lt3A : i32
        %convert_element_type3A_171 = arith.extui %lt3A_170 : i1 to i32
        %cond3A_172 = arith.constant 0 : i32
        %cond3A_173 = arith.cmpi ne, %convert_element_type3A_171, %cond3A_172 : i32
        scf.if %cond3A_173 {
          %add3A_174 = arith.constant 1 : i32
          %add3A_175 = arith.addi %scan3A_156, %add3A_174 : i32
          %dma_start3A_176 = arith.constant 0 : i32
          %dma_start3A_177 = tpu.memref_slice %arg7[%add3A_175, %dma_start3A_176] : memref<16x128xi32, #tpu.memory_space<vmem>> -> memref<1x128xi32, #tpu.memory_space<vmem>>
          %dma_start3A_178 = tpu.memref_squeeze %dma_start3A_177 : memref<1x128xi32, #tpu.memory_space<vmem>> -> memref<128xi32, #tpu.memory_space<vmem>>
          %dma_start3A_179 = arith.constant 0 : i32
          %dma_start3A_180 = arith.constant 0 : i32
          %dma_start3A_181 = tpu.memref_slice %arg2[%dma_start3A_179, %dma_start3A_180] : memref<10000x128xf32, #tpu.memory_space<hbm>> -> memref<10000x128xf32, #tpu.memory_space<hbm>>
          tpu.enqueue_indirect_dma source(%dma_start3A_181 : memref<10000x128xf32, #tpu.memory_space<hbm>>) target(%arg11 : memref<128x128xf32, #tpu.memory_space<vmem>>) offsets(%dma_start3A_178 : memref<128xi32, #tpu.memory_space<vmem>>) semaphore(%arg15 : memref<!tpu.dma_semaphore, #tpu.memory_space<semaphore_mem>>)
        } else {
        }
        "tpu.region"() ({
          %run_scoped3A = tpu.sem_alloc : memref<!tpu.dma_semaphore, #tpu.memory_space<semaphore_mem>>
          %dma_start3A_174 = arith.constant 0 : i32
          %dma_start3A_175 = tpu.memref_slice %arg9[%scan3A_156, %dma_start3A_174] : memref<16x128xi32, #tpu.memory_space<vmem>> -> memref<1x128xi32, #tpu.memory_space<vmem>>
          %dma_start3A_176 = tpu.memref_squeeze %dma_start3A_175 : memref<1x128xi32, #tpu.memory_space<vmem>> -> memref<128xi32, #tpu.memory_space<vmem>>
          %dma_start3A_177 = arith.constant 0 : i32
          %dma_start3A_178 = arith.constant 0 : i32
          %dma_start3A_179 = tpu.memref_slice %arg13[%dma_start3A_177, %dma_start3A_178] : memref<10112x128xf32, #tpu.memory_space<vmem_shared>> -> memref<10112x128xf32, #tpu.memory_space<vmem_shared>>
          tpu.enqueue_indirect_dma source(%arg12 : memref<128x128xf32, #tpu.memory_space<vmem>>) target(%dma_start3A_179 : memref<10112x128xf32, #tpu.memory_space<vmem_shared>>) offsets(%dma_start3A_176 : memref<128xi32, #tpu.memory_space<vmem>>) semaphore(%run_scoped3A : memref<!tpu.dma_semaphore, #tpu.memory_space<semaphore_mem>>) {add = true}
          %dma_wait3A_180 = arith.constant 0 : i32
          %dma_wait3A_181 = tpu.memref_slice %arg9[%scan3A_156, %dma_wait3A_180] : memref<16x128xi32, #tpu.memory_space<vmem>> -> memref<1x128xi32, #tpu.memory_space<vmem>>
          %dma_wait3A_182 = tpu.memref_squeeze %dma_wait3A_181 : memref<1x128xi32, #tpu.memory_space<vmem>> -> memref<128xi32, #tpu.memory_space<vmem>>
          %dma_wait3A_183 = arith.constant 0 : i32
          %dma_wait3A_184 = arith.constant 0 : i32
          %dma_wait3A_185 = tpu.memref_slice %arg13[%dma_wait3A_183, %dma_wait3A_184] : memref<10112x128xf32, #tpu.memory_space<vmem_shared>> -> memref<10112x128xf32, #tpu.memory_space<vmem_shared>>
          tpu.wait_indirect_dma semaphore(%run_scoped3A : memref<!tpu.dma_semaphore, #tpu.memory_space<semaphore_mem>>) src(%arg12 : memref<128x128xf32, #tpu.memory_space<vmem>>) dst(%dma_wait3A_185 : memref<10112x128xf32, #tpu.memory_space<vmem_shared>>)
          tpu.yield
        }) : () -> ()
      } else {
      }
    }
    %scan3A_154 = arith.constant 16 : i32
    %barrier3A_155 = arith.constant 0 : index
    tpu.barrier barrier_id(%barrier3A_155)
    "tpu.region"() ({
      %run_scoped3A = tpu.sem_alloc : memref<!tpu.dma_semaphore, #tpu.memory_space<semaphore_mem>>
      %dma_start3A_156 = arith.constant 0 : i32
      %dma_start3A_157 = tpu.memref_slice %arg6[%arg0, %mul3A_2, %dma_start3A_156] : memref<2x10112x128xf32, #tpu.memory_space<hbm>> -> memref<1x632x128xf32, #tpu.memory_space<hbm>>
      %dma_start3A_158 = tpu.memref_squeeze %dma_start3A_157 : memref<1x632x128xf32, #tpu.memory_space<hbm>> -> memref<632x128xf32, #tpu.memory_space<hbm>>
      %dma_start3A_159 = arith.constant 0 : i32
      %dma_start3A_160 = tpu.memref_slice %arg13[%mul3A_2, %dma_start3A_159] : memref<10112x128xf32, #tpu.memory_space<vmem_shared>> -> memref<632x128xf32, #tpu.memory_space<vmem_shared>>
      tpu.enqueue_dma source(%dma_start3A_160 : memref<632x128xf32, #tpu.memory_space<vmem_shared>>) target(%dma_start3A_158 : memref<632x128xf32, #tpu.memory_space<hbm>>) target_semaphore(%run_scoped3A : memref<!tpu.dma_semaphore, #tpu.memory_space<semaphore_mem>>)
      %dma_wait3A_161 = arith.constant 0 : i32
      %dma_wait3A_162 = tpu.memref_slice %arg6[%arg0, %mul3A_2, %dma_wait3A_161] : memref<2x10112x128xf32, #tpu.memory_space<hbm>> -> memref<1x632x128xf32, #tpu.memory_space<hbm>>
      %dma_wait3A_163 = tpu.memref_squeeze %dma_wait3A_162 : memref<1x632x128xf32, #tpu.memory_space<hbm>> -> memref<632x128xf32, #tpu.memory_space<hbm>>
      %dma_wait3A_164 = arith.constant 0 : i32
      %dma_wait3A_165 = tpu.memref_slice %arg13[%mul3A_2, %dma_wait3A_164] : memref<10112x128xf32, #tpu.memory_space<vmem_shared>> -> memref<632x128xf32, #tpu.memory_space<vmem_shared>>
      tpu.wait_dma2 semaphore(%run_scoped3A : memref<!tpu.dma_semaphore, #tpu.memory_space<semaphore_mem>>) src(%dma_wait3A_165 : memref<632x128xf32, #tpu.memory_space<vmem_shared>>) dst(%dma_wait3A_163 : memref<632x128xf32, #tpu.memory_space<hbm>>)
      tpu.yield
    }) : () -> ()
    return
  }
}

#map = affine_map<(d0, d1) -> (0, 0)>
#map1 = affine_map<(d0, d1) -> (0, 0, 0)>
module attributes {stable_mosaic.version = 14 : i64} {
  func.func @_spmm_body(%arg0: i32, %arg1: i32, %arg2: memref<10000x128xf32, #tpu.memory_space<hbm>>, %arg3: memref<2560x128xi32, #tpu.memory_space<hbm>>, %arg4: memref<2560x128xi32, #tpu.memory_space<hbm>>, %arg5: memref<10112x128xf32, #tpu.memory_space<hbm>>, %arg6: memref<2x10112x128xf32, #tpu.memory_space<hbm>>, %arg7: memref<16x128xi32, #tpu.memory_space<vmem>>, %arg8: memref<16x128xi32, #tpu.memory_space<vmem>>, %arg9: memref<16x128xi32, #tpu.memory_space<vmem>>, %arg10: memref<16x128xi32, #tpu.memory_space<vmem>>, %arg11: memref<128x128xf32, #tpu.memory_space<vmem>>, %arg12: memref<128x128xf32, #tpu.memory_space<vmem>>, %arg13: memref<10112x128xf32, #tpu.memory_space<vmem_shared>>, %arg14: memref<!tpu.dma_semaphore, #tpu.memory_space<semaphore_mem>>, %arg15: memref<!tpu.dma_semaphore, #tpu.memory_space<semaphore_mem>>, %arg16: memref<!tpu.dma_semaphore, #tpu.memory_space<semaphore_mem>>) attributes {dimension_semantics = [#tpu.dimension_semantics<core_parallel>, #tpu.dimension_semantics<subcore_parallel>], iteration_bounds = array<i64: 2, 16>, scalar_prefetch = 0 : i64, scratch_operands = 10 : i64, tpu.core_type = #tpu.core_type<sc_vector_subcore>, window_params = [{transform_indices = #map}, {transform_indices = #map}, {transform_indices = #map}, {transform_indices = #map}, {transform_indices = #map1}]} {
    %mul3A = arith.constant 16 : i32
    %mul3A_0 = arith.muli %arg0, %mul3A : i32
    %add3A = arith.addi %mul3A_0, %arg1 : i32
    %mul3A_1 = arith.constant 632 : i32
    %mul3A_2 = arith.muli %arg1, %mul3A_1 : i32
    %mul3A_3 = arith.constant 80 : i32
    %mul3A_4 = arith.muli %add3A, %mul3A_3 : i32
    %dma_start3A = arith.constant 0 : i32
    %dma_start3A_5 = tpu.memref_slice %arg3[%mul3A_4, %dma_start3A] : memref<2560x128xi32, #tpu.memory_space<hbm>> -> memref<16x128xi32, #tpu.memory_space<hbm>>
    %dma_start3A_6 = arith.constant 0 : i32
    %dma_start3A_7 = tpu.memref_slice %arg3[%mul3A_4, %dma_start3A_6] : memref<2560x128xi32, #tpu.memory_space<hbm>> -> memref<16x128xi32, #tpu.memory_space<hbm>>
    tpu.enqueue_dma source(%dma_start3A_7 : memref<16x128xi32, #tpu.memory_space<hbm>>) target(%arg7 : memref<16x128xi32, #tpu.memory_space<vmem>>) target_semaphore(%arg14 : memref<!tpu.dma_semaphore, #tpu.memory_space<semaphore_mem>>)
    %dma_start3A_8 = arith.constant 0 : i32
    %dma_start3A_9 = tpu.memref_slice %arg4[%mul3A_4, %dma_start3A_8] : memref<2560x128xi32, #tpu.memory_space<hbm>> -> memref<16x128xi32, #tpu.memory_space<hbm>>
    %dma_start3A_10 = arith.constant 0 : i32
    %dma_start3A_11 = tpu.memref_slice %arg4[%mul3A_4, %dma_start3A_10] : memref<2560x128xi32, #tpu.memory_space<hbm>> -> memref<16x128xi32, #tpu.memory_space<hbm>>
    tpu.enqueue_dma source(%dma_start3A_11 : memref<16x128xi32, #tpu.memory_space<hbm>>) target(%arg9 : memref<16x128xi32, #tpu.memory_space<vmem>>) target_semaphore(%arg14 : memref<!tpu.dma_semaphore, #tpu.memory_space<semaphore_mem>>)
    "tpu.region"() ({
      %run_scoped3A = tpu.sem_alloc : memref<!tpu.dma_semaphore, #tpu.memory_space<semaphore_mem>>
      %dma_start3A_156 = arith.constant 0 : i32
      %dma_start3A_157 = tpu.memref_slice %arg13[%mul3A_2, %dma_start3A_156] : memref<10112x128xf32, #tpu.memory_space<vmem_shared>> -> memref<632x128xf32, #tpu.memory_space<vmem_shared>>
      %dma_start3A_158 = arith.constant 0 : i32
      %dma_start3A_159 = tpu.memref_slice %arg5[%mul3A_2, %dma_start3A_158] : memref<10112x128xf32, #tpu.memory_space<hbm>> -> memref<632x128xf32, #tpu.memory_space<hbm>>
      tpu.enqueue_dma source(%dma_start3A_159 : memref<632x128xf32, #tpu.memory_space<hbm>>) target(%dma_start3A_157 : memref<632x128xf32, #tpu.memory_space<vmem_shared>>) target_semaphore(%run_scoped3A : memref<!tpu.dma_semaphore, #tpu.memory_space<semaphore_mem>>)
      %dma_wait3A_160 = arith.constant 0 : i32
      %dma_wait3A_161 = tpu.memref_slice %arg13[%mul3A_2, %dma_wait3A_160] : memref<10112x128xf32, #tpu.memory_space<vmem_shared>> -> memref<632x128xf32, #tpu.memory_space<vmem_shared>>
      %dma_wait3A_162 = arith.constant 0 : i32
      %dma_wait3A_163 = tpu.memref_slice %arg5[%mul3A_2, %dma_wait3A_162] : memref<10112x128xf32, #tpu.memory_space<hbm>> -> memref<632x128xf32, #tpu.memory_space<hbm>>
      tpu.wait_dma2 semaphore(%run_scoped3A : memref<!tpu.dma_semaphore, #tpu.memory_space<semaphore_mem>>) src(%dma_wait3A_163 : memref<632x128xf32, #tpu.memory_space<hbm>>) dst(%dma_wait3A_161 : memref<632x128xf32, #tpu.memory_space<vmem_shared>>)
      tpu.yield
    }) : () -> ()
    %dma_wait3A = arith.constant 0 : i32
    %dma_wait3A_12 = tpu.memref_slice %arg3[%mul3A_4, %dma_wait3A] : memref<2560x128xi32, #tpu.memory_space<hbm>> -> memref<16x128xi32, #tpu.memory_space<hbm>>
    %dma_wait3A_13 = arith.constant 0 : i32
    %dma_wait3A_14 = tpu.memref_slice %arg3[%mul3A_4, %dma_wait3A_13] : memref<2560x128xi32, #tpu.memory_space<hbm>> -> memref<16x128xi32, #tpu.memory_space<hbm>>
    tpu.wait_dma2 semaphore(%arg14 : memref<!tpu.dma_semaphore, #tpu.memory_space<semaphore_mem>>) src(%dma_wait3A_14 : memref<16x128xi32, #tpu.memory_space<hbm>>) dst(%arg7 : memref<16x128xi32, #tpu.memory_space<vmem>>)
    %dma_wait3A_15 = arith.constant 0 : i32
    %dma_wait3A_16 = tpu.memref_slice %arg4[%mul3A_4, %dma_wait3A_15] : memref<2560x128xi32, #tpu.memory_space<hbm>> -> memref<16x128xi32, #tpu.memory_space<hbm>>
    %dma_wait3A_17 = arith.constant 0 : i32
    %dma_wait3A_18 = tpu.memref_slice %arg4[%mul3A_4, %dma_wait3A_17] : memref<2560x128xi32, #tpu.memory_space<hbm>> -> memref<16x128xi32, #tpu.memory_space<hbm>>
    tpu.wait_dma2 semaphore(%arg14 : memref<!tpu.dma_semaphore, #tpu.memory_space<semaphore_mem>>) src(%dma_wait3A_18 : memref<16x128xi32, #tpu.memory_space<hbm>>) dst(%arg9 : memref<16x128xi32, #tpu.memory_space<vmem>>)
    %barrier3A = arith.constant 0 : index
    tpu.barrier barrier_id(%barrier3A)
    %add3A_19 = arith.constant 16 : i32
    %add3A_20 = arith.addi %mul3A_4, %add3A_19 : i32
    %dma_start3A_21 = arith.constant 0 : i32
    %dma_start3A_22 = tpu.memref_slice %arg3[%add3A_20, %dma_start3A_21] : memref<2560x128xi32, #tpu.memory_space<hbm>> -> memref<16x128xi32, #tpu.memory_space<hbm>>
    %dma_start3A_23 = arith.constant 0 : i32
    %dma_start3A_24 = tpu.memref_slice %arg3[%add3A_20, %dma_start3A_23] : memref<2560x128xi32, #tpu.memory_space<hbm>> -> memref<16x128xi32, #tpu.memory_space<hbm>>
    tpu.enqueue_dma source(%dma_start3A_24 : memref<16x128xi32, #tpu.memory_space<hbm>>) target(%arg8 : memref<16x128xi32, #tpu.memory_space<vmem>>) target_semaphore(%arg14 : memref<!tpu.dma_semaphore, #tpu.memory_space<semaphore_mem>>)
    %dma_start3A_25 = arith.constant 0 : i32
    %dma_start3A_26 = tpu.memref_slice %arg4[%add3A_20, %dma_start3A_25] : memref<2560x128xi32, #tpu.memory_space<hbm>> -> memref<16x128xi32, #tpu.memory_space<hbm>>
    %dma_start3A_27 = arith.constant 0 : i32
    %dma_start3A_28 = tpu.memref_slice %arg4[%add3A_20, %dma_start3A_27] : memref<2560x128xi32, #tpu.memory_space<hbm>> -> memref<16x128xi32, #tpu.memory_space<hbm>>
    tpu.enqueue_dma source(%dma_start3A_28 : memref<16x128xi32, #tpu.memory_space<hbm>>) target(%arg10 : memref<16x128xi32, #tpu.memory_space<vmem>>) target_semaphore(%arg14 : memref<!tpu.dma_semaphore, #tpu.memory_space<semaphore_mem>>)
    %dma_start3A_29 = arith.constant 0 : i32
    %dma_start3A_30 = arith.constant 0 : i32
    %dma_start3A_31 = tpu.memref_slice %arg7[%dma_start3A_29, %dma_start3A_30] : memref<16x128xi32, #tpu.memory_space<vmem>> -> memref<1x128xi32, #tpu.memory_space<vmem>>
    %dma_start3A_32 = tpu.memref_squeeze %dma_start3A_31 : memref<1x128xi32, #tpu.memory_space<vmem>> -> memref<128xi32, #tpu.memory_space<vmem>>
    %dma_start3A_33 = arith.constant 0 : i32
    %dma_start3A_34 = arith.constant 0 : i32
    %dma_start3A_35 = tpu.memref_slice %arg2[%dma_start3A_33, %dma_start3A_34] : memref<10000x128xf32, #tpu.memory_space<hbm>> -> memref<10000x128xf32, #tpu.memory_space<hbm>>
    tpu.enqueue_indirect_dma source(%dma_start3A_35 : memref<10000x128xf32, #tpu.memory_space<hbm>>) target(%arg11 : memref<128x128xf32, #tpu.memory_space<vmem>>) offsets(%dma_start3A_32 : memref<128xi32, #tpu.memory_space<vmem>>) semaphore(%arg15 : memref<!tpu.dma_semaphore, #tpu.memory_space<semaphore_mem>>)
    %scan3A = arith.constant 0 : i32
    %scan3A_36 = arith.constant 0 : i32
    %scan3A_37 = arith.constant 16 : i32
    %scan3A_38 = arith.addi %scan3A_36, %scan3A_37 : i32
    %scan3A_39 = arith.constant 1 : i32
    scf.for %scan3A_156 = %scan3A_36 to %scan3A_38 step %scan3A_39  : i32 {
      %and3A = arith.constant 1 : i32
      %and3A_157 = arith.andi %scan3A_156, %and3A : i32
      %eq3A = arith.constant 0 : i32
      %eq3A_158 = arith.cmpi eq, %and3A_157, %eq3A : i32
      %convert_element_type3A = arith.extui %eq3A_158 : i1 to i32
      %cond3A = arith.constant 0 : i32
      %cond3A_159 = arith.cmpi ne, %convert_element_type3A, %cond3A : i32
      scf.if %cond3A_159 {
        %dma_wait3A_164 = arith.constant 0 : i32
        %dma_wait3A_165 = tpu.memref_slice %arg7[%scan3A_156, %dma_wait3A_164] : memref<16x128xi32, #tpu.memory_space<vmem>> -> memref<1x128xi32, #tpu.memory_space<vmem>>
        %dma_wait3A_166 = tpu.memref_squeeze %dma_wait3A_165 : memref<1x128xi32, #tpu.memory_space<vmem>> -> memref<128xi32, #tpu.memory_space<vmem>>
        %dma_wait3A_167 = arith.constant 0 : i32
        %dma_wait3A_168 = arith.constant 0 : i32
        %dma_wait3A_169 = tpu.memref_slice %arg2[%dma_wait3A_167, %dma_wait3A_168] : memref<10000x128xf32, #tpu.memory_space<hbm>> -> memref<10000x128xf32, #tpu.memory_space<hbm>>
        tpu.wait_indirect_dma semaphore(%arg15 : memref<!tpu.dma_semaphore, #tpu.memory_space<semaphore_mem>>) src(%dma_wait3A_169 : memref<10000x128xf32, #tpu.memory_space<hbm>>) dst(%arg11 : memref<128x128xf32, #tpu.memory_space<vmem>>)
        %lt3A = arith.constant 15 : i32
        %lt3A_170 = arith.cmpi slt, %scan3A_156, %lt3A : i32
        %convert_element_type3A_171 = arith.extui %lt3A_170 : i1 to i32
        %cond3A_172 = arith.constant 0 : i32
        %cond3A_173 = arith.cmpi ne, %convert_element_type3A_171, %cond3A_172 : i32
        scf.if %cond3A_173 {
          %add3A_174 = arith.constant 1 : i32
          %add3A_175 = arith.addi %scan3A_156, %add3A_174 : i32
          %dma_start3A_176 = arith.constant 0 : i32
          %dma_start3A_177 = tpu.memref_slice %arg7[%add3A_175, %dma_start3A_176] : memref<16x128xi32, #tpu.memory_space<vmem>> -> memref<1x128xi32, #tpu.memory_space<vmem>>
          %dma_start3A_178 = tpu.memref_squeeze %dma_start3A_177 : memref<1x128xi32, #tpu.memory_space<vmem>> -> memref<128xi32, #tpu.memory_space<vmem>>
          %dma_start3A_179 = arith.constant 0 : i32
          %dma_start3A_180 = arith.constant 0 : i32
          %dma_start3A_181 = tpu.memref_slice %arg2[%dma_start3A_179, %dma_start3A_180] : memref<10000x128xf32, #tpu.memory_space<hbm>> -> memref<10000x128xf32, #tpu.memory_space<hbm>>
          tpu.enqueue_indirect_dma source(%dma_start3A_181 : memref<10000x128xf32, #tpu.memory_space<hbm>>) target(%arg12 : memref<128x128xf32, #tpu.memory_space<vmem>>) offsets(%dma_start3A_178 : memref<128xi32, #tpu.memory_space<vmem>>) semaphore(%arg16 : memref<!tpu.dma_semaphore, #tpu.memory_space<semaphore_mem>>)
        } else {
        }
        "tpu.region"() ({
          %run_scoped3A = tpu.sem_alloc : memref<!tpu.dma_semaphore, #tpu.memory_space<semaphore_mem>>
          %dma_start3A_174 = arith.constant 0 : i32
          %dma_start3A_175 = tpu.memref_slice %arg9[%scan3A_156, %dma_start3A_174] : memref<16x128xi32, #tpu.memory_space<vmem>> -> memref<1x128xi32, #tpu.memory_space<vmem>>
          %dma_start3A_176 = tpu.memref_squeeze %dma_start3A_175 : memref<1x128xi32, #tpu.memory_space<vmem>> -> memref<128xi32, #tpu.memory_space<vmem>>
          %dma_start3A_177 = arith.constant 0 : i32
          %dma_start3A_178 = arith.constant 0 : i32
          %dma_start3A_179 = tpu.memref_slice %arg13[%dma_start3A_177, %dma_start3A_178] : memref<10112x128xf32, #tpu.memory_space<vmem_shared>> -> memref<10112x128xf32, #tpu.memory_space<vmem_shared>>
          tpu.enqueue_indirect_dma source(%arg11 : memref<128x128xf32, #tpu.memory_space<vmem>>) target(%dma_start3A_179 : memref<10112x128xf32, #tpu.memory_space<vmem_shared>>) offsets(%dma_start3A_176 : memref<128xi32, #tpu.memory_space<vmem>>) semaphore(%run_scoped3A : memref<!tpu.dma_semaphore, #tpu.memory_space<semaphore_mem>>) {add = true}
          %dma_wait3A_180 = arith.constant 0 : i32
          %dma_wait3A_181 = tpu.memref_slice %arg9[%scan3A_156, %dma_wait3A_180] : memref<16x128xi32, #tpu.memory_space<vmem>> -> memref<1x128xi32, #tpu.memory_space<vmem>>
          %dma_wait3A_182 = tpu.memref_squeeze %dma_wait3A_181 : memref<1x128xi32, #tpu.memory_space<vmem>> -> memref<128xi32, #tpu.memory_space<vmem>>
          %dma_wait3A_183 = arith.constant 0 : i32
          %dma_wait3A_184 = arith.constant 0 : i32
          %dma_wait3A_185 = tpu.memref_slice %arg13[%dma_wait3A_183, %dma_wait3A_184] : memref<10112x128xf32, #tpu.memory_space<vmem_shared>> -> memref<10112x128xf32, #tpu.memory_space<vmem_shared>>
          tpu.wait_indirect_dma semaphore(%run_scoped3A : memref<!tpu.dma_semaphore, #tpu.memory_space<semaphore_mem>>) src(%arg11 : memref<128x128xf32, #tpu.memory_space<vmem>>) dst(%dma_wait3A_185 : memref<10112x128xf32, #tpu.memory_space<vmem_shared>>)
          tpu.yield
        }) : () -> ()
      } else {
      }
      %not3A = arith.constant true
      %not3A_160 = arith.xori %eq3A_158, %not3A : i1
      %convert_element_type3A_161 = arith.extui %not3A_160 : i1 to i32
      %cond3A_162 = arith.constant 0 : i32
      %cond3A_163 = arith.cmpi ne, %convert_element_type3A_161, %cond3A_162 : i32
      scf.if %cond3A_163 {
        %dma_wait3A_164 = arith.constant 0 : i32
        %dma_wait3A_165 = tpu.memref_slice %arg7[%scan3A_156, %dma_wait3A_164] : memref<16x128xi32, #tpu.memory_space<vmem>> -> memref<1x128xi32, #tpu.memory_space<vmem>>
        %dma_wait3A_166 = tpu.memref_squeeze %dma_wait3A_165 : memref<1x128xi32, #tpu.memory_space<vmem>> -> memref<128xi32, #tpu.memory_space<vmem>>
        %dma_wait3A_167 = arith.constant 0 : i32
        %dma_wait3A_168 = arith.constant 0 : i32
        %dma_wait3A_169 = tpu.memref_slice %arg2[%dma_wait3A_167, %dma_wait3A_168] : memref<10000x128xf32, #tpu.memory_space<hbm>> -> memref<10000x128xf32, #tpu.memory_space<hbm>>
        tpu.wait_indirect_dma semaphore(%arg16 : memref<!tpu.dma_semaphore, #tpu.memory_space<semaphore_mem>>) src(%dma_wait3A_169 : memref<10000x128xf32, #tpu.memory_space<hbm>>) dst(%arg12 : memref<128x128xf32, #tpu.memory_space<vmem>>)
        %lt3A = arith.constant 15 : i32
        %lt3A_170 = arith.cmpi slt, %scan3A_156, %lt3A : i32
        %convert_element_type3A_171 = arith.extui %lt3A_170 : i1 to i32
        %cond3A_172 = arith.constant 0 : i32
        %cond3A_173 = arith.cmpi ne, %convert_element_type3A_171, %cond3A_172 : i32
        scf.if %cond3A_173 {
          %add3A_174 = arith.constant 1 : i32
          %add3A_175 = arith.addi %scan3A_156, %add3A_174 : i32
          %dma_start3A_176 = arith.constant 0 : i32
          %dma_start3A_177 = tpu.memref_slice %arg7[%add3A_175, %dma_start3A_176] : memref<16x128xi32, #tpu.memory_space<vmem>> -> memref<1x128xi32, #tpu.memory_space<vmem>>
          %dma_start3A_178 = tpu.memref_squeeze %dma_start3A_177 : memref<1x128xi32, #tpu.memory_space<vmem>> -> memref<128xi32, #tpu.memory_space<vmem>>
          %dma_start3A_179 = arith.constant 0 : i32
          %dma_start3A_180 = arith.constant 0 : i32
          %dma_start3A_181 = tpu.memref_slice %arg2[%dma_start3A_179, %dma_start3A_180] : memref<10000x128xf32, #tpu.memory_space<hbm>> -> memref<10000x128xf32, #tpu.memory_space<hbm>>
          tpu.enqueue_indirect_dma source(%dma_start3A_181 : memref<10000x128xf32, #tpu.memory_space<hbm>>) target(%arg11 : memref<128x128xf32, #tpu.memory_space<vmem>>) offsets(%dma_start3A_178 : memref<128xi32, #tpu.memory_space<vmem>>) semaphore(%arg15 : memref<!tpu.dma_semaphore, #tpu.memory_space<semaphore_mem>>)
        } else {
        }
        "tpu.region"() ({
          %run_scoped3A = tpu.sem_alloc : memref<!tpu.dma_semaphore, #tpu.memory_space<semaphore_mem>>
          %dma_start3A_174 = arith.constant 0 : i32
          %dma_start3A_175 = tpu.memref_slice %arg9[%scan3A_156, %dma_start3A_174] : memref<16x128xi32, #tpu.memory_space<vmem>> -> memref<1x128xi32, #tpu.memory_space<vmem>>
          %dma_start3A_176 = tpu.memref_squeeze %dma_start3A_175 : memref<1x128xi32, #tpu.memory_space<vmem>> -> memref<128xi32, #tpu.memory_space<vmem>>
          %dma_start3A_177 = arith.constant 0 : i32
          %dma_start3A_178 = arith.constant 0 : i32
          %dma_start3A_179 = tpu.memref_slice %arg13[%dma_start3A_177, %dma_start3A_178] : memref<10112x128xf32, #tpu.memory_space<vmem_shared>> -> memref<10112x128xf32, #tpu.memory_space<vmem_shared>>
          tpu.enqueue_indirect_dma source(%arg12 : memref<128x128xf32, #tpu.memory_space<vmem>>) target(%dma_start3A_179 : memref<10112x128xf32, #tpu.memory_space<vmem_shared>>) offsets(%dma_start3A_176 : memref<128xi32, #tpu.memory_space<vmem>>) semaphore(%run_scoped3A : memref<!tpu.dma_semaphore, #tpu.memory_space<semaphore_mem>>) {add = true}
          %dma_wait3A_180 = arith.constant 0 : i32
          %dma_wait3A_181 = tpu.memref_slice %arg9[%scan3A_156, %dma_wait3A_180] : memref<16x128xi32, #tpu.memory_space<vmem>> -> memref<1x128xi32, #tpu.memory_space<vmem>>
          %dma_wait3A_182 = tpu.memref_squeeze %dma_wait3A_181 : memref<1x128xi32, #tpu.memory_space<vmem>> -> memref<128xi32, #tpu.memory_space<vmem>>
          %dma_wait3A_183 = arith.constant 0 : i32
          %dma_wait3A_184 = arith.constant 0 : i32
          %dma_wait3A_185 = tpu.memref_slice %arg13[%dma_wait3A_183, %dma_wait3A_184] : memref<10112x128xf32, #tpu.memory_space<vmem_shared>> -> memref<10112x128xf32, #tpu.memory_space<vmem_shared>>
          tpu.wait_indirect_dma semaphore(%run_scoped3A : memref<!tpu.dma_semaphore, #tpu.memory_space<semaphore_mem>>) src(%arg12 : memref<128x128xf32, #tpu.memory_space<vmem>>) dst(%dma_wait3A_185 : memref<10112x128xf32, #tpu.memory_space<vmem_shared>>)
          tpu.yield
        }) : () -> ()
      } else {
      }
    }
    %scan3A_40 = arith.constant 16 : i32
    %dma_wait3A_41 = arith.constant 0 : i32
    %dma_wait3A_42 = tpu.memref_slice %arg3[%add3A_20, %dma_wait3A_41] : memref<2560x128xi32, #tpu.memory_space<hbm>> -> memref<16x128xi32, #tpu.memory_space<hbm>>
    %dma_wait3A_43 = arith.constant 0 : i32
    %dma_wait3A_44 = tpu.memref_slice %arg3[%add3A_20, %dma_wait3A_43] : memref<2560x128xi32, #tpu.memory_space<hbm>> -> memref<16x128xi32, #tpu.memory_space<hbm>>
    tpu.wait_dma2 semaphore(%arg14 : memref<!tpu.dma_semaphore, #tpu.memory_space<semaphore_mem>>) src(%dma_wait3A_44 : memref<16x128xi32, #tpu.memory_space<hbm>>) dst(%arg8 : memref<16x128xi32, #tpu.memory_space<vmem>>)
    %dma_wait3A_45 = arith.constant 0 : i32
    %dma_wait3A_46 = tpu.memref_slice %arg4[%add3A_20, %dma_wait3A_45] : memref<2560x128xi32, #tpu.memory_space<hbm>> -> memref<16x128xi32, #tpu.memory_space<hbm>>
    %dma_wait3A_47 = arith.constant 0 : i32
    %dma_wait3A_48 = tpu.memref_slice %arg4[%add3A_20, %dma_wait3A_47] : memref<2560x128xi32, #tpu.memory_space<hbm>> -> memref<16x128xi32, #tpu.memory_space<hbm>>
    tpu.wait_dma2 semaphore(%arg14 : memref<!tpu.dma_semaphore, #tpu.memory_space<semaphore_mem>>) src(%dma_wait3A_48 : memref<16x128xi32, #tpu.memory_space<hbm>>) dst(%arg10 : memref<16x128xi32, #tpu.memory_space<vmem>>)
    %add3A_49 = arith.constant 32 : i32
    %add3A_50 = arith.addi %mul3A_4, %add3A_49 : i32
    %dma_start3A_51 = arith.constant 0 : i32
    %dma_start3A_52 = tpu.memref_slice %arg3[%add3A_50, %dma_start3A_51] : memref<2560x128xi32, #tpu.memory_space<hbm>> -> memref<16x128xi32, #tpu.memory_space<hbm>>
    %dma_start3A_53 = arith.constant 0 : i32
    %dma_start3A_54 = tpu.memref_slice %arg3[%add3A_50, %dma_start3A_53] : memref<2560x128xi32, #tpu.memory_space<hbm>> -> memref<16x128xi32, #tpu.memory_space<hbm>>
    tpu.enqueue_dma source(%dma_start3A_54 : memref<16x128xi32, #tpu.memory_space<hbm>>) target(%arg7 : memref<16x128xi32, #tpu.memory_space<vmem>>) target_semaphore(%arg14 : memref<!tpu.dma_semaphore, #tpu.memory_space<semaphore_mem>>)
    %dma_start3A_55 = arith.constant 0 : i32
    %dma_start3A_56 = tpu.memref_slice %arg4[%add3A_50, %dma_start3A_55] : memref<2560x128xi32, #tpu.memory_space<hbm>> -> memref<16x128xi32, #tpu.memory_space<hbm>>
    %dma_start3A_57 = arith.constant 0 : i32
    %dma_start3A_58 = tpu.memref_slice %arg4[%add3A_50, %dma_start3A_57] : memref<2560x128xi32, #tpu.memory_space<hbm>> -> memref<16x128xi32, #tpu.memory_space<hbm>>
    tpu.enqueue_dma source(%dma_start3A_58 : memref<16x128xi32, #tpu.memory_space<hbm>>) target(%arg9 : memref<16x128xi32, #tpu.memory_space<vmem>>) target_semaphore(%arg14 : memref<!tpu.dma_semaphore, #tpu.memory_space<semaphore_mem>>)
    %dma_start3A_59 = arith.constant 0 : i32
    %dma_start3A_60 = arith.constant 0 : i32
    %dma_start3A_61 = tpu.memref_slice %arg8[%dma_start3A_59, %dma_start3A_60] : memref<16x128xi32, #tpu.memory_space<vmem>> -> memref<1x128xi32, #tpu.memory_space<vmem>>
    %dma_start3A_62 = tpu.memref_squeeze %dma_start3A_61 : memref<1x128xi32, #tpu.memory_space<vmem>> -> memref<128xi32, #tpu.memory_space<vmem>>
    %dma_start3A_63 = arith.constant 0 : i32
    %dma_start3A_64 = arith.constant 0 : i32
    %dma_start3A_65 = tpu.memref_slice %arg2[%dma_start3A_63, %dma_start3A_64] : memref<10000x128xf32, #tpu.memory_space<hbm>> -> memref<10000x128xf32, #tpu.memory_space<hbm>>
    tpu.enqueue_indirect_dma source(%dma_start3A_65 : memref<10000x128xf32, #tpu.memory_space<hbm>>) target(%arg11 : memref<128x128xf32, #tpu.memory_space<vmem>>) offsets(%dma_start3A_62 : memref<128xi32, #tpu.memory_space<vmem>>) semaphore(%arg15 : memref<!tpu.dma_semaphore, #tpu.memory_space<semaphore_mem>>)
    %scan3A_66 = arith.constant 0 : i32
    %scan3A_67 = arith.constant 0 : i32
    %scan3A_68 = arith.constant 16 : i32
    %scan3A_69 = arith.addi %scan3A_67, %scan3A_68 : i32
    %scan3A_70 = arith.constant 1 : i32
    scf.for %scan3A_156 = %scan3A_67 to %scan3A_69 step %scan3A_70  : i32 {
      %and3A = arith.constant 1 : i32
      %and3A_157 = arith.andi %scan3A_156, %and3A : i32
      %eq3A = arith.constant 0 : i32
      %eq3A_158 = arith.cmpi eq, %and3A_157, %eq3A : i32
      %convert_element_type3A = arith.extui %eq3A_158 : i1 to i32
      %cond3A = arith.constant 0 : i32
      %cond3A_159 = arith.cmpi ne, %convert_element_type3A, %cond3A : i32
      scf.if %cond3A_159 {
        %dma_wait3A_164 = arith.constant 0 : i32
        %dma_wait3A_165 = tpu.memref_slice %arg8[%scan3A_156, %dma_wait3A_164] : memref<16x128xi32, #tpu.memory_space<vmem>> -> memref<1x128xi32, #tpu.memory_space<vmem>>
        %dma_wait3A_166 = tpu.memref_squeeze %dma_wait3A_165 : memref<1x128xi32, #tpu.memory_space<vmem>> -> memref<128xi32, #tpu.memory_space<vmem>>
        %dma_wait3A_167 = arith.constant 0 : i32
        %dma_wait3A_168 = arith.constant 0 : i32
        %dma_wait3A_169 = tpu.memref_slice %arg2[%dma_wait3A_167, %dma_wait3A_168] : memref<10000x128xf32, #tpu.memory_space<hbm>> -> memref<10000x128xf32, #tpu.memory_space<hbm>>
        tpu.wait_indirect_dma semaphore(%arg15 : memref<!tpu.dma_semaphore, #tpu.memory_space<semaphore_mem>>) src(%dma_wait3A_169 : memref<10000x128xf32, #tpu.memory_space<hbm>>) dst(%arg11 : memref<128x128xf32, #tpu.memory_space<vmem>>)
        %lt3A = arith.constant 15 : i32
        %lt3A_170 = arith.cmpi slt, %scan3A_156, %lt3A : i32
        %convert_element_type3A_171 = arith.extui %lt3A_170 : i1 to i32
        %cond3A_172 = arith.constant 0 : i32
        %cond3A_173 = arith.cmpi ne, %convert_element_type3A_171, %cond3A_172 : i32
        scf.if %cond3A_173 {
          %add3A_174 = arith.constant 1 : i32
          %add3A_175 = arith.addi %scan3A_156, %add3A_174 : i32
          %dma_start3A_176 = arith.constant 0 : i32
          %dma_start3A_177 = tpu.memref_slice %arg8[%add3A_175, %dma_start3A_176] : memref<16x128xi32, #tpu.memory_space<vmem>> -> memref<1x128xi32, #tpu.memory_space<vmem>>
          %dma_start3A_178 = tpu.memref_squeeze %dma_start3A_177 : memref<1x128xi32, #tpu.memory_space<vmem>> -> memref<128xi32, #tpu.memory_space<vmem>>
          %dma_start3A_179 = arith.constant 0 : i32
          %dma_start3A_180 = arith.constant 0 : i32
          %dma_start3A_181 = tpu.memref_slice %arg2[%dma_start3A_179, %dma_start3A_180] : memref<10000x128xf32, #tpu.memory_space<hbm>> -> memref<10000x128xf32, #tpu.memory_space<hbm>>
          tpu.enqueue_indirect_dma source(%dma_start3A_181 : memref<10000x128xf32, #tpu.memory_space<hbm>>) target(%arg12 : memref<128x128xf32, #tpu.memory_space<vmem>>) offsets(%dma_start3A_178 : memref<128xi32, #tpu.memory_space<vmem>>) semaphore(%arg16 : memref<!tpu.dma_semaphore, #tpu.memory_space<semaphore_mem>>)
        } else {
        }
        "tpu.region"() ({
          %run_scoped3A = tpu.sem_alloc : memref<!tpu.dma_semaphore, #tpu.memory_space<semaphore_mem>>
          %dma_start3A_174 = arith.constant 0 : i32
          %dma_start3A_175 = tpu.memref_slice %arg10[%scan3A_156, %dma_start3A_174] : memref<16x128xi32, #tpu.memory_space<vmem>> -> memref<1x128xi32, #tpu.memory_space<vmem>>
          %dma_start3A_176 = tpu.memref_squeeze %dma_start3A_175 : memref<1x128xi32, #tpu.memory_space<vmem>> -> memref<128xi32, #tpu.memory_space<vmem>>
          %dma_start3A_177 = arith.constant 0 : i32
          %dma_start3A_178 = arith.constant 0 : i32
          %dma_start3A_179 = tpu.memref_slice %arg13[%dma_start3A_177, %dma_start3A_178] : memref<10112x128xf32, #tpu.memory_space<vmem_shared>> -> memref<10112x128xf32, #tpu.memory_space<vmem_shared>>
          tpu.enqueue_indirect_dma source(%arg11 : memref<128x128xf32, #tpu.memory_space<vmem>>) target(%dma_start3A_179 : memref<10112x128xf32, #tpu.memory_space<vmem_shared>>) offsets(%dma_start3A_176 : memref<128xi32, #tpu.memory_space<vmem>>) semaphore(%run_scoped3A : memref<!tpu.dma_semaphore, #tpu.memory_space<semaphore_mem>>) {add = true}
          %dma_wait3A_180 = arith.constant 0 : i32
          %dma_wait3A_181 = tpu.memref_slice %arg10[%scan3A_156, %dma_wait3A_180] : memref<16x128xi32, #tpu.memory_space<vmem>> -> memref<1x128xi32, #tpu.memory_space<vmem>>
          %dma_wait3A_182 = tpu.memref_squeeze %dma_wait3A_181 : memref<1x128xi32, #tpu.memory_space<vmem>> -> memref<128xi32, #tpu.memory_space<vmem>>
          %dma_wait3A_183 = arith.constant 0 : i32
          %dma_wait3A_184 = arith.constant 0 : i32
          %dma_wait3A_185 = tpu.memref_slice %arg13[%dma_wait3A_183, %dma_wait3A_184] : memref<10112x128xf32, #tpu.memory_space<vmem_shared>> -> memref<10112x128xf32, #tpu.memory_space<vmem_shared>>
          tpu.wait_indirect_dma semaphore(%run_scoped3A : memref<!tpu.dma_semaphore, #tpu.memory_space<semaphore_mem>>) src(%arg11 : memref<128x128xf32, #tpu.memory_space<vmem>>) dst(%dma_wait3A_185 : memref<10112x128xf32, #tpu.memory_space<vmem_shared>>)
          tpu.yield
        }) : () -> ()
      } else {
      }
      %not3A = arith.constant true
      %not3A_160 = arith.xori %eq3A_158, %not3A : i1
      %convert_element_type3A_161 = arith.extui %not3A_160 : i1 to i32
      %cond3A_162 = arith.constant 0 : i32
      %cond3A_163 = arith.cmpi ne, %convert_element_type3A_161, %cond3A_162 : i32
      scf.if %cond3A_163 {
        %dma_wait3A_164 = arith.constant 0 : i32
        %dma_wait3A_165 = tpu.memref_slice %arg8[%scan3A_156, %dma_wait3A_164] : memref<16x128xi32, #tpu.memory_space<vmem>> -> memref<1x128xi32, #tpu.memory_space<vmem>>
        %dma_wait3A_166 = tpu.memref_squeeze %dma_wait3A_165 : memref<1x128xi32, #tpu.memory_space<vmem>> -> memref<128xi32, #tpu.memory_space<vmem>>
        %dma_wait3A_167 = arith.constant 0 : i32
        %dma_wait3A_168 = arith.constant 0 : i32
        %dma_wait3A_169 = tpu.memref_slice %arg2[%dma_wait3A_167, %dma_wait3A_168] : memref<10000x128xf32, #tpu.memory_space<hbm>> -> memref<10000x128xf32, #tpu.memory_space<hbm>>
        tpu.wait_indirect_dma semaphore(%arg16 : memref<!tpu.dma_semaphore, #tpu.memory_space<semaphore_mem>>) src(%dma_wait3A_169 : memref<10000x128xf32, #tpu.memory_space<hbm>>) dst(%arg12 : memref<128x128xf32, #tpu.memory_space<vmem>>)
        %lt3A = arith.constant 15 : i32
        %lt3A_170 = arith.cmpi slt, %scan3A_156, %lt3A : i32
        %convert_element_type3A_171 = arith.extui %lt3A_170 : i1 to i32
        %cond3A_172 = arith.constant 0 : i32
        %cond3A_173 = arith.cmpi ne, %convert_element_type3A_171, %cond3A_172 : i32
        scf.if %cond3A_173 {
          %add3A_174 = arith.constant 1 : i32
          %add3A_175 = arith.addi %scan3A_156, %add3A_174 : i32
          %dma_start3A_176 = arith.constant 0 : i32
          %dma_start3A_177 = tpu.memref_slice %arg8[%add3A_175, %dma_start3A_176] : memref<16x128xi32, #tpu.memory_space<vmem>> -> memref<1x128xi32, #tpu.memory_space<vmem>>
          %dma_start3A_178 = tpu.memref_squeeze %dma_start3A_177 : memref<1x128xi32, #tpu.memory_space<vmem>> -> memref<128xi32, #tpu.memory_space<vmem>>
          %dma_start3A_179 = arith.constant 0 : i32
          %dma_start3A_180 = arith.constant 0 : i32
          %dma_start3A_181 = tpu.memref_slice %arg2[%dma_start3A_179, %dma_start3A_180] : memref<10000x128xf32, #tpu.memory_space<hbm>> -> memref<10000x128xf32, #tpu.memory_space<hbm>>
          tpu.enqueue_indirect_dma source(%dma_start3A_181 : memref<10000x128xf32, #tpu.memory_space<hbm>>) target(%arg11 : memref<128x128xf32, #tpu.memory_space<vmem>>) offsets(%dma_start3A_178 : memref<128xi32, #tpu.memory_space<vmem>>) semaphore(%arg15 : memref<!tpu.dma_semaphore, #tpu.memory_space<semaphore_mem>>)
        } else {
        }
        "tpu.region"() ({
          %run_scoped3A = tpu.sem_alloc : memref<!tpu.dma_semaphore, #tpu.memory_space<semaphore_mem>>
          %dma_start3A_174 = arith.constant 0 : i32
          %dma_start3A_175 = tpu.memref_slice %arg10[%scan3A_156, %dma_start3A_174] : memref<16x128xi32, #tpu.memory_space<vmem>> -> memref<1x128xi32, #tpu.memory_space<vmem>>
          %dma_start3A_176 = tpu.memref_squeeze %dma_start3A_175 : memref<1x128xi32, #tpu.memory_space<vmem>> -> memref<128xi32, #tpu.memory_space<vmem>>
          %dma_start3A_177 = arith.constant 0 : i32
          %dma_start3A_178 = arith.constant 0 : i32
          %dma_start3A_179 = tpu.memref_slice %arg13[%dma_start3A_177, %dma_start3A_178] : memref<10112x128xf32, #tpu.memory_space<vmem_shared>> -> memref<10112x128xf32, #tpu.memory_space<vmem_shared>>
          tpu.enqueue_indirect_dma source(%arg12 : memref<128x128xf32, #tpu.memory_space<vmem>>) target(%dma_start3A_179 : memref<10112x128xf32, #tpu.memory_space<vmem_shared>>) offsets(%dma_start3A_176 : memref<128xi32, #tpu.memory_space<vmem>>) semaphore(%run_scoped3A : memref<!tpu.dma_semaphore, #tpu.memory_space<semaphore_mem>>) {add = true}
          %dma_wait3A_180 = arith.constant 0 : i32
          %dma_wait3A_181 = tpu.memref_slice %arg10[%scan3A_156, %dma_wait3A_180] : memref<16x128xi32, #tpu.memory_space<vmem>> -> memref<1x128xi32, #tpu.memory_space<vmem>>
          %dma_wait3A_182 = tpu.memref_squeeze %dma_wait3A_181 : memref<1x128xi32, #tpu.memory_space<vmem>> -> memref<128xi32, #tpu.memory_space<vmem>>
          %dma_wait3A_183 = arith.constant 0 : i32
          %dma_wait3A_184 = arith.constant 0 : i32
          %dma_wait3A_185 = tpu.memref_slice %arg13[%dma_wait3A_183, %dma_wait3A_184] : memref<10112x128xf32, #tpu.memory_space<vmem_shared>> -> memref<10112x128xf32, #tpu.memory_space<vmem_shared>>
          tpu.wait_indirect_dma semaphore(%run_scoped3A : memref<!tpu.dma_semaphore, #tpu.memory_space<semaphore_mem>>) src(%arg12 : memref<128x128xf32, #tpu.memory_space<vmem>>) dst(%dma_wait3A_185 : memref<10112x128xf32, #tpu.memory_space<vmem_shared>>)
          tpu.yield
        }) : () -> ()
      } else {
      }
    }
    %scan3A_71 = arith.constant 16 : i32
    %dma_wait3A_72 = arith.constant 0 : i32
    %dma_wait3A_73 = tpu.memref_slice %arg3[%add3A_50, %dma_wait3A_72] : memref<2560x128xi32, #tpu.memory_space<hbm>> -> memref<16x128xi32, #tpu.memory_space<hbm>>
    %dma_wait3A_74 = arith.constant 0 : i32
    %dma_wait3A_75 = tpu.memref_slice %arg3[%add3A_50, %dma_wait3A_74] : memref<2560x128xi32, #tpu.memory_space<hbm>> -> memref<16x128xi32, #tpu.memory_space<hbm>>
    tpu.wait_dma2 semaphore(%arg14 : memref<!tpu.dma_semaphore, #tpu.memory_space<semaphore_mem>>) src(%dma_wait3A_75 : memref<16x128xi32, #tpu.memory_space<hbm>>) dst(%arg7 : memref<16x128xi32, #tpu.memory_space<vmem>>)
    %dma_wait3A_76 = arith.constant 0 : i32
    %dma_wait3A_77 = tpu.memref_slice %arg4[%add3A_50, %dma_wait3A_76] : memref<2560x128xi32, #tpu.memory_space<hbm>> -> memref<16x128xi32, #tpu.memory_space<hbm>>
    %dma_wait3A_78 = arith.constant 0 : i32
    %dma_wait3A_79 = tpu.memref_slice %arg4[%add3A_50, %dma_wait3A_78] : memref<2560x128xi32, #tpu.memory_space<hbm>> -> memref<16x128xi32, #tpu.memory_space<hbm>>
    tpu.wait_dma2 semaphore(%arg14 : memref<!tpu.dma_semaphore, #tpu.memory_space<semaphore_mem>>) src(%dma_wait3A_79 : memref<16x128xi32, #tpu.memory_space<hbm>>) dst(%arg9 : memref<16x128xi32, #tpu.memory_space<vmem>>)
    %add3A_80 = arith.constant 48 : i32
    %add3A_81 = arith.addi %mul3A_4, %add3A_80 : i32
    %dma_start3A_82 = arith.constant 0 : i32
    %dma_start3A_83 = tpu.memref_slice %arg3[%add3A_81, %dma_start3A_82] : memref<2560x128xi32, #tpu.memory_space<hbm>> -> memref<16x128xi32, #tpu.memory_space<hbm>>
    %dma_start3A_84 = arith.constant 0 : i32
    %dma_start3A_85 = tpu.memref_slice %arg3[%add3A_81, %dma_start3A_84] : memref<2560x128xi32, #tpu.memory_space<hbm>> -> memref<16x128xi32, #tpu.memory_space<hbm>>
    tpu.enqueue_dma source(%dma_start3A_85 : memref<16x128xi32, #tpu.memory_space<hbm>>) target(%arg8 : memref<16x128xi32, #tpu.memory_space<vmem>>) target_semaphore(%arg14 : memref<!tpu.dma_semaphore, #tpu.memory_space<semaphore_mem>>)
    %dma_start3A_86 = arith.constant 0 : i32
    %dma_start3A_87 = tpu.memref_slice %arg4[%add3A_81, %dma_start3A_86] : memref<2560x128xi32, #tpu.memory_space<hbm>> -> memref<16x128xi32, #tpu.memory_space<hbm>>
    %dma_start3A_88 = arith.constant 0 : i32
    %dma_start3A_89 = tpu.memref_slice %arg4[%add3A_81, %dma_start3A_88] : memref<2560x128xi32, #tpu.memory_space<hbm>> -> memref<16x128xi32, #tpu.memory_space<hbm>>
    tpu.enqueue_dma source(%dma_start3A_89 : memref<16x128xi32, #tpu.memory_space<hbm>>) target(%arg10 : memref<16x128xi32, #tpu.memory_space<vmem>>) target_semaphore(%arg14 : memref<!tpu.dma_semaphore, #tpu.memory_space<semaphore_mem>>)
    %dma_start3A_90 = arith.constant 0 : i32
    %dma_start3A_91 = arith.constant 0 : i32
    %dma_start3A_92 = tpu.memref_slice %arg7[%dma_start3A_90, %dma_start3A_91] : memref<16x128xi32, #tpu.memory_space<vmem>> -> memref<1x128xi32, #tpu.memory_space<vmem>>
    %dma_start3A_93 = tpu.memref_squeeze %dma_start3A_92 : memref<1x128xi32, #tpu.memory_space<vmem>> -> memref<128xi32, #tpu.memory_space<vmem>>
    %dma_start3A_94 = arith.constant 0 : i32
    %dma_start3A_95 = arith.constant 0 : i32
    %dma_start3A_96 = tpu.memref_slice %arg2[%dma_start3A_94, %dma_start3A_95] : memref<10000x128xf32, #tpu.memory_space<hbm>> -> memref<10000x128xf32, #tpu.memory_space<hbm>>
    tpu.enqueue_indirect_dma source(%dma_start3A_96 : memref<10000x128xf32, #tpu.memory_space<hbm>>) target(%arg11 : memref<128x128xf32, #tpu.memory_space<vmem>>) offsets(%dma_start3A_93 : memref<128xi32, #tpu.memory_space<vmem>>) semaphore(%arg15 : memref<!tpu.dma_semaphore, #tpu.memory_space<semaphore_mem>>)
    %scan3A_97 = arith.constant 0 : i32
    %scan3A_98 = arith.constant 0 : i32
    %scan3A_99 = arith.constant 16 : i32
    %scan3A_100 = arith.addi %scan3A_98, %scan3A_99 : i32
    %scan3A_101 = arith.constant 1 : i32
    scf.for %scan3A_156 = %scan3A_98 to %scan3A_100 step %scan3A_101  : i32 {
      %and3A = arith.constant 1 : i32
      %and3A_157 = arith.andi %scan3A_156, %and3A : i32
      %eq3A = arith.constant 0 : i32
      %eq3A_158 = arith.cmpi eq, %and3A_157, %eq3A : i32
      %convert_element_type3A = arith.extui %eq3A_158 : i1 to i32
      %cond3A = arith.constant 0 : i32
      %cond3A_159 = arith.cmpi ne, %convert_element_type3A, %cond3A : i32
      scf.if %cond3A_159 {
        %dma_wait3A_164 = arith.constant 0 : i32
        %dma_wait3A_165 = tpu.memref_slice %arg7[%scan3A_156, %dma_wait3A_164] : memref<16x128xi32, #tpu.memory_space<vmem>> -> memref<1x128xi32, #tpu.memory_space<vmem>>
        %dma_wait3A_166 = tpu.memref_squeeze %dma_wait3A_165 : memref<1x128xi32, #tpu.memory_space<vmem>> -> memref<128xi32, #tpu.memory_space<vmem>>
        %dma_wait3A_167 = arith.constant 0 : i32
        %dma_wait3A_168 = arith.constant 0 : i32
        %dma_wait3A_169 = tpu.memref_slice %arg2[%dma_wait3A_167, %dma_wait3A_168] : memref<10000x128xf32, #tpu.memory_space<hbm>> -> memref<10000x128xf32, #tpu.memory_space<hbm>>
        tpu.wait_indirect_dma semaphore(%arg15 : memref<!tpu.dma_semaphore, #tpu.memory_space<semaphore_mem>>) src(%dma_wait3A_169 : memref<10000x128xf32, #tpu.memory_space<hbm>>) dst(%arg11 : memref<128x128xf32, #tpu.memory_space<vmem>>)
        %lt3A = arith.constant 15 : i32
        %lt3A_170 = arith.cmpi slt, %scan3A_156, %lt3A : i32
        %convert_element_type3A_171 = arith.extui %lt3A_170 : i1 to i32
        %cond3A_172 = arith.constant 0 : i32
        %cond3A_173 = arith.cmpi ne, %convert_element_type3A_171, %cond3A_172 : i32
        scf.if %cond3A_173 {
          %add3A_174 = arith.constant 1 : i32
          %add3A_175 = arith.addi %scan3A_156, %add3A_174 : i32
          %dma_start3A_176 = arith.constant 0 : i32
          %dma_start3A_177 = tpu.memref_slice %arg7[%add3A_175, %dma_start3A_176] : memref<16x128xi32, #tpu.memory_space<vmem>> -> memref<1x128xi32, #tpu.memory_space<vmem>>
          %dma_start3A_178 = tpu.memref_squeeze %dma_start3A_177 : memref<1x128xi32, #tpu.memory_space<vmem>> -> memref<128xi32, #tpu.memory_space<vmem>>
          %dma_start3A_179 = arith.constant 0 : i32
          %dma_start3A_180 = arith.constant 0 : i32
          %dma_start3A_181 = tpu.memref_slice %arg2[%dma_start3A_179, %dma_start3A_180] : memref<10000x128xf32, #tpu.memory_space<hbm>> -> memref<10000x128xf32, #tpu.memory_space<hbm>>
          tpu.enqueue_indirect_dma source(%dma_start3A_181 : memref<10000x128xf32, #tpu.memory_space<hbm>>) target(%arg12 : memref<128x128xf32, #tpu.memory_space<vmem>>) offsets(%dma_start3A_178 : memref<128xi32, #tpu.memory_space<vmem>>) semaphore(%arg16 : memref<!tpu.dma_semaphore, #tpu.memory_space<semaphore_mem>>)
        } else {
        }
        "tpu.region"() ({
          %run_scoped3A = tpu.sem_alloc : memref<!tpu.dma_semaphore, #tpu.memory_space<semaphore_mem>>
          %dma_start3A_174 = arith.constant 0 : i32
          %dma_start3A_175 = tpu.memref_slice %arg9[%scan3A_156, %dma_start3A_174] : memref<16x128xi32, #tpu.memory_space<vmem>> -> memref<1x128xi32, #tpu.memory_space<vmem>>
          %dma_start3A_176 = tpu.memref_squeeze %dma_start3A_175 : memref<1x128xi32, #tpu.memory_space<vmem>> -> memref<128xi32, #tpu.memory_space<vmem>>
          %dma_start3A_177 = arith.constant 0 : i32
          %dma_start3A_178 = arith.constant 0 : i32
          %dma_start3A_179 = tpu.memref_slice %arg13[%dma_start3A_177, %dma_start3A_178] : memref<10112x128xf32, #tpu.memory_space<vmem_shared>> -> memref<10112x128xf32, #tpu.memory_space<vmem_shared>>
          tpu.enqueue_indirect_dma source(%arg11 : memref<128x128xf32, #tpu.memory_space<vmem>>) target(%dma_start3A_179 : memref<10112x128xf32, #tpu.memory_space<vmem_shared>>) offsets(%dma_start3A_176 : memref<128xi32, #tpu.memory_space<vmem>>) semaphore(%run_scoped3A : memref<!tpu.dma_semaphore, #tpu.memory_space<semaphore_mem>>) {add = true}
          %dma_wait3A_180 = arith.constant 0 : i32
          %dma_wait3A_181 = tpu.memref_slice %arg9[%scan3A_156, %dma_wait3A_180] : memref<16x128xi32, #tpu.memory_space<vmem>> -> memref<1x128xi32, #tpu.memory_space<vmem>>
          %dma_wait3A_182 = tpu.memref_squeeze %dma_wait3A_181 : memref<1x128xi32, #tpu.memory_space<vmem>> -> memref<128xi32, #tpu.memory_space<vmem>>
          %dma_wait3A_183 = arith.constant 0 : i32
          %dma_wait3A_184 = arith.constant 0 : i32
          %dma_wait3A_185 = tpu.memref_slice %arg13[%dma_wait3A_183, %dma_wait3A_184] : memref<10112x128xf32, #tpu.memory_space<vmem_shared>> -> memref<10112x128xf32, #tpu.memory_space<vmem_shared>>
          tpu.wait_indirect_dma semaphore(%run_scoped3A : memref<!tpu.dma_semaphore, #tpu.memory_space<semaphore_mem>>) src(%arg11 : memref<128x128xf32, #tpu.memory_space<vmem>>) dst(%dma_wait3A_185 : memref<10112x128xf32, #tpu.memory_space<vmem_shared>>)
          tpu.yield
        }) : () -> ()
      } else {
      }
      %not3A = arith.constant true
      %not3A_160 = arith.xori %eq3A_158, %not3A : i1
      %convert_element_type3A_161 = arith.extui %not3A_160 : i1 to i32
      %cond3A_162 = arith.constant 0 : i32
      %cond3A_163 = arith.cmpi ne, %convert_element_type3A_161, %cond3A_162 : i32
      scf.if %cond3A_163 {
        %dma_wait3A_164 = arith.constant 0 : i32
        %dma_wait3A_165 = tpu.memref_slice %arg7[%scan3A_156, %dma_wait3A_164] : memref<16x128xi32, #tpu.memory_space<vmem>> -> memref<1x128xi32, #tpu.memory_space<vmem>>
        %dma_wait3A_166 = tpu.memref_squeeze %dma_wait3A_165 : memref<1x128xi32, #tpu.memory_space<vmem>> -> memref<128xi32, #tpu.memory_space<vmem>>
        %dma_wait3A_167 = arith.constant 0 : i32
        %dma_wait3A_168 = arith.constant 0 : i32
        %dma_wait3A_169 = tpu.memref_slice %arg2[%dma_wait3A_167, %dma_wait3A_168] : memref<10000x128xf32, #tpu.memory_space<hbm>> -> memref<10000x128xf32, #tpu.memory_space<hbm>>
        tpu.wait_indirect_dma semaphore(%arg16 : memref<!tpu.dma_semaphore, #tpu.memory_space<semaphore_mem>>) src(%dma_wait3A_169 : memref<10000x128xf32, #tpu.memory_space<hbm>>) dst(%arg12 : memref<128x128xf32, #tpu.memory_space<vmem>>)
        %lt3A = arith.constant 15 : i32
        %lt3A_170 = arith.cmpi slt, %scan3A_156, %lt3A : i32
        %convert_element_type3A_171 = arith.extui %lt3A_170 : i1 to i32
        %cond3A_172 = arith.constant 0 : i32
        %cond3A_173 = arith.cmpi ne, %convert_element_type3A_171, %cond3A_172 : i32
        scf.if %cond3A_173 {
          %add3A_174 = arith.constant 1 : i32
          %add3A_175 = arith.addi %scan3A_156, %add3A_174 : i32
          %dma_start3A_176 = arith.constant 0 : i32
          %dma_start3A_177 = tpu.memref_slice %arg7[%add3A_175, %dma_start3A_176] : memref<16x128xi32, #tpu.memory_space<vmem>> -> memref<1x128xi32, #tpu.memory_space<vmem>>
          %dma_start3A_178 = tpu.memref_squeeze %dma_start3A_177 : memref<1x128xi32, #tpu.memory_space<vmem>> -> memref<128xi32, #tpu.memory_space<vmem>>
          %dma_start3A_179 = arith.constant 0 : i32
          %dma_start3A_180 = arith.constant 0 : i32
          %dma_start3A_181 = tpu.memref_slice %arg2[%dma_start3A_179, %dma_start3A_180] : memref<10000x128xf32, #tpu.memory_space<hbm>> -> memref<10000x128xf32, #tpu.memory_space<hbm>>
          tpu.enqueue_indirect_dma source(%dma_start3A_181 : memref<10000x128xf32, #tpu.memory_space<hbm>>) target(%arg11 : memref<128x128xf32, #tpu.memory_space<vmem>>) offsets(%dma_start3A_178 : memref<128xi32, #tpu.memory_space<vmem>>) semaphore(%arg15 : memref<!tpu.dma_semaphore, #tpu.memory_space<semaphore_mem>>)
        } else {
        }
        "tpu.region"() ({
          %run_scoped3A = tpu.sem_alloc : memref<!tpu.dma_semaphore, #tpu.memory_space<semaphore_mem>>
          %dma_start3A_174 = arith.constant 0 : i32
          %dma_start3A_175 = tpu.memref_slice %arg9[%scan3A_156, %dma_start3A_174] : memref<16x128xi32, #tpu.memory_space<vmem>> -> memref<1x128xi32, #tpu.memory_space<vmem>>
          %dma_start3A_176 = tpu.memref_squeeze %dma_start3A_175 : memref<1x128xi32, #tpu.memory_space<vmem>> -> memref<128xi32, #tpu.memory_space<vmem>>
          %dma_start3A_177 = arith.constant 0 : i32
          %dma_start3A_178 = arith.constant 0 : i32
          %dma_start3A_179 = tpu.memref_slice %arg13[%dma_start3A_177, %dma_start3A_178] : memref<10112x128xf32, #tpu.memory_space<vmem_shared>> -> memref<10112x128xf32, #tpu.memory_space<vmem_shared>>
          tpu.enqueue_indirect_dma source(%arg12 : memref<128x128xf32, #tpu.memory_space<vmem>>) target(%dma_start3A_179 : memref<10112x128xf32, #tpu.memory_space<vmem_shared>>) offsets(%dma_start3A_176 : memref<128xi32, #tpu.memory_space<vmem>>) semaphore(%run_scoped3A : memref<!tpu.dma_semaphore, #tpu.memory_space<semaphore_mem>>) {add = true}
          %dma_wait3A_180 = arith.constant 0 : i32
          %dma_wait3A_181 = tpu.memref_slice %arg9[%scan3A_156, %dma_wait3A_180] : memref<16x128xi32, #tpu.memory_space<vmem>> -> memref<1x128xi32, #tpu.memory_space<vmem>>
          %dma_wait3A_182 = tpu.memref_squeeze %dma_wait3A_181 : memref<1x128xi32, #tpu.memory_space<vmem>> -> memref<128xi32, #tpu.memory_space<vmem>>
          %dma_wait3A_183 = arith.constant 0 : i32
          %dma_wait3A_184 = arith.constant 0 : i32
          %dma_wait3A_185 = tpu.memref_slice %arg13[%dma_wait3A_183, %dma_wait3A_184] : memref<10112x128xf32, #tpu.memory_space<vmem_shared>> -> memref<10112x128xf32, #tpu.memory_space<vmem_shared>>
          tpu.wait_indirect_dma semaphore(%run_scoped3A : memref<!tpu.dma_semaphore, #tpu.memory_space<semaphore_mem>>) src(%arg12 : memref<128x128xf32, #tpu.memory_space<vmem>>) dst(%dma_wait3A_185 : memref<10112x128xf32, #tpu.memory_space<vmem_shared>>)
          tpu.yield
        }) : () -> ()
      } else {
      }
    }
    %scan3A_102 = arith.constant 16 : i32
    %dma_wait3A_103 = arith.constant 0 : i32
    %dma_wait3A_104 = tpu.memref_slice %arg3[%add3A_81, %dma_wait3A_103] : memref<2560x128xi32, #tpu.memory_space<hbm>> -> memref<16x128xi32, #tpu.memory_space<hbm>>
    %dma_wait3A_105 = arith.constant 0 : i32
    %dma_wait3A_106 = tpu.memref_slice %arg3[%add3A_81, %dma_wait3A_105] : memref<2560x128xi32, #tpu.memory_space<hbm>> -> memref<16x128xi32, #tpu.memory_space<hbm>>
    tpu.wait_dma2 semaphore(%arg14 : memref<!tpu.dma_semaphore, #tpu.memory_space<semaphore_mem>>) src(%dma_wait3A_106 : memref<16x128xi32, #tpu.memory_space<hbm>>) dst(%arg8 : memref<16x128xi32, #tpu.memory_space<vmem>>)
    %dma_wait3A_107 = arith.constant 0 : i32
    %dma_wait3A_108 = tpu.memref_slice %arg4[%add3A_81, %dma_wait3A_107] : memref<2560x128xi32, #tpu.memory_space<hbm>> -> memref<16x128xi32, #tpu.memory_space<hbm>>
    %dma_wait3A_109 = arith.constant 0 : i32
    %dma_wait3A_110 = tpu.memref_slice %arg4[%add3A_81, %dma_wait3A_109] : memref<2560x128xi32, #tpu.memory_space<hbm>> -> memref<16x128xi32, #tpu.memory_space<hbm>>
    tpu.wait_dma2 semaphore(%arg14 : memref<!tpu.dma_semaphore, #tpu.memory_space<semaphore_mem>>) src(%dma_wait3A_110 : memref<16x128xi32, #tpu.memory_space<hbm>>) dst(%arg10 : memref<16x128xi32, #tpu.memory_space<vmem>>)
    %add3A_111 = arith.constant 64 : i32
    %add3A_112 = arith.addi %mul3A_4, %add3A_111 : i32
    %dma_start3A_113 = arith.constant 0 : i32
    %dma_start3A_114 = tpu.memref_slice %arg3[%add3A_112, %dma_start3A_113] : memref<2560x128xi32, #tpu.memory_space<hbm>> -> memref<16x128xi32, #tpu.memory_space<hbm>>
    %dma_start3A_115 = arith.constant 0 : i32
    %dma_start3A_116 = tpu.memref_slice %arg3[%add3A_112, %dma_start3A_115] : memref<2560x128xi32, #tpu.memory_space<hbm>> -> memref<16x128xi32, #tpu.memory_space<hbm>>
    tpu.enqueue_dma source(%dma_start3A_116 : memref<16x128xi32, #tpu.memory_space<hbm>>) target(%arg7 : memref<16x128xi32, #tpu.memory_space<vmem>>) target_semaphore(%arg14 : memref<!tpu.dma_semaphore, #tpu.memory_space<semaphore_mem>>)
    %dma_start3A_117 = arith.constant 0 : i32
    %dma_start3A_118 = tpu.memref_slice %arg4[%add3A_112, %dma_start3A_117] : memref<2560x128xi32, #tpu.memory_space<hbm>> -> memref<16x128xi32, #tpu.memory_space<hbm>>
    %dma_start3A_119 = arith.constant 0 : i32
    %dma_start3A_120 = tpu.memref_slice %arg4[%add3A_112, %dma_start3A_119] : memref<2560x128xi32, #tpu.memory_space<hbm>> -> memref<16x128xi32, #tpu.memory_space<hbm>>
    tpu.enqueue_dma source(%dma_start3A_120 : memref<16x128xi32, #tpu.memory_space<hbm>>) target(%arg9 : memref<16x128xi32, #tpu.memory_space<vmem>>) target_semaphore(%arg14 : memref<!tpu.dma_semaphore, #tpu.memory_space<semaphore_mem>>)
    %dma_start3A_121 = arith.constant 0 : i32
    %dma_start3A_122 = arith.constant 0 : i32
    %dma_start3A_123 = tpu.memref_slice %arg8[%dma_start3A_121, %dma_start3A_122] : memref<16x128xi32, #tpu.memory_space<vmem>> -> memref<1x128xi32, #tpu.memory_space<vmem>>
    %dma_start3A_124 = tpu.memref_squeeze %dma_start3A_123 : memref<1x128xi32, #tpu.memory_space<vmem>> -> memref<128xi32, #tpu.memory_space<vmem>>
    %dma_start3A_125 = arith.constant 0 : i32
    %dma_start3A_126 = arith.constant 0 : i32
    %dma_start3A_127 = tpu.memref_slice %arg2[%dma_start3A_125, %dma_start3A_126] : memref<10000x128xf32, #tpu.memory_space<hbm>> -> memref<10000x128xf32, #tpu.memory_space<hbm>>
    tpu.enqueue_indirect_dma source(%dma_start3A_127 : memref<10000x128xf32, #tpu.memory_space<hbm>>) target(%arg11 : memref<128x128xf32, #tpu.memory_space<vmem>>) offsets(%dma_start3A_124 : memref<128xi32, #tpu.memory_space<vmem>>) semaphore(%arg15 : memref<!tpu.dma_semaphore, #tpu.memory_space<semaphore_mem>>)
    %scan3A_128 = arith.constant 0 : i32
    %scan3A_129 = arith.constant 0 : i32
    %scan3A_130 = arith.constant 16 : i32
    %scan3A_131 = arith.addi %scan3A_129, %scan3A_130 : i32
    %scan3A_132 = arith.constant 1 : i32
    scf.for %scan3A_156 = %scan3A_129 to %scan3A_131 step %scan3A_132  : i32 {
      %and3A = arith.constant 1 : i32
      %and3A_157 = arith.andi %scan3A_156, %and3A : i32
      %eq3A = arith.constant 0 : i32
      %eq3A_158 = arith.cmpi eq, %and3A_157, %eq3A : i32
      %convert_element_type3A = arith.extui %eq3A_158 : i1 to i32
      %cond3A = arith.constant 0 : i32
      %cond3A_159 = arith.cmpi ne, %convert_element_type3A, %cond3A : i32
      scf.if %cond3A_159 {
        %dma_wait3A_164 = arith.constant 0 : i32
        %dma_wait3A_165 = tpu.memref_slice %arg8[%scan3A_156, %dma_wait3A_164] : memref<16x128xi32, #tpu.memory_space<vmem>> -> memref<1x128xi32, #tpu.memory_space<vmem>>
        %dma_wait3A_166 = tpu.memref_squeeze %dma_wait3A_165 : memref<1x128xi32, #tpu.memory_space<vmem>> -> memref<128xi32, #tpu.memory_space<vmem>>
        %dma_wait3A_167 = arith.constant 0 : i32
        %dma_wait3A_168 = arith.constant 0 : i32
        %dma_wait3A_169 = tpu.memref_slice %arg2[%dma_wait3A_167, %dma_wait3A_168] : memref<10000x128xf32, #tpu.memory_space<hbm>> -> memref<10000x128xf32, #tpu.memory_space<hbm>>
        tpu.wait_indirect_dma semaphore(%arg15 : memref<!tpu.dma_semaphore, #tpu.memory_space<semaphore_mem>>) src(%dma_wait3A_169 : memref<10000x128xf32, #tpu.memory_space<hbm>>) dst(%arg11 : memref<128x128xf32, #tpu.memory_space<vmem>>)
        %lt3A = arith.constant 15 : i32
        %lt3A_170 = arith.cmpi slt, %scan3A_156, %lt3A : i32
        %convert_element_type3A_171 = arith.extui %lt3A_170 : i1 to i32
        %cond3A_172 = arith.constant 0 : i32
        %cond3A_173 = arith.cmpi ne, %convert_element_type3A_171, %cond3A_172 : i32
        scf.if %cond3A_173 {
          %add3A_174 = arith.constant 1 : i32
          %add3A_175 = arith.addi %scan3A_156, %add3A_174 : i32
          %dma_start3A_176 = arith.constant 0 : i32
          %dma_start3A_177 = tpu.memref_slice %arg8[%add3A_175, %dma_start3A_176] : memref<16x128xi32, #tpu.memory_space<vmem>> -> memref<1x128xi32, #tpu.memory_space<vmem>>
          %dma_start3A_178 = tpu.memref_squeeze %dma_start3A_177 : memref<1x128xi32, #tpu.memory_space<vmem>> -> memref<128xi32, #tpu.memory_space<vmem>>
          %dma_start3A_179 = arith.constant 0 : i32
          %dma_start3A_180 = arith.constant 0 : i32
          %dma_start3A_181 = tpu.memref_slice %arg2[%dma_start3A_179, %dma_start3A_180] : memref<10000x128xf32, #tpu.memory_space<hbm>> -> memref<10000x128xf32, #tpu.memory_space<hbm>>
          tpu.enqueue_indirect_dma source(%dma_start3A_181 : memref<10000x128xf32, #tpu.memory_space<hbm>>) target(%arg12 : memref<128x128xf32, #tpu.memory_space<vmem>>) offsets(%dma_start3A_178 : memref<128xi32, #tpu.memory_space<vmem>>) semaphore(%arg16 : memref<!tpu.dma_semaphore, #tpu.memory_space<semaphore_mem>>)
        } else {
        }
        "tpu.region"() ({
          %run_scoped3A = tpu.sem_alloc : memref<!tpu.dma_semaphore, #tpu.memory_space<semaphore_mem>>
          %dma_start3A_174 = arith.constant 0 : i32
          %dma_start3A_175 = tpu.memref_slice %arg10[%scan3A_156, %dma_start3A_174] : memref<16x128xi32, #tpu.memory_space<vmem>> -> memref<1x128xi32, #tpu.memory_space<vmem>>
          %dma_start3A_176 = tpu.memref_squeeze %dma_start3A_175 : memref<1x128xi32, #tpu.memory_space<vmem>> -> memref<128xi32, #tpu.memory_space<vmem>>
          %dma_start3A_177 = arith.constant 0 : i32
          %dma_start3A_178 = arith.constant 0 : i32
          %dma_start3A_179 = tpu.memref_slice %arg13[%dma_start3A_177, %dma_start3A_178] : memref<10112x128xf32, #tpu.memory_space<vmem_shared>> -> memref<10112x128xf32, #tpu.memory_space<vmem_shared>>
          tpu.enqueue_indirect_dma source(%arg11 : memref<128x128xf32, #tpu.memory_space<vmem>>) target(%dma_start3A_179 : memref<10112x128xf32, #tpu.memory_space<vmem_shared>>) offsets(%dma_start3A_176 : memref<128xi32, #tpu.memory_space<vmem>>) semaphore(%run_scoped3A : memref<!tpu.dma_semaphore, #tpu.memory_space<semaphore_mem>>) {add = true}
          %dma_wait3A_180 = arith.constant 0 : i32
          %dma_wait3A_181 = tpu.memref_slice %arg10[%scan3A_156, %dma_wait3A_180] : memref<16x128xi32, #tpu.memory_space<vmem>> -> memref<1x128xi32, #tpu.memory_space<vmem>>
          %dma_wait3A_182 = tpu.memref_squeeze %dma_wait3A_181 : memref<1x128xi32, #tpu.memory_space<vmem>> -> memref<128xi32, #tpu.memory_space<vmem>>
          %dma_wait3A_183 = arith.constant 0 : i32
          %dma_wait3A_184 = arith.constant 0 : i32
          %dma_wait3A_185 = tpu.memref_slice %arg13[%dma_wait3A_183, %dma_wait3A_184] : memref<10112x128xf32, #tpu.memory_space<vmem_shared>> -> memref<10112x128xf32, #tpu.memory_space<vmem_shared>>
          tpu.wait_indirect_dma semaphore(%run_scoped3A : memref<!tpu.dma_semaphore, #tpu.memory_space<semaphore_mem>>) src(%arg11 : memref<128x128xf32, #tpu.memory_space<vmem>>) dst(%dma_wait3A_185 : memref<10112x128xf32, #tpu.memory_space<vmem_shared>>)
          tpu.yield
        }) : () -> ()
      } else {
      }
      %not3A = arith.constant true
      %not3A_160 = arith.xori %eq3A_158, %not3A : i1
      %convert_element_type3A_161 = arith.extui %not3A_160 : i1 to i32
      %cond3A_162 = arith.constant 0 : i32
      %cond3A_163 = arith.cmpi ne, %convert_element_type3A_161, %cond3A_162 : i32
      scf.if %cond3A_163 {
        %dma_wait3A_164 = arith.constant 0 : i32
        %dma_wait3A_165 = tpu.memref_slice %arg8[%scan3A_156, %dma_wait3A_164] : memref<16x128xi32, #tpu.memory_space<vmem>> -> memref<1x128xi32, #tpu.memory_space<vmem>>
        %dma_wait3A_166 = tpu.memref_squeeze %dma_wait3A_165 : memref<1x128xi32, #tpu.memory_space<vmem>> -> memref<128xi32, #tpu.memory_space<vmem>>
        %dma_wait3A_167 = arith.constant 0 : i32
        %dma_wait3A_168 = arith.constant 0 : i32
        %dma_wait3A_169 = tpu.memref_slice %arg2[%dma_wait3A_167, %dma_wait3A_168] : memref<10000x128xf32, #tpu.memory_space<hbm>> -> memref<10000x128xf32, #tpu.memory_space<hbm>>
        tpu.wait_indirect_dma semaphore(%arg16 : memref<!tpu.dma_semaphore, #tpu.memory_space<semaphore_mem>>) src(%dma_wait3A_169 : memref<10000x128xf32, #tpu.memory_space<hbm>>) dst(%arg12 : memref<128x128xf32, #tpu.memory_space<vmem>>)
        %lt3A = arith.constant 15 : i32
        %lt3A_170 = arith.cmpi slt, %scan3A_156, %lt3A : i32
        %convert_element_type3A_171 = arith.extui %lt3A_170 : i1 to i32
        %cond3A_172 = arith.constant 0 : i32
        %cond3A_173 = arith.cmpi ne, %convert_element_type3A_171, %cond3A_172 : i32
        scf.if %cond3A_173 {
          %add3A_174 = arith.constant 1 : i32
          %add3A_175 = arith.addi %scan3A_156, %add3A_174 : i32
          %dma_start3A_176 = arith.constant 0 : i32
          %dma_start3A_177 = tpu.memref_slice %arg8[%add3A_175, %dma_start3A_176] : memref<16x128xi32, #tpu.memory_space<vmem>> -> memref<1x128xi32, #tpu.memory_space<vmem>>
          %dma_start3A_178 = tpu.memref_squeeze %dma_start3A_177 : memref<1x128xi32, #tpu.memory_space<vmem>> -> memref<128xi32, #tpu.memory_space<vmem>>
          %dma_start3A_179 = arith.constant 0 : i32
          %dma_start3A_180 = arith.constant 0 : i32
          %dma_start3A_181 = tpu.memref_slice %arg2[%dma_start3A_179, %dma_start3A_180] : memref<10000x128xf32, #tpu.memory_space<hbm>> -> memref<10000x128xf32, #tpu.memory_space<hbm>>
          tpu.enqueue_indirect_dma source(%dma_start3A_181 : memref<10000x128xf32, #tpu.memory_space<hbm>>) target(%arg11 : memref<128x128xf32, #tpu.memory_space<vmem>>) offsets(%dma_start3A_178 : memref<128xi32, #tpu.memory_space<vmem>>) semaphore(%arg15 : memref<!tpu.dma_semaphore, #tpu.memory_space<semaphore_mem>>)
        } else {
        }
        "tpu.region"() ({
          %run_scoped3A = tpu.sem_alloc : memref<!tpu.dma_semaphore, #tpu.memory_space<semaphore_mem>>
          %dma_start3A_174 = arith.constant 0 : i32
          %dma_start3A_175 = tpu.memref_slice %arg10[%scan3A_156, %dma_start3A_174] : memref<16x128xi32, #tpu.memory_space<vmem>> -> memref<1x128xi32, #tpu.memory_space<vmem>>
          %dma_start3A_176 = tpu.memref_squeeze %dma_start3A_175 : memref<1x128xi32, #tpu.memory_space<vmem>> -> memref<128xi32, #tpu.memory_space<vmem>>
          %dma_start3A_177 = arith.constant 0 : i32
          %dma_start3A_178 = arith.constant 0 : i32
          %dma_start3A_179 = tpu.memref_slice %arg13[%dma_start3A_177, %dma_start3A_178] : memref<10112x128xf32, #tpu.memory_space<vmem_shared>> -> memref<10112x128xf32, #tpu.memory_space<vmem_shared>>
          tpu.enqueue_indirect_dma source(%arg12 : memref<128x128xf32, #tpu.memory_space<vmem>>) target(%dma_start3A_179 : memref<10112x128xf32, #tpu.memory_space<vmem_shared>>) offsets(%dma_start3A_176 : memref<128xi32, #tpu.memory_space<vmem>>) semaphore(%run_scoped3A : memref<!tpu.dma_semaphore, #tpu.memory_space<semaphore_mem>>) {add = true}
          %dma_wait3A_180 = arith.constant 0 : i32
          %dma_wait3A_181 = tpu.memref_slice %arg10[%scan3A_156, %dma_wait3A_180] : memref<16x128xi32, #tpu.memory_space<vmem>> -> memref<1x128xi32, #tpu.memory_space<vmem>>
          %dma_wait3A_182 = tpu.memref_squeeze %dma_wait3A_181 : memref<1x128xi32, #tpu.memory_space<vmem>> -> memref<128xi32, #tpu.memory_space<vmem>>
          %dma_wait3A_183 = arith.constant 0 : i32
          %dma_wait3A_184 = arith.constant 0 : i32
          %dma_wait3A_185 = tpu.memref_slice %arg13[%dma_wait3A_183, %dma_wait3A_184] : memref<10112x128xf32, #tpu.memory_space<vmem_shared>> -> memref<10112x128xf32, #tpu.memory_space<vmem_shared>>
          tpu.wait_indirect_dma semaphore(%run_scoped3A : memref<!tpu.dma_semaphore, #tpu.memory_space<semaphore_mem>>) src(%arg12 : memref<128x128xf32, #tpu.memory_space<vmem>>) dst(%dma_wait3A_185 : memref<10112x128xf32, #tpu.memory_space<vmem_shared>>)
          tpu.yield
        }) : () -> ()
      } else {
      }
    }
    %scan3A_133 = arith.constant 16 : i32
    %dma_wait3A_134 = arith.constant 0 : i32
    %dma_wait3A_135 = tpu.memref_slice %arg3[%add3A_112, %dma_wait3A_134] : memref<2560x128xi32, #tpu.memory_space<hbm>> -> memref<16x128xi32, #tpu.memory_space<hbm>>
    %dma_wait3A_136 = arith.constant 0 : i32
    %dma_wait3A_137 = tpu.memref_slice %arg3[%add3A_112, %dma_wait3A_136] : memref<2560x128xi32, #tpu.memory_space<hbm>> -> memref<16x128xi32, #tpu.memory_space<hbm>>
    tpu.wait_dma2 semaphore(%arg14 : memref<!tpu.dma_semaphore, #tpu.memory_space<semaphore_mem>>) src(%dma_wait3A_137 : memref<16x128xi32, #tpu.memory_space<hbm>>) dst(%arg7 : memref<16x128xi32, #tpu.memory_space<vmem>>)
    %dma_wait3A_138 = arith.constant 0 : i32
    %dma_wait3A_139 = tpu.memref_slice %arg4[%add3A_112, %dma_wait3A_138] : memref<2560x128xi32, #tpu.memory_space<hbm>> -> memref<16x128xi32, #tpu.memory_space<hbm>>
    %dma_wait3A_140 = arith.constant 0 : i32
    %dma_wait3A_141 = tpu.memref_slice %arg4[%add3A_112, %dma_wait3A_140] : memref<2560x128xi32, #tpu.memory_space<hbm>> -> memref<16x128xi32, #tpu.memory_space<hbm>>
    tpu.wait_dma2 semaphore(%arg14 : memref<!tpu.dma_semaphore, #tpu.memory_space<semaphore_mem>>) src(%dma_wait3A_141 : memref<16x128xi32, #tpu.memory_space<hbm>>) dst(%arg9 : memref<16x128xi32, #tpu.memory_space<vmem>>)
    %dma_start3A_142 = arith.constant 0 : i32
    %dma_start3A_143 = arith.constant 0 : i32
    %dma_start3A_144 = tpu.memref_slice %arg7[%dma_start3A_142, %dma_start3A_143] : memref<16x128xi32, #tpu.memory_space<vmem>> -> memref<1x128xi32, #tpu.memory_space<vmem>>
    %dma_start3A_145 = tpu.memref_squeeze %dma_start3A_144 : memref<1x128xi32, #tpu.memory_space<vmem>> -> memref<128xi32, #tpu.memory_space<vmem>>
    %dma_start3A_146 = arith.constant 0 : i32
    %dma_start3A_147 = arith.constant 0 : i32
    %dma_start3A_148 = tpu.memref_slice %arg2[%dma_start3A_146, %dma_start3A_147] : memref<10000x128xf32, #tpu.memory_space<hbm>> -> memref<10000x128xf32, #tpu.memory_space<hbm>>
    tpu.enqueue_indirect_dma source(%dma_start3A_148 : memref<10000x128xf32, #tpu.memory_space<hbm>>) target(%arg11 : memref<128x128xf32, #tpu.memory_space<vmem>>) offsets(%dma_start3A_145 : memref<128xi32, #tpu.memory_space<vmem>>) semaphore(%arg15 : memref<!tpu.dma_semaphore, #tpu.memory_space<semaphore_mem>>)
    %scan3A_149 = arith.constant 0 : i32
    %scan3A_150 = arith.constant 0 : i32
    %scan3A_151 = arith.constant 16 : i32
    %scan3A_152 = arith.addi %scan3A_150, %scan3A_151 : i32
    %scan3A_153 = arith.constant 1 : i32
    scf.for %scan3A_156 = %scan3A_150 to %scan3A_152 step %scan3A_153  : i32 {
      %and3A = arith.constant 1 : i32
      %and3A_157 = arith.andi %scan3A_156, %and3A : i32
      %eq3A = arith.constant 0 : i32
      %eq3A_158 = arith.cmpi eq, %and3A_157, %eq3A : i32
      %convert_element_type3A = arith.extui %eq3A_158 : i1 to i32
      %cond3A = arith.constant 0 : i32
      %cond3A_159 = arith.cmpi ne, %convert_element_type3A, %cond3A : i32
      scf.if %cond3A_159 {
        %dma_wait3A_164 = arith.constant 0 : i32
        %dma_wait3A_165 = tpu.memref_slice %arg7[%scan3A_156, %dma_wait3A_164] : memref<16x128xi32, #tpu.memory_space<vmem>> -> memref<1x128xi32, #tpu.memory_space<vmem>>
        %dma_wait3A_166 = tpu.memref_squeeze %dma_wait3A_165 : memref<1x128xi32, #tpu.memory_space<vmem>> -> memref<128xi32, #tpu.memory_space<vmem>>
        %dma_wait3A_167 = arith.constant 0 : i32
        %dma_wait3A_168 = arith.constant 0 : i32
        %dma_wait3A_169 = tpu.memref_slice %arg2[%dma_wait3A_167, %dma_wait3A_168] : memref<10000x128xf32, #tpu.memory_space<hbm>> -> memref<10000x128xf32, #tpu.memory_space<hbm>>
        tpu.wait_indirect_dma semaphore(%arg15 : memref<!tpu.dma_semaphore, #tpu.memory_space<semaphore_mem>>) src(%dma_wait3A_169 : memref<10000x128xf32, #tpu.memory_space<hbm>>) dst(%arg11 : memref<128x128xf32, #tpu.memory_space<vmem>>)
        %lt3A = arith.constant 15 : i32
        %lt3A_170 = arith.cmpi slt, %scan3A_156, %lt3A : i32
        %convert_element_type3A_171 = arith.extui %lt3A_170 : i1 to i32
        %cond3A_172 = arith.constant 0 : i32
        %cond3A_173 = arith.cmpi ne, %convert_element_type3A_171, %cond3A_172 : i32
        scf.if %cond3A_173 {
          %add3A_174 = arith.constant 1 : i32
          %add3A_175 = arith.addi %scan3A_156, %add3A_174 : i32
          %dma_start3A_176 = arith.constant 0 : i32
          %dma_start3A_177 = tpu.memref_slice %arg7[%add3A_175, %dma_start3A_176] : memref<16x128xi32, #tpu.memory_space<vmem>> -> memref<1x128xi32, #tpu.memory_space<vmem>>
          %dma_start3A_178 = tpu.memref_squeeze %dma_start3A_177 : memref<1x128xi32, #tpu.memory_space<vmem>> -> memref<128xi32, #tpu.memory_space<vmem>>
          %dma_start3A_179 = arith.constant 0 : i32
          %dma_start3A_180 = arith.constant 0 : i32
          %dma_start3A_181 = tpu.memref_slice %arg2[%dma_start3A_179, %dma_start3A_180] : memref<10000x128xf32, #tpu.memory_space<hbm>> -> memref<10000x128xf32, #tpu.memory_space<hbm>>
          tpu.enqueue_indirect_dma source(%dma_start3A_181 : memref<10000x128xf32, #tpu.memory_space<hbm>>) target(%arg12 : memref<128x128xf32, #tpu.memory_space<vmem>>) offsets(%dma_start3A_178 : memref<128xi32, #tpu.memory_space<vmem>>) semaphore(%arg16 : memref<!tpu.dma_semaphore, #tpu.memory_space<semaphore_mem>>)
        } else {
        }
        "tpu.region"() ({
          %run_scoped3A = tpu.sem_alloc : memref<!tpu.dma_semaphore, #tpu.memory_space<semaphore_mem>>
          %dma_start3A_174 = arith.constant 0 : i32
          %dma_start3A_175 = tpu.memref_slice %arg9[%scan3A_156, %dma_start3A_174] : memref<16x128xi32, #tpu.memory_space<vmem>> -> memref<1x128xi32, #tpu.memory_space<vmem>>
          %dma_start3A_176 = tpu.memref_squeeze %dma_start3A_175 : memref<1x128xi32, #tpu.memory_space<vmem>> -> memref<128xi32, #tpu.memory_space<vmem>>
          %dma_start3A_177 = arith.constant 0 : i32
          %dma_start3A_178 = arith.constant 0 : i32
          %dma_start3A_179 = tpu.memref_slice %arg13[%dma_start3A_177, %dma_start3A_178] : memref<10112x128xf32, #tpu.memory_space<vmem_shared>> -> memref<10112x128xf32, #tpu.memory_space<vmem_shared>>
          tpu.enqueue_indirect_dma source(%arg11 : memref<128x128xf32, #tpu.memory_space<vmem>>) target(%dma_start3A_179 : memref<10112x128xf32, #tpu.memory_space<vmem_shared>>) offsets(%dma_start3A_176 : memref<128xi32, #tpu.memory_space<vmem>>) semaphore(%run_scoped3A : memref<!tpu.dma_semaphore, #tpu.memory_space<semaphore_mem>>) {add = true}
          %dma_wait3A_180 = arith.constant 0 : i32
          %dma_wait3A_181 = tpu.memref_slice %arg9[%scan3A_156, %dma_wait3A_180] : memref<16x128xi32, #tpu.memory_space<vmem>> -> memref<1x128xi32, #tpu.memory_space<vmem>>
          %dma_wait3A_182 = tpu.memref_squeeze %dma_wait3A_181 : memref<1x128xi32, #tpu.memory_space<vmem>> -> memref<128xi32, #tpu.memory_space<vmem>>
          %dma_wait3A_183 = arith.constant 0 : i32
          %dma_wait3A_184 = arith.constant 0 : i32
          %dma_wait3A_185 = tpu.memref_slice %arg13[%dma_wait3A_183, %dma_wait3A_184] : memref<10112x128xf32, #tpu.memory_space<vmem_shared>> -> memref<10112x128xf32, #tpu.memory_space<vmem_shared>>
          tpu.wait_indirect_dma semaphore(%run_scoped3A : memref<!tpu.dma_semaphore, #tpu.memory_space<semaphore_mem>>) src(%arg11 : memref<128x128xf32, #tpu.memory_space<vmem>>) dst(%dma_wait3A_185 : memref<10112x128xf32, #tpu.memory_space<vmem_shared>>)
          tpu.yield
        }) : () -> ()
      } else {
      }
      %not3A = arith.constant true
      %not3A_160 = arith.xori %eq3A_158, %not3A : i1
      %convert_element_type3A_161 = arith.extui %not3A_160 : i1 to i32
      %cond3A_162 = arith.constant 0 : i32
      %cond3A_163 = arith.cmpi ne, %convert_element_type3A_161, %cond3A_162 : i32
      scf.if %cond3A_163 {
        %dma_wait3A_164 = arith.constant 0 : i32
        %dma_wait3A_165 = tpu.memref_slice %arg7[%scan3A_156, %dma_wait3A_164] : memref<16x128xi32, #tpu.memory_space<vmem>> -> memref<1x128xi32, #tpu.memory_space<vmem>>
        %dma_wait3A_166 = tpu.memref_squeeze %dma_wait3A_165 : memref<1x128xi32, #tpu.memory_space<vmem>> -> memref<128xi32, #tpu.memory_space<vmem>>
        %dma_wait3A_167 = arith.constant 0 : i32
        %dma_wait3A_168 = arith.constant 0 : i32
        %dma_wait3A_169 = tpu.memref_slice %arg2[%dma_wait3A_167, %dma_wait3A_168] : memref<10000x128xf32, #tpu.memory_space<hbm>> -> memref<10000x128xf32, #tpu.memory_space<hbm>>
        tpu.wait_indirect_dma semaphore(%arg16 : memref<!tpu.dma_semaphore, #tpu.memory_space<semaphore_mem>>) src(%dma_wait3A_169 : memref<10000x128xf32, #tpu.memory_space<hbm>>) dst(%arg12 : memref<128x128xf32, #tpu.memory_space<vmem>>)
        %lt3A = arith.constant 15 : i32
        %lt3A_170 = arith.cmpi slt, %scan3A_156, %lt3A : i32
        %convert_element_type3A_171 = arith.extui %lt3A_170 : i1 to i32
        %cond3A_172 = arith.constant 0 : i32
        %cond3A_173 = arith.cmpi ne, %convert_element_type3A_171, %cond3A_172 : i32
        scf.if %cond3A_173 {
          %add3A_174 = arith.constant 1 : i32
          %add3A_175 = arith.addi %scan3A_156, %add3A_174 : i32
          %dma_start3A_176 = arith.constant 0 : i32
          %dma_start3A_177 = tpu.memref_slice %arg7[%add3A_175, %dma_start3A_176] : memref<16x128xi32, #tpu.memory_space<vmem>> -> memref<1x128xi32, #tpu.memory_space<vmem>>
          %dma_start3A_178 = tpu.memref_squeeze %dma_start3A_177 : memref<1x128xi32, #tpu.memory_space<vmem>> -> memref<128xi32, #tpu.memory_space<vmem>>
          %dma_start3A_179 = arith.constant 0 : i32
          %dma_start3A_180 = arith.constant 0 : i32
          %dma_start3A_181 = tpu.memref_slice %arg2[%dma_start3A_179, %dma_start3A_180] : memref<10000x128xf32, #tpu.memory_space<hbm>> -> memref<10000x128xf32, #tpu.memory_space<hbm>>
          tpu.enqueue_indirect_dma source(%dma_start3A_181 : memref<10000x128xf32, #tpu.memory_space<hbm>>) target(%arg11 : memref<128x128xf32, #tpu.memory_space<vmem>>) offsets(%dma_start3A_178 : memref<128xi32, #tpu.memory_space<vmem>>) semaphore(%arg15 : memref<!tpu.dma_semaphore, #tpu.memory_space<semaphore_mem>>)
        } else {
        }
        "tpu.region"() ({
          %run_scoped3A = tpu.sem_alloc : memref<!tpu.dma_semaphore, #tpu.memory_space<semaphore_mem>>
          %dma_start3A_174 = arith.constant 0 : i32
          %dma_start3A_175 = tpu.memref_slice %arg9[%scan3A_156, %dma_start3A_174] : memref<16x128xi32, #tpu.memory_space<vmem>> -> memref<1x128xi32, #tpu.memory_space<vmem>>
          %dma_start3A_176 = tpu.memref_squeeze %dma_start3A_175 : memref<1x128xi32, #tpu.memory_space<vmem>> -> memref<128xi32, #tpu.memory_space<vmem>>
          %dma_start3A_177 = arith.constant 0 : i32
          %dma_start3A_178 = arith.constant 0 : i32
          %dma_start3A_179 = tpu.memref_slice %arg13[%dma_start3A_177, %dma_start3A_178] : memref<10112x128xf32, #tpu.memory_space<vmem_shared>> -> memref<10112x128xf32, #tpu.memory_space<vmem_shared>>
          tpu.enqueue_indirect_dma source(%arg12 : memref<128x128xf32, #tpu.memory_space<vmem>>) target(%dma_start3A_179 : memref<10112x128xf32, #tpu.memory_space<vmem_shared>>) offsets(%dma_start3A_176 : memref<128xi32, #tpu.memory_space<vmem>>) semaphore(%run_scoped3A : memref<!tpu.dma_semaphore, #tpu.memory_space<semaphore_mem>>) {add = true}
          %dma_wait3A_180 = arith.constant 0 : i32
          %dma_wait3A_181 = tpu.memref_slice %arg9[%scan3A_156, %dma_wait3A_180] : memref<16x128xi32, #tpu.memory_space<vmem>> -> memref<1x128xi32, #tpu.memory_space<vmem>>
          %dma_wait3A_182 = tpu.memref_squeeze %dma_wait3A_181 : memref<1x128xi32, #tpu.memory_space<vmem>> -> memref<128xi32, #tpu.memory_space<vmem>>
          %dma_wait3A_183 = arith.constant 0 : i32
          %dma_wait3A_184 = arith.constant 0 : i32
          %dma_wait3A_185 = tpu.memref_slice %arg13[%dma_wait3A_183, %dma_wait3A_184] : memref<10112x128xf32, #tpu.memory_space<vmem_shared>> -> memref<10112x128xf32, #tpu.memory_space<vmem_shared>>
          tpu.wait_indirect_dma semaphore(%run_scoped3A : memref<!tpu.dma_semaphore, #tpu.memory_space<semaphore_mem>>) src(%arg12 : memref<128x128xf32, #tpu.memory_space<vmem>>) dst(%dma_wait3A_185 : memref<10112x128xf32, #tpu.memory_space<vmem_shared>>)
          tpu.yield
        }) : () -> ()
      } else {
      }
    }
    %scan3A_154 = arith.constant 16 : i32
    %barrier3A_155 = arith.constant 0 : index
    tpu.barrier barrier_id(%barrier3A_155)
    "tpu.region"() ({
      %run_scoped3A = tpu.sem_alloc : memref<!tpu.dma_semaphore, #tpu.memory_space<semaphore_mem>>
      %dma_start3A_156 = arith.constant 0 : i32
      %dma_start3A_157 = tpu.memref_slice %arg6[%arg0, %mul3A_2, %dma_start3A_156] : memref<2x10112x128xf32, #tpu.memory_space<hbm>> -> memref<1x632x128xf32, #tpu.memory_space<hbm>>
      %dma_start3A_158 = tpu.memref_squeeze %dma_start3A_157 : memref<1x632x128xf32, #tpu.memory_space<hbm>> -> memref<632x128xf32, #tpu.memory_space<hbm>>
      %dma_start3A_159 = arith.constant 0 : i32
      %dma_start3A_160 = tpu.memref_slice %arg13[%mul3A_2, %dma_start3A_159] : memref<10112x128xf32, #tpu.memory_space<vmem_shared>> -> memref<632x128xf32, #tpu.memory_space<vmem_shared>>
      tpu.enqueue_dma source(%dma_start3A_160 : memref<632x128xf32, #tpu.memory_space<vmem_shared>>) target(%dma_start3A_158 : memref<632x128xf32, #tpu.memory_space<hbm>>) target_semaphore(%run_scoped3A : memref<!tpu.dma_semaphore, #tpu.memory_space<semaphore_mem>>)
      %dma_wait3A_161 = arith.constant 0 : i32
      %dma_wait3A_162 = tpu.memref_slice %arg6[%arg0, %mul3A_2, %dma_wait3A_161] : memref<2x10112x128xf32, #tpu.memory_space<hbm>> -> memref<1x632x128xf32, #tpu.memory_space<hbm>>
      %dma_wait3A_163 = tpu.memref_squeeze %dma_wait3A_162 : memref<1x632x128xf32, #tpu.memory_space<hbm>> -> memref<632x128xf32, #tpu.memory_space<hbm>>
      %dma_wait3A_164 = arith.constant 0 : i32
      %dma_wait3A_165 = tpu.memref_slice %arg13[%mul3A_2, %dma_wait3A_164] : memref<10112x128xf32, #tpu.memory_space<vmem_shared>> -> memref<632x128xf32, #tpu.memory_space<vmem_shared>>
      tpu.wait_dma2 semaphore(%run_scoped3A : memref<!tpu.dma_semaphore, #tpu.memory_space<semaphore_mem>>) src(%dma_wait3A_165 : memref<632x128xf32, #tpu.memory_space<vmem_shared>>) dst(%dma_wait3A_163 : memref<632x128xf32, #tpu.memory_space<hbm>>)
      tpu.yield
    }) : () -> ()
    return
  }
}

module attributes {stable_mosaic.version = 14 : i64} {
  func.func @_mm_body(%arg0: i32, %arg1: memref<1000x128xf32, #tpu.memory_space<vmem>>, %arg2: memref<128x128xf32, #tpu.memory_space<vmem>>, %arg3: memref<1000x128xf32, #tpu.memory_space<vmem>>) attributes {dimension_semantics = [#tpu.dimension_semantics<arbitrary>], iteration_bounds = array<i64: 10>, scalar_prefetch = 0 : i64, scratch_operands = 0 : i64, tpu.core_type = #tpu.core_type<tc>, window_params = [{transform_indices = @transform_0, window_bounds = array<i64: 1000, 128>}, {pipeline_mode = #tpu.pipeline_mode<synchronous>, transform_indices = @transform_1, window_bounds = array<i64: 128, 128>}, {transform_indices = @transform_2, window_bounds = array<i64: 1000, 128>}]} {
    %get3A = arith.constant 0 : index
    %get3A_0 = arith.constant 0 : index
    %get3A_1 = vector.load %arg1[%get3A, %get3A_0] : memref<1000x128xf32, #tpu.memory_space<vmem>>, vector<1000x128xf32>
    %get3A_2 = arith.constant 0 : index
    %get3A_3 = arith.constant 0 : index
    %get3A_4 = vector.load %arg2[%get3A_2, %get3A_3] : memref<128x128xf32, #tpu.memory_space<vmem>>, vector<128x128xf32>
    %dot_general3A = arith.constant dense<0.000000e+00> : vector<1000x128xf32>
    %dot_general3A_5 = tpu.matmul %get3A_1, %get3A_4, %dot_general3A {dimension_numbers = #tpu.dot_dimension_numbers<[1], [0], [0], [1], [0, 0, 1, 1], [], []>, transpose_lhs_hint = false} : vector<1000x128xf32>, vector<128x128xf32>, vector<1000x128xf32> -> vector<1000x128xf32>
    %swap3A = arith.constant 0 : index
    %swap3A_6 = arith.constant 0 : index
    %swap3A_7 = vector.load %arg3[%swap3A, %swap3A_6] : memref<1000x128xf32, #tpu.memory_space<vmem>>, vector<1000x128xf32>
    tpu.vector_store %arg3[%swap3A, %swap3A_6], %dot_general3A_5 {strides = array<i32>} : memref<1000x128xf32, #tpu.memory_space<vmem>>, vector<1000x128xf32>,
    return
  }
  func.func @transform_0(%arg0: i32) -> (i32, i32) {
    %c0_i32 = arith.constant 0 : i32
    %c0_i32_0 = arith.constant 0 : i32
    return %arg0, %c0_i32 : i32, i32
  }
  func.func @transform_1(%arg0: i32) -> (i32, i32) {
    %c0_i32 = arith.constant 0 : i32
    %c0_i32_0 = arith.constant 0 : i32
    %c0_i32_1 = arith.constant 0 : i32
    return %c0_i32, %c0_i32_0 : i32, i32
  }
  func.func @transform_2(%arg0: i32) -> (i32, i32) {
    %c0_i32 = arith.constant 0 : i32
    %c0_i32_0 = arith.constant 0 : i32
    return %arg0, %c0_i32 : i32, i32
  }
}

module attributes {stable_mosaic.version = 14 : i64} {
  func.func @_scale_body(%arg0: i32, %arg1: memref<1000x128xf32, #tpu.memory_space<vmem>>, %arg2: memref<1000x2xf32, #tpu.memory_space<vmem>>, %arg3: memref<1000x128xf32, #tpu.memory_space<vmem>>, %arg4: memref<1000x1xf32, #tpu.memory_space<vmem>>) attributes {dimension_semantics = [#tpu.dimension_semantics<arbitrary>], iteration_bounds = array<i64: 10>, scalar_prefetch = 0 : i64, scratch_operands = 0 : i64, tpu.core_type = #tpu.core_type<tc>, window_params = [{transform_indices = @transform_0, window_bounds = array<i64: 1000, 128>}, {transform_indices = @transform_1, window_bounds = array<i64: 1000, 2>}, {transform_indices = @transform_2, window_bounds = array<i64: 1000, 128>}, {transform_indices = @transform_3, window_bounds = array<i64: 1000, 1>}]} {
    %get3A = arith.constant 0 : index
    %get3A_0 = arith.constant 0 : index
    %get3A_1 = vector.load %arg2[%get3A, %get3A_0] : memref<1000x2xf32, #tpu.memory_space<vmem>>, vector<1000x1xf32>
    %get3A_2 = arith.constant 0 : index
    %get3A_3 = arith.constant 1 : index
    %get3A_4 = vector.load %arg2[%get3A_2, %get3A_3] : memref<1000x2xf32, #tpu.memory_space<vmem>>, vector<1000x1xf32>
    %add3A = arith.addf %get3A_1, %get3A_4 : vector<1000x1xf32>
    %add3A_5 = arith.constant 1.000000e+00 : f32
    %add3A_6 = vector.broadcast %add3A_5 : f32 to vector<1000x1xf32>
    %add3A_7 = arith.addf %add3A, %add3A_6 : vector<1000x1xf32>
    %rsqrt3A = math.rsqrt %add3A_7 : vector<1000x1xf32>
    %get3A_8 = arith.constant 0 : index
    %get3A_9 = arith.constant 0 : index
    %get3A_10 = vector.load %arg1[%get3A_8, %get3A_9] : memref<1000x128xf32, #tpu.memory_space<vmem>>, vector<1000x128xf32>
    %mul3A = vector.broadcast %rsqrt3A : vector<1000x1xf32> to vector<1000x128xf32>
    %mul3A_11 = arith.mulf %get3A_10, %mul3A : vector<1000x128xf32>
    %swap3A = arith.constant 0 : index
    %swap3A_12 = arith.constant 0 : index
    %swap3A_13 = vector.load %arg3[%swap3A, %swap3A_12] : memref<1000x128xf32, #tpu.memory_space<vmem>>, vector<1000x128xf32>
    tpu.vector_store %arg3[%swap3A, %swap3A_12], %mul3A_11 {strides = array<i32>} : memref<1000x128xf32, #tpu.memory_space<vmem>>, vector<1000x128xf32>,
    %swap3A_14 = arith.constant 0 : index
    %swap3A_15 = arith.constant 0 : index
    %swap3A_16 = vector.load %arg4[%swap3A_14, %swap3A_15] : memref<1000x1xf32, #tpu.memory_space<vmem>>, vector<1000x1xf32>
    tpu.vector_store %arg4[%swap3A_14, %swap3A_15], %rsqrt3A {strides = array<i32>} : memref<1000x1xf32, #tpu.memory_space<vmem>>, vector<1000x1xf32>,
    return
  }
  func.func @transform_0(%arg0: i32) -> (i32, i32) {
    %c0_i32 = arith.constant 0 : i32
    %c0_i32_0 = arith.constant 0 : i32
    return %arg0, %c0_i32 : i32, i32
  }
  func.func @transform_1(%arg0: i32) -> (i32, i32) {
    %c0_i32 = arith.constant 0 : i32
    %c0_i32_0 = arith.constant 0 : i32
    return %arg0, %c0_i32 : i32, i32
  }
  func.func @transform_2(%arg0: i32) -> (i32, i32) {
    %c0_i32 = arith.constant 0 : i32
    %c0_i32_0 = arith.constant 0 : i32
    return %arg0, %c0_i32 : i32, i32
  }
  func.func @transform_3(%arg0: i32) -> (i32, i32) {
    %c0_i32 = arith.constant 0 : i32
    %c0_i32_0 = arith.constant 0 : i32
    return %arg0, %c0_i32 : i32, i32
  }
}

module attributes {stable_mosaic.version = 14 : i64} {
  func.func @_mid_body(%arg0: i32, %arg1: memref<1x1000x128xf32, #tpu.memory_space<vmem>>, %arg2: memref<1x1000x128xf32, #tpu.memory_space<vmem>>, %arg3: memref<1000x128xf32, #tpu.memory_space<vmem>>, %arg4: memref<1000x1xf32, #tpu.memory_space<vmem>>, %arg5: memref<1x128xf32, #tpu.memory_space<vmem>>, %arg6: memref<128x128xf32, #tpu.memory_space<vmem>>, %arg7: memref<1000x128xf32, #tpu.memory_space<vmem>>) attributes {dimension_semantics = [#tpu.dimension_semantics<arbitrary>], iteration_bounds = array<i64: 10>, scalar_prefetch = 0 : i64, scratch_operands = 0 : i64, tpu.core_type = #tpu.core_type<tc>, window_params = [{transform_indices = @transform_0, window_bounds = array<i64: 1, 1000, 128>}, {transform_indices = @transform_1, window_bounds = array<i64: 1, 1000, 128>}, {transform_indices = @transform_2, window_bounds = array<i64: 1000, 128>}, {transform_indices = @transform_3, window_bounds = array<i64: 1000, 1>}, {pipeline_mode = #tpu.pipeline_mode<synchronous>, transform_indices = @transform_4, window_bounds = array<i64: 1, 128>}, {pipeline_mode = #tpu.pipeline_mode<synchronous>, transform_indices = @transform_5, window_bounds = array<i64: 128, 128>}, {transform_indices = @transform_6, window_bounds = array<i64: 1000, 128>}]} {
    %get3A = arith.constant 0 : index
    %get3A_0 = arith.constant 0 : index
    %get3A_1 = vector.load %arg4[%get3A, %get3A_0] : memref<1000x1xf32, #tpu.memory_space<vmem>>, vector<1000x1xf32>
    %get3A_2 = arith.constant 0 : index
    %get3A_3 = arith.constant 0 : index
    %get3A_4 = arith.constant 0 : index
    %get3A_5 = vector.load %arg1[%get3A_2, %get3A_3, %get3A_4] : memref<1x1000x128xf32, #tpu.memory_space<vmem>>, vector<1x1000x128xf32>
    %get3A_6 = vector.shape_cast %get3A_5 : vector<1x1000x128xf32> to vector<1000x128xf32>
    %get3A_7 = arith.constant 0 : index
    %get3A_8 = arith.constant 0 : index
    %get3A_9 = arith.constant 0 : index
    %get3A_10 = vector.load %arg2[%get3A_7, %get3A_8, %get3A_9] : memref<1x1000x128xf32, #tpu.memory_space<vmem>>, vector<1x1000x128xf32>
    %get3A_11 = vector.shape_cast %get3A_10 : vector<1x1000x128xf32> to vector<1000x128xf32>
    %add3A = arith.addf %get3A_6, %get3A_11 : vector<1000x128xf32>
    %get3A_12 = arith.constant 0 : index
    %get3A_13 = arith.constant 0 : index
    %get3A_14 = vector.load %arg3[%get3A_12, %get3A_13] : memref<1000x128xf32, #tpu.memory_space<vmem>>, vector<1000x128xf32>
    %add3A_15 = arith.addf %add3A, %get3A_14 : vector<1000x128xf32>
    %mul3A = vector.broadcast %get3A_1 : vector<1000x1xf32> to vector<1000x128xf32>
    %mul3A_16 = arith.mulf %mul3A, %add3A_15 : vector<1000x128xf32>
    %get3A_17 = arith.constant 0 : index
    %get3A_18 = arith.constant 0 : index
    %get3A_19 = vector.load %arg5[%get3A_17, %get3A_18] : memref<1x128xf32, #tpu.memory_space<vmem>>, vector<1x128xf32>
    %add3A_20 = vector.broadcast %get3A_19 : vector<1x128xf32> to vector<1000x128xf32>
    %add3A_21 = arith.addf %mul3A_16, %add3A_20 : vector<1000x128xf32>
    %max3A = arith.constant 0.000000e+00 : f32
    %max3A_22 = vector.broadcast %max3A : f32 to vector<1000x128xf32>
    %max3A_23 = arith.maximumf %add3A_21, %max3A_22 : vector<1000x128xf32>
    %get3A_24 = arith.constant 0 : index
    %get3A_25 = arith.constant 0 : index
    %get3A_26 = vector.load %arg6[%get3A_24, %get3A_25] : memref<128x128xf32, #tpu.memory_space<vmem>>, vector<128x128xf32>
    %dot_general3A = arith.constant dense<0.000000e+00> : vector<1000x128xf32>
    %dot_general3A_27 = tpu.matmul %max3A_23, %get3A_26, %dot_general3A {dimension_numbers = #tpu.dot_dimension_numbers<[1], [0], [0], [1], [0, 0, 1, 1], [], []>, transpose_lhs_hint = false} : vector<1000x128xf32>, vector<128x128xf32>, vector<1000x128xf32> -> vector<1000x128xf32>
    %mul3A_28 = vector.broadcast %get3A_1 : vector<1000x1xf32> to vector<1000x128xf32>
    %mul3A_29 = arith.mulf %mul3A_28, %dot_general3A_27 : vector<1000x128xf32>
    %swap3A = arith.constant 0 : index
    %swap3A_30 = arith.constant 0 : index
    %swap3A_31 = vector.load %arg7[%swap3A, %swap3A_30] : memref<1000x128xf32, #tpu.memory_space<vmem>>, vector<1000x128xf32>
    tpu.vector_store %arg7[%swap3A, %swap3A_30], %mul3A_29 {strides = array<i32>} : memref<1000x128xf32, #tpu.memory_space<vmem>>, vector<1000x128xf32>,
    return
  }
  func.func @transform_0(%arg0: i32) -> (i32, i32, i32) {
    %c0_i32 = arith.constant 0 : i32
    %c0_i32_0 = arith.constant 0 : i32
    %c0_i32_1 = arith.constant 0 : i32
    return %c0_i32, %arg0, %c0_i32_0 : i32, i32, i32
  }
  func.func @transform_1(%arg0: i32) -> (i32, i32, i32) {
    %c1_i32 = arith.constant 1 : i32
    %c0_i32 = arith.constant 0 : i32
    %c0_i32_0 = arith.constant 0 : i32
    return %c1_i32, %arg0, %c0_i32 : i32, i32, i32
  }
  func.func @transform_2(%arg0: i32) -> (i32, i32) {
    %c0_i32 = arith.constant 0 : i32
    %c0_i32_0 = arith.constant 0 : i32
    return %arg0, %c0_i32 : i32, i32
  }
  func.func @transform_3(%arg0: i32) -> (i32, i32) {
    %c0_i32 = arith.constant 0 : i32
    %c0_i32_0 = arith.constant 0 : i32
    return %arg0, %c0_i32 : i32, i32
  }
  func.func @transform_4(%arg0: i32) -> (i32, i32) {
    %c0_i32 = arith.constant 0 : i32
    %c0_i32_0 = arith.constant 0 : i32
    %c0_i32_1 = arith.constant 0 : i32
    return %c0_i32, %c0_i32_0 : i32, i32
  }
  func.func @transform_5(%arg0: i32) -> (i32, i32) {
    %c0_i32 = arith.constant 0 : i32
    %c0_i32_0 = arith.constant 0 : i32
    %c0_i32_1 = arith.constant 0 : i32
    return %c0_i32, %c0_i32_0 : i32, i32
  }
  func.func @transform_6(%arg0: i32) -> (i32, i32) {
    %c0_i32 = arith.constant 0 : i32
    %c0_i32_0 = arith.constant 0 : i32
    return %arg0, %c0_i32 : i32, i32
  }
}

module attributes {stable_mosaic.version = 14 : i64} {
  func.func @_post_body(%arg0: i32, %arg1: memref<1x1000x128xf32, #tpu.memory_space<vmem>>, %arg2: memref<1x1000x128xf32, #tpu.memory_space<vmem>>, %arg3: memref<1000x128xf32, #tpu.memory_space<vmem>>, %arg4: memref<1000x1xf32, #tpu.memory_space<vmem>>, %arg5: memref<1x128xf32, #tpu.memory_space<vmem>>, %arg6: memref<1000x128xf32, #tpu.memory_space<vmem>>, %arg7: memref<1000x128xf32, #tpu.memory_space<vmem>>) attributes {dimension_semantics = [#tpu.dimension_semantics<arbitrary>], iteration_bounds = array<i64: 10>, scalar_prefetch = 0 : i64, scratch_operands = 0 : i64, tpu.core_type = #tpu.core_type<tc>, window_params = [{transform_indices = @transform_0, window_bounds = array<i64: 1, 1000, 128>}, {transform_indices = @transform_1, window_bounds = array<i64: 1, 1000, 128>}, {transform_indices = @transform_2, window_bounds = array<i64: 1000, 128>}, {transform_indices = @transform_3, window_bounds = array<i64: 1000, 1>}, {pipeline_mode = #tpu.pipeline_mode<synchronous>, transform_indices = @transform_4, window_bounds = array<i64: 1, 128>}, {transform_indices = @transform_5, window_bounds = array<i64: 1000, 128>}, {transform_indices = @transform_6, window_bounds = array<i64: 1000, 128>}]} {
    %get3A = arith.constant 0 : index
    %get3A_0 = arith.constant 0 : index
    %get3A_1 = vector.load %arg4[%get3A, %get3A_0] : memref<1000x1xf32, #tpu.memory_space<vmem>>, vector<1000x1xf32>
    %get3A_2 = arith.constant 0 : index
    %get3A_3 = arith.constant 0 : index
    %get3A_4 = arith.constant 0 : index
    %get3A_5 = vector.load %arg1[%get3A_2, %get3A_3, %get3A_4] : memref<1x1000x128xf32, #tpu.memory_space<vmem>>, vector<1x1000x128xf32>
    %get3A_6 = vector.shape_cast %get3A_5 : vector<1x1000x128xf32> to vector<1000x128xf32>
    %get3A_7 = arith.constant 0 : index
    %get3A_8 = arith.constant 0 : index
    %get3A_9 = arith.constant 0 : index
    %get3A_10 = vector.load %arg2[%get3A_7, %get3A_8, %get3A_9] : memref<1x1000x128xf32, #tpu.memory_space<vmem>>, vector<1x1000x128xf32>
    %get3A_11 = vector.shape_cast %get3A_10 : vector<1x1000x128xf32> to vector<1000x128xf32>
    %add3A = arith.addf %get3A_6, %get3A_11 : vector<1000x128xf32>
    %get3A_12 = arith.constant 0 : index
    %get3A_13 = arith.constant 0 : index
    %get3A_14 = vector.load %arg3[%get3A_12, %get3A_13] : memref<1000x128xf32, #tpu.memory_space<vmem>>, vector<1000x128xf32>
    %add3A_15 = arith.addf %add3A, %get3A_14 : vector<1000x128xf32>
    %mul3A = vector.broadcast %get3A_1 : vector<1000x1xf32> to vector<1000x128xf32>
    %mul3A_16 = arith.mulf %mul3A, %add3A_15 : vector<1000x128xf32>
    %get3A_17 = arith.constant 0 : index
    %get3A_18 = arith.constant 0 : index
    %get3A_19 = vector.load %arg5[%get3A_17, %get3A_18] : memref<1x128xf32, #tpu.memory_space<vmem>>, vector<1x128xf32>
    %add3A_20 = vector.broadcast %get3A_19 : vector<1x128xf32> to vector<1000x128xf32>
    %add3A_21 = arith.addf %mul3A_16, %add3A_20 : vector<1000x128xf32>
    %get3A_22 = arith.constant 0 : index
    %get3A_23 = arith.constant 0 : index
    %get3A_24 = vector.load %arg6[%get3A_22, %get3A_23] : memref<1000x128xf32, #tpu.memory_space<vmem>>, vector<1000x128xf32>
    %add3A_25 = arith.addf %add3A_21, %get3A_24 : vector<1000x128xf32>
    %swap3A = arith.constant 0 : index
    %swap3A_26 = arith.constant 0 : index
    %swap3A_27 = vector.load %arg7[%swap3A, %swap3A_26] : memref<1000x128xf32, #tpu.memory_space<vmem>>, vector<1000x128xf32>
    tpu.vector_store %arg7[%swap3A, %swap3A_26], %add3A_25 {strides = array<i32>} : memref<1000x128xf32, #tpu.memory_space<vmem>>, vector<1000x128xf32>,
    return
  }
  func.func @transform_0(%arg0: i32) -> (i32, i32, i32) {
    %c0_i32 = arith.constant 0 : i32
    %c0_i32_0 = arith.constant 0 : i32
    %c0_i32_1 = arith.constant 0 : i32
    return %c0_i32, %arg0, %c0_i32_0 : i32, i32, i32
  }
  func.func @transform_1(%arg0: i32) -> (i32, i32, i32) {
    %c1_i32 = arith.constant 1 : i32
    %c0_i32 = arith.constant 0 : i32
    %c0_i32_0 = arith.constant 0 : i32
    return %c1_i32, %arg0, %c0_i32 : i32, i32, i32
  }
  func.func @transform_2(%arg0: i32) -> (i32, i32) {
    %c0_i32 = arith.constant 0 : i32
    %c0_i32_0 = arith.constant 0 : i32
    return %arg0, %c0_i32 : i32, i32
  }
  func.func @transform_3(%arg0: i32) -> (i32, i32) {
    %c0_i32 = arith.constant 0 : i32
    %c0_i32_0 = arith.constant 0 : i32
    return %arg0, %c0_i32 : i32, i32
  }
  func.func @transform_4(%arg0: i32) -> (i32, i32) {
    %c0_i32 = arith.constant 0 : i32
    %c0_i32_0 = arith.constant 0 : i32
    %c0_i32_1 = arith.constant 0 : i32
    return %c0_i32, %c0_i32_0 : i32, i32
  }
  func.func @transform_5(%arg0: i32) -> (i32, i32) {
    %c0_i32 = arith.constant 0 : i32
    %c0_i32_0 = arith.constant 0 : i32
    return %arg0, %c0_i32 : i32, i32
  }
  func.func @transform_6(%arg0: i32) -> (i32, i32) {
    %c0_i32 = arith.constant 0 : i32
    %c0_i32_0 = arith.constant 0 : i32
    return %arg0, %c0_i32 : i32, i32
  }
}

</mosaic_0001>

<sc_bundles>
// kernel: kernel.11.cloned.1.call-start
scs
__scs_entry_jumppad:
0x0: {  	(pc) =	sbr.rel $0x88, $3  }
0x1: {  	(tag) =	ssettag $0x0;
	lr =	simm.s32 $0x1  }
0x2: {  	[smem:$0x3F99] =	sst lr;
	_ =	strace $0xD0000000  }
0x3: {  	_ = 	snop  }
0x4: {  	_ = 	snop  }
0x5: {  	_ = 	snop  }
0x6: {  	_ = 	snop  }
0x7: {  	_ = 	snop  }
__scs_overlays_trampoline_lowered:
0x8: {  	[smem:$0x3FA8] =	sst s0  }
0x9: {  	[smem:$0x3FA9] =	sst s1  }
0xa: {  	[smem:$0x3FAA] =	sst s2  }
0xb: {  	[smem:$0x3FAB] =	sst s3  }
0xc: {  	[smem:$0x3FAC] =	sst s4  }
0xd: {  	[smem:$0x3FAD] =	sst s5  }
0xe: {  	[smem:$0x3FAE] =	sst s6  }
0xf: {  	[smem:$0x3FAF] =	sst s7  }
0x10: {  	[smem:$0x3FB0] =	sst s8  }
0x11: {  	[smem:$0x3FB1] =	sst s9;
	s0 =	simm.s32 @!p0 $0x0  }
0x12: {  	s1 =	sld [smem:$0x3F97];
	s0 =	simm.s32 @p0 $0x1  }
0x13: {  	[smem:$0x3FB2] =	sst s0;
	s0 =	simm.s32 @!p1 $0x0  }
0x14: {  	s2 =	sld [smem:$0x3F96];
	s0 =	simm.s32 @p1 $0x1  }
0x15: {  	[smem:$0x3FB3] =	sst s0;
	s0 =	simm.s32 @!p2 $0x0  }
0x16: {  	s3 =	sld [smem:$0x3FDB];
	s0 =	simm.s32 @p2 $0x1  }
0x17: {  	s4 =	simm.s32 $0x1BF5;
	[smem:$0x3FB5] =	sst s0  }
0x18: {  	s0 =	sld [smem:$0x3F98];
	_ =	swait.ge [sflag:s4], $0x0  }
0x19: {  	s7 =	sld [smem:$0x3F99]  }
0x1a: {  	s8 =	sadd.s32 $0xFFFFE003, lr  }
0x1b: {  	s9 =	sadd.s32 $0xFFFFFEF7, lr;
	s5 =	simm.s32 $0xFFFFFFFF;
	p2 =	slt.u32 s8, $0xFFFFF086  }
0x1c: {  	p1 =	slt.u32 s9, $0xF7A;
	s5 =	simm.s32 @!p2 $0x0  }
0x1d: {  	s5 =	simm.s32 @p1 $0x1;
	p0 =	seq.s32 s7, s2  }
0x1e: {  	s7 =	smul.u32 @!p0 $0xF7A, s2;
	p2 =	seq.s32 @!p0 s5, $0x0  }
0x1f: {  	s9 =	smul.u32 $0xF7A, s1;
	s8 =	simm.s32 @!p0 $0x1BF5;
	p2 =	por !p2, p0  }
0x20: {  	[sflag:s8] =	ssyncset.s32 @!p0 $0xFFFFF086;
	s6 =	sadd.s32 @!p0 s3, s7;
	s7 =	simm.s32 @!p0 $0x108  }
0x21: {  	s3 =	sadd.s32 s3, s9;
	s6 =	sadd.s32 @!p0 $0x88, s6;
	s7 =	simm.s32 @p2 $0x1082  }
0x22: {  	[simem:s7], [sflag:s8] =	dma.local @!p0 [hbm:s6], $0xF7A  }
0x23: {  	s9 =	sor.u32 $0xD0000000, s2;
	s6 =	simm.s32 $0x108;
	_ =	swait.ge @!p0 [sflag:s8], $0x0  }
0x24: {  	s3 =	sadd.s32 $0x88, s3;
	s6 =	simm.s32 @!p1 $0x1082;
	[sflag:s4] =	ssyncset.s32 $0xFFFFF086  }
0x25: {  	[simem:s6], [sflag:s4] =	dma.local [hbm:s3], $0xF7A  }
0x26: {  	[smem:$0x3F99] =	sst s1;
	(tag) =	ssettag s2;
	_ =	strace s9  }
0x27: {  	s1 =	sld [smem:$0x3FA9]  }
0x28: {  	s2 =	sld [smem:$0x3FAA]  }
0x29: {  	s4 =	sld [smem:$0x3FAC]  }
0x2a: {  	p0 =	seq.s32 s5, $0x0;
	s5 =	sld [smem:$0x3FAD]  }
0x2b: {  	s6 =	sld [smem:$0x3FAE]  }
0x2c: {  	s7 =	sld [smem:$0x3FAF]  }
0x2d: {  	s3 =	simm.s32 $0x108;
	s8 =	sld [smem:$0x3FB0]  }
0x2e: {  	s3 =	simm.s32 @!p0 $0x1082;
	s9 =	sld [smem:$0x3FB1]  }
0x2f: {  	lr =	sadd.s32 s0, s3;
	s0 =	sld [smem:$0x3FA8]  }
0x30: {  	s3 =	sld [smem:$0x3FAB]  }
0x31: {  	[smem:$0x3FB4] =	sst s10  }
0x32: {  	s10 =	sld [smem:$0x3FB2];
	_ =	sdelay $0x3  }
0x33: {  	p0 =	seq.s32 s10, $0x1;
	s10 =	sld [smem:$0x3FB4];
	_ =	sdelay $0x3  }
0x34: {  	[smem:$0x3FB4] =	sst s10  }
0x35: {  	s10 =	sld [smem:$0x3FB3];
	_ =	sdelay $0x3  }
0x36: {  	p1 =	seq.s32 s10, $0x1;
	s10 =	sld [smem:$0x3FB4];
	_ =	sdelay $0x3  }
0x37: {  	[smem:$0x3FB4] =	sst s10  }
0x38: {  	s10 =	sld [smem:$0x3FB5]  }
0x39: {  	_ = 	snop;
	(pc) =	sbr.ind lr, $3  }
0x3a: {  	_ = 	snop  }
0x3b: {  	_ = 	snop  }
0x3c: {  	p2 =	seq.s32 s10, $0x1;
	s10 =	sld [smem:$0x3FB4]  }
0x3d: {  	_ =	shalt  }
0x3e: {  	_ =	shalt  }
0x3f: {  	_ =	shalt  }
0x40: {  	_ =	shalt  }
0x41: {  	_ =	shalt  }
0x42: {  	_ =	shalt  }
0x43: {  	_ =	shalt  }
0x44: {  	_ =	shalt  }
0x45: {  	_ =	shalt  }
0x46: {  	_ =	shalt  }
0x47: {  	_ =	shalt  }
0x48: {  	_ =	shalt  }
0x49: {  	_ =	shalt  }
0x4a: {  	_ =	shalt  }
0x4b: {  	_ =	shalt  }
0x4c: {  	_ =	shalt  }
0x4d: {  	_ =	shalt  }
0x4e: {  	_ =	shalt  }
0x4f: {  	_ =	shalt  }
0x50: {  	_ =	shalt  }
0x51: {  	_ =	shalt  }
0x52: {  	_ =	shalt  }
0x53: {  	_ =	shalt  }
0x54: {  	_ =	shalt  }
0x55: {  	_ =	shalt  }
0x56: {  	_ =	shalt  }
0x57: {  	_ =	shalt  }
0x58: {  	_ =	shalt  }
0x59: {  	_ =	shalt  }
0x5a: {  	_ =	shalt  }
0x5b: {  	_ =	shalt  }
0x5c: {  	_ =	shalt  }
0x5d: {  	_ =	shalt  }
0x5e: {  	_ =	shalt  }
0x5f: {  	_ =	shalt  }
0x60: {  	_ =	shalt  }
0x61: {  	_ =	shalt  }
0x62: {  	_ =	shalt  }
0x63: {  	_ =	shalt  }
0x64: {  	_ =	shalt  }
0x65: {  	_ =	shalt  }
0x66: {  	_ =	shalt  }
0x67: {  	_ =	shalt  }
0x68: {  	_ =	shalt  }
0x69: {  	_ =	shalt  }
0x6a: {  	_ =	shalt  }
0x6b: {  	_ =	shalt  }
0x6c: {  	_ =	shalt  }
0x6d: {  	_ =	shalt  }
0x6e: {  	_ =	shalt  }
0x6f: {  	_ =	shalt  }
0x70: {  	_ =	shalt  }
0x71: {  	_ =	shalt  }
0x72: {  	_ =	shalt  }
0x73: {  	_ =	shalt  }
0x74: {  	_ =	shalt  }
0x75: {  	_ =	shalt  }
0x76: {  	_ =	shalt  }
0x77: {  	_ =	shalt  }
0x78: {  	_ =	shalt  }
0x79: {  	_ =	shalt  }
0x7a: {  	_ =	shalt  }
0x7b: {  	_ =	shalt  }
0x7c: {  	_ =	shalt  }
0x7d: {  	_ =	shalt  }
0x7e: {  	_ =	shalt  }
0x7f: {  	_ =	shalt  }
0x80: {  	_ =	shalt  }
0x81: {  	_ =	shalt  }
0x82: {  	_ =	shalt  }
0x83: {  	_ =	shalt  }
0x84: {  	_ =	shalt  }
0x85: {  	_ =	shalt  }
0x86: {  	_ =	shalt  }
0x87: {  	_ =	shalt  }
.Lfunc_end0:
.L_simem_size_0:
called_computation_lowered:
.L_overlay_start_0:
0x88: {  	s2 =	sld [smem:$0x3FD9]  }
0x89: {  	s3 =	sld [smem:$0x3FFE];
	_ =	sdelay $0x1  }
0x8a: {  	s1 =	srdreg.scid  }
0x8b: {  	s0 =	sand.u32 $0x1, s1  }
0x8c: {  	s14 =	sshll.u32 s0, $0xA;
	s2 =	sadd.s32 s3, s2  }
0x8d: {  	s2 =	sadd.s32 s2, s14  }
0x8e: {  	[smem:$0x3FC0] =	sst s2  }
0x8f: {  	_ = 	snop  }
0x90: {  	s2 =	sld [smem:$0x3FD0];
	_ =	sdelay $0x2  }
0x91: {  	s15 =	simm.s32 $0xA;
	s4 =	simm.s32 $0x10  }
0x92: {  	[smem:s4], [sflag:s15] =	dma.local [hbm:s2], $0x1  }
0x93: {  	_ =	swait.eq [sflag:s15], $0x1  }
0x94: {  	[sflag:s15] =	ssyncset.done $0x0  }
0x95: {  	s16 =	sld [smem:$0x10];
	[sflag:s15] =	ssyncadd.s32 $0xFFFFFFFF  }
0x96: {  	s17 =	sld [smem:$0x11];
	(tm) =	ssettm $0x1  }
0x97: {  	s18 =	sld [smem:$0x3FFB];
	_ =	sdelay $0x3  }
0x98: {  	_ =	strace s18  }
0x99: {  	s4 =	sld [smem:$0x3FFC];
	_ =	sdelay $0x3  }
0x9a: {  	_ =	strace s4  }
0x9b: {  	s4 =	sld [smem:$0x3FFD];
	_ =	sdelay $0x3  }
0x9c: {  	_ =	strace s4  }
0x9d: {  	_ =	strace $0x8FFFFFFF  }
0x9e: {  	s19 =	sld [smem:$0x3FDB];
	_ =	sdelay $0x1  }
0x9f: {  	s5 =	simm.s32 $_scs_section_size  }
0xa0: {  	s6 =	simm.s32 $_size__tile_overlayer_lowered;
	s7 =	simm.s32 $_tile_overlayer_lowered  }
0xa1: {  	s22 =	simm.s32 $0x1BFF;
	s21 =	sshll.u32 s7, $0x1;
	s4 =	sadd.s32 s5, s19  }
0xa2: {  	s8 =	simm.s32 $0x0;
	s20 =	sshll.u32 s6, $0x1;
	s6 =	sadd.s32 s21, s4  }
0xa3: {  	[timem:s8], [sflag:s22] =	dma.local [hbm:s6], s20  }
0xa4: {  	_ =	swait.ge [sflag:s22], s20  }
0xa5: {  	s5 =	ssub.s32 $0x0, s20;
	[sflag:s22] =	ssyncset.done $0x0  }
0xa6: {  	[sflag:s22] =	ssyncadd.s32 s5;
	_ =	sdelay $0x1  }
0xa7: {  	s23 =	simm.s32 $0x1B8B  }
0xa8: {  	_ =	swait.ge [sflag:s23], $0x1  }
0xa9: {  	[sflag:s23] =	ssyncset.done $0x0  }
0xaa: {  	s25 =	simm.s32 $0x1B8E;
	s24 =	sld [smem:$0x3FFE];
	[sflag:s23] =	ssyncadd.s32 $0xFFFFFFFF  }
0xab: {  	s26 =	simm.s32 $execute0_lowered;
	[smem:$0x3FD2] =	sst s25  }
0xac: {  	s6 =	sshll.u32 s26, $0x1;
	_ =	strace $0x80000046;
	[dreg:$0x1] =	wrdreg $0xFFFFFFFF  }
0xad: {  	s28 =	simm.s32 $_size_execute0_lowered;
	s4 =	sadd.s32 s4, s6;
	[dreg:$0x0] =	wrdreg $0x0  }
0xae: {  	s6 =	sshll.u32 s28, $0x1;
	[dreg:$0x2] =	wrdreg s4  }
0xaf: {  	[dreg:$0x3] =	wrdreg s6  }
0xb0: {  	[dreg:$0x4] =	wrdreg $0xC0  }
0xb1: {  	_ =	task [dreg:s8], $0x5FFFF  }
0xb2: {  	[dreg:$0x1] =	wrdreg $0xFFFFFFFF  }
0xb3: {  	[dreg:$0x0] =	wrdreg $0x60  }
0xb4: {  	[dreg:$0x2] =	wrdreg s16  }
0xb5: {  	[dreg:$0x3] =	wrdreg s24  }
0xb6: {  	[dreg:$0x4] =	wrdreg s17  }
0xb7: {  	[dreg:$0x5] =	wrdreg $0x4800  }
0xb8: {  	[dreg:$0x6] =	wrdreg $0x9  }
0xb9: {  	_ =	task.clear_ibuf [dreg:s8], $0x7FFFF;
	_ =	strace $0x90000046  }
0xba: {  	s29 =	simm.s32 $0x9;
	_ =	strace $0x80000048  }
0xbb: {  	_ =	swait.ge [sflag:s29], $0x1  }
0xbc: {  	[sflag:s29] =	ssyncadd.s32 $0xFFFFFFFF  }
0xbd: {  	_ =	strace $0x90000048  }
0xbe: {  	_ =	sfence  }
0xbf: {  	s30 =	sld [smem:$0x0];
	_ =	sdelay $0x2  }
0xc0: {  	s31 =	sshll.u32 s1, $0xD;
	s1 =	sshrl.u32 s1, $0x2  }
0xc1: {  	s3 =	sand.u32 $0x4000, s31;
	s1 =	sadd.s32 s1, s30  }
0xc2: {  	s0 =	sor.u32 s3, s0;
	s1 =	sshll.u32 s1, $0x11  }
0xc3: {  	s0 =	sor.u32 s1, s0  }
0xc4: {  	s0 =	sadd.s32 $0x8F2B, s0  }
0xc5: {  	[sflag:s0] =	ssyncadd.remote.s32 $0x1  }
0xc6: {  	_ =	sfence.sel $0xFFFF  }
0xc7: {  	[dreg:$0x0] =	wrdreg $0xFFFFFFFF;
	(pc) =	sbr.abs _section_cstart, $3  }
0xc8: {  	[dreg:$0x1] =	wrdreg $0xFFFFFFFF  }
0xc9: {  	_ =	task.clear_ibuf [dreg:s8], $0x2FFFF;
	_ =	strace $0x9FFFFFFF  }
0xca: {  	(tm) =	ssettm $0x7FFFFFFF  }
0xcb: {  	_ =	shalt  }
tec
execute0_lowered:
.L_overlay_start_1:
0x0: {  	(tag) =	ssettag $0x1  }
0x1: {  	s6 =	rddreg [dreg:$0x0]  }
0x2: {  	s3 =	rddreg [dreg:$0x1]  }
0x3: {  	s4 =	rddreg [dreg:$0x2]  }
0x4: {  	s1 =	rddreg [dreg:$0x3]  }
0x5: {  	s0 =	rddreg [dreg:$0x4];
	s2 =	simm.s32 $0x0;
	s5 =	srdreg.scid  }
0x6: {  	s7 =	stileid.u32;
	s12 =	simm.s32 $0x180;
	s13 =	simm.s32 $0x200  }
0x7: {  	s14 =	simm.s32 $0x280;
	s15 =	simm.s32 $0x300;
	s16 =	simm.s32 $0x380  }
0x8: {  	s17 =	simm.s32 $0x0;
	[smem:$0x7FF] =	sst s2;
	s5 =	sand.u32 $0x1, s5  }
0x9: {  	s3 =	sadd.s32 $0xCC00, s3;
	s31 =	smul.u32 $0x500, s7;
	p0 =	sne.s32 s7, $0x0  }
0xa: {  	_ =	strace $0x80000047;
	s8 =	ssub.s32 $0x2, s5;
	s10 =	sshll.u32 s5, $0x4  }
0xb: {  	s11 =	smul.u32 $0x5000, s5;
	s7 =	sshrl.u32 @!p0 s1, $0x3;
	s9 =	sshrl.u32 s8, $0x1  }
0xc: {  	s4 =	sadd.s32 s4, s10;
	s10 =	simm.s32 $0x400;
	s30 =	ssub.s32 s8, s9  }
0xd: {  	s6 =	sadd.s32 s11, s6;
	s8 =	simm.s32 $0x1;
	s9 =	simm.s32 $0x80  }
0xe: {  	v0 =	vimm.f32 $1.000000000e+00;
	s11 =	simm.s32 $0x100;
	s5 =	smax.u32 s30, $0x1;
	s6 =	sadd.s32 s31, s6  }
.LBB2_1:
0xf: {  	[tilespmem:$0x400] =	vst v0  }
0x10: {  	[tilespmem:$0x410] =	vst v0  }
0x11: {  	[tilespmem:$0x420] =	vst v0  }
0x12: {  	[tilespmem:$0x430] =	vst v0  }
0x13: {  	[tilespmem:$0x440] =	vst v0  }
0x14: {  	[tilespmem:$0x450] =	vst v0  }
0x15: {  	[tilespmem:$0x460] =	vst v0  }
0x16: {  	[tilespmem:$0x470] =	vst v0;
	s18 =	simm.s32 @!p0 $0x1C01  }
0x17: {  	[spmem:s7], [sflag:s18] =	dma.local @!p0 [hbm:s3], $0x4F0  }
0x18: {  	s18 =	simm.s32 @!p0 $0x1  }
0x19: {  	_ =	swait.ge @!p0 [sflag:s18], $0x4F0  }
0x1a: {  	[sflag:s18] =	ssyncset.done @!p0 $0x0  }
0x1b: {  	[sflag:s18] =	ssyncadd.s32 @!p0 $0xFFFFFB10  }
0x1c: {  	s31 =	sadd.s32 $0x0, s6;
	[bflag:$0x0] =	sbarrier.arrive $0xFFFF  }
0x1d: {  	[tilespmem:s2], [sflag:$0x1] =	stream.linear.gather [hbm4b:s31+s2], $0x400, $0x38;
	[tilespmem:$0x6F8] =	vst v63  }
0x1e: {  	_ =	swait.ge [sflag:s8], $0x400  }
0x1f: {  	[sflag:s8] =	ssyncset.done $0x0  }
0x20: {  	[sflag:s8] =	ssyncadd.s32 $0xFFFFFC00  }
0x21: {  	[spmem:s1] =	stream.indirect.scatter.add.f32 [tilespmem:s10], [sflag:$0x1], $0x1, s2, s9, $0xb8;
	[tilespmem:$0x6F8] =	vst v63  }
0x22: {  	_ =	swait.ge [sflag:s8], $0x80  }
0x23: {  	[sflag:s8] =	ssyncset.done $0x0  }
0x24: {  	[sflag:s8] =	ssyncadd.s32 $0xFFFFFF80  }
0x25: {  	[spmem:s1] =	stream.indirect.scatter.add.f32 [tilespmem:s10], [sflag:$0x1], $0x1, s9, s9, $0xb8;
	[tilespmem:$0x6F8] =	vst v63  }
0x26: {  	_ =	swait.ge [sflag:s8], $0x80  }
0x27: {  	[sflag:s8] =	ssyncset.done $0x0  }
0x28: {  	[sflag:s8] =	ssyncadd.s32 $0xFFFFFF80  }
0x29: {  	[spmem:s1] =	stream.indirect.scatter.add.f32 [tilespmem:s10], [sflag:$0x1], $0x1, s11, s9, $0xb8;
	[tilespmem:$0x6F8] =	vst v63  }
0x2a: {  	_ =	swait.ge [sflag:s8], $0x80  }
0x2b: {  	[sflag:s8] =	ssyncset.done $0x0  }
0x2c: {  	[sflag:s8] =	ssyncadd.s32 $0xFFFFFF80  }
0x2d: {  	[spmem:s1] =	stream.indirect.scatter.add.f32 [tilespmem:s10], [sflag:$0x1], $0x1, s12, s9, $0xb8;
	[tilespmem:$0x6F8] =	vst v63  }
0x2e: {  	_ =	swait.ge [sflag:s8], $0x80  }
0x2f: {  	[sflag:s8] =	ssyncset.done $0x0  }
0x30: {  	[sflag:s8] =	ssyncadd.s32 $0xFFFFFF80  }
0x31: {  	[spmem:s1] =	stream.indirect.scatter.add.f32 [tilespmem:s10], [sflag:$0x1], $0x1, s13, s9, $0xb8;
	[tilespmem:$0x6F8] =	vst v63  }
0x32: {  	_ =	swait.ge [sflag:s8], $0x80  }
0x33: {  	[sflag:s8] =	ssyncset.done $0x0  }
0x34: {  	[sflag:s8] =	ssyncadd.s32 $0xFFFFFF80  }
0x35: {  	[spmem:s1] =	stream.indirect.scatter.add.f32 [tilespmem:s10], [sflag:$0x1], $0x1, s14, s9, $0xb8;
	[tilespmem:$0x6F8] =	vst v63  }
0x36: {  	_ =	swait.ge [sflag:s8], $0x80  }
0x37: {  	[sflag:s8] =	ssyncset.done $0x0  }
0x38: {  	[sflag:s8] =	ssyncadd.s32 $0xFFFFFF80  }
0x39: {  	[spmem:s1] =	stream.indirect.scatter.add.f32 [tilespmem:s10], [sflag:$0x1], $0x1, s15, s9, $0xb8;
	[tilespmem:$0x6F8] =	vst v63  }
0x3a: {  	_ =	swait.ge [sflag:s8], $0x80  }
0x3b: {  	[sflag:s8] =	ssyncset.done $0x0  }
0x3c: {  	[sflag:s8] =	ssyncadd.s32 $0xFFFFFF80  }
0x3d: {  	[spmem:s1] =	stream.indirect.scatter.add.f32 [tilespmem:s10], [sflag:$0x1], $0x1, s16, s9, $0xb8;
	[tilespmem:$0x6F8] =	vst v63  }
0x3e: {  	_ =	swait.ge [sflag:s8], $0x80  }
0x3f: {  	s20 =	simm.s32 $0x100;
	s18 =	simm.s32 $0x80;
	[sflag:s8] =	ssyncset.done $0x0  }
.LBB2_2:
0x40: {  	s21 =	sadd.s32 s18, s6  }
0x41: {  	[sflag:s8] =	ssyncadd.s32 $0xFFFFFF80;
	s18 =	smov.u32 s20;
	s19 =	sadd.s32 $0x80, s20  }
0x42: {  	[tilespmem:s2], [sflag:$0x1] =	stream.linear.gather [hbm4b:s21+s2], $0x400, $0x38;
	[tilespmem:$0x6F8] =	vst v63  }
0x43: {  	p1 =	sne.s32 s20, $0x480;
	_ =	swait.ge [sflag:s8], $0x400  }
0x44: {  	[sflag:s8] =	ssyncset.done $0x0  }
0x45: {  	[sflag:s8] =	ssyncadd.s32 $0xFFFFFC00  }
0x46: {  	[spmem:s1] =	stream.indirect.scatter.add.f32 [tilespmem:s10], [sflag:$0x1], $0x1, s2, s9, $0xb8;
	[tilespmem:$0x6F8] =	vst v63  }
0x47: {  	_ =	swait.ge [sflag:s8], $0x80  }
0x48: {  	[sflag:s8] =	ssyncset.done $0x0  }
0x49: {  	[sflag:s8] =	ssyncadd.s32 $0xFFFFFF80  }
0x4a: {  	[spmem:s1] =	stream.indirect.scatter.add.f32 [tilespmem:s10], [sflag:$0x1], $0x1, s9, s9, $0xb8;
	[tilespmem:$0x6F8] =	vst v63  }
0x4b: {  	_ =	swait.ge [sflag:s8], $0x80  }
0x4c: {  	[sflag:s8] =	ssyncset.done $0x0  }
0x4d: {  	[sflag:s8] =	ssyncadd.s32 $0xFFFFFF80  }
0x4e: {  	[spmem:s1] =	stream.indirect.scatter.add.f32 [tilespmem:s10], [sflag:$0x1], $0x1, s11, s9, $0xb8;
	[tilespmem:$0x6F8] =	vst v63  }
0x4f: {  	_ =	swait.ge [sflag:s8], $0x80  }
0x50: {  	[sflag:s8] =	ssyncset.done $0x0  }
0x51: {  	[sflag:s8] =	ssyncadd.s32 $0xFFFFFF80  }
0x52: {  	[spmem:s1] =	stream.indirect.scatter.add.f32 [tilespmem:s10], [sflag:$0x1], $0x1, s12, s9, $0xb8;
	[tilespmem:$0x6F8] =	vst v63  }
0x53: {  	_ =	swait.ge [sflag:s8], $0x80  }
0x54: {  	[sflag:s8] =	ssyncset.done $0x0  }
0x55: {  	[sflag:s8] =	ssyncadd.s32 $0xFFFFFF80  }
0x56: {  	[spmem:s1] =	stream.indirect.scatter.add.f32 [tilespmem:s10], [sflag:$0x1], $0x1, s13, s9, $0xb8;
	[tilespmem:$0x6F8] =	vst v63  }
0x57: {  	_ =	swait.ge [sflag:s8], $0x80  }
0x58: {  	[sflag:s8] =	ssyncset.done $0x0  }
0x59: {  	[sflag:s8] =	ssyncadd.s32 $0xFFFFFF80  }
0x5a: {  	[spmem:s1] =	stream.indirect.scatter.add.f32 [tilespmem:s10], [sflag:$0x1], $0x1, s14, s9, $0xb8;
	[tilespmem:$0x6F8] =	vst v63  }
0x5b: {  	_ =	swait.ge [sflag:s8], $0x80  }
0x5c: {  	[sflag:s8] =	ssyncset.done $0x0  }
0x5d: {  	[sflag:s8] =	ssyncadd.s32 $0xFFFFFF80  }
0x5e: {  	[spmem:s1] =	stream.indirect.scatter.add.f32 [tilespmem:s10], [sflag:$0x1], $0x1, s15, s9, $0xb8;
	[tilespmem:$0x6F8] =	vst v63  }
0x5f: {  	_ =	swait.ge [sflag:s8], $0x80  }
.Ltmp0:
0x60: {  	[sflag:s8] =	ssyncset.done $0x0;
	(pc) =	sbr.rel @p1 .LBB2_2-.Ltmp0, $4  }
0x61: {  	[sflag:s8] =	ssyncadd.s32 $0xFFFFFF80  }
0x62: {  	[spmem:s1] =	stream.indirect.scatter.add.f32 [tilespmem:s10], [sflag:$0x1], $0x1, s16, s9, $0xb8;
	[tilespmem:$0x6F8] =	vst v63  }
0x63: {  	_ =	swait.ge [sflag:s8], $0x80  }
0x64: {  	s20 =	smov.u32 s19;
	[sflag:s8] =	ssyncset.done $0x0  }
0x65: {  	s18 =	sadd.s32 s18, s6;
	[sflag:s8] =	ssyncadd.s32 $0xFFFFFF80  }
0x66: {  	[tilespmem:s2], [sflag:$0x1] =	stream.linear.gather [hbm4b:s18+s2], $0x400, $0x38;
	[tilespmem:$0x6F8] =	vst v63  }
0x67: {  	_ =	swait.ge [sflag:s8], $0x400  }
0x68: {  	[sflag:s8] =	ssyncset.done $0x0  }
0x69: {  	[sflag:s8] =	ssyncadd.s32 $0xFFFFFC00  }
0x6a: {  	[spmem:s1] =	stream.indirect.scatter.add.f32 [tilespmem:s10], [sflag:$0x1], $0x1, s2, s9, $0xb8;
	[tilespmem:$0x6F8] =	vst v63  }
0x6b: {  	_ =	swait.ge [sflag:s8], $0x80  }
0x6c: {  	[sflag:s8] =	ssyncset.done $0x0  }
0x6d: {  	[sflag:s8] =	ssyncadd.s32 $0xFFFFFF80  }
0x6e: {  	[spmem:s1] =	stream.indirect.scatter.add.f32 [tilespmem:s10], [sflag:$0x1], $0x1, s9, s9, $0xb8;
	[tilespmem:$0x6F8] =	vst v63  }
0x6f: {  	_ =	swait.ge [sflag:s8], $0x80  }
0x70: {  	[sflag:s8] =	ssyncset.done $0x0  }
0x71: {  	[sflag:s8] =	ssyncadd.s32 $0xFFFFFF80  }
0x72: {  	[spmem:s1] =	stream.indirect.scatter.add.f32 [tilespmem:s10], [sflag:$0x1], $0x1, s11, s9, $0xb8;
	[tilespmem:$0x6F8] =	vst v63  }
0x73: {  	_ =	swait.ge [sflag:s8], $0x80  }
0x74: {  	[sflag:s8] =	ssyncset.done $0x0  }
0x75: {  	[sflag:s8] =	ssyncadd.s32 $0xFFFFFF80  }
0x76: {  	[spmem:s1] =	stream.indirect.scatter.add.f32 [tilespmem:s10], [sflag:$0x1], $0x1, s12, s9, $0xb8;
	[tilespmem:$0x6F8] =	vst v63  }
0x77: {  	_ =	swait.ge [sflag:s8], $0x80  }
0x78: {  	[sflag:s8] =	ssyncset.done $0x0  }
0x79: {  	[sflag:s8] =	ssyncadd.s32 $0xFFFFFF80  }
0x7a: {  	[spmem:s1] =	stream.indirect.scatter.add.f32 [tilespmem:s10], [sflag:$0x1], $0x1, s13, s9, $0xb8;
	[tilespmem:$0x6F8] =	vst v63  }
0x7b: {  	_ =	swait.ge [sflag:s8], $0x80  }
0x7c: {  	[sflag:s8] =	ssyncset.done $0x0  }
0x7d: {  	[sflag:s8] =	ssyncadd.s32 $0xFFFFFF80  }
0x7e: {  	[spmem:s1] =	stream.indirect.scatter.add.f32 [tilespmem:s10], [sflag:$0x1], $0x1, s14, s9, $0xb8;
	[tilespmem:$0x6F8] =	vst v63  }
0x7f: {  	_ =	swait.ge [sflag:s8], $0x80  }
0x80: {  	[sflag:s8] =	ssyncset.done $0x0  }
0x81: {  	[sflag:s8] =	ssyncadd.s32 $0xFFFFFF80  }
0x82: {  	[spmem:s1] =	stream.indirect.scatter.add.f32 [tilespmem:s10], [sflag:$0x1], $0x1, s15, s9, $0xb8;
	[tilespmem:$0x6F8] =	vst v63  }
0x83: {  	_ =	swait.ge [sflag:s8], $0x80  }
0x84: {  	[sflag:s8] =	ssyncset.done $0x0  }
0x85: {  	[sflag:s8] =	ssyncadd.s32 $0xFFFFFF80  }
0x86: {  	[spmem:s1] =	stream.indirect.scatter.add.f32 [tilespmem:s10], [sflag:$0x1], $0x1, s16, s9, $0xb8;
	[tilespmem:$0x6F8] =	vst v63  }
0x87: {  	s19 =	simm.s32 @!p0 $0x20;
	_ =	swait.ge [sflag:s8], $0x80  }
0x88: {  	s20 =	simm.s32 @!p0 $0x10;
	s17 =	sadd.s32 $0x1, s17;
	[sflag:s8] =	ssyncset.done $0x0  }
0x89: {  	s21 =	simm.s32 @!p0 $0x1C01;
	p1 =	sne.s32 s17, s5;
	[sflag:s8] =	ssyncadd.s32 $0xFFFFFF80  }
.Ltmp1:
0x8a: {  	s18 =	simm.s32 @!p0 $0x1;
	[bflag:$0x0] =	sbarrier.arrive $0xFFFF;
	(pc) =	sbr.rel @p1 .LBB2_1-.Ltmp1, $4  }
0x8b: {  	[hbm:s4@s19], [sflag:s21] =	dma.strided @!p0 [spmem:s7@s20], $0x4F0, s18, $0x10   }
0x8c: {  	_ =	swait.ge @!p0 [sflag:s18], $0x4F0  }
0x8d: {  	[sflag:s18] =	ssyncset.done @!p0 $0x0  }
0x8e: {  	[sflag:s18] =	ssyncadd.s32 @!p0 $0xFFFFFB10  }
0x8f: {  	_ =	sfence.sel $0x180000  }
0x90: {  	[bflag:$0x0] =	sbarrier.arrive $0xFFFF  }
0x91: {  	_ =	strace $0x90000047  }
0x92: {  	s0 =	sadd.s32 @!p0 $0x100000, s0;
	[bflag:$0x2] =	sbarrier.arrive $0xFFFF  }
0x93: {  	[sflag:s0] =	ssyncadd.tile.s32 @!p0 $0x1;
	_ =	shalt  }
.Lfunc_end2:
_tile_overlayer_lowered:
.L_overlay_start_2:
0x94: {  	(tag) =	ssettag $0x2  }
0x95: {  	s0 =	rddreg [dreg:$0x0];
	s2 =	stileid.u32  }
0x96: {  	s1 =	rddreg [dreg:$0x1];
	p0 =	sne.s32 s2, $0x0  }
0x97: {  	s3 =	rddreg [dreg:$0x2];
	[bflag:$0x3] =	sbarrier.arrive $0xFFFF;
	s2 =	simm.s32 @!p0 $0x1C01  }
0x98: {  	[timem:s3], [sflag:s2] =	dma.local @!p0 [hbm:s0], s1  }
0x99: {  	s0 =	simm.s32 @!p0 $0x1  }
0x9a: {  	_ =	swait.ge @!p0 [sflag:s0], s1  }
0x9b: {  	s1 =	ssub.s32 @!p0 $0x0, s1;
	[sflag:s0] =	ssyncset.done @!p0 $0x0  }
0x9c: {  	[sflag:s0] =	ssyncadd.s32 @!p0 s1  }
0x9d: {  	[bflag:$0x3] =	sbarrier.arrive $0xFFFF  }
0x9e: {  	_ =	shalt  }

// kernel: kernel.14.cloned.1.call-start
scs
__scs_entry_jumppad:
0x0: {  	(pc) =	sbr.rel $0x88, $3  }
0x1: {  	(tag) =	ssettag $0x0;
	lr =	simm.s32 $0x1  }
0x2: {  	[smem:$0x3F99] =	sst lr;
	_ =	strace $0xD0000000  }
0x3: {  	_ = 	snop  }
0x4: {  	_ = 	snop  }
0x5: {  	_ = 	snop  }
0x6: {  	_ = 	snop  }
0x7: {  	_ = 	snop  }
__scs_overlays_trampoline_lowered:
0x8: {  	[smem:$0x3FA8] =	sst s0  }
0x9: {  	[smem:$0x3FA9] =	sst s1  }
0xa: {  	[smem:$0x3FAA] =	sst s2  }
0xb: {  	[smem:$0x3FAB] =	sst s3  }
0xc: {  	[smem:$0x3FAC] =	sst s4  }
0xd: {  	[smem:$0x3FAD] =	sst s5  }
0xe: {  	[smem:$0x3FAE] =	sst s6  }
0xf: {  	[smem:$0x3FAF] =	sst s7  }
0x10: {  	[smem:$0x3FB0] =	sst s8  }
0x11: {  	[smem:$0x3FB1] =	sst s9;
	s0 =	simm.s32 @!p0 $0x0  }
0x12: {  	s1 =	sld [smem:$0x3F97];
	s0 =	simm.s32 @p0 $0x1  }
0x13: {  	[smem:$0x3FB2] =	sst s0;
	s0 =	simm.s32 @!p1 $0x0  }
0x14: {  	s2 =	sld [smem:$0x3F96];
	s0 =	simm.s32 @p1 $0x1  }
0x15: {  	[smem:$0x3FB3] =	sst s0;
	s0 =	simm.s32 @!p2 $0x0  }
0x16: {  	s3 =	sld [smem:$0x3FDB];
	s0 =	simm.s32 @p2 $0x1  }
0x17: {  	s4 =	simm.s32 $0x1BF5;
	[smem:$0x3FB5] =	sst s0  }
0x18: {  	s0 =	sld [smem:$0x3F98];
	_ =	swait.ge [sflag:s4], $0x0  }
0x19: {  	s7 =	sld [smem:$0x3F99]  }
0x1a: {  	s8 =	sadd.s32 $0xFFFFE003, lr  }
0x1b: {  	s9 =	sadd.s32 $0xFFFFFEF7, lr;
	s5 =	simm.s32 $0xFFFFFFFF;
	p2 =	slt.u32 s8, $0xFFFFF086  }
0x1c: {  	p1 =	slt.u32 s9, $0xF7A;
	s5 =	simm.s32 @!p2 $0x0  }
0x1d: {  	s5 =	simm.s32 @p1 $0x1;
	p0 =	seq.s32 s7, s2  }
0x1e: {  	s7 =	smul.u32 @!p0 $0xF7A, s2;
	p2 =	seq.s32 @!p0 s5, $0x0  }
0x1f: {  	s9 =	smul.u32 $0xF7A, s1;
	s8 =	simm.s32 @!p0 $0x1BF5;
	p2 =	por !p2, p0  }
0x20: {  	[sflag:s8] =	ssyncset.s32 @!p0 $0xFFFFF086;
	s6 =	sadd.s32 @!p0 s3, s7;
	s7 =	simm.s32 @!p0 $0x108  }
0x21: {  	s3 =	sadd.s32 s3, s9;
	s6 =	sadd.s32 @!p0 $0x88, s6;
	s7 =	simm.s32 @p2 $0x1082  }
0x22: {  	[simem:s7], [sflag:s8] =	dma.local @!p0 [hbm:s6], $0xF7A  }
0x23: {  	s9 =	sor.u32 $0xD0000000, s2;
	s6 =	simm.s32 $0x108;
	_ =	swait.ge @!p0 [sflag:s8], $0x0  }
0x24: {  	s3 =	sadd.s32 $0x88, s3;
	s6 =	simm.s32 @!p1 $0x1082;
	[sflag:s4] =	ssyncset.s32 $0xFFFFF086  }
0x25: {  	[simem:s6], [sflag:s4] =	dma.local [hbm:s3], $0xF7A  }
0x26: {  	[smem:$0x3F99] =	sst s1;
	(tag) =	ssettag s2;
	_ =	strace s9  }
0x27: {  	s1 =	sld [smem:$0x3FA9]  }
0x28: {  	s2 =	sld [smem:$0x3FAA]  }
0x29: {  	s4 =	sld [smem:$0x3FAC]  }
0x2a: {  	p0 =	seq.s32 s5, $0x0;
	s5 =	sld [smem:$0x3FAD]  }
0x2b: {  	s6 =	sld [smem:$0x3FAE]  }
0x2c: {  	s7 =	sld [smem:$0x3FAF]  }
0x2d: {  	s3 =	simm.s32 $0x108;
	s8 =	sld [smem:$0x3FB0]  }
0x2e: {  	s3 =	simm.s32 @!p0 $0x1082;
	s9 =	sld [smem:$0x3FB1]  }
0x2f: {  	lr =	sadd.s32 s0, s3;
	s0 =	sld [smem:$0x3FA8]  }
0x30: {  	s3 =	sld [smem:$0x3FAB]  }
0x31: {  	[smem:$0x3FB4] =	sst s10  }
0x32: {  	s10 =	sld [smem:$0x3FB2];
	_ =	sdelay $0x3  }
0x33: {  	p0 =	seq.s32 s10, $0x1;
	s10 =	sld [smem:$0x3FB4];
	_ =	sdelay $0x3  }
0x34: {  	[smem:$0x3FB4] =	sst s10  }
0x35: {  	s10 =	sld [smem:$0x3FB3];
	_ =	sdelay $0x3  }
0x36: {  	p1 =	seq.s32 s10, $0x1;
	s10 =	sld [smem:$0x3FB4];
	_ =	sdelay $0x3  }
0x37: {  	[smem:$0x3FB4] =	sst s10  }
0x38: {  	s10 =	sld [smem:$0x3FB5]  }
0x39: {  	_ = 	snop;
	(pc) =	sbr.ind lr, $3  }
0x3a: {  	_ = 	snop  }
0x3b: {  	_ = 	snop  }
0x3c: {  	p2 =	seq.s32 s10, $0x1;
	s10 =	sld [smem:$0x3FB4]  }
0x3d: {  	_ =	shalt  }
0x3e: {  	_ =	shalt  }
0x3f: {  	_ =	shalt  }
0x40: {  	_ =	shalt  }
0x41: {  	_ =	shalt  }
0x42: {  	_ =	shalt  }
0x43: {  	_ =	shalt  }
0x44: {  	_ =	shalt  }
0x45: {  	_ =	shalt  }
0x46: {  	_ =	shalt  }
0x47: {  	_ =	shalt  }
0x48: {  	_ =	shalt  }
0x49: {  	_ =	shalt  }
0x4a: {  	_ =	shalt  }
0x4b: {  	_ =	shalt  }
0x4c: {  	_ =	shalt  }
0x4d: {  	_ =	shalt  }
0x4e: {  	_ =	shalt  }
0x4f: {  	_ =	shalt  }
0x50: {  	_ =	shalt  }
0x51: {  	_ =	shalt  }
0x52: {  	_ =	shalt  }
0x53: {  	_ =	shalt  }
0x54: {  	_ =	shalt  }
0x55: {  	_ =	shalt  }
0x56: {  	_ =	shalt  }
0x57: {  	_ =	shalt  }
0x58: {  	_ =	shalt  }
0x59: {  	_ =	shalt  }
0x5a: {  	_ =	shalt  }
0x5b: {  	_ =	shalt  }
0x5c: {  	_ =	shalt  }
0x5d: {  	_ =	shalt  }
0x5e: {  	_ =	shalt  }
0x5f: {  	_ =	shalt  }
0x60: {  	_ =	shalt  }
0x61: {  	_ =	shalt  }
0x62: {  	_ =	shalt  }
0x63: {  	_ =	shalt  }
0x64: {  	_ =	shalt  }
0x65: {  	_ =	shalt  }
0x66: {  	_ =	shalt  }
0x67: {  	_ =	shalt  }
0x68: {  	_ =	shalt  }
0x69: {  	_ =	shalt  }
0x6a: {  	_ =	shalt  }
0x6b: {  	_ =	shalt  }
0x6c: {  	_ =	shalt  }
0x6d: {  	_ =	shalt  }
0x6e: {  	_ =	shalt  }
0x6f: {  	_ =	shalt  }
0x70: {  	_ =	shalt  }
0x71: {  	_ =	shalt  }
0x72: {  	_ =	shalt  }
0x73: {  	_ =	shalt  }
0x74: {  	_ =	shalt  }
0x75: {  	_ =	shalt  }
0x76: {  	_ =	shalt  }
0x77: {  	_ =	shalt  }
0x78: {  	_ =	shalt  }
0x79: {  	_ =	shalt  }
0x7a: {  	_ =	shalt  }
0x7b: {  	_ =	shalt  }
0x7c: {  	_ =	shalt  }
0x7d: {  	_ =	shalt  }
0x7e: {  	_ =	shalt  }
0x7f: {  	_ =	shalt  }
0x80: {  	_ =	shalt  }
0x81: {  	_ =	shalt  }
0x82: {  	_ =	shalt  }
0x83: {  	_ =	shalt  }
0x84: {  	_ =	shalt  }
0x85: {  	_ =	shalt  }
0x86: {  	_ =	shalt  }
0x87: {  	_ =	shalt  }
.Lfunc_end0:
.L_simem_size_0:
called_computation.1_lowered:
.L_overlay_start_0:
0x88: {  	s2 =	sld [smem:$0x3FD9]  }
0x89: {  	s3 =	sld [smem:$0x3FFE];
	_ =	sdelay $0x1  }
0x8a: {  	s1 =	srdreg.scid  }
0x8b: {  	s0 =	sand.u32 $0x1, s1  }
0x8c: {  	s14 =	sshll.u32 s0, $0xA;
	s2 =	sadd.s32 s3, s2  }
0x8d: {  	s2 =	sadd.s32 s2, s14  }
0x8e: {  	[smem:$0x3FC0] =	sst s2  }
0x8f: {  	_ = 	snop  }
0x90: {  	s2 =	sld [smem:$0x3FD0];
	_ =	sdelay $0x2  }
0x91: {  	s15 =	simm.s32 $0xA;
	s4 =	simm.s32 $0x10  }
0x92: {  	[smem:s4], [sflag:s15] =	dma.local [hbm:s2], $0x1  }
0x93: {  	_ =	swait.eq [sflag:s15], $0x1  }
0x94: {  	[sflag:s15] =	ssyncset.done $0x0  }
0x95: {  	s16 =	sld [smem:$0x10];
	[sflag:s15] =	ssyncadd.s32 $0xFFFFFFFF  }
0x96: {  	s17 =	sld [smem:$0x11];
	(tm) =	ssettm $0x1  }
0x97: {  	s18 =	sld [smem:$0x3FFB];
	_ =	sdelay $0x3  }
0x98: {  	_ =	strace s18  }
0x99: {  	s4 =	sld [smem:$0x3FFC];
	_ =	sdelay $0x3  }
0x9a: {  	_ =	strace s4  }
0x9b: {  	s4 =	sld [smem:$0x3FFD];
	_ =	sdelay $0x3  }
0x9c: {  	_ =	strace s4  }
0x9d: {  	_ =	strace $0x8FFFFFFF  }
0x9e: {  	s19 =	sld [smem:$0x3FDB];
	_ =	sdelay $0x1  }
0x9f: {  	s5 =	simm.s32 $_scs_section_size  }
0xa0: {  	s6 =	simm.s32 $_size__tile_overlayer_lowered;
	s7 =	simm.s32 $_tile_overlayer_lowered  }
0xa1: {  	s22 =	simm.s32 $0x1BFF;
	s21 =	sshll.u32 s7, $0x1;
	s4 =	sadd.s32 s5, s19  }
0xa2: {  	s8 =	simm.s32 $0x0;
	s20 =	sshll.u32 s6, $0x1;
	s6 =	sadd.s32 s21, s4  }
0xa3: {  	[timem:s8], [sflag:s22] =	dma.local [hbm:s6], s20  }
0xa4: {  	_ =	swait.ge [sflag:s22], s20  }
0xa5: {  	s5 =	ssub.s32 $0x0, s20;
	[sflag:s22] =	ssyncset.done $0x0  }
0xa6: {  	[sflag:s22] =	ssyncadd.s32 s5;
	_ =	sdelay $0x1  }
0xa7: {  	s23 =	simm.s32 $0x1B8B  }
0xa8: {  	_ =	swait.ge [sflag:s23], $0x1  }
0xa9: {  	[sflag:s23] =	ssyncset.done $0x0  }
0xaa: {  	s25 =	simm.s32 $0x1B8E;
	s24 =	sld [smem:$0x3FFE];
	[sflag:s23] =	ssyncadd.s32 $0xFFFFFFFF  }
0xab: {  	s26 =	simm.s32 $execute0_lowered;
	[smem:$0x3FD2] =	sst s25  }
0xac: {  	s6 =	sshll.u32 s26, $0x1;
	_ =	strace $0x80000049;
	[dreg:$0x1] =	wrdreg $0xFFFFFFFF  }
0xad: {  	s28 =	simm.s32 $_size_execute0_lowered;
	s4 =	sadd.s32 s4, s6;
	[dreg:$0x0] =	wrdreg $0x0  }
0xae: {  	s6 =	sshll.u32 s28, $0x1;
	[dreg:$0x2] =	wrdreg s4  }
0xaf: {  	[dreg:$0x3] =	wrdreg s6  }
0xb0: {  	[dreg:$0x4] =	wrdreg $0xC0  }
0xb1: {  	_ =	task [dreg:s8], $0x5FFFF  }
0xb2: {  	[dreg:$0x1] =	wrdreg $0xFFFFFFFF  }
0xb3: {  	[dreg:$0x0] =	wrdreg $0x60  }
0xb4: {  	[dreg:$0x2] =	wrdreg s17  }
0xb5: {  	[dreg:$0x3] =	wrdreg s24  }
0xb6: {  	[dreg:$0x4] =	wrdreg s16  }
0xb7: {  	[dreg:$0x5] =	wrdreg $0xA0000  }
0xb8: {  	[dreg:$0x6] =	wrdreg $0x9  }
0xb9: {  	_ =	task.clear_ibuf [dreg:s8], $0x7FFFF;
	_ =	strace $0x90000049  }
0xba: {  	s29 =	simm.s32 $0x9;
	_ =	strace $0x8000004B  }
0xbb: {  	_ =	swait.ge [sflag:s29], $0x1  }
0xbc: {  	[sflag:s29] =	ssyncadd.s32 $0xFFFFFFFF  }
0xbd: {  	_ =	strace $0x9000004B  }
0xbe: {  	_ =	sfence  }
0xbf: {  	s30 =	sld [smem:$0x0];
	_ =	sdelay $0x2  }
0xc0: {  	s31 =	sshll.u32 s1, $0xD;
	s1 =	sshrl.u32 s1, $0x2  }
0xc1: {  	s3 =	sand.u32 $0x4000, s31;
	s1 =	sadd.s32 s1, s30  }
0xc2: {  	s0 =	sor.u32 s3, s0;
	s1 =	sshll.u32 s1, $0x11  }
0xc3: {  	s0 =	sor.u32 s1, s0  }
0xc4: {  	s0 =	sadd.s32 $0x8F2B, s0  }
0xc5: {  	[sflag:s0] =	ssyncadd.remote.s32 $0x1  }
0xc6: {  	_ =	sfence.sel $0xFFFF  }
0xc7: {  	[dreg:$0x0] =	wrdreg $0xFFFFFFFF;
	(pc) =	sbr.abs _section_cstart, $3  }
0xc8: {  	[dreg:$0x1] =	wrdreg $0xFFFFFFFF  }
0xc9: {  	_ =	task.clear_ibuf [dreg:s8], $0x2FFFF;
	_ =	strace $0x9FFFFFFF  }
0xca: {  	(tm) =	ssettm $0x7FFFFFFF  }
0xcb: {  	_ =	shalt  }
tec
execute0_lowered:
.L_overlay_start_1:
0x0: {  	(tag) =	ssettag $0x1  }
0x1: {  	s1 =	rddreg [dreg:$0x0]  }
0x2: {  	s0 =	rddreg [dreg:$0x1]  }
0x3: {  	s2 =	rddreg [dreg:$0x2]  }
0x4: {  	s3 =	rddreg [dreg:$0x3];
	s12 =	stileid.u32  }
0x5: {  	s5 =	srdreg.scid;
	s4 =	simm.s32 $0x0;
	s28 =	simm.s32 $0x1780  }
0x6: {  	s29 =	simm.s32 $0x6000;
	s30 =	simm.s32 $0x1000;
	s31 =	simm.s32 $0x1F80  }
0x7: {  	s6 =	smul.u32 $0x13C00, s12;
	s5 =	sand.u32 $0x1, s5;
	[smem:$0x7FF] =	sst s4  }
0x8: {  	s8 =	sadd.s32 $0x2C00, s0;
	s10 =	smul.u32 $0x4F000, s12;
	s19 =	sshll.u32 s12, $0x6  }
0x9: {  	s7 =	smul.u32 $0x13C000, s5;
	s13 =	sshll.u32 s5, $0x4;
	s5 =	ssub.s32 $0x2, s5  }
0xa: {  	_ =	strace $0x8000004A;
	s9 =	sshrl.u32 s6, $0x3;
	s14 =	sshrl.u32 s5, $0x1  }
0xb: {  	s15 =	sshrl.u32 s10, $0x2;
	s26 =	sadd.s32 s9, s0;
	s9 =	sor.u32 s12, s13  }
0xc: {  	s6 =	sadd.s32 s6, s7;
	s5 =	ssub.s32 s5, s14;
	s11 =	smul.u32 $0x500, s9  }
0xd: {  	s6 =	sshrl.u32 s6, $0x3;
	s9 =	smul.u32 $0x2800, s9;
	s18 =	sadd.s32 $0xCC00, s26  }
0xe: {  	s0 =	sadd.s32 s6, s0;
	s6 =	sadd.s32 s15, s3;
	[dreg:$0x8] =	wrdreg s18  }
0xf: {  	s16 =	sadd.s32 s8, s11;
	s17 =	sadd.s32 s2, s11;
	[dreg:$0x7] =	wrdreg s6  }
0x10: {  	s20 =	sshrl.u32 s9, $0x3;
	s9 =	sor.u32 $0x1C04, s19;
	s18 =	sadd.s32 $0x34400, s0  }
0x11: {  	s19 =	smax.u32 s5, $0x1;
	s0 =	simm.s32 $0x0;
	[dreg:$0x5] =	wrdreg s16  }
0x12: {  	[dreg:$0x6] =	wrdreg s17;
	s21 =	sadd.s32 $0x100, s20;
	s22 =	sadd.s32 $0x200, s20  }
0x13: {  	s26 =	sadd.s32 $0x300, s20;
	s7 =	sadd.s32 $0x400, s20;
	s20 =	simm.s32 $0x4  }
0x14: {  	s23 =	sadd.s32 s8, s21;
	s6 =	sadd.s32 s2, s21;
	s24 =	sadd.s32 s8, s22  }
0x15: {  	s25 =	sadd.s32 s2, s22;
	s14 =	sadd.s32 s8, s26;
	[dreg:$0x9] =	wrdreg s23  }
0x16: {  	s15 =	sadd.s32 s2, s26;
	s16 =	sadd.s32 s8, s7;
	[dreg:$0xa] =	wrdreg s6  }
0x17: {  	s17 =	sadd.s32 s2, s7;
	s21 =	simm.s32 $0x1;
	[dreg:$0xb] =	wrdreg s24  }
0x18: {  	s22 =	simm.s32 $0x800;
	s26 =	simm.s32 $0x80;
	[dreg:$0xc] =	wrdreg s25  }
0x19: {  	s23 =	simm.s32 $0x1800;
	s24 =	simm.s32 $0x2000;
	s25 =	simm.s32 $0x3  }
.LBB2_1:
0x1a: {  	s2 =	rddreg [dreg:$0x5]  }
0x1b: {  	s7 =	rddreg [dreg:$0x6]  }
0x1c: {  	s8 =	rddreg [dreg:$0x7]  }
0x1d: {  	[tilespmem:s4], [sflag:$0x1] =	stream.linear.gather [hbm4b:s2+s4], $0x800, $0x38;
	[tilespmem:$0x1DC00] =	vst v63  }
0x1e: {  	s5 =	rddreg [dreg:$0x8];
	s2 =	sshrl.u32 s8, $0x3  }
0x1f: {  	[tilespmem:s30], [sflag:$0x1] =	stream.linear.gather [hbm4b:s7+s4], $0x800, $0x38;
	[tilespmem:$0x1DC00] =	vst v63  }
0x20: {  	[spmem:s2], [sflag:s9] =	dma.local [hbm:s5], $0x2780  }
0x21: {  	_ =	swait.ge [sflag:s20], $0x2780  }
0x22: {  	[sflag:s20] =	ssyncset.done $0x0  }
0x23: {  	[sflag:s20] =	ssyncadd.s32 $0xFFFFD880  }
0x24: {  	_ =	swait.ge [sflag:s21], $0x800  }
0x25: {  	[sflag:s21] =	ssyncset.done $0x0  }
0x26: {  	[sflag:s21] =	ssyncadd.s32 $0xFFFFF800  }
0x27: {  	_ =	swait.ge [sflag:s21], $0x800  }
0x28: {  	[sflag:s21] =	ssyncset.done $0x0  }
0x29: {  	[sflag:s21] =	ssyncadd.s32 $0xFFFFF800  }
0x2a: {  	[bflag:$0x0] =	sbarrier.arrive $0xFFFF  }
0x2b: {  	s12 =	sand.u32 $0x1, s4;
	s10 =	rddreg [dreg:$0x9]  }
0x2c: {  	[tilespmem:s22], [sflag:$0x1] =	stream.linear.gather [hbm4b:s10+s4], $0x800, $0x38;
	[tilespmem:$0x1DC00] =	vst v63  }
0x2d: {  	p0 =	seq.s32 s12, $0x1;
	s11 =	rddreg [dreg:$0xa]  }
0x2e: {  	[tilespmem:s23], [sflag:$0x1] =	stream.linear.gather [hbm4b:s11+s4], $0x800, $0x38;
	[tilespmem:$0x1DC00] =	vst v63  }
0x2f: {  	s5 =	simm.s32 @p0 $0x3  }
0x30: {  	[tilespmem:s24], [sflag:$0x2] =	stream.indirect.gather [hbm4b:s1+s26], $0x80, s4, s26, $0xb8;
	[tilespmem:$0x1DC00] =	vst v63  }
0x31: {  	_ =	swait.ge @p0 [sflag:s5], $0x4000  }
0x32: {  	[sflag:s5] =	ssyncset.done @p0 $0x0  }
0x33: {  	s6 =	simm.s32 @p0 $0x2000;
	[sflag:s5] =	ssyncadd.s32 @p0 $0xFFFFC000;
	s5 =	simm.s32 @p0 $0x80  }
0x34: {  	[tilespmem:s6], [sflag:$0x2] =	stream.indirect.gather @p0 [hbm4b:s1+s5], $0x80, s26, s5, $0xb8;
	[tilespmem:$0x1DC00] =	vst v63  }
0x35: {  	s8 =	simm.s32 @!p0 $0x2;
	s6 =	simm.s32 @p0 $0x6000  }
0x36: {  	[spmem:s3] =	stream.indirect.scatter.add.f32 @p0 [tilespmem:s6], [sflag:$0x4], $0x80, s30, s5, $0xb8;
	[tilespmem:$0x1DC00] =	vst v63  }
0x37: {  	_ =	swait.ge @!p0 [sflag:s8], $0x4000  }
0x38: {  	s7 =	simm.s32 @!p0 $0x5;
	[sflag:s8] =	ssyncset.done @!p0 $0x0  }
0x39: {  	s5 =	simm.s32 @!p0 $0x80;
	s6 =	simm.s32 @!p0 $0x6000;
	[sflag:s8] =	ssyncadd.s32 @!p0 $0xFFFFC000  }
0x3a: {  	[tilespmem:s6], [sflag:$0x3] =	stream.indirect.gather @!p0 [hbm4b:s1+s5], $0x80, s26, s5, $0xb8;
	[tilespmem:$0x1DC00] =	vst v63  }
0x3b: {  	s13 =	simm.s32 $0x1;
	s7 =	simm.s32 @p0 $0x4;
	s8 =	simm.s32 @!p0 $0x2000  }
0x3c: {  	[spmem:s3] =	stream.indirect.scatter.add.f32 @!p0 [tilespmem:s8], [sflag:$0x5], $0x80, s30, s5, $0xb8;
	[tilespmem:$0x1DC00] =	vst v63  }
0x3d: {  	s10 =	sand.u32 $0x1, s13;
	s6 =	simm.s32 $0x1080;
	_ =	swait.ge [sflag:s7], $0x4000  }
0x3e: {  	s8 =	simm.s32 $0x2;
	s5 =	simm.s32 $0x100;
	[sflag:s7] =	ssyncset.done $0x0  }
.LBB2_2:
0x3f: {  	p1 =	seq.s32 s10, $0x1  }
0x40: {  	[sflag:s7] =	ssyncadd.s32 $0xFFFFC000;
	s10 =	smov.u32 s8;
	s8 =	sadd.s32 $0x1, s8  }
0x41: {  	p0 =	sne.s32 s8, $0xF;
	s11 =	simm.s32 @p1 $0x3;
	s7 =	simm.s32 @!p1 $0x5  }
0x42: {  	_ =	swait.ge @p1 [sflag:s11], $0x4000  }
0x43: {  	[sflag:s11] =	ssyncset.done @p1 $0x0  }
0x44: {  	s12 =	simm.s32 @p1 $0x2000;
	[sflag:s11] =	ssyncadd.s32 @p1 $0xFFFFC000;
	s11 =	simm.s32 @p1 $0x80  }
0x45: {  	[tilespmem:s12], [sflag:$0x2] =	stream.indirect.gather @p1 [hbm4b:s1+s11], $0x80, s5, s11, $0xb8;
	[tilespmem:$0x1DC00] =	vst v63  }
0x46: {  	s13 =	simm.s32 @!p1 $0x2;
	s12 =	simm.s32 @p1 $0x6000  }
0x47: {  	[spmem:s3] =	stream.indirect.scatter.add.f32 @p1 [tilespmem:s12], [sflag:$0x4], $0x80, s6, s11, $0xb8;
	[tilespmem:$0x1DC00] =	vst v63  }
0x48: {  	_ =	swait.ge @!p1 [sflag:s13], $0x4000  }
0x49: {  	[sflag:s13] =	ssyncset.done @!p1 $0x0  }
0x4a: {  	s11 =	simm.s32 @!p1 $0x80;
	s12 =	simm.s32 @!p1 $0x6000;
	[sflag:s13] =	ssyncadd.s32 @!p1 $0xFFFFC000  }
0x4b: {  	[tilespmem:s12], [sflag:$0x3] =	stream.indirect.gather @!p1 [hbm4b:s1+s11], $0x80, s5, s11, $0xb8;
	[tilespmem:$0x1DC00] =	vst v63  }
.Ltmp0:
0x4c: {  	_ = 	snop;
	(pc) =	sbr.rel @p0 .LBB2_2-.Ltmp0, $4  }
0x4d: {  	s7 =	simm.s32 @p1 $0x4;
	s12 =	simm.s32 @!p1 $0x2000  }
0x4e: {  	[spmem:s3] =	stream.indirect.scatter.add.f32 @!p1 [tilespmem:s12], [sflag:$0x5], $0x80, s6, s11, $0xb8;
	[tilespmem:$0x1DC00] =	vst v63  }
0x4f: {  	s5 =	sadd.s32 $0x80, s5;
	_ =	swait.ge [sflag:s7], $0x4000  }
0x50: {  	s10 =	sand.u32 $0x1, s10;
	s6 =	sadd.s32 $0x80, s6;
	[sflag:s7] =	ssyncset.done $0x0  }
0x51: {  	p0 =	seq.s32 s10, $0x1  }
0x52: {  	[sflag:s7] =	ssyncadd.s32 $0xFFFFC000;
	s7 =	simm.s32 @p0 $0x3  }
0x53: {  	_ =	swait.ge @p0 [sflag:s7], $0x4000  }
0x54: {  	[sflag:s7] =	ssyncset.done @p0 $0x0  }
0x55: {  	s8 =	simm.s32 @p0 $0x2000;
	[sflag:s7] =	ssyncadd.s32 @p0 $0xFFFFC000;
	s7 =	simm.s32 @p0 $0x80  }
0x56: {  	[tilespmem:s8], [sflag:$0x2] =	stream.indirect.gather @p0 [hbm4b:s1+s7], $0x80, s5, s7, $0xb8;
	[tilespmem:$0x1DC00] =	vst v63  }
0x57: {  	s10 =	simm.s32 @!p0 $0x2;
	s8 =	simm.s32 @p0 $0x6000  }
0x58: {  	[spmem:s3] =	stream.indirect.scatter.add.f32 @p0 [tilespmem:s8], [sflag:$0x4], $0x80, s6, s7, $0xb8;
	[tilespmem:$0x1DC00] =	vst v63  }
0x59: {  	_ =	swait.ge @!p0 [sflag:s10], $0x4000  }
0x5a: {  	s7 =	simm.s32 @!p0 $0x5;
	[sflag:s10] =	ssyncset.done @!p0 $0x0  }
0x5b: {  	s8 =	simm.s32 @!p0 $0x80;
	[sflag:s10] =	ssyncadd.s32 @!p0 $0xFFFFC000;
	s10 =	simm.s32 @!p0 $0x6000  }
0x5c: {  	[tilespmem:s10], [sflag:$0x3] =	stream.indirect.gather @!p0 [hbm4b:s1+s8], $0x80, s5, s8, $0xb8;
	[tilespmem:$0x1DC00] =	vst v63  }
0x5d: {  	s7 =	simm.s32 @p0 $0x4;
	s5 =	simm.s32 @!p0 $0x2000  }
0x5e: {  	[spmem:s3] =	stream.indirect.scatter.add.f32 @!p0 [tilespmem:s5], [sflag:$0x5], $0x80, s6, s8, $0xb8;
	[tilespmem:$0x1DC00] =	vst v63  }
0x5f: {  	_ =	swait.ge [sflag:s7], $0x4000  }
0x60: {  	[sflag:s7] =	ssyncset.done $0x0  }
0x61: {  	[sflag:s7] =	ssyncadd.s32 $0xFFFFC000  }
0x62: {  	_ =	swait.ge [sflag:s25], $0x4000  }
0x63: {  	[sflag:s25] =	ssyncset.done $0x0  }
0x64: {  	[sflag:s25] =	ssyncadd.s32 $0xFFFFC000  }
0x65: {  	[spmem:s3] =	stream.indirect.scatter.add.f32 [tilespmem:s29], [sflag:$0x4], $0x80, s28, s26, $0xb8;
	[tilespmem:$0x1DC00] =	vst v63  }
0x66: {  	_ =	swait.ge [sflag:s20], $0x4000  }
0x67: {  	[sflag:s20] =	ssyncset.done $0x0  }
0x68: {  	[sflag:s20] =	ssyncadd.s32 $0xFFFFC000  }
0x69: {  	_ =	swait.ge [sflag:s21], $0x800  }
0x6a: {  	[sflag:s21] =	ssyncset.done $0x0  }
0x6b: {  	[sflag:s21] =	ssyncadd.s32 $0xFFFFF800  }
0x6c: {  	_ =	swait.ge [sflag:s21], $0x800  }
0x6d: {  	s10 =	simm.s32 $0x0;
	[sflag:s21] =	ssyncset.done $0x0  }
0x6e: {  	s5 =	sand.u32 $0x1, s10;
	s11 =	rddreg [dreg:$0xb];
	[sflag:s21] =	ssyncadd.s32 $0xFFFFF800  }
0x6f: {  	[tilespmem:s10], [sflag:$0x1] =	stream.linear.gather [hbm4b:s11+s10], $0x800, $0x38;
	[tilespmem:$0x1DC00] =	vst v63  }
0x70: {  	p0 =	seq.s32 s5, $0x1;
	s12 =	rddreg [dreg:$0xc]  }
0x71: {  	[tilespmem:s30], [sflag:$0x1] =	stream.linear.gather [hbm4b:s12+s10], $0x800, $0x38;
	[tilespmem:$0x1DC00] =	vst v63  }
0x72: {  	s5 =	simm.s32 @p0 $0x3  }
0x73: {  	[tilespmem:s24], [sflag:$0x2] =	stream.indirect.gather [hbm4b:s1+s26], $0x80, s22, s26, $0xb8;
	[tilespmem:$0x1DC00] =	vst v63  }
0x74: {  	_ =	swait.ge @p0 [sflag:s5], $0x4000  }
0x75: {  	s6 =	simm.s32 $0x880;
	[sflag:s5] =	ssyncset.done @p0 $0x0  }
0x76: {  	s7 =	simm.s32 @p0 $0x2000;
	[sflag:s5] =	ssyncadd.s32 @p0 $0xFFFFC000;
	s5 =	simm.s32 @p0 $0x80  }
0x77: {  	[tilespmem:s7], [sflag:$0x2] =	stream.indirect.gather @p0 [hbm4b:s1+s5], $0x80, s6, s5, $0xb8;
	[tilespmem:$0x1DC00] =	vst v63  }
0x78: {  	s8 =	simm.s32 $0x1800;
	s10 =	simm.s32 @!p0 $0x2;
	s7 =	simm.s32 @p0 $0x6000  }
0x79: {  	[spmem:s3] =	stream.indirect.scatter.add.f32 @p0 [tilespmem:s7], [sflag:$0x4], $0x80, s8, s5, $0xb8;
	[tilespmem:$0x1DC00] =	vst v63  }
0x7a: {  	_ =	swait.ge @!p0 [sflag:s10], $0x4000  }
0x7b: {  	s7 =	simm.s32 @!p0 $0x5;
	[sflag:s10] =	ssyncset.done @!p0 $0x0  }
0x7c: {  	s5 =	simm.s32 @!p0 $0x80;
	[sflag:s10] =	ssyncadd.s32 @!p0 $0xFFFFC000;
	s10 =	simm.s32 @!p0 $0x6000  }
0x7d: {  	[tilespmem:s10], [sflag:$0x3] =	stream.indirect.gather @!p0 [hbm4b:s1+s5], $0x80, s6, s5, $0xb8;
	[tilespmem:$0x1DC00] =	vst v63  }
0x7e: {  	s13 =	simm.s32 $0x1;
	s7 =	simm.s32 @p0 $0x4;
	s10 =	simm.s32 @!p0 $0x2000  }
0x7f: {  	[spmem:s3] =	stream.indirect.scatter.add.f32 @!p0 [tilespmem:s10], [sflag:$0x5], $0x80, s8, s5, $0xb8;
	[tilespmem:$0x1DC00] =	vst v63  }
0x80: {  	s6 =	simm.s32 $0x1880;
	s8 =	simm.s32 $0x2;
	_ =	swait.ge [sflag:s7], $0x4000  }
0x81: {  	s5 =	simm.s32 $0x900;
	s10 =	sand.u32 $0x1, s13;
	[sflag:s7] =	ssyncset.done $0x0  }
.LBB2_4:
0x82: {  	p1 =	seq.s32 s10, $0x1  }
0x83: {  	[sflag:s7] =	ssyncadd.s32 $0xFFFFC000;
	s10 =	smov.u32 s8;
	s8 =	sadd.s32 $0x1, s8  }
0x84: {  	p0 =	sne.s32 s8, $0xF;
	s11 =	simm.s32 @p1 $0x3;
	s7 =	simm.s32 @!p1 $0x5  }
0x85: {  	_ =	swait.ge @p1 [sflag:s11], $0x4000  }
0x86: {  	[sflag:s11] =	ssyncset.done @p1 $0x0  }
0x87: {  	s12 =	simm.s32 @p1 $0x2000;
	[sflag:s11] =	ssyncadd.s32 @p1 $0xFFFFC000;
	s11 =	simm.s32 @p1 $0x80  }
0x88: {  	[tilespmem:s12], [sflag:$0x2] =	stream.indirect.gather @p1 [hbm4b:s1+s11], $0x80, s5, s11, $0xb8;
	[tilespmem:$0x1DC00] =	vst v63  }
0x89: {  	s13 =	simm.s32 @!p1 $0x2;
	s12 =	simm.s32 @p1 $0x6000  }
0x8a: {  	[spmem:s3] =	stream.indirect.scatter.add.f32 @p1 [tilespmem:s12], [sflag:$0x4], $0x80, s6, s11, $0xb8;
	[tilespmem:$0x1DC00] =	vst v63  }
0x8b: {  	_ =	swait.ge @!p1 [sflag:s13], $0x4000  }
0x8c: {  	[sflag:s13] =	ssyncset.done @!p1 $0x0  }
0x8d: {  	s11 =	simm.s32 @!p1 $0x80;
	s12 =	simm.s32 @!p1 $0x6000;
	[sflag:s13] =	ssyncadd.s32 @!p1 $0xFFFFC000  }
0x8e: {  	[tilespmem:s12], [sflag:$0x3] =	stream.indirect.gather @!p1 [hbm4b:s1+s11], $0x80, s5, s11, $0xb8;
	[tilespmem:$0x1DC00] =	vst v63  }
.Ltmp1:
0x8f: {  	_ = 	snop;
	(pc) =	sbr.rel @p0 .LBB2_4-.Ltmp1, $4  }
0x90: {  	s7 =	simm.s32 @p1 $0x4;
	s12 =	simm.s32 @!p1 $0x2000  }
0x91: {  	[spmem:s3] =	stream.indirect.scatter.add.f32 @!p1 [tilespmem:s12], [sflag:$0x5], $0x80, s6, s11, $0xb8;
	[tilespmem:$0x1DC00] =	vst v63  }
0x92: {  	s5 =	sadd.s32 $0x80, s5;
	_ =	swait.ge [sflag:s7], $0x4000  }
0x93: {  	s10 =	sand.u32 $0x1, s10;
	s6 =	sadd.s32 $0x80, s6;
	[sflag:s7] =	ssyncset.done $0x0  }
0x94: {  	p0 =	seq.s32 s10, $0x1  }
0x95: {  	[sflag:s7] =	ssyncadd.s32 $0xFFFFC000;
	s7 =	simm.s32 @p0 $0x3  }
0x96: {  	_ =	swait.ge @p0 [sflag:s7], $0x4000  }
0x97: {  	[sflag:s7] =	ssyncset.done @p0 $0x0  }
0x98: {  	s8 =	simm.s32 @p0 $0x2000;
	[sflag:s7] =	ssyncadd.s32 @p0 $0xFFFFC000;
	s7 =	simm.s32 @p0 $0x80  }
0x99: {  	[tilespmem:s8], [sflag:$0x2] =	stream.indirect.gather @p0 [hbm4b:s1+s7], $0x80, s5, s7, $0xb8;
	[tilespmem:$0x1DC00] =	vst v63  }
0x9a: {  	s10 =	simm.s32 @!p0 $0x2;
	s8 =	simm.s32 @p0 $0x6000  }
0x9b: {  	[spmem:s3] =	stream.indirect.scatter.add.f32 @p0 [tilespmem:s8], [sflag:$0x4], $0x80, s6, s7, $0xb8;
	[tilespmem:$0x1DC00] =	vst v63  }
0x9c: {  	_ =	swait.ge @!p0 [sflag:s10], $0x4000  }
0x9d: {  	s7 =	simm.s32 @!p0 $0x5;
	[sflag:s10] =	ssyncset.done @!p0 $0x0  }
0x9e: {  	s8 =	simm.s32 @!p0 $0x80;
	[sflag:s10] =	ssyncadd.s32 @!p0 $0xFFFFC000;
	s10 =	simm.s32 @!p0 $0x6000  }
0x9f: {  	[tilespmem:s10], [sflag:$0x3] =	stream.indirect.gather @!p0 [hbm4b:s1+s8], $0x80, s5, s8, $0xb8;
	[tilespmem:$0x1DC00] =	vst v63  }
0xa0: {  	s7 =	simm.s32 @p0 $0x4;
	s5 =	simm.s32 @!p0 $0x2000  }
0xa1: {  	[spmem:s3] =	stream.indirect.scatter.add.f32 @!p0 [tilespmem:s5], [sflag:$0x5], $0x80, s6, s8, $0xb8;
	[tilespmem:$0x1DC00] =	vst v63  }
0xa2: {  	_ =	swait.ge [sflag:s7], $0x4000  }
0xa3: {  	[sflag:s7] =	ssyncset.done $0x0  }
0xa4: {  	[sflag:s7] =	ssyncadd.s32 $0xFFFFC000  }
0xa5: {  	_ =	swait.ge [sflag:s25], $0x4000  }
0xa6: {  	[sflag:s25] =	ssyncset.done $0x0  }
0xa7: {  	s5 =	simm.s32 $0x80;
	[sflag:s25] =	ssyncadd.s32 $0xFFFFC000  }
0xa8: {  	[spmem:s3] =	stream.indirect.scatter.add.f32 [tilespmem:s29], [sflag:$0x4], $0x80, s31, s5, $0xb8;
	[tilespmem:$0x1DC00] =	vst v63  }
0xa9: {  	_ =	swait.ge [sflag:s20], $0x4000  }
0xaa: {  	[sflag:s20] =	ssyncset.done $0x0  }
0xab: {  	[sflag:s20] =	ssyncadd.s32 $0xFFFFC000  }
0xac: {  	_ =	swait.ge [sflag:s21], $0x800  }
0xad: {  	[sflag:s21] =	ssyncset.done $0x0  }
0xae: {  	[sflag:s21] =	ssyncadd.s32 $0xFFFFF800  }
0xaf: {  	_ =	swait.ge [sflag:s21], $0x800  }
0xb0: {  	s12 =	simm.s32 $0x0;
	[sflag:s21] =	ssyncset.done $0x0  }
0xb1: {  	s6 =	sand.u32 $0x1, s12;
	[sflag:s21] =	ssyncadd.s32 $0xFFFFF800  }
0xb2: {  	[tilespmem:s22], [sflag:$0x1] =	stream.linear.gather [hbm4b:s14+s12], $0x800, $0x38;
	[tilespmem:$0x1DC00] =	vst v63  }
0xb3: {  	p0 =	seq.s32 s6, $0x1  }
0xb4: {  	[tilespmem:s23], [sflag:$0x1] =	stream.linear.gather [hbm4b:s15+s12], $0x800, $0x38;
	[tilespmem:$0x1DC00] =	vst v63  }
0xb5: {  	s6 =	simm.s32 @p0 $0x3  }
0xb6: {  	[tilespmem:s24], [sflag:$0x2] =	stream.indirect.gather [hbm4b:s1+s5], $0x80, s12, s5, $0xb8;
	[tilespmem:$0x1DC00] =	vst v63  }
0xb7: {  	_ =	swait.ge @p0 [sflag:s6], $0x4000  }
0xb8: {  	[sflag:s6] =	ssyncset.done @p0 $0x0  }
0xb9: {  	s7 =	simm.s32 @p0 $0x2000;
	[sflag:s6] =	ssyncadd.s32 @p0 $0xFFFFC000;
	s6 =	simm.s32 @p0 $0x80  }
0xba: {  	[tilespmem:s7], [sflag:$0x2] =	stream.indirect.gather @p0 [hbm4b:s1+s6], $0x80, s5, s6, $0xb8;
	[tilespmem:$0x1DC00] =	vst v63  }
0xbb: {  	s8 =	simm.s32 $0x1000;
	s10 =	simm.s32 @!p0 $0x2;
	s7 =	simm.s32 @p0 $0x6000  }
0xbc: {  	[spmem:s3] =	stream.indirect.scatter.add.f32 @p0 [tilespmem:s7], [sflag:$0x4], $0x80, s8, s6, $0xb8;
	[tilespmem:$0x1DC00] =	vst v63  }
0xbd: {  	_ =	swait.ge @!p0 [sflag:s10], $0x4000  }
0xbe: {  	s7 =	simm.s32 @!p0 $0x5;
	[sflag:s10] =	ssyncset.done @!p0 $0x0  }
0xbf: {  	s6 =	simm.s32 @!p0 $0x80;
	[sflag:s10] =	ssyncadd.s32 @!p0 $0xFFFFC000;
	s10 =	simm.s32 @!p0 $0x6000  }
0xc0: {  	[tilespmem:s10], [sflag:$0x3] =	stream.indirect.gather @!p0 [hbm4b:s1+s6], $0x80, s5, s6, $0xb8;
	[tilespmem:$0x1DC00] =	vst v63  }
0xc1: {  	s13 =	simm.s32 $0x1;
	s7 =	simm.s32 @p0 $0x4;
	s5 =	simm.s32 @!p0 $0x2000  }
0xc2: {  	[spmem:s3] =	stream.indirect.scatter.add.f32 @!p0 [tilespmem:s5], [sflag:$0x5], $0x80, s8, s6, $0xb8;
	[tilespmem:$0x1DC00] =	vst v63  }
0xc3: {  	s10 =	sand.u32 $0x1, s13;
	s8 =	simm.s32 $0x2;
	_ =	swait.ge [sflag:s7], $0x4000  }
0xc4: {  	s5 =	simm.s32 $0x100;
	s6 =	simm.s32 $0x1080;
	[sflag:s7] =	ssyncset.done $0x0  }
.LBB2_6:
0xc5: {  	p1 =	seq.s32 s10, $0x1  }
0xc6: {  	[sflag:s7] =	ssyncadd.s32 $0xFFFFC000;
	s10 =	smov.u32 s8;
	s8 =	sadd.s32 $0x1, s8  }
0xc7: {  	p0 =	sne.s32 s8, $0xF;
	s11 =	simm.s32 @p1 $0x3;
	s7 =	simm.s32 @!p1 $0x5  }
0xc8: {  	_ =	swait.ge @p1 [sflag:s11], $0x4000  }
0xc9: {  	[sflag:s11] =	ssyncset.done @p1 $0x0  }
0xca: {  	s12 =	simm.s32 @p1 $0x2000;
	[sflag:s11] =	ssyncadd.s32 @p1 $0xFFFFC000;
	s11 =	simm.s32 @p1 $0x80  }
0xcb: {  	[tilespmem:s12], [sflag:$0x2] =	stream.indirect.gather @p1 [hbm4b:s1+s11], $0x80, s5, s11, $0xb8;
	[tilespmem:$0x1DC00] =	vst v63  }
0xcc: {  	s13 =	simm.s32 @!p1 $0x2;
	s12 =	simm.s32 @p1 $0x6000  }
0xcd: {  	[spmem:s3] =	stream.indirect.scatter.add.f32 @p1 [tilespmem:s12], [sflag:$0x4], $0x80, s6, s11, $0xb8;
	[tilespmem:$0x1DC00] =	vst v63  }
0xce: {  	_ =	swait.ge @!p1 [sflag:s13], $0x4000  }
0xcf: {  	[sflag:s13] =	ssyncset.done @!p1 $0x0  }
0xd0: {  	s11 =	simm.s32 @!p1 $0x80;
	s12 =	simm.s32 @!p1 $0x6000;
	[sflag:s13] =	ssyncadd.s32 @!p1 $0xFFFFC000  }
0xd1: {  	[tilespmem:s12], [sflag:$0x3] =	stream.indirect.gather @!p1 [hbm4b:s1+s11], $0x80, s5, s11, $0xb8;
	[tilespmem:$0x1DC00] =	vst v63  }
.Ltmp2:
0xd2: {  	_ = 	snop;
	(pc) =	sbr.rel @p0 .LBB2_6-.Ltmp2, $4  }
0xd3: {  	s7 =	simm.s32 @p1 $0x4;
	s12 =	simm.s32 @!p1 $0x2000  }
0xd4: {  	[spmem:s3] =	stream.indirect.scatter.add.f32 @!p1 [tilespmem:s12], [sflag:$0x5], $0x80, s6, s11, $0xb8;
	[tilespmem:$0x1DC00] =	vst v63  }
0xd5: {  	s5 =	sadd.s32 $0x80, s5;
	_ =	swait.ge [sflag:s7], $0x4000  }
0xd6: {  	s10 =	sand.u32 $0x1, s10;
	s6 =	sadd.s32 $0x80, s6;
	[sflag:s7] =	ssyncset.done $0x0  }
0xd7: {  	p0 =	seq.s32 s10, $0x1  }
0xd8: {  	[sflag:s7] =	ssyncadd.s32 $0xFFFFC000;
	s7 =	simm.s32 @p0 $0x3  }
0xd9: {  	_ =	swait.ge @p0 [sflag:s7], $0x4000  }
0xda: {  	[sflag:s7] =	ssyncset.done @p0 $0x0  }
0xdb: {  	s8 =	simm.s32 @p0 $0x2000;
	[sflag:s7] =	ssyncadd.s32 @p0 $0xFFFFC000;
	s7 =	simm.s32 @p0 $0x80  }
0xdc: {  	[tilespmem:s8], [sflag:$0x2] =	stream.indirect.gather @p0 [hbm4b:s1+s7], $0x80, s5, s7, $0xb8;
	[tilespmem:$0x1DC00] =	vst v63  }
0xdd: {  	s10 =	simm.s32 @!p0 $0x2;
	s8 =	simm.s32 @p0 $0x6000  }
0xde: {  	[spmem:s3] =	stream.indirect.scatter.add.f32 @p0 [tilespmem:s8], [sflag:$0x4], $0x80, s6, s7, $0xb8;
	[tilespmem:$0x1DC00] =	vst v63  }
0xdf: {  	_ =	swait.ge @!p0 [sflag:s10], $0x4000  }
0xe0: {  	s7 =	simm.s32 @!p0 $0x5;
	[sflag:s10] =	ssyncset.done @!p0 $0x0  }
0xe1: {  	s8 =	simm.s32 @!p0 $0x80;
	[sflag:s10] =	ssyncadd.s32 @!p0 $0xFFFFC000;
	s10 =	simm.s32 @!p0 $0x6000  }
0xe2: {  	[tilespmem:s10], [sflag:$0x3] =	stream.indirect.gather @!p0 [hbm4b:s1+s8], $0x80, s5, s8, $0xb8;
	[tilespmem:$0x1DC00] =	vst v63  }
0xe3: {  	s7 =	simm.s32 @p0 $0x4;
	s5 =	simm.s32 @!p0 $0x2000  }
0xe4: {  	[spmem:s3] =	stream.indirect.scatter.add.f32 @!p0 [tilespmem:s5], [sflag:$0x5], $0x80, s6, s8, $0xb8;
	[tilespmem:$0x1DC00] =	vst v63  }
0xe5: {  	_ =	swait.ge [sflag:s7], $0x4000  }
0xe6: {  	[sflag:s7] =	ssyncset.done $0x0  }
0xe7: {  	[sflag:s7] =	ssyncadd.s32 $0xFFFFC000  }
0xe8: {  	_ =	swait.ge [sflag:s25], $0x4000  }
0xe9: {  	[sflag:s25] =	ssyncset.done $0x0  }
0xea: {  	[sflag:s25] =	ssyncadd.s32 $0xFFFFC000  }
0xeb: {  	[spmem:s3] =	stream.indirect.scatter.add.f32 [tilespmem:s29], [sflag:$0x4], $0x80, s28, s26, $0xb8;
	[tilespmem:$0x1DC00] =	vst v63  }
0xec: {  	_ =	swait.ge [sflag:s20], $0x4000  }
0xed: {  	[sflag:s20] =	ssyncset.done $0x0  }
0xee: {  	[sflag:s20] =	ssyncadd.s32 $0xFFFFC000  }
0xef: {  	_ =	swait.ge [sflag:s21], $0x800  }
0xf0: {  	[sflag:s21] =	ssyncset.done $0x0  }
0xf1: {  	[sflag:s21] =	ssyncadd.s32 $0xFFFFF800  }
0xf2: {  	_ =	swait.ge [sflag:s21], $0x800  }
0xf3: {  	s12 =	simm.s32 $0x0;
	[sflag:s21] =	ssyncset.done $0x0  }
0xf4: {  	s5 =	sand.u32 $0x1, s12;
	[sflag:s21] =	ssyncadd.s32 $0xFFFFF800  }
0xf5: {  	[tilespmem:s12], [sflag:$0x1] =	stream.linear.gather [hbm4b:s16+s12], $0x800, $0x38;
	[tilespmem:$0x1DC00] =	vst v63  }
0xf6: {  	p0 =	seq.s32 s5, $0x1  }
0xf7: {  	[tilespmem:s30], [sflag:$0x1] =	stream.linear.gather [hbm4b:s17+s12], $0x800, $0x38;
	[tilespmem:$0x1DC00] =	vst v63  }
0xf8: {  	s5 =	simm.s32 @p0 $0x3  }
0xf9: {  	[tilespmem:s24], [sflag:$0x2] =	stream.indirect.gather [hbm4b:s1+s26], $0x80, s22, s26, $0xb8;
	[tilespmem:$0x1DC00] =	vst v63  }
0xfa: {  	_ =	swait.ge @p0 [sflag:s5], $0x4000  }
0xfb: {  	s6 =	simm.s32 $0x880;
	[sflag:s5] =	ssyncset.done @p0 $0x0  }
0xfc: {  	s7 =	simm.s32 @p0 $0x2000;
	[sflag:s5] =	ssyncadd.s32 @p0 $0xFFFFC000;
	s5 =	simm.s32 @p0 $0x80  }
0xfd: {  	[tilespmem:s7], [sflag:$0x2] =	stream.indirect.gather @p0 [hbm4b:s1+s5], $0x80, s6, s5, $0xb8;
	[tilespmem:$0x1DC00] =	vst v63  }
0xfe: {  	s8 =	simm.s32 $0x1800;
	s10 =	simm.s32 @!p0 $0x2;
	s7 =	simm.s32 @p0 $0x6000  }
0xff: {  	[spmem:s3] =	stream.indirect.scatter.add.f32 @p0 [tilespmem:s7], [sflag:$0x4], $0x80, s8, s5, $0xb8;
	[tilespmem:$0x1DC00] =	vst v63  }
0x100: {  	_ =	swait.ge @!p0 [sflag:s10], $0x4000  }
0x101: {  	s7 =	simm.s32 @!p0 $0x5;
	[sflag:s10] =	ssyncset.done @!p0 $0x0  }
0x102: {  	s5 =	simm.s32 @!p0 $0x80;
	[sflag:s10] =	ssyncadd.s32 @!p0 $0xFFFFC000;
	s10 =	simm.s32 @!p0 $0x6000  }
0x103: {  	[tilespmem:s10], [sflag:$0x3] =	stream.indirect.gather @!p0 [hbm4b:s1+s5], $0x80, s6, s5, $0xb8;
	[tilespmem:$0x1DC00] =	vst v63  }
0x104: {  	s13 =	simm.s32 $0x1;
	s7 =	simm.s32 @p0 $0x4;
	s10 =	simm.s32 @!p0 $0x2000  }
0x105: {  	[spmem:s3] =	stream.indirect.scatter.add.f32 @!p0 [tilespmem:s10], [sflag:$0x5], $0x80, s8, s5, $0xb8;
	[tilespmem:$0x1DC00] =	vst v63  }
0x106: {  	s6 =	simm.s32 $0x1880;
	s8 =	simm.s32 $0x2;
	_ =	swait.ge [sflag:s7], $0x4000  }
0x107: {  	s5 =	simm.s32 $0x900;
	s10 =	sand.u32 $0x1, s13;
	[sflag:s7] =	ssyncset.done $0x0  }
.LBB2_8:
0x108: {  	p1 =	seq.s32 s10, $0x1  }
0x109: {  	[sflag:s7] =	ssyncadd.s32 $0xFFFFC000;
	s10 =	smov.u32 s8;
	s8 =	sadd.s32 $0x1, s8  }
0x10a: {  	p0 =	sne.s32 s8, $0xF;
	s11 =	simm.s32 @p1 $0x3;
	s7 =	simm.s32 @!p1 $0x5  }
0x10b: {  	_ =	swait.ge @p1 [sflag:s11], $0x4000  }
0x10c: {  	[sflag:s11] =	ssyncset.done @p1 $0x0  }
0x10d: {  	s12 =	simm.s32 @p1 $0x2000;
	[sflag:s11] =	ssyncadd.s32 @p1 $0xFFFFC000;
	s11 =	simm.s32 @p1 $0x80  }
0x10e: {  	[tilespmem:s12], [sflag:$0x2] =	stream.indirect.gather @p1 [hbm4b:s1+s11], $0x80, s5, s11, $0xb8;
	[tilespmem:$0x1DC00] =	vst v63  }
0x10f: {  	s13 =	simm.s32 @!p1 $0x2;
	s12 =	simm.s32 @p1 $0x6000  }
0x110: {  	[spmem:s3] =	stream.indirect.scatter.add.f32 @p1 [tilespmem:s12], [sflag:$0x4], $0x80, s6, s11, $0xb8;
	[tilespmem:$0x1DC00] =	vst v63  }
0x111: {  	_ =	swait.ge @!p1 [sflag:s13], $0x4000  }
0x112: {  	[sflag:s13] =	ssyncset.done @!p1 $0x0  }
0x113: {  	s11 =	simm.s32 @!p1 $0x80;
	s12 =	simm.s32 @!p1 $0x6000;
	[sflag:s13] =	ssyncadd.s32 @!p1 $0xFFFFC000  }
0x114: {  	[tilespmem:s12], [sflag:$0x3] =	stream.indirect.gather @!p1 [hbm4b:s1+s11], $0x80, s5, s11, $0xb8;
	[tilespmem:$0x1DC00] =	vst v63  }
.Ltmp3:
0x115: {  	_ = 	snop;
	(pc) =	sbr.rel @p0 .LBB2_8-.Ltmp3, $4  }
0x116: {  	s7 =	simm.s32 @p1 $0x4;
	s12 =	simm.s32 @!p1 $0x2000  }
0x117: {  	[spmem:s3] =	stream.indirect.scatter.add.f32 @!p1 [tilespmem:s12], [sflag:$0x5], $0x80, s6, s11, $0xb8;
	[tilespmem:$0x1DC00] =	vst v63  }
0x118: {  	s5 =	sadd.s32 $0x80, s5;
	_ =	swait.ge [sflag:s7], $0x4000  }
0x119: {  	s10 =	sand.u32 $0x1, s10;
	s6 =	sadd.s32 $0x80, s6;
	[sflag:s7] =	ssyncset.done $0x0  }
0x11a: {  	p0 =	seq.s32 s10, $0x1  }
0x11b: {  	[sflag:s7] =	ssyncadd.s32 $0xFFFFC000;
	s7 =	simm.s32 @p0 $0x3  }
0x11c: {  	_ =	swait.ge @p0 [sflag:s7], $0x4000  }
0x11d: {  	[sflag:s7] =	ssyncset.done @p0 $0x0  }
0x11e: {  	s8 =	simm.s32 @p0 $0x2000;
	[sflag:s7] =	ssyncadd.s32 @p0 $0xFFFFC000;
	s7 =	simm.s32 @p0 $0x80  }
0x11f: {  	[tilespmem:s8], [sflag:$0x2] =	stream.indirect.gather @p0 [hbm4b:s1+s7], $0x80, s5, s7, $0xb8;
	[tilespmem:$0x1DC00] =	vst v63  }
0x120: {  	s10 =	simm.s32 @!p0 $0x2;
	s8 =	simm.s32 @p0 $0x6000  }
0x121: {  	[spmem:s3] =	stream.indirect.scatter.add.f32 @p0 [tilespmem:s8], [sflag:$0x4], $0x80, s6, s7, $0xb8;
	[tilespmem:$0x1DC00] =	vst v63  }
0x122: {  	_ =	swait.ge @!p0 [sflag:s10], $0x4000  }
0x123: {  	s7 =	simm.s32 @!p0 $0x5;
	[sflag:s10] =	ssyncset.done @!p0 $0x0  }
0x124: {  	s8 =	simm.s32 @!p0 $0x80;
	[sflag:s10] =	ssyncadd.s32 @!p0 $0xFFFFC000;
	s10 =	simm.s32 @!p0 $0x6000  }
0x125: {  	[tilespmem:s10], [sflag:$0x3] =	stream.indirect.gather @!p0 [hbm4b:s1+s8], $0x80, s5, s8, $0xb8;
	[tilespmem:$0x1DC00] =	vst v63  }
0x126: {  	s7 =	simm.s32 @p0 $0x4;
	s5 =	simm.s32 @!p0 $0x2000  }
0x127: {  	[spmem:s3] =	stream.indirect.scatter.add.f32 @!p0 [tilespmem:s5], [sflag:$0x5], $0x80, s6, s8, $0xb8;
	[tilespmem:$0x1DC00] =	vst v63  }
0x128: {  	_ =	swait.ge [sflag:s7], $0x4000  }
0x129: {  	[sflag:s7] =	ssyncset.done $0x0  }
0x12a: {  	[sflag:s7] =	ssyncadd.s32 $0xFFFFC000  }
0x12b: {  	_ =	swait.ge [sflag:s25], $0x4000  }
0x12c: {  	[sflag:s25] =	ssyncset.done $0x0  }
0x12d: {  	s5 =	simm.s32 $0x80;
	[sflag:s25] =	ssyncadd.s32 $0xFFFFC000  }
0x12e: {  	[spmem:s3] =	stream.indirect.scatter.add.f32 [tilespmem:s29], [sflag:$0x4], $0x80, s31, s5, $0xb8;
	[tilespmem:$0x1DC00] =	vst v63  }
0x12f: {  	_ =	swait.ge [sflag:s20], $0x4000  }
0x130: {  	[sflag:s20] =	ssyncset.done $0x0  }
0x131: {  	[sflag:s20] =	ssyncadd.s32 $0xFFFFC000  }
0x132: {  	_ =	swait.ge [sflag:s21], $0x800  }
0x133: {  	[sflag:s21] =	ssyncset.done $0x0  }
0x134: {  	s12 =	simm.s32 $0x0;
	[sflag:s21] =	ssyncadd.s32 $0xFFFFF800  }
0x135: {  	s6 =	sand.u32 $0x1, s12;
	_ =	swait.ge [sflag:s21], $0x800  }
0x136: {  	p0 =	seq.s32 s6, $0x1;
	[sflag:s21] =	ssyncset.done $0x0  }
0x137: {  	s6 =	simm.s32 @p0 $0x3;
	[sflag:s21] =	ssyncadd.s32 $0xFFFFF800  }
0x138: {  	[tilespmem:s24], [sflag:$0x2] =	stream.indirect.gather [hbm4b:s1+s5], $0x80, s12, s5, $0xb8;
	[tilespmem:$0x1DC00] =	vst v63  }
0x139: {  	_ =	swait.ge @p0 [sflag:s6], $0x4000  }
0x13a: {  	[sflag:s6] =	ssyncset.done @p0 $0x0  }
0x13b: {  	s7 =	simm.s32 @p0 $0x2000;
	[sflag:s6] =	ssyncadd.s32 @p0 $0xFFFFC000;
	s6 =	simm.s32 @p0 $0x80  }
0x13c: {  	[tilespmem:s7], [sflag:$0x2] =	stream.indirect.gather @p0 [hbm4b:s1+s6], $0x80, s5, s6, $0xb8;
	[tilespmem:$0x1DC00] =	vst v63  }
0x13d: {  	s8 =	simm.s32 $0x1000;
	s10 =	simm.s32 @!p0 $0x2;
	s7 =	simm.s32 @p0 $0x6000  }
0x13e: {  	[spmem:s3] =	stream.indirect.scatter.add.f32 @p0 [tilespmem:s7], [sflag:$0x4], $0x80, s8, s6, $0xb8;
	[tilespmem:$0x1DC00] =	vst v63  }
0x13f: {  	_ =	swait.ge @!p0 [sflag:s10], $0x4000  }
0x140: {  	s7 =	simm.s32 @!p0 $0x5;
	[sflag:s10] =	ssyncset.done @!p0 $0x0  }
0x141: {  	s6 =	simm.s32 @!p0 $0x80;
	[sflag:s10] =	ssyncadd.s32 @!p0 $0xFFFFC000;
	s10 =	simm.s32 @!p0 $0x6000  }
0x142: {  	[tilespmem:s10], [sflag:$0x3] =	stream.indirect.gather @!p0 [hbm4b:s1+s6], $0x80, s5, s6, $0xb8;
	[tilespmem:$0x1DC00] =	vst v63  }
0x143: {  	s13 =	simm.s32 $0x1;
	s7 =	simm.s32 @p0 $0x4;
	s5 =	simm.s32 @!p0 $0x2000  }
0x144: {  	[spmem:s3] =	stream.indirect.scatter.add.f32 @!p0 [tilespmem:s5], [sflag:$0x5], $0x80, s8, s6, $0xb8;
	[tilespmem:$0x1DC00] =	vst v63  }
0x145: {  	s10 =	sand.u32 $0x1, s13;
	s8 =	simm.s32 $0x2;
	_ =	swait.ge [sflag:s7], $0x4000  }
0x146: {  	s5 =	simm.s32 $0x100;
	s6 =	simm.s32 $0x1080;
	[sflag:s7] =	ssyncset.done $0x0  }
.LBB2_10:
0x147: {  	p1 =	seq.s32 s10, $0x1  }
0x148: {  	[sflag:s7] =	ssyncadd.s32 $0xFFFFC000;
	s10 =	smov.u32 s8;
	s8 =	sadd.s32 $0x1, s8  }
0x149: {  	p0 =	sne.s32 s8, $0xF;
	s11 =	simm.s32 @p1 $0x3;
	s7 =	simm.s32 @!p1 $0x5  }
0x14a: {  	_ =	swait.ge @p1 [sflag:s11], $0x4000  }
0x14b: {  	[sflag:s11] =	ssyncset.done @p1 $0x0  }
0x14c: {  	s12 =	simm.s32 @p1 $0x2000;
	[sflag:s11] =	ssyncadd.s32 @p1 $0xFFFFC000;
	s11 =	simm.s32 @p1 $0x80  }
0x14d: {  	[tilespmem:s12], [sflag:$0x2] =	stream.indirect.gather @p1 [hbm4b:s1+s11], $0x80, s5, s11, $0xb8;
	[tilespmem:$0x1DC00] =	vst v63  }
0x14e: {  	s13 =	simm.s32 @!p1 $0x2;
	s12 =	simm.s32 @p1 $0x6000  }
0x14f: {  	[spmem:s3] =	stream.indirect.scatter.add.f32 @p1 [tilespmem:s12], [sflag:$0x4], $0x80, s6, s11, $0xb8;
	[tilespmem:$0x1DC00] =	vst v63  }
0x150: {  	_ =	swait.ge @!p1 [sflag:s13], $0x4000  }
0x151: {  	[sflag:s13] =	ssyncset.done @!p1 $0x0  }
0x152: {  	s11 =	simm.s32 @!p1 $0x80;
	s12 =	simm.s32 @!p1 $0x6000;
	[sflag:s13] =	ssyncadd.s32 @!p1 $0xFFFFC000  }
0x153: {  	[tilespmem:s12], [sflag:$0x3] =	stream.indirect.gather @!p1 [hbm4b:s1+s11], $0x80, s5, s11, $0xb8;
	[tilespmem:$0x1DC00] =	vst v63  }
.Ltmp4:
0x154: {  	_ = 	snop;
	(pc) =	sbr.rel @p0 .LBB2_10-.Ltmp4, $4  }
0x155: {  	s7 =	simm.s32 @p1 $0x4;
	s12 =	simm.s32 @!p1 $0x2000  }
0x156: {  	[spmem:s3] =	stream.indirect.scatter.add.f32 @!p1 [tilespmem:s12], [sflag:$0x5], $0x80, s6, s11, $0xb8;
	[tilespmem:$0x1DC00] =	vst v63  }
0x157: {  	s5 =	sadd.s32 $0x80, s5;
	_ =	swait.ge [sflag:s7], $0x4000  }
0x158: {  	s10 =	sand.u32 $0x1, s10;
	s6 =	sadd.s32 $0x80, s6;
	[sflag:s7] =	ssyncset.done $0x0  }
0x159: {  	p0 =	seq.s32 s10, $0x1  }
0x15a: {  	[sflag:s7] =	ssyncadd.s32 $0xFFFFC000;
	s7 =	simm.s32 @p0 $0x3  }
0x15b: {  	_ =	swait.ge @p0 [sflag:s7], $0x4000  }
0x15c: {  	[sflag:s7] =	ssyncset.done @p0 $0x0  }
0x15d: {  	s8 =	simm.s32 @p0 $0x2000;
	[sflag:s7] =	ssyncadd.s32 @p0 $0xFFFFC000;
	s7 =	simm.s32 @p0 $0x80  }
0x15e: {  	[tilespmem:s8], [sflag:$0x2] =	stream.indirect.gather @p0 [hbm4b:s1+s7], $0x80, s5, s7, $0xb8;
	[tilespmem:$0x1DC00] =	vst v63  }
0x15f: {  	s10 =	simm.s32 @!p0 $0x2;
	s8 =	simm.s32 @p0 $0x6000  }
0x160: {  	[spmem:s3] =	stream.indirect.scatter.add.f32 @p0 [tilespmem:s8], [sflag:$0x4], $0x80, s6, s7, $0xb8;
	[tilespmem:$0x1DC00] =	vst v63  }
0x161: {  	_ =	swait.ge @!p0 [sflag:s10], $0x4000  }
0x162: {  	s7 =	simm.s32 @!p0 $0x5;
	[sflag:s10] =	ssyncset.done @!p0 $0x0  }
0x163: {  	s8 =	simm.s32 @!p0 $0x80;
	[sflag:s10] =	ssyncadd.s32 @!p0 $0xFFFFC000;
	s10 =	simm.s32 @!p0 $0x6000  }
0x164: {  	[tilespmem:s10], [sflag:$0x3] =	stream.indirect.gather @!p0 [hbm4b:s1+s8], $0x80, s5, s8, $0xb8;
	[tilespmem:$0x1DC00] =	vst v63  }
0x165: {  	s7 =	simm.s32 @p0 $0x4;
	s5 =	simm.s32 @!p0 $0x2000  }
0x166: {  	[spmem:s3] =	stream.indirect.scatter.add.f32 @!p0 [tilespmem:s5], [sflag:$0x5], $0x80, s6, s8, $0xb8;
	[tilespmem:$0x1DC00] =	vst v63  }
0x167: {  	_ =	swait.ge [sflag:s7], $0x4000  }
0x168: {  	[sflag:s7] =	ssyncset.done $0x0  }
0x169: {  	[sflag:s7] =	ssyncadd.s32 $0xFFFFC000  }
0x16a: {  	_ =	swait.ge [sflag:s25], $0x4000  }
0x16b: {  	[sflag:s25] =	ssyncset.done $0x0  }
0x16c: {  	[sflag:s25] =	ssyncadd.s32 $0xFFFFC000  }
0x16d: {  	[spmem:s3] =	stream.indirect.scatter.add.f32 [tilespmem:s29], [sflag:$0x4], $0x80, s28, s26, $0xb8;
	[tilespmem:$0x1DC00] =	vst v63  }
0x16e: {  	_ =	swait.ge [sflag:s20], $0x4000  }
0x16f: {  	s0 =	sadd.s32 $0x1, s0;
	[sflag:s20] =	ssyncset.done $0x0  }
0x170: {  	p0 =	sne.s32 s0, s19;
	[sflag:s20] =	ssyncadd.s32 $0xFFFFC000  }
.Ltmp5:
0x171: {  	[bflag:$0x0] =	sbarrier.arrive $0xFFFF;
	(pc) =	sbr.rel @p0 .LBB2_1-.Ltmp5, $4  }
0x172: {  	[hbm:s18], [sflag:s9] =	dma.local [spmem:s2], $0x2780  }
0x173: {  	_ =	swait.ge [sflag:s20], $0x2780  }
0x174: {  	[sflag:s20] =	ssyncset.done $0x0  }
0x175: {  	[sflag:s20] =	ssyncadd.s32 $0xFFFFD880  }
0x176: {  	_ =	sfence.sel $0x180000  }
0x177: {  	[bflag:$0x0] =	sbarrier.arrive $0xFFFF  }
0x178: {  	_ =	strace $0x9000004A  }
0x179: {  	s0 =	stileid.u32;
	[bflag:$0x2] =	sbarrier.arrive $0xFFFF  }
0x17a: {  	p0 =	sne.s32 s0, $0x0;
	s0 =	rddreg [dreg:$0x4]  }
0x17b: {  	s0 =	sadd.s32 @!p0 $0x100000, s0  }
0x17c: {  	[sflag:s0] =	ssyncadd.tile.s32 @!p0 $0x1;
	_ =	shalt  }
.Lfunc_end2:
_tile_overlayer_lowered:
.L_overlay_start_2:
0x17d: {  	(tag) =	ssettag $0x2  }
0x17e: {  	s0 =	rddreg [dreg:$0x0];
	s2 =	stileid.u32  }
0x17f: {  	s1 =	rddreg [dreg:$0x1];
	p0 =	sne.s32 s2, $0x0  }
0x180: {  	s3 =	rddreg [dreg:$0x2];
	[bflag:$0x3] =	sbarrier.arrive $0xFFFF;
	s2 =	simm.s32 @!p0 $0x1C04  }
0x181: {  	[timem:s3], [sflag:s2] =	dma.local @!p0 [hbm:s0], s1  }
0x182: {  	s0 =	simm.s32 @!p0 $0x4  }
0x183: {  	_ =	swait.ge @!p0 [sflag:s0], s1  }
0x184: {  	s1 =	ssub.s32 @!p0 $0x0, s1;
	[sflag:s0] =	ssyncset.done @!p0 $0x0  }
0x185: {  	[sflag:s0] =	ssyncadd.s32 @!p0 s1  }
0x186: {  	[bflag:$0x3] =	sbarrier.arrive $0xFFFF  }
0x187: {  	_ =	shalt  }

// kernel: kernel.17.cloned.1.call-start
scs
__scs_entry_jumppad:
0x0: {  	(pc) =	sbr.rel $0x88, $3  }
0x1: {  	(tag) =	ssettag $0x0;
	lr =	simm.s32 $0x1  }
0x2: {  	[smem:$0x3F99] =	sst lr;
	_ =	strace $0xD0000000  }
0x3: {  	_ = 	snop  }
0x4: {  	_ = 	snop  }
0x5: {  	_ = 	snop  }
0x6: {  	_ = 	snop  }
0x7: {  	_ = 	snop  }
__scs_overlays_trampoline_lowered:
0x8: {  	[smem:$0x3FA8] =	sst s0  }
0x9: {  	[smem:$0x3FA9] =	sst s1  }
0xa: {  	[smem:$0x3FAA] =	sst s2  }
0xb: {  	[smem:$0x3FAB] =	sst s3  }
0xc: {  	[smem:$0x3FAC] =	sst s4  }
0xd: {  	[smem:$0x3FAD] =	sst s5  }
0xe: {  	[smem:$0x3FAE] =	sst s6  }
0xf: {  	[smem:$0x3FAF] =	sst s7  }
0x10: {  	[smem:$0x3FB0] =	sst s8  }
0x11: {  	[smem:$0x3FB1] =	sst s9;
	s0 =	simm.s32 @!p0 $0x0  }
0x12: {  	s1 =	sld [smem:$0x3F97];
	s0 =	simm.s32 @p0 $0x1  }
0x13: {  	[smem:$0x3FB2] =	sst s0;
	s0 =	simm.s32 @!p1 $0x0  }
0x14: {  	s2 =	sld [smem:$0x3F96];
	s0 =	simm.s32 @p1 $0x1  }
0x15: {  	[smem:$0x3FB3] =	sst s0;
	s0 =	simm.s32 @!p2 $0x0  }
0x16: {  	s3 =	sld [smem:$0x3FDB];
	s0 =	simm.s32 @p2 $0x1  }
0x17: {  	s4 =	simm.s32 $0x1BF5;
	[smem:$0x3FB5] =	sst s0  }
0x18: {  	s0 =	sld [smem:$0x3F98];
	_ =	swait.ge [sflag:s4], $0x0  }
0x19: {  	s7 =	sld [smem:$0x3F99]  }
0x1a: {  	s8 =	sadd.s32 $0xFFFFE003, lr  }
0x1b: {  	s9 =	sadd.s32 $0xFFFFFEF7, lr;
	s5 =	simm.s32 $0xFFFFFFFF;
	p2 =	slt.u32 s8, $0xFFFFF086  }
0x1c: {  	p1 =	slt.u32 s9, $0xF7A;
	s5 =	simm.s32 @!p2 $0x0  }
0x1d: {  	s5 =	simm.s32 @p1 $0x1;
	p0 =	seq.s32 s7, s2  }
0x1e: {  	s7 =	smul.u32 @!p0 $0xF7A, s2;
	p2 =	seq.s32 @!p0 s5, $0x0  }
0x1f: {  	s9 =	smul.u32 $0xF7A, s1;
	s8 =	simm.s32 @!p0 $0x1BF5;
	p2 =	por !p2, p0  }
0x20: {  	[sflag:s8] =	ssyncset.s32 @!p0 $0xFFFFF086;
	s6 =	sadd.s32 @!p0 s3, s7;
	s7 =	simm.s32 @!p0 $0x108  }
0x21: {  	s3 =	sadd.s32 s3, s9;
	s6 =	sadd.s32 @!p0 $0x88, s6;
	s7 =	simm.s32 @p2 $0x1082  }
0x22: {  	[simem:s7], [sflag:s8] =	dma.local @!p0 [hbm:s6], $0xF7A  }
0x23: {  	s9 =	sor.u32 $0xD0000000, s2;
	s6 =	simm.s32 $0x108;
	_ =	swait.ge @!p0 [sflag:s8], $0x0  }
0x24: {  	s3 =	sadd.s32 $0x88, s3;
	s6 =	simm.s32 @!p1 $0x1082;
	[sflag:s4] =	ssyncset.s32 $0xFFFFF086  }
0x25: {  	[simem:s6], [sflag:s4] =	dma.local [hbm:s3], $0xF7A  }
0x26: {  	[smem:$0x3F99] =	sst s1;
	(tag) =	ssettag s2;
	_ =	strace s9  }
0x27: {  	s1 =	sld [smem:$0x3FA9]  }
0x28: {  	s2 =	sld [smem:$0x3FAA]  }
0x29: {  	s4 =	sld [smem:$0x3FAC]  }
0x2a: {  	p0 =	seq.s32 s5, $0x0;
	s5 =	sld [smem:$0x3FAD]  }
0x2b: {  	s6 =	sld [smem:$0x3FAE]  }
0x2c: {  	s7 =	sld [smem:$0x3FAF]  }
0x2d: {  	s3 =	simm.s32 $0x108;
	s8 =	sld [smem:$0x3FB0]  }
0x2e: {  	s3 =	simm.s32 @!p0 $0x1082;
	s9 =	sld [smem:$0x3FB1]  }
0x2f: {  	lr =	sadd.s32 s0, s3;
	s0 =	sld [smem:$0x3FA8]  }
0x30: {  	s3 =	sld [smem:$0x3FAB]  }
0x31: {  	[smem:$0x3FB4] =	sst s10  }
0x32: {  	s10 =	sld [smem:$0x3FB2];
	_ =	sdelay $0x3  }
0x33: {  	p0 =	seq.s32 s10, $0x1;
	s10 =	sld [smem:$0x3FB4];
	_ =	sdelay $0x3  }
0x34: {  	[smem:$0x3FB4] =	sst s10  }
0x35: {  	s10 =	sld [smem:$0x3FB3];
	_ =	sdelay $0x3  }
0x36: {  	p1 =	seq.s32 s10, $0x1;
	s10 =	sld [smem:$0x3FB4];
	_ =	sdelay $0x3  }
0x37: {  	[smem:$0x3FB4] =	sst s10  }
0x38: {  	s10 =	sld [smem:$0x3FB5]  }
0x39: {  	_ = 	snop;
	(pc) =	sbr.ind lr, $3  }
0x3a: {  	_ = 	snop  }
0x3b: {  	_ = 	snop  }
0x3c: {  	p2 =	seq.s32 s10, $0x1;
	s10 =	sld [smem:$0x3FB4]  }
0x3d: {  	_ =	shalt  }
0x3e: {  	_ =	shalt  }
0x3f: {  	_ =	shalt  }
0x40: {  	_ =	shalt  }
0x41: {  	_ =	shalt  }
0x42: {  	_ =	shalt  }
0x43: {  	_ =	shalt  }
0x44: {  	_ =	shalt  }
0x45: {  	_ =	shalt  }
0x46: {  	_ =	shalt  }
0x47: {  	_ =	shalt  }
0x48: {  	_ =	shalt  }
0x49: {  	_ =	shalt  }
0x4a: {  	_ =	shalt  }
0x4b: {  	_ =	shalt  }
0x4c: {  	_ =	shalt  }
0x4d: {  	_ =	shalt  }
0x4e: {  	_ =	shalt  }
0x4f: {  	_ =	shalt  }
0x50: {  	_ =	shalt  }
0x51: {  	_ =	shalt  }
0x52: {  	_ =	shalt  }
0x53: {  	_ =	shalt  }
0x54: {  	_ =	shalt  }
0x55: {  	_ =	shalt  }
0x56: {  	_ =	shalt  }
0x57: {  	_ =	shalt  }
0x58: {  	_ =	shalt  }
0x59: {  	_ =	shalt  }
0x5a: {  	_ =	shalt  }
0x5b: {  	_ =	shalt  }
0x5c: {  	_ =	shalt  }
0x5d: {  	_ =	shalt  }
0x5e: {  	_ =	shalt  }
0x5f: {  	_ =	shalt  }
0x60: {  	_ =	shalt  }
0x61: {  	_ =	shalt  }
0x62: {  	_ =	shalt  }
0x63: {  	_ =	shalt  }
0x64: {  	_ =	shalt  }
0x65: {  	_ =	shalt  }
0x66: {  	_ =	shalt  }
0x67: {  	_ =	shalt  }
0x68: {  	_ =	shalt  }
0x69: {  	_ =	shalt  }
0x6a: {  	_ =	shalt  }
0x6b: {  	_ =	shalt  }
0x6c: {  	_ =	shalt  }
0x6d: {  	_ =	shalt  }
0x6e: {  	_ =	shalt  }
0x6f: {  	_ =	shalt  }
0x70: {  	_ =	shalt  }
0x71: {  	_ =	shalt  }
0x72: {  	_ =	shalt  }
0x73: {  	_ =	shalt  }
0x74: {  	_ =	shalt  }
0x75: {  	_ =	shalt  }
0x76: {  	_ =	shalt  }
0x77: {  	_ =	shalt  }
0x78: {  	_ =	shalt  }
0x79: {  	_ =	shalt  }
0x7a: {  	_ =	shalt  }
0x7b: {  	_ =	shalt  }
0x7c: {  	_ =	shalt  }
0x7d: {  	_ =	shalt  }
0x7e: {  	_ =	shalt  }
0x7f: {  	_ =	shalt  }
0x80: {  	_ =	shalt  }
0x81: {  	_ =	shalt  }
0x82: {  	_ =	shalt  }
0x83: {  	_ =	shalt  }
0x84: {  	_ =	shalt  }
0x85: {  	_ =	shalt  }
0x86: {  	_ =	shalt  }
0x87: {  	_ =	shalt  }
.Lfunc_end0:
.L_simem_size_0:
called_computation.2_lowered:
.L_overlay_start_0:
0x88: {  	s2 =	sld [smem:$0x3FD9]  }
0x89: {  	s3 =	sld [smem:$0x3FFE];
	_ =	sdelay $0x1  }
0x8a: {  	s1 =	srdreg.scid  }
0x8b: {  	s0 =	sand.u32 $0x1, s1  }
0x8c: {  	s14 =	sshll.u32 s0, $0xA;
	s2 =	sadd.s32 s3, s2  }
0x8d: {  	s2 =	sadd.s32 s2, s14  }
0x8e: {  	[smem:$0x3FC0] =	sst s2  }
0x8f: {  	_ = 	snop  }
0x90: {  	s2 =	sld [smem:$0x3FD0];
	_ =	sdelay $0x2  }
0x91: {  	s15 =	simm.s32 $0xA;
	s4 =	simm.s32 $0x10  }
0x92: {  	[smem:s4], [sflag:s15] =	dma.local [hbm:s2], $0x1  }
0x93: {  	_ =	swait.eq [sflag:s15], $0x1  }
0x94: {  	[sflag:s15] =	ssyncset.done $0x0  }
0x95: {  	s16 =	sld [smem:$0x10];
	[sflag:s15] =	ssyncadd.s32 $0xFFFFFFFF  }
0x96: {  	s17 =	sld [smem:$0x11];
	(tm) =	ssettm $0x1  }
0x97: {  	s18 =	sld [smem:$0x3FFB];
	_ =	sdelay $0x3  }
0x98: {  	_ =	strace s18  }
0x99: {  	s4 =	sld [smem:$0x3FFC];
	_ =	sdelay $0x3  }
0x9a: {  	_ =	strace s4  }
0x9b: {  	s4 =	sld [smem:$0x3FFD];
	_ =	sdelay $0x3  }
0x9c: {  	_ =	strace s4  }
0x9d: {  	_ =	strace $0x8FFFFFFF  }
0x9e: {  	s19 =	sld [smem:$0x3FDB];
	_ =	sdelay $0x1  }
0x9f: {  	s5 =	simm.s32 $_scs_section_size  }
0xa0: {  	s6 =	simm.s32 $_size__tile_overlayer_lowered;
	s7 =	simm.s32 $_tile_overlayer_lowered  }
0xa1: {  	s22 =	simm.s32 $0x1BFF;
	s21 =	sshll.u32 s7, $0x1;
	s4 =	sadd.s32 s5, s19  }
0xa2: {  	s8 =	simm.s32 $0x0;
	s20 =	sshll.u32 s6, $0x1;
	s6 =	sadd.s32 s21, s4  }
0xa3: {  	[timem:s8], [sflag:s22] =	dma.local [hbm:s6], s20  }
0xa4: {  	_ =	swait.ge [sflag:s22], s20  }
0xa5: {  	s5 =	ssub.s32 $0x0, s20;
	[sflag:s22] =	ssyncset.done $0x0  }
0xa6: {  	[sflag:s22] =	ssyncadd.s32 s5;
	_ =	sdelay $0x1  }
0xa7: {  	s23 =	simm.s32 $0x1B8B  }
0xa8: {  	_ =	swait.ge [sflag:s23], $0x1  }
0xa9: {  	[sflag:s23] =	ssyncset.done $0x0  }
0xaa: {  	s25 =	simm.s32 $0x1B8E;
	s24 =	sld [smem:$0x3FFE];
	[sflag:s23] =	ssyncadd.s32 $0xFFFFFFFF  }
0xab: {  	s26 =	simm.s32 $execute0_lowered;
	[smem:$0x3FD2] =	sst s25  }
0xac: {  	s6 =	sshll.u32 s26, $0x1;
	_ =	strace $0x8000004C;
	[dreg:$0x1] =	wrdreg $0xFFFFFFFF  }
0xad: {  	s28 =	simm.s32 $_size_execute0_lowered;
	s4 =	sadd.s32 s4, s6;
	[dreg:$0x0] =	wrdreg $0x0  }
0xae: {  	s6 =	sshll.u32 s28, $0x1;
	[dreg:$0x2] =	wrdreg s4  }
0xaf: {  	[dreg:$0x3] =	wrdreg s6  }
0xb0: {  	[dreg:$0x4] =	wrdreg $0xC0  }
0xb1: {  	_ =	task [dreg:s8], $0x5FFFF  }
0xb2: {  	[dreg:$0x1] =	wrdreg $0xFFFFFFFF  }
0xb3: {  	[dreg:$0x0] =	wrdreg $0x60  }
0xb4: {  	[dreg:$0x2] =	wrdreg s17  }
0xb5: {  	[dreg:$0x3] =	wrdreg s24  }
0xb6: {  	[dreg:$0x4] =	wrdreg s16  }
0xb7: {  	[dreg:$0x5] =	wrdreg $0xA0000  }
0xb8: {  	[dreg:$0x6] =	wrdreg $0x9  }
0xb9: {  	_ =	task.clear_ibuf [dreg:s8], $0x7FFFF;
	_ =	strace $0x9000004C  }
0xba: {  	s29 =	simm.s32 $0x9;
	_ =	strace $0x8000004E  }
0xbb: {  	_ =	swait.ge [sflag:s29], $0x1  }
0xbc: {  	[sflag:s29] =	ssyncadd.s32 $0xFFFFFFFF  }
0xbd: {  	_ =	strace $0x9000004E  }
0xbe: {  	_ =	sfence  }
0xbf: {  	s30 =	sld [smem:$0x0];
	_ =	sdelay $0x2  }
0xc0: {  	s31 =	sshll.u32 s1, $0xD;
	s1 =	sshrl.u32 s1, $0x2  }
0xc1: {  	s3 =	sand.u32 $0x4000, s31;
	s1 =	sadd.s32 s1, s30  }
0xc2: {  	s0 =	sor.u32 s3, s0;
	s1 =	sshll.u32 s1, $0x11  }
0xc3: {  	s0 =	sor.u32 s1, s0  }
0xc4: {  	s0 =	sadd.s32 $0x8F2B, s0  }
0xc5: {  	[sflag:s0] =	ssyncadd.remote.s32 $0x1  }
0xc6: {  	_ =	sfence.sel $0xFFFF  }
0xc7: {  	[dreg:$0x0] =	wrdreg $0xFFFFFFFF;
	(pc) =	sbr.abs _section_cstart, $3  }
0xc8: {  	[dreg:$0x1] =	wrdreg $0xFFFFFFFF  }
0xc9: {  	_ =	task.clear_ibuf [dreg:s8], $0x2FFFF;
	_ =	strace $0x9FFFFFFF  }
0xca: {  	(tm) =	ssettm $0x7FFFFFFF  }
0xcb: {  	_ =	shalt  }
tec
execute0_lowered:
.L_overlay_start_1:
0x0: {  	(tag) =	ssettag $0x1  }
0x1: {  	s1 =	rddreg [dreg:$0x0]  }
0x2: {  	s0 =	rddreg [dreg:$0x1]  }
0x3: {  	s2 =	rddreg [dreg:$0x2]  }
0x4: {  	s3 =	rddreg [dreg:$0x3];
	s12 =	stileid.u32  }
0x5: {  	s5 =	srdreg.scid;
	s4 =	simm.s32 $0x0;
	s28 =	simm.s32 $0x1780  }
0x6: {  	s29 =	simm.s32 $0x6000;
	s30 =	simm.s32 $0x1000;
	s31 =	simm.s32 $0x1F80  }
0x7: {  	s6 =	smul.u32 $0x13C00, s12;
	s5 =	sand.u32 $0x1, s5;
	[smem:$0x7FF] =	sst s4  }
0x8: {  	s8 =	sadd.s32 $0x2C00, s0;
	s10 =	smul.u32 $0x4F000, s12;
	s19 =	sshll.u32 s12, $0x6  }
0x9: {  	s7 =	smul.u32 $0x13C000, s5;
	s13 =	sshll.u32 s5, $0x4;
	s5 =	ssub.s32 $0x2, s5  }
0xa: {  	_ =	strace $0x8000004D;
	s9 =	sshrl.u32 s6, $0x3;
	s14 =	sshrl.u32 s5, $0x1  }
0xb: {  	s15 =	sshrl.u32 s10, $0x2;
	s26 =	sadd.s32 s9, s0;
	s9 =	sor.u32 s12, s13  }
0xc: {  	s6 =	sadd.s32 s6, s7;
	s5 =	ssub.s32 s5, s14;
	s11 =	smul.u32 $0x500, s9  }
0xd: {  	s6 =	sshrl.u32 s6, $0x3;
	s9 =	smul.u32 $0x2800, s9;
	s18 =	sadd.s32 $0xCC00, s26  }
0xe: {  	s0 =	sadd.s32 s6, s0;
	s6 =	sadd.s32 s15, s3;
	[dreg:$0x8] =	wrdreg s18  }
0xf: {  	s16 =	sadd.s32 s8, s11;
	s17 =	sadd.s32 s2, s11;
	[dreg:$0x7] =	wrdreg s6  }
0x10: {  	s20 =	sshrl.u32 s9, $0x3;
	s9 =	sor.u32 $0x1C04, s19;
	s18 =	sadd.s32 $0x34400, s0  }
0x11: {  	s19 =	smax.u32 s5, $0x1;
	s0 =	simm.s32 $0x0;
	[dreg:$0x5] =	wrdreg s16  }
0x12: {  	[dreg:$0x6] =	wrdreg s17;
	s21 =	sadd.s32 $0x100, s20;
	s22 =	sadd.s32 $0x200, s20  }
0x13: {  	s26 =	sadd.s32 $0x300, s20;
	s7 =	sadd.s32 $0x400, s20;
	s20 =	simm.s32 $0x4  }
0x14: {  	s23 =	sadd.s32 s8, s21;
	s6 =	sadd.s32 s2, s21;
	s24 =	sadd.s32 s8, s22  }
0x15: {  	s25 =	sadd.s32 s2, s22;
	s14 =	sadd.s32 s8, s26;
	[dreg:$0x9] =	wrdreg s23  }
0x16: {  	s15 =	sadd.s32 s2, s26;
	s16 =	sadd.s32 s8, s7;
	[dreg:$0xa] =	wrdreg s6  }
0x17: {  	s17 =	sadd.s32 s2, s7;
	s21 =	simm.s32 $0x1;
	[dreg:$0xb] =	wrdreg s24  }
0x18: {  	s22 =	simm.s32 $0x800;
	s26 =	simm.s32 $0x80;
	[dreg:$0xc] =	wrdreg s25  }
0x19: {  	s23 =	simm.s32 $0x1800;
	s24 =	simm.s32 $0x2000;
	s25 =	simm.s32 $0x3  }
.LBB2_1:
0x1a: {  	s2 =	rddreg [dreg:$0x5]  }
0x1b: {  	s7 =	rddreg [dreg:$0x6]  }
0x1c: {  	s8 =	rddreg [dreg:$0x7]  }
0x1d: {  	[tilespmem:s4], [sflag:$0x1] =	stream.linear.gather [hbm4b:s2+s4], $0x800, $0x38;
	[tilespmem:$0x1DC00] =	vst v63  }
0x1e: {  	s5 =	rddreg [dreg:$0x8];
	s2 =	sshrl.u32 s8, $0x3  }
0x1f: {  	[tilespmem:s30], [sflag:$0x1] =	stream.linear.gather [hbm4b:s7+s4], $0x800, $0x38;
	[tilespmem:$0x1DC00] =	vst v63  }
0x20: {  	[spmem:s2], [sflag:s9] =	dma.local [hbm:s5], $0x2780  }
0x21: {  	_ =	swait.ge [sflag:s20], $0x2780  }
0x22: {  	[sflag:s20] =	ssyncset.done $0x0  }
0x23: {  	[sflag:s20] =	ssyncadd.s32 $0xFFFFD880  }
0x24: {  	_ =	swait.ge [sflag:s21], $0x800  }
0x25: {  	[sflag:s21] =	ssyncset.done $0x0  }
0x26: {  	[sflag:s21] =	ssyncadd.s32 $0xFFFFF800  }
0x27: {  	_ =	swait.ge [sflag:s21], $0x800  }
0x28: {  	[sflag:s21] =	ssyncset.done $0x0  }
0x29: {  	[sflag:s21] =	ssyncadd.s32 $0xFFFFF800  }
0x2a: {  	[bflag:$0x0] =	sbarrier.arrive $0xFFFF  }
0x2b: {  	s12 =	sand.u32 $0x1, s4;
	s10 =	rddreg [dreg:$0x9]  }
0x2c: {  	[tilespmem:s22], [sflag:$0x1] =	stream.linear.gather [hbm4b:s10+s4], $0x800, $0x38;
	[tilespmem:$0x1DC00] =	vst v63  }
0x2d: {  	p0 =	seq.s32 s12, $0x1;
	s11 =	rddreg [dreg:$0xa]  }
0x2e: {  	[tilespmem:s23], [sflag:$0x1] =	stream.linear.gather [hbm4b:s11+s4], $0x800, $0x38;
	[tilespmem:$0x1DC00] =	vst v63  }
0x2f: {  	s5 =	simm.s32 @p0 $0x3  }
0x30: {  	[tilespmem:s24], [sflag:$0x2] =	stream.indirect.gather [hbm4b:s1+s26], $0x80, s4, s26, $0xb8;
	[tilespmem:$0x1DC00] =	vst v63  }
0x31: {  	_ =	swait.ge @p0 [sflag:s5], $0x4000  }
0x32: {  	[sflag:s5] =	ssyncset.done @p0 $0x0  }
0x33: {  	s6 =	simm.s32 @p0 $0x2000;
	[sflag:s5] =	ssyncadd.s32 @p0 $0xFFFFC000;
	s5 =	simm.s32 @p0 $0x80  }
0x34: {  	[tilespmem:s6], [sflag:$0x2] =	stream.indirect.gather @p0 [hbm4b:s1+s5], $0x80, s26, s5, $0xb8;
	[tilespmem:$0x1DC00] =	vst v63  }
0x35: {  	s8 =	simm.s32 @!p0 $0x2;
	s6 =	simm.s32 @p0 $0x6000  }
0x36: {  	[spmem:s3] =	stream.indirect.scatter.add.f32 @p0 [tilespmem:s6], [sflag:$0x4], $0x80, s30, s5, $0xb8;
	[tilespmem:$0x1DC00] =	vst v63  }
0x37: {  	_ =	swait.ge @!p0 [sflag:s8], $0x4000  }
0x38: {  	s7 =	simm.s32 @!p0 $0x5;
	[sflag:s8] =	ssyncset.done @!p0 $0x0  }
0x39: {  	s5 =	simm.s32 @!p0 $0x80;
	s6 =	simm.s32 @!p0 $0x6000;
	[sflag:s8] =	ssyncadd.s32 @!p0 $0xFFFFC000  }
0x3a: {  	[tilespmem:s6], [sflag:$0x3] =	stream.indirect.gather @!p0 [hbm4b:s1+s5], $0x80, s26, s5, $0xb8;
	[tilespmem:$0x1DC00] =	vst v63  }
0x3b: {  	s13 =	simm.s32 $0x1;
	s7 =	simm.s32 @p0 $0x4;
	s8 =	simm.s32 @!p0 $0x2000  }
0x3c: {  	[spmem:s3] =	stream.indirect.scatter.add.f32 @!p0 [tilespmem:s8], [sflag:$0x5], $0x80, s30, s5, $0xb8;
	[tilespmem:$0x1DC00] =	vst v63  }
0x3d: {  	s10 =	sand.u32 $0x1, s13;
	s6 =	simm.s32 $0x1080;
	_ =	swait.ge [sflag:s7], $0x4000  }
0x3e: {  	s8 =	simm.s32 $0x2;
	s5 =	simm.s32 $0x100;
	[sflag:s7] =	ssyncset.done $0x0  }
.LBB2_2:
0x3f: {  	p1 =	seq.s32 s10, $0x1  }
0x40: {  	[sflag:s7] =	ssyncadd.s32 $0xFFFFC000;
	s10 =	smov.u32 s8;
	s8 =	sadd.s32 $0x1, s8  }
0x41: {  	p0 =	sne.s32 s8, $0xF;
	s11 =	simm.s32 @p1 $0x3;
	s7 =	simm.s32 @!p1 $0x5  }
0x42: {  	_ =	swait.ge @p1 [sflag:s11], $0x4000  }
0x43: {  	[sflag:s11] =	ssyncset.done @p1 $0x0  }
0x44: {  	s12 =	simm.s32 @p1 $0x2000;
	[sflag:s11] =	ssyncadd.s32 @p1 $0xFFFFC000;
	s11 =	simm.s32 @p1 $0x80  }
0x45: {  	[tilespmem:s12], [sflag:$0x2] =	stream.indirect.gather @p1 [hbm4b:s1+s11], $0x80, s5, s11, $0xb8;
	[tilespmem:$0x1DC00] =	vst v63  }
0x46: {  	s13 =	simm.s32 @!p1 $0x2;
	s12 =	simm.s32 @p1 $0x6000  }
0x47: {  	[spmem:s3] =	stream.indirect.scatter.add.f32 @p1 [tilespmem:s12], [sflag:$0x4], $0x80, s6, s11, $0xb8;
	[tilespmem:$0x1DC00] =	vst v63  }
0x48: {  	_ =	swait.ge @!p1 [sflag:s13], $0x4000  }
0x49: {  	[sflag:s13] =	ssyncset.done @!p1 $0x0  }
0x4a: {  	s11 =	simm.s32 @!p1 $0x80;
	s12 =	simm.s32 @!p1 $0x6000;
	[sflag:s13] =	ssyncadd.s32 @!p1 $0xFFFFC000  }
0x4b: {  	[tilespmem:s12], [sflag:$0x3] =	stream.indirect.gather @!p1 [hbm4b:s1+s11], $0x80, s5, s11, $0xb8;
	[tilespmem:$0x1DC00] =	vst v63  }
.Ltmp0:
0x4c: {  	_ = 	snop;
	(pc) =	sbr.rel @p0 .LBB2_2-.Ltmp0, $4  }
0x4d: {  	s7 =	simm.s32 @p1 $0x4;
	s12 =	simm.s32 @!p1 $0x2000  }
0x4e: {  	[spmem:s3] =	stream.indirect.scatter.add.f32 @!p1 [tilespmem:s12], [sflag:$0x5], $0x80, s6, s11, $0xb8;
	[tilespmem:$0x1DC00] =	vst v63  }
0x4f: {  	s5 =	sadd.s32 $0x80, s5;
	_ =	swait.ge [sflag:s7], $0x4000  }
0x50: {  	s10 =	sand.u32 $0x1, s10;
	s6 =	sadd.s32 $0x80, s6;
	[sflag:s7] =	ssyncset.done $0x0  }
0x51: {  	p0 =	seq.s32 s10, $0x1  }
0x52: {  	[sflag:s7] =	ssyncadd.s32 $0xFFFFC000;
	s7 =	simm.s32 @p0 $0x3  }
0x53: {  	_ =	swait.ge @p0 [sflag:s7], $0x4000  }
0x54: {  	[sflag:s7] =	ssyncset.done @p0 $0x0  }
0x55: {  	s8 =	simm.s32 @p0 $0x2000;
	[sflag:s7] =	ssyncadd.s32 @p0 $0xFFFFC000;
	s7 =	simm.s32 @p0 $0x80  }
0x56: {  	[tilespmem:s8], [sflag:$0x2] =	stream.indirect.gather @p0 [hbm4b:s1+s7], $0x80, s5, s7, $0xb8;
	[tilespmem:$0x1DC00] =	vst v63  }
0x57: {  	s10 =	simm.s32 @!p0 $0x2;
	s8 =	simm.s32 @p0 $0x6000  }
0x58: {  	[spmem:s3] =	stream.indirect.scatter.add.f32 @p0 [tilespmem:s8], [sflag:$0x4], $0x80, s6, s7, $0xb8;
	[tilespmem:$0x1DC00] =	vst v63  }
0x59: {  	_ =	swait.ge @!p0 [sflag:s10], $0x4000  }
0x5a: {  	s7 =	simm.s32 @!p0 $0x5;
	[sflag:s10] =	ssyncset.done @!p0 $0x0  }
0x5b: {  	s8 =	simm.s32 @!p0 $0x80;
	[sflag:s10] =	ssyncadd.s32 @!p0 $0xFFFFC000;
	s10 =	simm.s32 @!p0 $0x6000  }
0x5c: {  	[tilespmem:s10], [sflag:$0x3] =	stream.indirect.gather @!p0 [hbm4b:s1+s8], $0x80, s5, s8, $0xb8;
	[tilespmem:$0x1DC00] =	vst v63  }
0x5d: {  	s7 =	simm.s32 @p0 $0x4;
	s5 =	simm.s32 @!p0 $0x2000  }
0x5e: {  	[spmem:s3] =	stream.indirect.scatter.add.f32 @!p0 [tilespmem:s5], [sflag:$0x5], $0x80, s6, s8, $0xb8;
	[tilespmem:$0x1DC00] =	vst v63  }
0x5f: {  	_ =	swait.ge [sflag:s7], $0x4000  }
0x60: {  	[sflag:s7] =	ssyncset.done $0x0  }
0x61: {  	[sflag:s7] =	ssyncadd.s32 $0xFFFFC000  }
0x62: {  	_ =	swait.ge [sflag:s25], $0x4000  }
0x63: {  	[sflag:s25] =	ssyncset.done $0x0  }
0x64: {  	[sflag:s25] =	ssyncadd.s32 $0xFFFFC000  }
0x65: {  	[spmem:s3] =	stream.indirect.scatter.add.f32 [tilespmem:s29], [sflag:$0x4], $0x80, s28, s26, $0xb8;
	[tilespmem:$0x1DC00] =	vst v63  }
0x66: {  	_ =	swait.ge [sflag:s20], $0x4000  }
0x67: {  	[sflag:s20] =	ssyncset.done $0x0  }
0x68: {  	[sflag:s20] =	ssyncadd.s32 $0xFFFFC000  }
0x69: {  	_ =	swait.ge [sflag:s21], $0x800  }
0x6a: {  	[sflag:s21] =	ssyncset.done $0x0  }
0x6b: {  	[sflag:s21] =	ssyncadd.s32 $0xFFFFF800  }
0x6c: {  	_ =	swait.ge [sflag:s21], $0x800  }
0x6d: {  	s10 =	simm.s32 $0x0;
	[sflag:s21] =	ssyncset.done $0x0  }
0x6e: {  	s5 =	sand.u32 $0x1, s10;
	s11 =	rddreg [dreg:$0xb];
	[sflag:s21] =	ssyncadd.s32 $0xFFFFF800  }
0x6f: {  	[tilespmem:s10], [sflag:$0x1] =	stream.linear.gather [hbm4b:s11+s10], $0x800, $0x38;
	[tilespmem:$0x1DC00] =	vst v63  }
0x70: {  	p0 =	seq.s32 s5, $0x1;
	s12 =	rddreg [dreg:$0xc]  }
0x71: {  	[tilespmem:s30], [sflag:$0x1] =	stream.linear.gather [hbm4b:s12+s10], $0x800, $0x38;
	[tilespmem:$0x1DC00] =	vst v63  }
0x72: {  	s5 =	simm.s32 @p0 $0x3  }
0x73: {  	[tilespmem:s24], [sflag:$0x2] =	stream.indirect.gather [hbm4b:s1+s26], $0x80, s22, s26, $0xb8;
	[tilespmem:$0x1DC00] =	vst v63  }
0x74: {  	_ =	swait.ge @p0 [sflag:s5], $0x4000  }
0x75: {  	s6 =	simm.s32 $0x880;
	[sflag:s5] =	ssyncset.done @p0 $0x0  }
0x76: {  	s7 =	simm.s32 @p0 $0x2000;
	[sflag:s5] =	ssyncadd.s32 @p0 $0xFFFFC000;
	s5 =	simm.s32 @p0 $0x80  }
0x77: {  	[tilespmem:s7], [sflag:$0x2] =	stream.indirect.gather @p0 [hbm4b:s1+s5], $0x80, s6, s5, $0xb8;
	[tilespmem:$0x1DC00] =	vst v63  }
0x78: {  	s8 =	simm.s32 $0x1800;
	s10 =	simm.s32 @!p0 $0x2;
	s7 =	simm.s32 @p0 $0x6000  }
0x79: {  	[spmem:s3] =	stream.indirect.scatter.add.f32 @p0 [tilespmem:s7], [sflag:$0x4], $0x80, s8, s5, $0xb8;
	[tilespmem:$0x1DC00] =	vst v63  }
0x7a: {  	_ =	swait.ge @!p0 [sflag:s10], $0x4000  }
0x7b: {  	s7 =	simm.s32 @!p0 $0x5;
	[sflag:s10] =	ssyncset.done @!p0 $0x0  }
0x7c: {  	s5 =	simm.s32 @!p0 $0x80;
	[sflag:s10] =	ssyncadd.s32 @!p0 $0xFFFFC000;
	s10 =	simm.s32 @!p0 $0x6000  }
0x7d: {  	[tilespmem:s10], [sflag:$0x3] =	stream.indirect.gather @!p0 [hbm4b:s1+s5], $0x80, s6, s5, $0xb8;
	[tilespmem:$0x1DC00] =	vst v63  }
0x7e: {  	s13 =	simm.s32 $0x1;
	s7 =	simm.s32 @p0 $0x4;
	s10 =	simm.s32 @!p0 $0x2000  }
0x7f: {  	[spmem:s3] =	stream.indirect.scatter.add.f32 @!p0 [tilespmem:s10], [sflag:$0x5], $0x80, s8, s5, $0xb8;
	[tilespmem:$0x1DC00] =	vst v63  }
0x80: {  	s6 =	simm.s32 $0x1880;
	s8 =	simm.s32 $0x2;
	_ =	swait.ge [sflag:s7], $0x4000  }
0x81: {  	s5 =	simm.s32 $0x900;
	s10 =	sand.u32 $0x1, s13;
	[sflag:s7] =	ssyncset.done $0x0  }
.LBB2_4:
0x82: {  	p1 =	seq.s32 s10, $0x1  }
0x83: {  	[sflag:s7] =	ssyncadd.s32 $0xFFFFC000;
	s10 =	smov.u32 s8;
	s8 =	sadd.s32 $0x1, s8  }
0x84: {  	p0 =	sne.s32 s8, $0xF;
	s11 =	simm.s32 @p1 $0x3;
	s7 =	simm.s32 @!p1 $0x5  }
0x85: {  	_ =	swait.ge @p1 [sflag:s11], $0x4000  }
0x86: {  	[sflag:s11] =	ssyncset.done @p1 $0x0  }
0x87: {  	s12 =	simm.s32 @p1 $0x2000;
	[sflag:s11] =	ssyncadd.s32 @p1 $0xFFFFC000;
	s11 =	simm.s32 @p1 $0x80  }
0x88: {  	[tilespmem:s12], [sflag:$0x2] =	stream.indirect.gather @p1 [hbm4b:s1+s11], $0x80, s5, s11, $0xb8;
	[tilespmem:$0x1DC00] =	vst v63  }
0x89: {  	s13 =	simm.s32 @!p1 $0x2;
	s12 =	simm.s32 @p1 $0x6000  }
0x8a: {  	[spmem:s3] =	stream.indirect.scatter.add.f32 @p1 [tilespmem:s12], [sflag:$0x4], $0x80, s6, s11, $0xb8;
	[tilespmem:$0x1DC00] =	vst v63  }
0x8b: {  	_ =	swait.ge @!p1 [sflag:s13], $0x4000  }
0x8c: {  	[sflag:s13] =	ssyncset.done @!p1 $0x0  }
0x8d: {  	s11 =	simm.s32 @!p1 $0x80;
	s12 =	simm.s32 @!p1 $0x6000;
	[sflag:s13] =	ssyncadd.s32 @!p1 $0xFFFFC000  }
0x8e: {  	[tilespmem:s12], [sflag:$0x3] =	stream.indirect.gather @!p1 [hbm4b:s1+s11], $0x80, s5, s11, $0xb8;
	[tilespmem:$0x1DC00] =	vst v63  }
.Ltmp1:
0x8f: {  	_ = 	snop;
	(pc) =	sbr.rel @p0 .LBB2_4-.Ltmp1, $4  }
0x90: {  	s7 =	simm.s32 @p1 $0x4;
	s12 =	simm.s32 @!p1 $0x2000  }
0x91: {  	[spmem:s3] =	stream.indirect.scatter.add.f32 @!p1 [tilespmem:s12], [sflag:$0x5], $0x80, s6, s11, $0xb8;
	[tilespmem:$0x1DC00] =	vst v63  }
0x92: {  	s5 =	sadd.s32 $0x80, s5;
	_ =	swait.ge [sflag:s7], $0x4000  }
0x93: {  	s10 =	sand.u32 $0x1, s10;
	s6 =	sadd.s32 $0x80, s6;
	[sflag:s7] =	ssyncset.done $0x0  }
0x94: {  	p0 =	seq.s32 s10, $0x1  }
0x95: {  	[sflag:s7] =	ssyncadd.s32 $0xFFFFC000;
	s7 =	simm.s32 @p0 $0x3  }
0x96: {  	_ =	swait.ge @p0 [sflag:s7], $0x4000  }
0x97: {  	[sflag:s7] =	ssyncset.done @p0 $0x0  }
0x98: {  	s8 =	simm.s32 @p0 $0x2000;
	[sflag:s7] =	ssyncadd.s32 @p0 $0xFFFFC000;
	s7 =	simm.s32 @p0 $0x80  }
0x99: {  	[tilespmem:s8], [sflag:$0x2] =	stream.indirect.gather @p0 [hbm4b:s1+s7], $0x80, s5, s7, $0xb8;
	[tilespmem:$0x1DC00] =	vst v63  }
0x9a: {  	s10 =	simm.s32 @!p0 $0x2;
	s8 =	simm.s32 @p0 $0x6000  }
0x9b: {  	[spmem:s3] =	stream.indirect.scatter.add.f32 @p0 [tilespmem:s8], [sflag:$0x4], $0x80, s6, s7, $0xb8;
	[tilespmem:$0x1DC00] =	vst v63  }
0x9c: {  	_ =	swait.ge @!p0 [sflag:s10], $0x4000  }
0x9d: {  	s7 =	simm.s32 @!p0 $0x5;
	[sflag:s10] =	ssyncset.done @!p0 $0x0  }
0x9e: {  	s8 =	simm.s32 @!p0 $0x80;
	[sflag:s10] =	ssyncadd.s32 @!p0 $0xFFFFC000;
	s10 =	simm.s32 @!p0 $0x6000  }
0x9f: {  	[tilespmem:s10], [sflag:$0x3] =	stream.indirect.gather @!p0 [hbm4b:s1+s8], $0x80, s5, s8, $0xb8;
	[tilespmem:$0x1DC00] =	vst v63  }
0xa0: {  	s7 =	simm.s32 @p0 $0x4;
	s5 =	simm.s32 @!p0 $0x2000  }
0xa1: {  	[spmem:s3] =	stream.indirect.scatter.add.f32 @!p0 [tilespmem:s5], [sflag:$0x5], $0x80, s6, s8, $0xb8;
	[tilespmem:$0x1DC00] =	vst v63  }
0xa2: {  	_ =	swait.ge [sflag:s7], $0x4000  }
0xa3: {  	[sflag:s7] =	ssyncset.done $0x0  }
0xa4: {  	[sflag:s7] =	ssyncadd.s32 $0xFFFFC000  }
0xa5: {  	_ =	swait.ge [sflag:s25], $0x4000  }
0xa6: {  	[sflag:s25] =	ssyncset.done $0x0  }
0xa7: {  	s5 =	simm.s32 $0x80;
	[sflag:s25] =	ssyncadd.s32 $0xFFFFC000  }
0xa8: {  	[spmem:s3] =	stream.indirect.scatter.add.f32 [tilespmem:s29], [sflag:$0x4], $0x80, s31, s5, $0xb8;
	[tilespmem:$0x1DC00] =	vst v63  }
0xa9: {  	_ =	swait.ge [sflag:s20], $0x4000  }
0xaa: {  	[sflag:s20] =	ssyncset.done $0x0  }
0xab: {  	[sflag:s20] =	ssyncadd.s32 $0xFFFFC000  }
0xac: {  	_ =	swait.ge [sflag:s21], $0x800  }
0xad: {  	[sflag:s21] =	ssyncset.done $0x0  }
0xae: {  	[sflag:s21] =	ssyncadd.s32 $0xFFFFF800  }
0xaf: {  	_ =	swait.ge [sflag:s21], $0x800  }
0xb0: {  	s12 =	simm.s32 $0x0;
	[sflag:s21] =	ssyncset.done $0x0  }
0xb1: {  	s6 =	sand.u32 $0x1, s12;
	[sflag:s21] =	ssyncadd.s32 $0xFFFFF800  }
0xb2: {  	[tilespmem:s22], [sflag:$0x1] =	stream.linear.gather [hbm4b:s14+s12], $0x800, $0x38;
	[tilespmem:$0x1DC00] =	vst v63  }
0xb3: {  	p0 =	seq.s32 s6, $0x1  }
0xb4: {  	[tilespmem:s23], [sflag:$0x1] =	stream.linear.gather [hbm4b:s15+s12], $0x800, $0x38;
	[tilespmem:$0x1DC00] =	vst v63  }
0xb5: {  	s6 =	simm.s32 @p0 $0x3  }
0xb6: {  	[tilespmem:s24], [sflag:$0x2] =	stream.indirect.gather [hbm4b:s1+s5], $0x80, s12, s5, $0xb8;
	[tilespmem:$0x1DC00] =	vst v63  }
0xb7: {  	_ =	swait.ge @p0 [sflag:s6], $0x4000  }
0xb8: {  	[sflag:s6] =	ssyncset.done @p0 $0x0  }
0xb9: {  	s7 =	simm.s32 @p0 $0x2000;
	[sflag:s6] =	ssyncadd.s32 @p0 $0xFFFFC000;
	s6 =	simm.s32 @p0 $0x80  }
0xba: {  	[tilespmem:s7], [sflag:$0x2] =	stream.indirect.gather @p0 [hbm4b:s1+s6], $0x80, s5, s6, $0xb8;
	[tilespmem:$0x1DC00] =	vst v63  }
0xbb: {  	s8 =	simm.s32 $0x1000;
	s10 =	simm.s32 @!p0 $0x2;
	s7 =	simm.s32 @p0 $0x6000  }
0xbc: {  	[spmem:s3] =	stream.indirect.scatter.add.f32 @p0 [tilespmem:s7], [sflag:$0x4], $0x80, s8, s6, $0xb8;
	[tilespmem:$0x1DC00] =	vst v63  }
0xbd: {  	_ =	swait.ge @!p0 [sflag:s10], $0x4000  }
0xbe: {  	s7 =	simm.s32 @!p0 $0x5;
	[sflag:s10] =	ssyncset.done @!p0 $0x0  }
0xbf: {  	s6 =	simm.s32 @!p0 $0x80;
	[sflag:s10] =	ssyncadd.s32 @!p0 $0xFFFFC000;
	s10 =	simm.s32 @!p0 $0x6000  }
0xc0: {  	[tilespmem:s10], [sflag:$0x3] =	stream.indirect.gather @!p0 [hbm4b:s1+s6], $0x80, s5, s6, $0xb8;
	[tilespmem:$0x1DC00] =	vst v63  }
0xc1: {  	s13 =	simm.s32 $0x1;
	s7 =	simm.s32 @p0 $0x4;
	s5 =	simm.s32 @!p0 $0x2000  }
0xc2: {  	[spmem:s3] =	stream.indirect.scatter.add.f32 @!p0 [tilespmem:s5], [sflag:$0x5], $0x80, s8, s6, $0xb8;
	[tilespmem:$0x1DC00] =	vst v63  }
0xc3: {  	s10 =	sand.u32 $0x1, s13;
	s8 =	simm.s32 $0x2;
	_ =	swait.ge [sflag:s7], $0x4000  }
0xc4: {  	s5 =	simm.s32 $0x100;
	s6 =	simm.s32 $0x1080;
	[sflag:s7] =	ssyncset.done $0x0  }
.LBB2_6:
0xc5: {  	p1 =	seq.s32 s10, $0x1  }
0xc6: {  	[sflag:s7] =	ssyncadd.s32 $0xFFFFC000;
	s10 =	smov.u32 s8;
	s8 =	sadd.s32 $0x1, s8  }
0xc7: {  	p0 =	sne.s32 s8, $0xF;
	s11 =	simm.s32 @p1 $0x3;
	s7 =	simm.s32 @!p1 $0x5  }
0xc8: {  	_ =	swait.ge @p1 [sflag:s11], $0x4000  }
0xc9: {  	[sflag:s11] =	ssyncset.done @p1 $0x0  }
0xca: {  	s12 =	simm.s32 @p1 $0x2000;
	[sflag:s11] =	ssyncadd.s32 @p1 $0xFFFFC000;
	s11 =	simm.s32 @p1 $0x80  }
0xcb: {  	[tilespmem:s12], [sflag:$0x2] =	stream.indirect.gather @p1 [hbm4b:s1+s11], $0x80, s5, s11, $0xb8;
	[tilespmem:$0x1DC00] =	vst v63  }
0xcc: {  	s13 =	simm.s32 @!p1 $0x2;
	s12 =	simm.s32 @p1 $0x6000  }
0xcd: {  	[spmem:s3] =	stream.indirect.scatter.add.f32 @p1 [tilespmem:s12], [sflag:$0x4], $0x80, s6, s11, $0xb8;
	[tilespmem:$0x1DC00] =	vst v63  }
0xce: {  	_ =	swait.ge @!p1 [sflag:s13], $0x4000  }
0xcf: {  	[sflag:s13] =	ssyncset.done @!p1 $0x0  }
0xd0: {  	s11 =	simm.s32 @!p1 $0x80;
	s12 =	simm.s32 @!p1 $0x6000;
	[sflag:s13] =	ssyncadd.s32 @!p1 $0xFFFFC000  }
0xd1: {  	[tilespmem:s12], [sflag:$0x3] =	stream.indirect.gather @!p1 [hbm4b:s1+s11], $0x80, s5, s11, $0xb8;
	[tilespmem:$0x1DC00] =	vst v63  }
.Ltmp2:
0xd2: {  	_ = 	snop;
	(pc) =	sbr.rel @p0 .LBB2_6-.Ltmp2, $4  }
0xd3: {  	s7 =	simm.s32 @p1 $0x4;
	s12 =	simm.s32 @!p1 $0x2000  }
0xd4: {  	[spmem:s3] =	stream.indirect.scatter.add.f32 @!p1 [tilespmem:s12], [sflag:$0x5], $0x80, s6, s11, $0xb8;
	[tilespmem:$0x1DC00] =	vst v63  }
0xd5: {  	s5 =	sadd.s32 $0x80, s5;
	_ =	swait.ge [sflag:s7], $0x4000  }
0xd6: {  	s10 =	sand.u32 $0x1, s10;
	s6 =	sadd.s32 $0x80, s6;
	[sflag:s7] =	ssyncset.done $0x0  }
0xd7: {  	p0 =	seq.s32 s10, $0x1  }
0xd8: {  	[sflag:s7] =	ssyncadd.s32 $0xFFFFC000;
	s7 =	simm.s32 @p0 $0x3  }
0xd9: {  	_ =	swait.ge @p0 [sflag:s7], $0x4000  }
0xda: {  	[sflag:s7] =	ssyncset.done @p0 $0x0  }
0xdb: {  	s8 =	simm.s32 @p0 $0x2000;
	[sflag:s7] =	ssyncadd.s32 @p0 $0xFFFFC000;
	s7 =	simm.s32 @p0 $0x80  }
0xdc: {  	[tilespmem:s8], [sflag:$0x2] =	stream.indirect.gather @p0 [hbm4b:s1+s7], $0x80, s5, s7, $0xb8;
	[tilespmem:$0x1DC00] =	vst v63  }
0xdd: {  	s10 =	simm.s32 @!p0 $0x2;
	s8 =	simm.s32 @p0 $0x6000  }
0xde: {  	[spmem:s3] =	stream.indirect.scatter.add.f32 @p0 [tilespmem:s8], [sflag:$0x4], $0x80, s6, s7, $0xb8;
	[tilespmem:$0x1DC00] =	vst v63  }
0xdf: {  	_ =	swait.ge @!p0 [sflag:s10], $0x4000  }
0xe0: {  	s7 =	simm.s32 @!p0 $0x5;
	[sflag:s10] =	ssyncset.done @!p0 $0x0  }
0xe1: {  	s8 =	simm.s32 @!p0 $0x80;
	[sflag:s10] =	ssyncadd.s32 @!p0 $0xFFFFC000;
	s10 =	simm.s32 @!p0 $0x6000  }
0xe2: {  	[tilespmem:s10], [sflag:$0x3] =	stream.indirect.gather @!p0 [hbm4b:s1+s8], $0x80, s5, s8, $0xb8;
	[tilespmem:$0x1DC00] =	vst v63  }
0xe3: {  	s7 =	simm.s32 @p0 $0x4;
	s5 =	simm.s32 @!p0 $0x2000  }
0xe4: {  	[spmem:s3] =	stream.indirect.scatter.add.f32 @!p0 [tilespmem:s5], [sflag:$0x5], $0x80, s6, s8, $0xb8;
	[tilespmem:$0x1DC00] =	vst v63  }
0xe5: {  	_ =	swait.ge [sflag:s7], $0x4000  }
0xe6: {  	[sflag:s7] =	ssyncset.done $0x0  }
0xe7: {  	[sflag:s7] =	ssyncadd.s32 $0xFFFFC000  }
0xe8: {  	_ =	swait.ge [sflag:s25], $0x4000  }
0xe9: {  	[sflag:s25] =	ssyncset.done $0x0  }
0xea: {  	[sflag:s25] =	ssyncadd.s32 $0xFFFFC000  }
0xeb: {  	[spmem:s3] =	stream.indirect.scatter.add.f32 [tilespmem:s29], [sflag:$0x4], $0x80, s28, s26, $0xb8;
	[tilespmem:$0x1DC00] =	vst v63  }
0xec: {  	_ =	swait.ge [sflag:s20], $0x4000  }
0xed: {  	[sflag:s20] =	ssyncset.done $0x0  }
0xee: {  	[sflag:s20] =	ssyncadd.s32 $0xFFFFC000  }
0xef: {  	_ =	swait.ge [sflag:s21], $0x800  }
0xf0: {  	[sflag:s21] =	ssyncset.done $0x0  }
0xf1: {  	[sflag:s21] =	ssyncadd.s32 $0xFFFFF800  }
0xf2: {  	_ =	swait.ge [sflag:s21], $0x800  }
0xf3: {  	s12 =	simm.s32 $0x0;
	[sflag:s21] =	ssyncset.done $0x0  }
0xf4: {  	s5 =	sand.u32 $0x1, s12;
	[sflag:s21] =	ssyncadd.s32 $0xFFFFF800  }
0xf5: {  	[tilespmem:s12], [sflag:$0x1] =	stream.linear.gather [hbm4b:s16+s12], $0x800, $0x38;
	[tilespmem:$0x1DC00] =	vst v63  }
0xf6: {  	p0 =	seq.s32 s5, $0x1  }
0xf7: {  	[tilespmem:s30], [sflag:$0x1] =	stream.linear.gather [hbm4b:s17+s12], $0x800, $0x38;
	[tilespmem:$0x1DC00] =	vst v63  }
0xf8: {  	s5 =	simm.s32 @p0 $0x3  }
0xf9: {  	[tilespmem:s24], [sflag:$0x2] =	stream.indirect.gather [hbm4b:s1+s26], $0x80, s22, s26, $0xb8;
	[tilespmem:$0x1DC00] =	vst v63  }
0xfa: {  	_ =	swait.ge @p0 [sflag:s5], $0x4000  }
0xfb: {  	s6 =	simm.s32 $0x880;
	[sflag:s5] =	ssyncset.done @p0 $0x0  }
0xfc: {  	s7 =	simm.s32 @p0 $0x2000;
	[sflag:s5] =	ssyncadd.s32 @p0 $0xFFFFC000;
	s5 =	simm.s32 @p0 $0x80  }
0xfd: {  	[tilespmem:s7], [sflag:$0x2] =	stream.indirect.gather @p0 [hbm4b:s1+s5], $0x80, s6, s5, $0xb8;
	[tilespmem:$0x1DC00] =	vst v63  }
0xfe: {  	s8 =	simm.s32 $0x1800;
	s10 =	simm.s32 @!p0 $0x2;
	s7 =	simm.s32 @p0 $0x6000  }
0xff: {  	[spmem:s3] =	stream.indirect.scatter.add.f32 @p0 [tilespmem:s7], [sflag:$0x4], $0x80, s8, s5, $0xb8;
	[tilespmem:$0x1DC00] =	vst v63  }
0x100: {  	_ =	swait.ge @!p0 [sflag:s10], $0x4000  }
0x101: {  	s7 =	simm.s32 @!p0 $0x5;
	[sflag:s10] =	ssyncset.done @!p0 $0x0  }
0x102: {  	s5 =	simm.s32 @!p0 $0x80;
	[sflag:s10] =	ssyncadd.s32 @!p0 $0xFFFFC000;
	s10 =	simm.s32 @!p0 $0x6000  }
0x103: {  	[tilespmem:s10], [sflag:$0x3] =	stream.indirect.gather @!p0 [hbm4b:s1+s5], $0x80, s6, s5, $0xb8;
	[tilespmem:$0x1DC00] =	vst v63  }
0x104: {  	s13 =	simm.s32 $0x1;
	s7 =	simm.s32 @p0 $0x4;
	s10 =	simm.s32 @!p0 $0x2000  }
0x105: {  	[spmem:s3] =	stream.indirect.scatter.add.f32 @!p0 [tilespmem:s10], [sflag:$0x5], $0x80, s8, s5, $0xb8;
	[tilespmem:$0x1DC00] =	vst v63  }
0x106: {  	s6 =	simm.s32 $0x1880;
	s8 =	simm.s32 $0x2;
	_ =	swait.ge [sflag:s7], $0x4000  }
0x107: {  	s5 =	simm.s32 $0x900;
	s10 =	sand.u32 $0x1, s13;
	[sflag:s7] =	ssyncset.done $0x0  }
.LBB2_8:
0x108: {  	p1 =	seq.s32 s10, $0x1  }
0x109: {  	[sflag:s7] =	ssyncadd.s32 $0xFFFFC000;
	s10 =	smov.u32 s8;
	s8 =	sadd.s32 $0x1, s8  }
0x10a: {  	p0 =	sne.s32 s8, $0xF;
	s11 =	simm.s32 @p1 $0x3;
	s7 =	simm.s32 @!p1 $0x5  }
0x10b: {  	_ =	swait.ge @p1 [sflag:s11], $0x4000  }
0x10c: {  	[sflag:s11] =	ssyncset.done @p1 $0x0  }
0x10d: {  	s12 =	simm.s32 @p1 $0x2000;
	[sflag:s11] =	ssyncadd.s32 @p1 $0xFFFFC000;
	s11 =	simm.s32 @p1 $0x80  }
0x10e: {  	[tilespmem:s12], [sflag:$0x2] =	stream.indirect.gather @p1 [hbm4b:s1+s11], $0x80, s5, s11, $0xb8;
	[tilespmem:$0x1DC00] =	vst v63  }
0x10f: {  	s13 =	simm.s32 @!p1 $0x2;
	s12 =	simm.s32 @p1 $0x6000  }
0x110: {  	[spmem:s3] =	stream.indirect.scatter.add.f32 @p1 [tilespmem:s12], [sflag:$0x4], $0x80, s6, s11, $0xb8;
	[tilespmem:$0x1DC00] =	vst v63  }
0x111: {  	_ =	swait.ge @!p1 [sflag:s13], $0x4000  }
0x112: {  	[sflag:s13] =	ssyncset.done @!p1 $0x0  }
0x113: {  	s11 =	simm.s32 @!p1 $0x80;
	s12 =	simm.s32 @!p1 $0x6000;
	[sflag:s13] =	ssyncadd.s32 @!p1 $0xFFFFC000  }
0x114: {  	[tilespmem:s12], [sflag:$0x3] =	stream.indirect.gather @!p1 [hbm4b:s1+s11], $0x80, s5, s11, $0xb8;
	[tilespmem:$0x1DC00] =	vst v63  }
.Ltmp3:
0x115: {  	_ = 	snop;
	(pc) =	sbr.rel @p0 .LBB2_8-.Ltmp3, $4  }
0x116: {  	s7 =	simm.s32 @p1 $0x4;
	s12 =	simm.s32 @!p1 $0x2000  }
0x117: {  	[spmem:s3] =	stream.indirect.scatter.add.f32 @!p1 [tilespmem:s12], [sflag:$0x5], $0x80, s6, s11, $0xb8;
	[tilespmem:$0x1DC00] =	vst v63  }
0x118: {  	s5 =	sadd.s32 $0x80, s5;
	_ =	swait.ge [sflag:s7], $0x4000  }
0x119: {  	s10 =	sand.u32 $0x1, s10;
	s6 =	sadd.s32 $0x80, s6;
	[sflag:s7] =	ssyncset.done $0x0  }
0x11a: {  	p0 =	seq.s32 s10, $0x1  }
0x11b: {  	[sflag:s7] =	ssyncadd.s32 $0xFFFFC000;
	s7 =	simm.s32 @p0 $0x3  }
0x11c: {  	_ =	swait.ge @p0 [sflag:s7], $0x4000  }
0x11d: {  	[sflag:s7] =	ssyncset.done @p0 $0x0  }
0x11e: {  	s8 =	simm.s32 @p0 $0x2000;
	[sflag:s7] =	ssyncadd.s32 @p0 $0xFFFFC000;
	s7 =	simm.s32 @p0 $0x80  }
0x11f: {  	[tilespmem:s8], [sflag:$0x2] =	stream.indirect.gather @p0 [hbm4b:s1+s7], $0x80, s5, s7, $0xb8;
	[tilespmem:$0x1DC00] =	vst v63  }
0x120: {  	s10 =	simm.s32 @!p0 $0x2;
	s8 =	simm.s32 @p0 $0x6000  }
0x121: {  	[spmem:s3] =	stream.indirect.scatter.add.f32 @p0 [tilespmem:s8], [sflag:$0x4], $0x80, s6, s7, $0xb8;
	[tilespmem:$0x1DC00] =	vst v63  }
0x122: {  	_ =	swait.ge @!p0 [sflag:s10], $0x4000  }
0x123: {  	s7 =	simm.s32 @!p0 $0x5;
	[sflag:s10] =	ssyncset.done @!p0 $0x0  }
0x124: {  	s8 =	simm.s32 @!p0 $0x80;
	[sflag:s10] =	ssyncadd.s32 @!p0 $0xFFFFC000;
	s10 =	simm.s32 @!p0 $0x6000  }
0x125: {  	[tilespmem:s10], [sflag:$0x3] =	stream.indirect.gather @!p0 [hbm4b:s1+s8], $0x80, s5, s8, $0xb8;
	[tilespmem:$0x1DC00] =	vst v63  }
0x126: {  	s7 =	simm.s32 @p0 $0x4;
	s5 =	simm.s32 @!p0 $0x2000  }
0x127: {  	[spmem:s3] =	stream.indirect.scatter.add.f32 @!p0 [tilespmem:s5], [sflag:$0x5], $0x80, s6, s8, $0xb8;
	[tilespmem:$0x1DC00] =	vst v63  }
0x128: {  	_ =	swait.ge [sflag:s7], $0x4000  }
0x129: {  	[sflag:s7] =	ssyncset.done $0x0  }
0x12a: {  	[sflag:s7] =	ssyncadd.s32 $0xFFFFC000  }
0x12b: {  	_ =	swait.ge [sflag:s25], $0x4000  }
0x12c: {  	[sflag:s25] =	ssyncset.done $0x0  }
0x12d: {  	s5 =	simm.s32 $0x80;
	[sflag:s25] =	ssyncadd.s32 $0xFFFFC000  }
0x12e: {  	[spmem:s3] =	stream.indirect.scatter.add.f32 [tilespmem:s29], [sflag:$0x4], $0x80, s31, s5, $0xb8;
	[tilespmem:$0x1DC00] =	vst v63  }
0x12f: {  	_ =	swait.ge [sflag:s20], $0x4000  }
0x130: {  	[sflag:s20] =	ssyncset.done $0x0  }
0x131: {  	[sflag:s20] =	ssyncadd.s32 $0xFFFFC000  }
0x132: {  	_ =	swait.ge [sflag:s21], $0x800  }
0x133: {  	[sflag:s21] =	ssyncset.done $0x0  }
0x134: {  	s12 =	simm.s32 $0x0;
	[sflag:s21] =	ssyncadd.s32 $0xFFFFF800  }
0x135: {  	s6 =	sand.u32 $0x1, s12;
	_ =	swait.ge [sflag:s21], $0x800  }
0x136: {  	p0 =	seq.s32 s6, $0x1;
	[sflag:s21] =	ssyncset.done $0x0  }
0x137: {  	s6 =	simm.s32 @p0 $0x3;
	[sflag:s21] =	ssyncadd.s32 $0xFFFFF800  }
0x138: {  	[tilespmem:s24], [sflag:$0x2] =	stream.indirect.gather [hbm4b:s1+s5], $0x80, s12, s5, $0xb8;
	[tilespmem:$0x1DC00] =	vst v63  }
0x139: {  	_ =	swait.ge @p0 [sflag:s6], $0x4000  }
0x13a: {  	[sflag:s6] =	ssyncset.done @p0 $0x0  }
0x13b: {  	s7 =	simm.s32 @p0 $0x2000;
	[sflag:s6] =	ssyncadd.s32 @p0 $0xFFFFC000;
	s6 =	simm.s32 @p0 $0x80  }
0x13c: {  	[tilespmem:s7], [sflag:$0x2] =	stream.indirect.gather @p0 [hbm4b:s1+s6], $0x80, s5, s6, $0xb8;
	[tilespmem:$0x1DC00] =	vst v63  }
0x13d: {  	s8 =	simm.s32 $0x1000;
	s10 =	simm.s32 @!p0 $0x2;
	s7 =	simm.s32 @p0 $0x6000  }
0x13e: {  	[spmem:s3] =	stream.indirect.scatter.add.f32 @p0 [tilespmem:s7], [sflag:$0x4], $0x80, s8, s6, $0xb8;
	[tilespmem:$0x1DC00] =	vst v63  }
0x13f: {  	_ =	swait.ge @!p0 [sflag:s10], $0x4000  }
0x140: {  	s7 =	simm.s32 @!p0 $0x5;
	[sflag:s10] =	ssyncset.done @!p0 $0x0  }
0x141: {  	s6 =	simm.s32 @!p0 $0x80;
	[sflag:s10] =	ssyncadd.s32 @!p0 $0xFFFFC000;
	s10 =	simm.s32 @!p0 $0x6000  }
0x142: {  	[tilespmem:s10], [sflag:$0x3] =	stream.indirect.gather @!p0 [hbm4b:s1+s6], $0x80, s5, s6, $0xb8;
	[tilespmem:$0x1DC00] =	vst v63  }
0x143: {  	s13 =	simm.s32 $0x1;
	s7 =	simm.s32 @p0 $0x4;
	s5 =	simm.s32 @!p0 $0x2000  }
0x144: {  	[spmem:s3] =	stream.indirect.scatter.add.f32 @!p0 [tilespmem:s5], [sflag:$0x5], $0x80, s8, s6, $0xb8;
	[tilespmem:$0x1DC00] =	vst v63  }
0x145: {  	s10 =	sand.u32 $0x1, s13;
	s8 =	simm.s32 $0x2;
	_ =	swait.ge [sflag:s7], $0x4000  }
0x146: {  	s5 =	simm.s32 $0x100;
	s6 =	simm.s32 $0x1080;
	[sflag:s7] =	ssyncset.done $0x0  }
.LBB2_10:
0x147: {  	p1 =	seq.s32 s10, $0x1  }
0x148: {  	[sflag:s7] =	ssyncadd.s32 $0xFFFFC000;
	s10 =	smov.u32 s8;
	s8 =	sadd.s32 $0x1, s8  }
0x149: {  	p0 =	sne.s32 s8, $0xF;
	s11 =	simm.s32 @p1 $0x3;
	s7 =	simm.s32 @!p1 $0x5  }
0x14a: {  	_ =	swait.ge @p1 [sflag:s11], $0x4000  }
0x14b: {  	[sflag:s11] =	ssyncset.done @p1 $0x0  }
0x14c: {  	s12 =	simm.s32 @p1 $0x2000;
	[sflag:s11] =	ssyncadd.s32 @p1 $0xFFFFC000;
	s11 =	simm.s32 @p1 $0x80  }
0x14d: {  	[tilespmem:s12], [sflag:$0x2] =	stream.indirect.gather @p1 [hbm4b:s1+s11], $0x80, s5, s11, $0xb8;
	[tilespmem:$0x1DC00] =	vst v63  }
0x14e: {  	s13 =	simm.s32 @!p1 $0x2;
	s12 =	simm.s32 @p1 $0x6000  }
0x14f: {  	[spmem:s3] =	stream.indirect.scatter.add.f32 @p1 [tilespmem:s12], [sflag:$0x4], $0x80, s6, s11, $0xb8;
	[tilespmem:$0x1DC00] =	vst v63  }
0x150: {  	_ =	swait.ge @!p1 [sflag:s13], $0x4000  }
0x151: {  	[sflag:s13] =	ssyncset.done @!p1 $0x0  }
0x152: {  	s11 =	simm.s32 @!p1 $0x80;
	s12 =	simm.s32 @!p1 $0x6000;
	[sflag:s13] =	ssyncadd.s32 @!p1 $0xFFFFC000  }
0x153: {  	[tilespmem:s12], [sflag:$0x3] =	stream.indirect.gather @!p1 [hbm4b:s1+s11], $0x80, s5, s11, $0xb8;
	[tilespmem:$0x1DC00] =	vst v63  }
.Ltmp4:
0x154: {  	_ = 	snop;
	(pc) =	sbr.rel @p0 .LBB2_10-.Ltmp4, $4  }
0x155: {  	s7 =	simm.s32 @p1 $0x4;
	s12 =	simm.s32 @!p1 $0x2000  }
0x156: {  	[spmem:s3] =	stream.indirect.scatter.add.f32 @!p1 [tilespmem:s12], [sflag:$0x5], $0x80, s6, s11, $0xb8;
	[tilespmem:$0x1DC00] =	vst v63  }
0x157: {  	s5 =	sadd.s32 $0x80, s5;
	_ =	swait.ge [sflag:s7], $0x4000  }
0x158: {  	s10 =	sand.u32 $0x1, s10;
	s6 =	sadd.s32 $0x80, s6;
	[sflag:s7] =	ssyncset.done $0x0  }
0x159: {  	p0 =	seq.s32 s10, $0x1  }
0x15a: {  	[sflag:s7] =	ssyncadd.s32 $0xFFFFC000;
	s7 =	simm.s32 @p0 $0x3  }
0x15b: {  	_ =	swait.ge @p0 [sflag:s7], $0x4000  }
0x15c: {  	[sflag:s7] =	ssyncset.done @p0 $0x0  }
0x15d: {  	s8 =	simm.s32 @p0 $0x2000;
	[sflag:s7] =	ssyncadd.s32 @p0 $0xFFFFC000;
	s7 =	simm.s32 @p0 $0x80  }
0x15e: {  	[tilespmem:s8], [sflag:$0x2] =	stream.indirect.gather @p0 [hbm4b:s1+s7], $0x80, s5, s7, $0xb8;
	[tilespmem:$0x1DC00] =	vst v63  }
0x15f: {  	s10 =	simm.s32 @!p0 $0x2;
	s8 =	simm.s32 @p0 $0x6000  }
0x160: {  	[spmem:s3] =	stream.indirect.scatter.add.f32 @p0 [tilespmem:s8], [sflag:$0x4], $0x80, s6, s7, $0xb8;
	[tilespmem:$0x1DC00] =	vst v63  }
0x161: {  	_ =	swait.ge @!p0 [sflag:s10], $0x4000  }
0x162: {  	s7 =	simm.s32 @!p0 $0x5;
	[sflag:s10] =	ssyncset.done @!p0 $0x0  }
0x163: {  	s8 =	simm.s32 @!p0 $0x80;
	[sflag:s10] =	ssyncadd.s32 @!p0 $0xFFFFC000;
	s10 =	simm.s32 @!p0 $0x6000  }
0x164: {  	[tilespmem:s10], [sflag:$0x3] =	stream.indirect.gather @!p0 [hbm4b:s1+s8], $0x80, s5, s8, $0xb8;
	[tilespmem:$0x1DC00] =	vst v63  }
0x165: {  	s7 =	simm.s32 @p0 $0x4;
	s5 =	simm.s32 @!p0 $0x2000  }
0x166: {  	[spmem:s3] =	stream.indirect.scatter.add.f32 @!p0 [tilespmem:s5], [sflag:$0x5], $0x80, s6, s8, $0xb8;
	[tilespmem:$0x1DC00] =	vst v63  }
0x167: {  	_ =	swait.ge [sflag:s7], $0x4000  }
0x168: {  	[sflag:s7] =	ssyncset.done $0x0  }
0x169: {  	[sflag:s7] =	ssyncadd.s32 $0xFFFFC000  }
0x16a: {  	_ =	swait.ge [sflag:s25], $0x4000  }
0x16b: {  	[sflag:s25] =	ssyncset.done $0x0  }
0x16c: {  	[sflag:s25] =	ssyncadd.s32 $0xFFFFC000  }
0x16d: {  	[spmem:s3] =	stream.indirect.scatter.add.f32 [tilespmem:s29], [sflag:$0x4], $0x80, s28, s26, $0xb8;
	[tilespmem:$0x1DC00] =	vst v63  }
0x16e: {  	_ =	swait.ge [sflag:s20], $0x4000  }
0x16f: {  	s0 =	sadd.s32 $0x1, s0;
	[sflag:s20] =	ssyncset.done $0x0  }
0x170: {  	p0 =	sne.s32 s0, s19;
	[sflag:s20] =	ssyncadd.s32 $0xFFFFC000  }
.Ltmp5:
0x171: {  	[bflag:$0x0] =	sbarrier.arrive $0xFFFF;
	(pc) =	sbr.rel @p0 .LBB2_1-.Ltmp5, $4  }
0x172: {  	[hbm:s18], [sflag:s9] =	dma.local [spmem:s2], $0x2780  }
0x173: {  	_ =	swait.ge [sflag:s20], $0x2780  }
0x174: {  	[sflag:s20] =	ssyncset.done $0x0  }
0x175: {  	[sflag:s20] =	ssyncadd.s32 $0xFFFFD880  }
0x176: {  	_ =	sfence.sel $0x180000  }
0x177: {  	[bflag:$0x0] =	sbarrier.arrive $0xFFFF  }
0x178: {  	_ =	strace $0x9000004D  }
0x179: {  	s0 =	stileid.u32;
	[bflag:$0x2] =	sbarrier.arrive $0xFFFF  }
0x17a: {  	p0 =	sne.s32 s0, $0x0;
	s0 =	rddreg [dreg:$0x4]  }
0x17b: {  	s0 =	sadd.s32 @!p0 $0x100000, s0  }
0x17c: {  	[sflag:s0] =	ssyncadd.tile.s32 @!p0 $0x1;
	_ =	shalt  }
.Lfunc_end2:
_tile_overlayer_lowered:
.L_overlay_start_2:
0x17d: {  	(tag) =	ssettag $0x2  }
0x17e: {  	s0 =	rddreg [dreg:$0x0];
	s2 =	stileid.u32  }
0x17f: {  	s1 =	rddreg [dreg:$0x1];
	p0 =	sne.s32 s2, $0x0  }
0x180: {  	s3 =	rddreg [dreg:$0x2];
	[bflag:$0x3] =	sbarrier.arrive $0xFFFF;
	s2 =	simm.s32 @!p0 $0x1C04  }
0x181: {  	[timem:s3], [sflag:s2] =	dma.local @!p0 [hbm:s0], s1  }
0x182: {  	s0 =	simm.s32 @!p0 $0x4  }
0x183: {  	_ =	swait.ge @!p0 [sflag:s0], s1  }
0x184: {  	s1 =	ssub.s32 @!p0 $0x0, s1;
	[sflag:s0] =	ssyncset.done @!p0 $0x0  }
0x185: {  	[sflag:s0] =	ssyncadd.s32 @!p0 s1  }
0x186: {  	[bflag:$0x3] =	sbarrier.arrive $0xFFFF  }
0x187: {  	_ =	shalt  }

// kernel: kernel.20.cloned.1.call-start
scs
__scs_entry_jumppad:
0x0: {  	(pc) =	sbr.rel $0x88, $3  }
0x1: {  	(tag) =	ssettag $0x0;
	lr =	simm.s32 $0x1  }
0x2: {  	[smem:$0x3F99] =	sst lr;
	_ =	strace $0xD0000000  }
0x3: {  	_ = 	snop  }
0x4: {  	_ = 	snop  }
0x5: {  	_ = 	snop  }
0x6: {  	_ = 	snop  }
0x7: {  	_ = 	snop  }
__scs_overlays_trampoline_lowered:
0x8: {  	[smem:$0x3FA8] =	sst s0  }
0x9: {  	[smem:$0x3FA9] =	sst s1  }
0xa: {  	[smem:$0x3FAA] =	sst s2  }
0xb: {  	[smem:$0x3FAB] =	sst s3  }
0xc: {  	[smem:$0x3FAC] =	sst s4  }
0xd: {  	[smem:$0x3FAD] =	sst s5  }
0xe: {  	[smem:$0x3FAE] =	sst s6  }
0xf: {  	[smem:$0x3FAF] =	sst s7  }
0x10: {  	[smem:$0x3FB0] =	sst s8  }
0x11: {  	[smem:$0x3FB1] =	sst s9;
	s0 =	simm.s32 @!p0 $0x0  }
0x12: {  	s1 =	sld [smem:$0x3F97];
	s0 =	simm.s32 @p0 $0x1  }
0x13: {  	[smem:$0x3FB2] =	sst s0;
	s0 =	simm.s32 @!p1 $0x0  }
0x14: {  	s2 =	sld [smem:$0x3F96];
	s0 =	simm.s32 @p1 $0x1  }
0x15: {  	[smem:$0x3FB3] =	sst s0;
	s0 =	simm.s32 @!p2 $0x0  }
0x16: {  	s3 =	sld [smem:$0x3FDB];
	s0 =	simm.s32 @p2 $0x1  }
0x17: {  	s4 =	simm.s32 $0x1BF5;
	[smem:$0x3FB5] =	sst s0  }
0x18: {  	s0 =	sld [smem:$0x3F98];
	_ =	swait.ge [sflag:s4], $0x0  }
0x19: {  	s7 =	sld [smem:$0x3F99]  }
0x1a: {  	s8 =	sadd.s32 $0xFFFFE003, lr  }
0x1b: {  	s9 =	sadd.s32 $0xFFFFFEF7, lr;
	s5 =	simm.s32 $0xFFFFFFFF;
	p2 =	slt.u32 s8, $0xFFFFF086  }
0x1c: {  	p1 =	slt.u32 s9, $0xF7A;
	s5 =	simm.s32 @!p2 $0x0  }
0x1d: {  	s5 =	simm.s32 @p1 $0x1;
	p0 =	seq.s32 s7, s2  }
0x1e: {  	s7 =	smul.u32 @!p0 $0xF7A, s2;
	p2 =	seq.s32 @!p0 s5, $0x0  }
0x1f: {  	s9 =	smul.u32 $0xF7A, s1;
	s8 =	simm.s32 @!p0 $0x1BF5;
	p2 =	por !p2, p0  }
0x20: {  	[sflag:s8] =	ssyncset.s32 @!p0 $0xFFFFF086;
	s6 =	sadd.s32 @!p0 s3, s7;
	s7 =	simm.s32 @!p0 $0x108  }
0x21: {  	s3 =	sadd.s32 s3, s9;
	s6 =	sadd.s32 @!p0 $0x88, s6;
	s7 =	simm.s32 @p2 $0x1082  }
0x22: {  	[simem:s7], [sflag:s8] =	dma.local @!p0 [hbm:s6], $0xF7A  }
0x23: {  	s9 =	sor.u32 $0xD0000000, s2;
	s6 =	simm.s32 $0x108;
	_ =	swait.ge @!p0 [sflag:s8], $0x0  }
0x24: {  	s3 =	sadd.s32 $0x88, s3;
	s6 =	simm.s32 @!p1 $0x1082;
	[sflag:s4] =	ssyncset.s32 $0xFFFFF086  }
0x25: {  	[simem:s6], [sflag:s4] =	dma.local [hbm:s3], $0xF7A  }
0x26: {  	[smem:$0x3F99] =	sst s1;
	(tag) =	ssettag s2;
	_ =	strace s9  }
0x27: {  	s1 =	sld [smem:$0x3FA9]  }
0x28: {  	s2 =	sld [smem:$0x3FAA]  }
0x29: {  	s4 =	sld [smem:$0x3FAC]  }
0x2a: {  	p0 =	seq.s32 s5, $0x0;
	s5 =	sld [smem:$0x3FAD]  }
0x2b: {  	s6 =	sld [smem:$0x3FAE]  }
0x2c: {  	s7 =	sld [smem:$0x3FAF]  }
0x2d: {  	s3 =	simm.s32 $0x108;
	s8 =	sld [smem:$0x3FB0]  }
0x2e: {  	s3 =	simm.s32 @!p0 $0x1082;
	s9 =	sld [smem:$0x3FB1]  }
0x2f: {  	lr =	sadd.s32 s0, s3;
	s0 =	sld [smem:$0x3FA8]  }
0x30: {  	s3 =	sld [smem:$0x3FAB]  }
0x31: {  	[smem:$0x3FB4] =	sst s10  }
0x32: {  	s10 =	sld [smem:$0x3FB2];
	_ =	sdelay $0x3  }
0x33: {  	p0 =	seq.s32 s10, $0x1;
	s10 =	sld [smem:$0x3FB4];
	_ =	sdelay $0x3  }
0x34: {  	[smem:$0x3FB4] =	sst s10  }
0x35: {  	s10 =	sld [smem:$0x3FB3];
	_ =	sdelay $0x3  }
0x36: {  	p1 =	seq.s32 s10, $0x1;
	s10 =	sld [smem:$0x3FB4];
	_ =	sdelay $0x3  }
0x37: {  	[smem:$0x3FB4] =	sst s10  }
0x38: {  	s10 =	sld [smem:$0x3FB5]  }
0x39: {  	_ = 	snop;
	(pc) =	sbr.ind lr, $3  }
0x3a: {  	_ = 	snop  }
0x3b: {  	_ = 	snop  }
0x3c: {  	p2 =	seq.s32 s10, $0x1;
	s10 =	sld [smem:$0x3FB4]  }
0x3d: {  	_ =	shalt  }
0x3e: {  	_ =	shalt  }
0x3f: {  	_ =	shalt  }
0x40: {  	_ =	shalt  }
0x41: {  	_ =	shalt  }
0x42: {  	_ =	shalt  }
0x43: {  	_ =	shalt  }
0x44: {  	_ =	shalt  }
0x45: {  	_ =	shalt  }
0x46: {  	_ =	shalt  }
0x47: {  	_ =	shalt  }
0x48: {  	_ =	shalt  }
0x49: {  	_ =	shalt  }
0x4a: {  	_ =	shalt  }
0x4b: {  	_ =	shalt  }
0x4c: {  	_ =	shalt  }
0x4d: {  	_ =	shalt  }
0x4e: {  	_ =	shalt  }
0x4f: {  	_ =	shalt  }
0x50: {  	_ =	shalt  }
0x51: {  	_ =	shalt  }
0x52: {  	_ =	shalt  }
0x53: {  	_ =	shalt  }
0x54: {  	_ =	shalt  }
0x55: {  	_ =	shalt  }
0x56: {  	_ =	shalt  }
0x57: {  	_ =	shalt  }
0x58: {  	_ =	shalt  }
0x59: {  	_ =	shalt  }
0x5a: {  	_ =	shalt  }
0x5b: {  	_ =	shalt  }
0x5c: {  	_ =	shalt  }
0x5d: {  	_ =	shalt  }
0x5e: {  	_ =	shalt  }
0x5f: {  	_ =	shalt  }
0x60: {  	_ =	shalt  }
0x61: {  	_ =	shalt  }
0x62: {  	_ =	shalt  }
0x63: {  	_ =	shalt  }
0x64: {  	_ =	shalt  }
0x65: {  	_ =	shalt  }
0x66: {  	_ =	shalt  }
0x67: {  	_ =	shalt  }
0x68: {  	_ =	shalt  }
0x69: {  	_ =	shalt  }
0x6a: {  	_ =	shalt  }
0x6b: {  	_ =	shalt  }
0x6c: {  	_ =	shalt  }
0x6d: {  	_ =	shalt  }
0x6e: {  	_ =	shalt  }
0x6f: {  	_ =	shalt  }
0x70: {  	_ =	shalt  }
0x71: {  	_ =	shalt  }
0x72: {  	_ =	shalt  }
0x73: {  	_ =	shalt  }
0x74: {  	_ =	shalt  }
0x75: {  	_ =	shalt  }
0x76: {  	_ =	shalt  }
0x77: {  	_ =	shalt  }
0x78: {  	_ =	shalt  }
0x79: {  	_ =	shalt  }
0x7a: {  	_ =	shalt  }
0x7b: {  	_ =	shalt  }
0x7c: {  	_ =	shalt  }
0x7d: {  	_ =	shalt  }
0x7e: {  	_ =	shalt  }
0x7f: {  	_ =	shalt  }
0x80: {  	_ =	shalt  }
0x81: {  	_ =	shalt  }
0x82: {  	_ =	shalt  }
0x83: {  	_ =	shalt  }
0x84: {  	_ =	shalt  }
0x85: {  	_ =	shalt  }
0x86: {  	_ =	shalt  }
0x87: {  	_ =	shalt  }
.Lfunc_end0:
.L_simem_size_0:
called_computation.3_lowered:
.L_overlay_start_0:
0x88: {  	s2 =	sld [smem:$0x3FD9]  }
0x89: {  	s3 =	sld [smem:$0x3FFE];
	_ =	sdelay $0x1  }
0x8a: {  	s1 =	srdreg.scid  }
0x8b: {  	s0 =	sand.u32 $0x1, s1  }
0x8c: {  	s14 =	sshll.u32 s0, $0xA;
	s2 =	sadd.s32 s3, s2  }
0x8d: {  	s2 =	sadd.s32 s2, s14  }
0x8e: {  	[smem:$0x3FC0] =	sst s2  }
0x8f: {  	_ = 	snop  }
0x90: {  	s2 =	sld [smem:$0x3FD0];
	_ =	sdelay $0x2  }
0x91: {  	s15 =	simm.s32 $0xA;
	s4 =	simm.s32 $0x10  }
0x92: {  	[smem:s4], [sflag:s15] =	dma.local [hbm:s2], $0x1  }
0x93: {  	_ =	swait.eq [sflag:s15], $0x1  }
0x94: {  	[sflag:s15] =	ssyncset.done $0x0  }
0x95: {  	s16 =	sld [smem:$0x10];
	[sflag:s15] =	ssyncadd.s32 $0xFFFFFFFF  }
0x96: {  	s17 =	sld [smem:$0x11];
	(tm) =	ssettm $0x1  }
0x97: {  	s18 =	sld [smem:$0x3FFB];
	_ =	sdelay $0x3  }
0x98: {  	_ =	strace s18  }
0x99: {  	s4 =	sld [smem:$0x3FFC];
	_ =	sdelay $0x3  }
0x9a: {  	_ =	strace s4  }
0x9b: {  	s4 =	sld [smem:$0x3FFD];
	_ =	sdelay $0x3  }
0x9c: {  	_ =	strace s4  }
0x9d: {  	_ =	strace $0x8FFFFFFF  }
0x9e: {  	s19 =	sld [smem:$0x3FDB];
	_ =	sdelay $0x1  }
0x9f: {  	s5 =	simm.s32 $_scs_section_size  }
0xa0: {  	s6 =	simm.s32 $_size__tile_overlayer_lowered;
	s7 =	simm.s32 $_tile_overlayer_lowered  }
0xa1: {  	s22 =	simm.s32 $0x1BFF;
	s21 =	sshll.u32 s7, $0x1;
	s4 =	sadd.s32 s5, s19  }
0xa2: {  	s8 =	simm.s32 $0x0;
	s20 =	sshll.u32 s6, $0x1;
	s6 =	sadd.s32 s21, s4  }
0xa3: {  	[timem:s8], [sflag:s22] =	dma.local [hbm:s6], s20  }
0xa4: {  	_ =	swait.ge [sflag:s22], s20  }
0xa5: {  	s5 =	ssub.s32 $0x0, s20;
	[sflag:s22] =	ssyncset.done $0x0  }
0xa6: {  	[sflag:s22] =	ssyncadd.s32 s5;
	_ =	sdelay $0x1  }
0xa7: {  	s23 =	simm.s32 $0x1B8B  }
0xa8: {  	_ =	swait.ge [sflag:s23], $0x1  }
0xa9: {  	[sflag:s23] =	ssyncset.done $0x0  }
0xaa: {  	s25 =	simm.s32 $0x1B8E;
	s24 =	sld [smem:$0x3FFE];
	[sflag:s23] =	ssyncadd.s32 $0xFFFFFFFF  }
0xab: {  	s26 =	simm.s32 $execute0_lowered;
	[smem:$0x3FD2] =	sst s25  }
0xac: {  	s6 =	sshll.u32 s26, $0x1;
	_ =	strace $0x8000004F;
	[dreg:$0x1] =	wrdreg $0xFFFFFFFF  }
0xad: {  	s28 =	simm.s32 $_size_execute0_lowered;
	s4 =	sadd.s32 s4, s6;
	[dreg:$0x0] =	wrdreg $0x0  }
0xae: {  	s6 =	sshll.u32 s28, $0x1;
	[dreg:$0x2] =	wrdreg s4  }
0xaf: {  	[dreg:$0x3] =	wrdreg s6  }
0xb0: {  	[dreg:$0x4] =	wrdreg $0xC0  }
0xb1: {  	_ =	task [dreg:s8], $0x5FFFF  }
0xb2: {  	[dreg:$0x1] =	wrdreg $0xFFFFFFFF  }
0xb3: {  	[dreg:$0x0] =	wrdreg $0x60  }
0xb4: {  	[dreg:$0x2] =	wrdreg s17  }
0xb5: {  	[dreg:$0x3] =	wrdreg s24  }
0xb6: {  	[dreg:$0x4] =	wrdreg s16  }
0xb7: {  	[dreg:$0x5] =	wrdreg $0xA0000  }
0xb8: {  	[dreg:$0x6] =	wrdreg $0x9  }
0xb9: {  	_ =	task.clear_ibuf [dreg:s8], $0x7FFFF;
	_ =	strace $0x9000004F  }
0xba: {  	s29 =	simm.s32 $0x9;
	_ =	strace $0x80000051  }
0xbb: {  	_ =	swait.ge [sflag:s29], $0x1  }
0xbc: {  	[sflag:s29] =	ssyncadd.s32 $0xFFFFFFFF  }
0xbd: {  	_ =	strace $0x90000051  }
0xbe: {  	_ =	sfence  }
0xbf: {  	s30 =	sld [smem:$0x0];
	_ =	sdelay $0x2  }
0xc0: {  	s31 =	sshll.u32 s1, $0xD;
	s1 =	sshrl.u32 s1, $0x2  }
0xc1: {  	s3 =	sand.u32 $0x4000, s31;
	s1 =	sadd.s32 s1, s30  }
0xc2: {  	s0 =	sor.u32 s3, s0;
	s1 =	sshll.u32 s1, $0x11  }
0xc3: {  	s0 =	sor.u32 s1, s0  }
0xc4: {  	s0 =	sadd.s32 $0x8F2B, s0  }
0xc5: {  	[sflag:s0] =	ssyncadd.remote.s32 $0x1  }
0xc6: {  	_ =	sfence.sel $0xFFFF  }
0xc7: {  	[dreg:$0x0] =	wrdreg $0xFFFFFFFF;
	(pc) =	sbr.abs _section_cstart, $3  }
0xc8: {  	[dreg:$0x1] =	wrdreg $0xFFFFFFFF  }
0xc9: {  	_ =	task.clear_ibuf [dreg:s8], $0x2FFFF;
	_ =	strace $0x9FFFFFFF  }
0xca: {  	(tm) =	ssettm $0x7FFFFFFF  }
0xcb: {  	_ =	shalt  }
tec
execute0_lowered:
.L_overlay_start_1:
0x0: {  	(tag) =	ssettag $0x1  }
0x1: {  	s1 =	rddreg [dreg:$0x0]  }
0x2: {  	s0 =	rddreg [dreg:$0x1]  }
0x3: {  	s2 =	rddreg [dreg:$0x2]  }
0x4: {  	s3 =	rddreg [dreg:$0x3];
	s12 =	stileid.u32  }
0x5: {  	s5 =	srdreg.scid;
	s4 =	simm.s32 $0x0;
	s28 =	simm.s32 $0x1780  }
0x6: {  	s29 =	simm.s32 $0x6000;
	s30 =	simm.s32 $0x1000;
	s31 =	simm.s32 $0x1F80  }
0x7: {  	s6 =	smul.u32 $0x13C00, s12;
	s5 =	sand.u32 $0x1, s5;
	[smem:$0x7FF] =	sst s4  }
0x8: {  	s8 =	sadd.s32 $0x2C00, s0;
	s10 =	smul.u32 $0x4F000, s12;
	s19 =	sshll.u32 s12, $0x6  }
0x9: {  	s7 =	smul.u32 $0x13C000, s5;
	s13 =	sshll.u32 s5, $0x4;
	s5 =	ssub.s32 $0x2, s5  }
0xa: {  	_ =	strace $0x80000050;
	s9 =	sshrl.u32 s6, $0x3;
	s14 =	sshrl.u32 s5, $0x1  }
0xb: {  	s15 =	sshrl.u32 s10, $0x2;
	s26 =	sadd.s32 s9, s0;
	s9 =	sor.u32 s12, s13  }
0xc: {  	s6 =	sadd.s32 s6, s7;
	s5 =	ssub.s32 s5, s14;
	s11 =	smul.u32 $0x500, s9  }
0xd: {  	s6 =	sshrl.u32 s6, $0x3;
	s9 =	smul.u32 $0x2800, s9;
	s18 =	sadd.s32 $0xCC00, s26  }
0xe: {  	s0 =	sadd.s32 s6, s0;
	s6 =	sadd.s32 s15, s3;
	[dreg:$0x8] =	wrdreg s18  }
0xf: {  	s16 =	sadd.s32 s8, s11;
	s17 =	sadd.s32 s2, s11;
	[dreg:$0x7] =	wrdreg s6  }
0x10: {  	s20 =	sshrl.u32 s9, $0x3;
	s9 =	sor.u32 $0x1C04, s19;
	s18 =	sadd.s32 $0x34400, s0  }
0x11: {  	s19 =	smax.u32 s5, $0x1;
	s0 =	simm.s32 $0x0;
	[dreg:$0x5] =	wrdreg s16  }
0x12: {  	[dreg:$0x6] =	wrdreg s17;
	s21 =	sadd.s32 $0x100, s20;
	s22 =	sadd.s32 $0x200, s20  }
0x13: {  	s26 =	sadd.s32 $0x300, s20;
	s7 =	sadd.s32 $0x400, s20;
	s20 =	simm.s32 $0x4  }
0x14: {  	s23 =	sadd.s32 s8, s21;
	s6 =	sadd.s32 s2, s21;
	s24 =	sadd.s32 s8, s22  }
0x15: {  	s25 =	sadd.s32 s2, s22;
	s14 =	sadd.s32 s8, s26;
	[dreg:$0x9] =	wrdreg s23  }
0x16: {  	s15 =	sadd.s32 s2, s26;
	s16 =	sadd.s32 s8, s7;
	[dreg:$0xa] =	wrdreg s6  }
0x17: {  	s17 =	sadd.s32 s2, s7;
	s21 =	simm.s32 $0x1;
	[dreg:$0xb] =	wrdreg s24  }
0x18: {  	s22 =	simm.s32 $0x800;
	s26 =	simm.s32 $0x80;
	[dreg:$0xc] =	wrdreg s25  }
0x19: {  	s23 =	simm.s32 $0x1800;
	s24 =	simm.s32 $0x2000;
	s25 =	simm.s32 $0x3  }
.LBB2_1:
0x1a: {  	s2 =	rddreg [dreg:$0x5]  }
0x1b: {  	s7 =	rddreg [dreg:$0x6]  }
0x1c: {  	s8 =	rddreg [dreg:$0x7]  }
0x1d: {  	[tilespmem:s4], [sflag:$0x1] =	stream.linear.gather [hbm4b:s2+s4], $0x800, $0x38;
	[tilespmem:$0x1DC00] =	vst v63  }
0x1e: {  	s5 =	rddreg [dreg:$0x8];
	s2 =	sshrl.u32 s8, $0x3  }
0x1f: {  	[tilespmem:s30], [sflag:$0x1] =	stream.linear.gather [hbm4b:s7+s4], $0x800, $0x38;
	[tilespmem:$0x1DC00] =	vst v63  }
0x20: {  	[spmem:s2], [sflag:s9] =	dma.local [hbm:s5], $0x2780  }
0x21: {  	_ =	swait.ge [sflag:s20], $0x2780  }
0x22: {  	[sflag:s20] =	ssyncset.done $0x0  }
0x23: {  	[sflag:s20] =	ssyncadd.s32 $0xFFFFD880  }
0x24: {  	_ =	swait.ge [sflag:s21], $0x800  }
0x25: {  	[sflag:s21] =	ssyncset.done $0x0  }
0x26: {  	[sflag:s21] =	ssyncadd.s32 $0xFFFFF800  }
0x27: {  	_ =	swait.ge [sflag:s21], $0x800  }
0x28: {  	[sflag:s21] =	ssyncset.done $0x0  }
0x29: {  	[sflag:s21] =	ssyncadd.s32 $0xFFFFF800  }
0x2a: {  	[bflag:$0x0] =	sbarrier.arrive $0xFFFF  }
0x2b: {  	s12 =	sand.u32 $0x1, s4;
	s10 =	rddreg [dreg:$0x9]  }
0x2c: {  	[tilespmem:s22], [sflag:$0x1] =	stream.linear.gather [hbm4b:s10+s4], $0x800, $0x38;
	[tilespmem:$0x1DC00] =	vst v63  }
0x2d: {  	p0 =	seq.s32 s12, $0x1;
	s11 =	rddreg [dreg:$0xa]  }
0x2e: {  	[tilespmem:s23], [sflag:$0x1] =	stream.linear.gather [hbm4b:s11+s4], $0x800, $0x38;
	[tilespmem:$0x1DC00] =	vst v63  }
0x2f: {  	s5 =	simm.s32 @p0 $0x3  }
0x30: {  	[tilespmem:s24], [sflag:$0x2] =	stream.indirect.gather [hbm4b:s1+s26], $0x80, s4, s26, $0xb8;
	[tilespmem:$0x1DC00] =	vst v63  }
0x31: {  	_ =	swait.ge @p0 [sflag:s5], $0x4000  }
0x32: {  	[sflag:s5] =	ssyncset.done @p0 $0x0  }
0x33: {  	s6 =	simm.s32 @p0 $0x2000;
	[sflag:s5] =	ssyncadd.s32 @p0 $0xFFFFC000;
	s5 =	simm.s32 @p0 $0x80  }
0x34: {  	[tilespmem:s6], [sflag:$0x2] =	stream.indirect.gather @p0 [hbm4b:s1+s5], $0x80, s26, s5, $0xb8;
	[tilespmem:$0x1DC00] =	vst v63  }
0x35: {  	s8 =	simm.s32 @!p0 $0x2;
	s6 =	simm.s32 @p0 $0x6000  }
0x36: {  	[spmem:s3] =	stream.indirect.scatter.add.f32 @p0 [tilespmem:s6], [sflag:$0x4], $0x80, s30, s5, $0xb8;
	[tilespmem:$0x1DC00] =	vst v63  }
0x37: {  	_ =	swait.ge @!p0 [sflag:s8], $0x4000  }
0x38: {  	s7 =	simm.s32 @!p0 $0x5;
	[sflag:s8] =	ssyncset.done @!p0 $0x0  }
0x39: {  	s5 =	simm.s32 @!p0 $0x80;
	s6 =	simm.s32 @!p0 $0x6000;
	[sflag:s8] =	ssyncadd.s32 @!p0 $0xFFFFC000  }
0x3a: {  	[tilespmem:s6], [sflag:$0x3] =	stream.indirect.gather @!p0 [hbm4b:s1+s5], $0x80, s26, s5, $0xb8;
	[tilespmem:$0x1DC00] =	vst v63  }
0x3b: {  	s13 =	simm.s32 $0x1;
	s7 =	simm.s32 @p0 $0x4;
	s8 =	simm.s32 @!p0 $0x2000  }
0x3c: {  	[spmem:s3] =	stream.indirect.scatter.add.f32 @!p0 [tilespmem:s8], [sflag:$0x5], $0x80, s30, s5, $0xb8;
	[tilespmem:$0x1DC00] =	vst v63  }
0x3d: {  	s10 =	sand.u32 $0x1, s13;
	s6 =	simm.s32 $0x1080;
	_ =	swait.ge [sflag:s7], $0x4000  }
0x3e: {  	s8 =	simm.s32 $0x2;
	s5 =	simm.s32 $0x100;
	[sflag:s7] =	ssyncset.done $0x0  }
.LBB2_2:
0x3f: {  	p1 =	seq.s32 s10, $0x1  }
0x40: {  	[sflag:s7] =	ssyncadd.s32 $0xFFFFC000;
	s10 =	smov.u32 s8;
	s8 =	sadd.s32 $0x1, s8  }
0x41: {  	p0 =	sne.s32 s8, $0xF;
	s11 =	simm.s32 @p1 $0x3;
	s7 =	simm.s32 @!p1 $0x5  }
0x42: {  	_ =	swait.ge @p1 [sflag:s11], $0x4000  }
0x43: {  	[sflag:s11] =	ssyncset.done @p1 $0x0  }
0x44: {  	s12 =	simm.s32 @p1 $0x2000;
	[sflag:s11] =	ssyncadd.s32 @p1 $0xFFFFC000;
	s11 =	simm.s32 @p1 $0x80  }
0x45: {  	[tilespmem:s12], [sflag:$0x2] =	stream.indirect.gather @p1 [hbm4b:s1+s11], $0x80, s5, s11, $0xb8;
	[tilespmem:$0x1DC00] =	vst v63  }
0x46: {  	s13 =	simm.s32 @!p1 $0x2;
	s12 =	simm.s32 @p1 $0x6000  }
0x47: {  	[spmem:s3] =	stream.indirect.scatter.add.f32 @p1 [tilespmem:s12], [sflag:$0x4], $0x80, s6, s11, $0xb8;
	[tilespmem:$0x1DC00] =	vst v63  }
0x48: {  	_ =	swait.ge @!p1 [sflag:s13], $0x4000  }
0x49: {  	[sflag:s13] =	ssyncset.done @!p1 $0x0  }
0x4a: {  	s11 =	simm.s32 @!p1 $0x80;
	s12 =	simm.s32 @!p1 $0x6000;
	[sflag:s13] =	ssyncadd.s32 @!p1 $0xFFFFC000  }
0x4b: {  	[tilespmem:s12], [sflag:$0x3] =	stream.indirect.gather @!p1 [hbm4b:s1+s11], $0x80, s5, s11, $0xb8;
	[tilespmem:$0x1DC00] =	vst v63  }
.Ltmp0:
0x4c: {  	_ = 	snop;
	(pc) =	sbr.rel @p0 .LBB2_2-.Ltmp0, $4  }
0x4d: {  	s7 =	simm.s32 @p1 $0x4;
	s12 =	simm.s32 @!p1 $0x2000  }
0x4e: {  	[spmem:s3] =	stream.indirect.scatter.add.f32 @!p1 [tilespmem:s12], [sflag:$0x5], $0x80, s6, s11, $0xb8;
	[tilespmem:$0x1DC00] =	vst v63  }
0x4f: {  	s5 =	sadd.s32 $0x80, s5;
	_ =	swait.ge [sflag:s7], $0x4000  }
0x50: {  	s10 =	sand.u32 $0x1, s10;
	s6 =	sadd.s32 $0x80, s6;
	[sflag:s7] =	ssyncset.done $0x0  }
0x51: {  	p0 =	seq.s32 s10, $0x1  }
0x52: {  	[sflag:s7] =	ssyncadd.s32 $0xFFFFC000;
	s7 =	simm.s32 @p0 $0x3  }
0x53: {  	_ =	swait.ge @p0 [sflag:s7], $0x4000  }
0x54: {  	[sflag:s7] =	ssyncset.done @p0 $0x0  }
0x55: {  	s8 =	simm.s32 @p0 $0x2000;
	[sflag:s7] =	ssyncadd.s32 @p0 $0xFFFFC000;
	s7 =	simm.s32 @p0 $0x80  }
0x56: {  	[tilespmem:s8], [sflag:$0x2] =	stream.indirect.gather @p0 [hbm4b:s1+s7], $0x80, s5, s7, $0xb8;
	[tilespmem:$0x1DC00] =	vst v63  }
0x57: {  	s10 =	simm.s32 @!p0 $0x2;
	s8 =	simm.s32 @p0 $0x6000  }
0x58: {  	[spmem:s3] =	stream.indirect.scatter.add.f32 @p0 [tilespmem:s8], [sflag:$0x4], $0x80, s6, s7, $0xb8;
	[tilespmem:$0x1DC00] =	vst v63  }
0x59: {  	_ =	swait.ge @!p0 [sflag:s10], $0x4000  }
0x5a: {  	s7 =	simm.s32 @!p0 $0x5;
	[sflag:s10] =	ssyncset.done @!p0 $0x0  }
0x5b: {  	s8 =	simm.s32 @!p0 $0x80;
	[sflag:s10] =	ssyncadd.s32 @!p0 $0xFFFFC000;
	s10 =	simm.s32 @!p0 $0x6000  }
0x5c: {  	[tilespmem:s10], [sflag:$0x3] =	stream.indirect.gather @!p0 [hbm4b:s1+s8], $0x80, s5, s8, $0xb8;
	[tilespmem:$0x1DC00] =	vst v63  }
0x5d: {  	s7 =	simm.s32 @p0 $0x4;
	s5 =	simm.s32 @!p0 $0x2000  }
0x5e: {  	[spmem:s3] =	stream.indirect.scatter.add.f32 @!p0 [tilespmem:s5], [sflag:$0x5], $0x80, s6, s8, $0xb8;
	[tilespmem:$0x1DC00] =	vst v63  }
0x5f: {  	_ =	swait.ge [sflag:s7], $0x4000  }
0x60: {  	[sflag:s7] =	ssyncset.done $0x0  }
0x61: {  	[sflag:s7] =	ssyncadd.s32 $0xFFFFC000  }
0x62: {  	_ =	swait.ge [sflag:s25], $0x4000  }
0x63: {  	[sflag:s25] =	ssyncset.done $0x0  }
0x64: {  	[sflag:s25] =	ssyncadd.s32 $0xFFFFC000  }
0x65: {  	[spmem:s3] =	stream.indirect.scatter.add.f32 [tilespmem:s29], [sflag:$0x4], $0x80, s28, s26, $0xb8;
	[tilespmem:$0x1DC00] =	vst v63  }
0x66: {  	_ =	swait.ge [sflag:s20], $0x4000  }
0x67: {  	[sflag:s20] =	ssyncset.done $0x0  }
0x68: {  	[sflag:s20] =	ssyncadd.s32 $0xFFFFC000  }
0x69: {  	_ =	swait.ge [sflag:s21], $0x800  }
0x6a: {  	[sflag:s21] =	ssyncset.done $0x0  }
0x6b: {  	[sflag:s21] =	ssyncadd.s32 $0xFFFFF800  }
0x6c: {  	_ =	swait.ge [sflag:s21], $0x800  }
0x6d: {  	s10 =	simm.s32 $0x0;
	[sflag:s21] =	ssyncset.done $0x0  }
0x6e: {  	s5 =	sand.u32 $0x1, s10;
	s11 =	rddreg [dreg:$0xb];
	[sflag:s21] =	ssyncadd.s32 $0xFFFFF800  }
0x6f: {  	[tilespmem:s10], [sflag:$0x1] =	stream.linear.gather [hbm4b:s11+s10], $0x800, $0x38;
	[tilespmem:$0x1DC00] =	vst v63  }
0x70: {  	p0 =	seq.s32 s5, $0x1;
	s12 =	rddreg [dreg:$0xc]  }
0x71: {  	[tilespmem:s30], [sflag:$0x1] =	stream.linear.gather [hbm4b:s12+s10], $0x800, $0x38;
	[tilespmem:$0x1DC00] =	vst v63  }
0x72: {  	s5 =	simm.s32 @p0 $0x3  }
0x73: {  	[tilespmem:s24], [sflag:$0x2] =	stream.indirect.gather [hbm4b:s1+s26], $0x80, s22, s26, $0xb8;
	[tilespmem:$0x1DC00] =	vst v63  }
0x74: {  	_ =	swait.ge @p0 [sflag:s5], $0x4000  }
0x75: {  	s6 =	simm.s32 $0x880;
	[sflag:s5] =	ssyncset.done @p0 $0x0  }
0x76: {  	s7 =	simm.s32 @p0 $0x2000;
	[sflag:s5] =	ssyncadd.s32 @p0 $0xFFFFC000;
	s5 =	simm.s32 @p0 $0x80  }
0x77: {  	[tilespmem:s7], [sflag:$0x2] =	stream.indirect.gather @p0 [hbm4b:s1+s5], $0x80, s6, s5, $0xb8;
	[tilespmem:$0x1DC00] =	vst v63  }
0x78: {  	s8 =	simm.s32 $0x1800;
	s10 =	simm.s32 @!p0 $0x2;
	s7 =	simm.s32 @p0 $0x6000  }
0x79: {  	[spmem:s3] =	stream.indirect.scatter.add.f32 @p0 [tilespmem:s7], [sflag:$0x4], $0x80, s8, s5, $0xb8;
	[tilespmem:$0x1DC00] =	vst v63  }
0x7a: {  	_ =	swait.ge @!p0 [sflag:s10], $0x4000  }
0x7b: {  	s7 =	simm.s32 @!p0 $0x5;
	[sflag:s10] =	ssyncset.done @!p0 $0x0  }
0x7c: {  	s5 =	simm.s32 @!p0 $0x80;
	[sflag:s10] =	ssyncadd.s32 @!p0 $0xFFFFC000;
	s10 =	simm.s32 @!p0 $0x6000  }
0x7d: {  	[tilespmem:s10], [sflag:$0x3] =	stream.indirect.gather @!p0 [hbm4b:s1+s5], $0x80, s6, s5, $0xb8;
	[tilespmem:$0x1DC00] =	vst v63  }
0x7e: {  	s13 =	simm.s32 $0x1;
	s7 =	simm.s32 @p0 $0x4;
	s10 =	simm.s32 @!p0 $0x2000  }
0x7f: {  	[spmem:s3] =	stream.indirect.scatter.add.f32 @!p0 [tilespmem:s10], [sflag:$0x5], $0x80, s8, s5, $0xb8;
	[tilespmem:$0x1DC00] =	vst v63  }
0x80: {  	s6 =	simm.s32 $0x1880;
	s8 =	simm.s32 $0x2;
	_ =	swait.ge [sflag:s7], $0x4000  }
0x81: {  	s5 =	simm.s32 $0x900;
	s10 =	sand.u32 $0x1, s13;
	[sflag:s7] =	ssyncset.done $0x0  }
.LBB2_4:
0x82: {  	p1 =	seq.s32 s10, $0x1  }
0x83: {  	[sflag:s7] =	ssyncadd.s32 $0xFFFFC000;
	s10 =	smov.u32 s8;
	s8 =	sadd.s32 $0x1, s8  }
0x84: {  	p0 =	sne.s32 s8, $0xF;
	s11 =	simm.s32 @p1 $0x3;
	s7 =	simm.s32 @!p1 $0x5  }
0x85: {  	_ =	swait.ge @p1 [sflag:s11], $0x4000  }
0x86: {  	[sflag:s11] =	ssyncset.done @p1 $0x0  }
0x87: {  	s12 =	simm.s32 @p1 $0x2000;
	[sflag:s11] =	ssyncadd.s32 @p1 $0xFFFFC000;
	s11 =	simm.s32 @p1 $0x80  }
0x88: {  	[tilespmem:s12], [sflag:$0x2] =	stream.indirect.gather @p1 [hbm4b:s1+s11], $0x80, s5, s11, $0xb8;
	[tilespmem:$0x1DC00] =	vst v63  }
0x89: {  	s13 =	simm.s32 @!p1 $0x2;
	s12 =	simm.s32 @p1 $0x6000  }
0x8a: {  	[spmem:s3] =	stream.indirect.scatter.add.f32 @p1 [tilespmem:s12], [sflag:$0x4], $0x80, s6, s11, $0xb8;
	[tilespmem:$0x1DC00] =	vst v63  }
0x8b: {  	_ =	swait.ge @!p1 [sflag:s13], $0x4000  }
0x8c: {  	[sflag:s13] =	ssyncset.done @!p1 $0x0  }
0x8d: {  	s11 =	simm.s32 @!p1 $0x80;
	s12 =	simm.s32 @!p1 $0x6000;
	[sflag:s13] =	ssyncadd.s32 @!p1 $0xFFFFC000  }
0x8e: {  	[tilespmem:s12], [sflag:$0x3] =	stream.indirect.gather @!p1 [hbm4b:s1+s11], $0x80, s5, s11, $0xb8;
	[tilespmem:$0x1DC00] =	vst v63  }
.Ltmp1:
0x8f: {  	_ = 	snop;
	(pc) =	sbr.rel @p0 .LBB2_4-.Ltmp1, $4  }
0x90: {  	s7 =	simm.s32 @p1 $0x4;
	s12 =	simm.s32 @!p1 $0x2000  }
0x91: {  	[spmem:s3] =	stream.indirect.scatter.add.f32 @!p1 [tilespmem:s12], [sflag:$0x5], $0x80, s6, s11, $0xb8;
	[tilespmem:$0x1DC00] =	vst v63  }
0x92: {  	s5 =	sadd.s32 $0x80, s5;
	_ =	swait.ge [sflag:s7], $0x4000  }
0x93: {  	s10 =	sand.u32 $0x1, s10;
	s6 =	sadd.s32 $0x80, s6;
	[sflag:s7] =	ssyncset.done $0x0  }
0x94: {  	p0 =	seq.s32 s10, $0x1  }
0x95: {  	[sflag:s7] =	ssyncadd.s32 $0xFFFFC000;
	s7 =	simm.s32 @p0 $0x3  }
0x96: {  	_ =	swait.ge @p0 [sflag:s7], $0x4000  }
0x97: {  	[sflag:s7] =	ssyncset.done @p0 $0x0  }
0x98: {  	s8 =	simm.s32 @p0 $0x2000;
	[sflag:s7] =	ssyncadd.s32 @p0 $0xFFFFC000;
	s7 =	simm.s32 @p0 $0x80  }
0x99: {  	[tilespmem:s8], [sflag:$0x2] =	stream.indirect.gather @p0 [hbm4b:s1+s7], $0x80, s5, s7, $0xb8;
	[tilespmem:$0x1DC00] =	vst v63  }
0x9a: {  	s10 =	simm.s32 @!p0 $0x2;
	s8 =	simm.s32 @p0 $0x6000  }
0x9b: {  	[spmem:s3] =	stream.indirect.scatter.add.f32 @p0 [tilespmem:s8], [sflag:$0x4], $0x80, s6, s7, $0xb8;
	[tilespmem:$0x1DC00] =	vst v63  }
0x9c: {  	_ =	swait.ge @!p0 [sflag:s10], $0x4000  }
0x9d: {  	s7 =	simm.s32 @!p0 $0x5;
	[sflag:s10] =	ssyncset.done @!p0 $0x0  }
0x9e: {  	s8 =	simm.s32 @!p0 $0x80;
	[sflag:s10] =	ssyncadd.s32 @!p0 $0xFFFFC000;
	s10 =	simm.s32 @!p0 $0x6000  }
0x9f: {  	[tilespmem:s10], [sflag:$0x3] =	stream.indirect.gather @!p0 [hbm4b:s1+s8], $0x80, s5, s8, $0xb8;
	[tilespmem:$0x1DC00] =	vst v63  }
0xa0: {  	s7 =	simm.s32 @p0 $0x4;
	s5 =	simm.s32 @!p0 $0x2000  }
0xa1: {  	[spmem:s3] =	stream.indirect.scatter.add.f32 @!p0 [tilespmem:s5], [sflag:$0x5], $0x80, s6, s8, $0xb8;
	[tilespmem:$0x1DC00] =	vst v63  }
0xa2: {  	_ =	swait.ge [sflag:s7], $0x4000  }
0xa3: {  	[sflag:s7] =	ssyncset.done $0x0  }
0xa4: {  	[sflag:s7] =	ssyncadd.s32 $0xFFFFC000  }
0xa5: {  	_ =	swait.ge [sflag:s25], $0x4000  }
0xa6: {  	[sflag:s25] =	ssyncset.done $0x0  }
0xa7: {  	s5 =	simm.s32 $0x80;
	[sflag:s25] =	ssyncadd.s32 $0xFFFFC000  }
0xa8: {  	[spmem:s3] =	stream.indirect.scatter.add.f32 [tilespmem:s29], [sflag:$0x4], $0x80, s31, s5, $0xb8;
	[tilespmem:$0x1DC00] =	vst v63  }
0xa9: {  	_ =	swait.ge [sflag:s20], $0x4000  }
0xaa: {  	[sflag:s20] =	ssyncset.done $0x0  }
0xab: {  	[sflag:s20] =	ssyncadd.s32 $0xFFFFC000  }
0xac: {  	_ =	swait.ge [sflag:s21], $0x800  }
0xad: {  	[sflag:s21] =	ssyncset.done $0x0  }
0xae: {  	[sflag:s21] =	ssyncadd.s32 $0xFFFFF800  }
0xaf: {  	_ =	swait.ge [sflag:s21], $0x800  }
0xb0: {  	s12 =	simm.s32 $0x0;
	[sflag:s21] =	ssyncset.done $0x0  }
0xb1: {  	s6 =	sand.u32 $0x1, s12;
	[sflag:s21] =	ssyncadd.s32 $0xFFFFF800  }
0xb2: {  	[tilespmem:s22], [sflag:$0x1] =	stream.linear.gather [hbm4b:s14+s12], $0x800, $0x38;
	[tilespmem:$0x1DC00] =	vst v63  }
0xb3: {  	p0 =	seq.s32 s6, $0x1  }
0xb4: {  	[tilespmem:s23], [sflag:$0x1] =	stream.linear.gather [hbm4b:s15+s12], $0x800, $0x38;
	[tilespmem:$0x1DC00] =	vst v63  }
0xb5: {  	s6 =	simm.s32 @p0 $0x3  }
0xb6: {  	[tilespmem:s24], [sflag:$0x2] =	stream.indirect.gather [hbm4b:s1+s5], $0x80, s12, s5, $0xb8;
	[tilespmem:$0x1DC00] =	vst v63  }
0xb7: {  	_ =	swait.ge @p0 [sflag:s6], $0x4000  }
0xb8: {  	[sflag:s6] =	ssyncset.done @p0 $0x0  }
0xb9: {  	s7 =	simm.s32 @p0 $0x2000;
	[sflag:s6] =	ssyncadd.s32 @p0 $0xFFFFC000;
	s6 =	simm.s32 @p0 $0x80  }
0xba: {  	[tilespmem:s7], [sflag:$0x2] =	stream.indirect.gather @p0 [hbm4b:s1+s6], $0x80, s5, s6, $0xb8;
	[tilespmem:$0x1DC00] =	vst v63  }
0xbb: {  	s8 =	simm.s32 $0x1000;
	s10 =	simm.s32 @!p0 $0x2;
	s7 =	simm.s32 @p0 $0x6000  }
0xbc: {  	[spmem:s3] =	stream.indirect.scatter.add.f32 @p0 [tilespmem:s7], [sflag:$0x4], $0x80, s8, s6, $0xb8;
	[tilespmem:$0x1DC00] =	vst v63  }
0xbd: {  	_ =	swait.ge @!p0 [sflag:s10], $0x4000  }
0xbe: {  	s7 =	simm.s32 @!p0 $0x5;
	[sflag:s10] =	ssyncset.done @!p0 $0x0  }
0xbf: {  	s6 =	simm.s32 @!p0 $0x80;
	[sflag:s10] =	ssyncadd.s32 @!p0 $0xFFFFC000;
	s10 =	simm.s32 @!p0 $0x6000  }
0xc0: {  	[tilespmem:s10], [sflag:$0x3] =	stream.indirect.gather @!p0 [hbm4b:s1+s6], $0x80, s5, s6, $0xb8;
	[tilespmem:$0x1DC00] =	vst v63  }
0xc1: {  	s13 =	simm.s32 $0x1;
	s7 =	simm.s32 @p0 $0x4;
	s5 =	simm.s32 @!p0 $0x2000  }
0xc2: {  	[spmem:s3] =	stream.indirect.scatter.add.f32 @!p0 [tilespmem:s5], [sflag:$0x5], $0x80, s8, s6, $0xb8;
	[tilespmem:$0x1DC00] =	vst v63  }
0xc3: {  	s10 =	sand.u32 $0x1, s13;
	s8 =	simm.s32 $0x2;
	_ =	swait.ge [sflag:s7], $0x4000  }
0xc4: {  	s5 =	simm.s32 $0x100;
	s6 =	simm.s32 $0x1080;
	[sflag:s7] =	ssyncset.done $0x0  }
.LBB2_6:
0xc5: {  	p1 =	seq.s32 s10, $0x1  }
0xc6: {  	[sflag:s7] =	ssyncadd.s32 $0xFFFFC000;
	s10 =	smov.u32 s8;
	s8 =	sadd.s32 $0x1, s8  }
0xc7: {  	p0 =	sne.s32 s8, $0xF;
	s11 =	simm.s32 @p1 $0x3;
	s7 =	simm.s32 @!p1 $0x5  }
0xc8: {  	_ =	swait.ge @p1 [sflag:s11], $0x4000  }
0xc9: {  	[sflag:s11] =	ssyncset.done @p1 $0x0  }
0xca: {  	s12 =	simm.s32 @p1 $0x2000;
	[sflag:s11] =	ssyncadd.s32 @p1 $0xFFFFC000;
	s11 =	simm.s32 @p1 $0x80  }
0xcb: {  	[tilespmem:s12], [sflag:$0x2] =	stream.indirect.gather @p1 [hbm4b:s1+s11], $0x80, s5, s11, $0xb8;
	[tilespmem:$0x1DC00] =	vst v63  }
0xcc: {  	s13 =	simm.s32 @!p1 $0x2;
	s12 =	simm.s32 @p1 $0x6000  }
0xcd: {  	[spmem:s3] =	stream.indirect.scatter.add.f32 @p1 [tilespmem:s12], [sflag:$0x4], $0x80, s6, s11, $0xb8;
	[tilespmem:$0x1DC00] =	vst v63  }
0xce: {  	_ =	swait.ge @!p1 [sflag:s13], $0x4000  }
0xcf: {  	[sflag:s13] =	ssyncset.done @!p1 $0x0  }
0xd0: {  	s11 =	simm.s32 @!p1 $0x80;
	s12 =	simm.s32 @!p1 $0x6000;
	[sflag:s13] =	ssyncadd.s32 @!p1 $0xFFFFC000  }
0xd1: {  	[tilespmem:s12], [sflag:$0x3] =	stream.indirect.gather @!p1 [hbm4b:s1+s11], $0x80, s5, s11, $0xb8;
	[tilespmem:$0x1DC00] =	vst v63  }
.Ltmp2:
0xd2: {  	_ = 	snop;
	(pc) =	sbr.rel @p0 .LBB2_6-.Ltmp2, $4  }
0xd3: {  	s7 =	simm.s32 @p1 $0x4;
	s12 =	simm.s32 @!p1 $0x2000  }
0xd4: {  	[spmem:s3] =	stream.indirect.scatter.add.f32 @!p1 [tilespmem:s12], [sflag:$0x5], $0x80, s6, s11, $0xb8;
	[tilespmem:$0x1DC00] =	vst v63  }
0xd5: {  	s5 =	sadd.s32 $0x80, s5;
	_ =	swait.ge [sflag:s7], $0x4000  }
0xd6: {  	s10 =	sand.u32 $0x1, s10;
	s6 =	sadd.s32 $0x80, s6;
	[sflag:s7] =	ssyncset.done $0x0  }
0xd7: {  	p0 =	seq.s32 s10, $0x1  }
0xd8: {  	[sflag:s7] =	ssyncadd.s32 $0xFFFFC000;
	s7 =	simm.s32 @p0 $0x3  }
0xd9: {  	_ =	swait.ge @p0 [sflag:s7], $0x4000  }
0xda: {  	[sflag:s7] =	ssyncset.done @p0 $0x0  }
0xdb: {  	s8 =	simm.s32 @p0 $0x2000;
	[sflag:s7] =	ssyncadd.s32 @p0 $0xFFFFC000;
	s7 =	simm.s32 @p0 $0x80  }
0xdc: {  	[tilespmem:s8], [sflag:$0x2] =	stream.indirect.gather @p0 [hbm4b:s1+s7], $0x80, s5, s7, $0xb8;
	[tilespmem:$0x1DC00] =	vst v63  }
0xdd: {  	s10 =	simm.s32 @!p0 $0x2;
	s8 =	simm.s32 @p0 $0x6000  }
0xde: {  	[spmem:s3] =	stream.indirect.scatter.add.f32 @p0 [tilespmem:s8], [sflag:$0x4], $0x80, s6, s7, $0xb8;
	[tilespmem:$0x1DC00] =	vst v63  }
0xdf: {  	_ =	swait.ge @!p0 [sflag:s10], $0x4000  }
0xe0: {  	s7 =	simm.s32 @!p0 $0x5;
	[sflag:s10] =	ssyncset.done @!p0 $0x0  }
0xe1: {  	s8 =	simm.s32 @!p0 $0x80;
	[sflag:s10] =	ssyncadd.s32 @!p0 $0xFFFFC000;
	s10 =	simm.s32 @!p0 $0x6000  }
0xe2: {  	[tilespmem:s10], [sflag:$0x3] =	stream.indirect.gather @!p0 [hbm4b:s1+s8], $0x80, s5, s8, $0xb8;
	[tilespmem:$0x1DC00] =	vst v63  }
0xe3: {  	s7 =	simm.s32 @p0 $0x4;
	s5 =	simm.s32 @!p0 $0x2000  }
0xe4: {  	[spmem:s3] =	stream.indirect.scatter.add.f32 @!p0 [tilespmem:s5], [sflag:$0x5], $0x80, s6, s8, $0xb8;
	[tilespmem:$0x1DC00] =	vst v63  }
0xe5: {  	_ =	swait.ge [sflag:s7], $0x4000  }
0xe6: {  	[sflag:s7] =	ssyncset.done $0x0  }
0xe7: {  	[sflag:s7] =	ssyncadd.s32 $0xFFFFC000  }
0xe8: {  	_ =	swait.ge [sflag:s25], $0x4000  }
0xe9: {  	[sflag:s25] =	ssyncset.done $0x0  }
0xea: {  	[sflag:s25] =	ssyncadd.s32 $0xFFFFC000  }
0xeb: {  	[spmem:s3] =	stream.indirect.scatter.add.f32 [tilespmem:s29], [sflag:$0x4], $0x80, s28, s26, $0xb8;
	[tilespmem:$0x1DC00] =	vst v63  }
0xec: {  	_ =	swait.ge [sflag:s20], $0x4000  }
0xed: {  	[sflag:s20] =	ssyncset.done $0x0  }
0xee: {  	[sflag:s20] =	ssyncadd.s32 $0xFFFFC000  }
0xef: {  	_ =	swait.ge [sflag:s21], $0x800  }
0xf0: {  	[sflag:s21] =	ssyncset.done $0x0  }
0xf1: {  	[sflag:s21] =	ssyncadd.s32 $0xFFFFF800  }
0xf2: {  	_ =	swait.ge [sflag:s21], $0x800  }
0xf3: {  	s12 =	simm.s32 $0x0;
	[sflag:s21] =	ssyncset.done $0x0  }
0xf4: {  	s5 =	sand.u32 $0x1, s12;
	[sflag:s21] =	ssyncadd.s32 $0xFFFFF800  }
0xf5: {  	[tilespmem:s12], [sflag:$0x1] =	stream.linear.gather [hbm4b:s16+s12], $0x800, $0x38;
	[tilespmem:$0x1DC00] =	vst v63  }
0xf6: {  	p0 =	seq.s32 s5, $0x1  }
0xf7: {  	[tilespmem:s30], [sflag:$0x1] =	stream.linear.gather [hbm4b:s17+s12], $0x800, $0x38;
	[tilespmem:$0x1DC00] =	vst v63  }
0xf8: {  	s5 =	simm.s32 @p0 $0x3  }
0xf9: {  	[tilespmem:s24], [sflag:$0x2] =	stream.indirect.gather [hbm4b:s1+s26], $0x80, s22, s26, $0xb8;
	[tilespmem:$0x1DC00] =	vst v63  }
0xfa: {  	_ =	swait.ge @p0 [sflag:s5], $0x4000  }
0xfb: {  	s6 =	simm.s32 $0x880;
	[sflag:s5] =	ssyncset.done @p0 $0x0  }
0xfc: {  	s7 =	simm.s32 @p0 $0x2000;
	[sflag:s5] =	ssyncadd.s32 @p0 $0xFFFFC000;
	s5 =	simm.s32 @p0 $0x80  }
0xfd: {  	[tilespmem:s7], [sflag:$0x2] =	stream.indirect.gather @p0 [hbm4b:s1+s5], $0x80, s6, s5, $0xb8;
	[tilespmem:$0x1DC00] =	vst v63  }
0xfe: {  	s8 =	simm.s32 $0x1800;
	s10 =	simm.s32 @!p0 $0x2;
	s7 =	simm.s32 @p0 $0x6000  }
0xff: {  	[spmem:s3] =	stream.indirect.scatter.add.f32 @p0 [tilespmem:s7], [sflag:$0x4], $0x80, s8, s5, $0xb8;
	[tilespmem:$0x1DC00] =	vst v63  }
0x100: {  	_ =	swait.ge @!p0 [sflag:s10], $0x4000  }
0x101: {  	s7 =	simm.s32 @!p0 $0x5;
	[sflag:s10] =	ssyncset.done @!p0 $0x0  }
0x102: {  	s5 =	simm.s32 @!p0 $0x80;
	[sflag:s10] =	ssyncadd.s32 @!p0 $0xFFFFC000;
	s10 =	simm.s32 @!p0 $0x6000  }
0x103: {  	[tilespmem:s10], [sflag:$0x3] =	stream.indirect.gather @!p0 [hbm4b:s1+s5], $0x80, s6, s5, $0xb8;
	[tilespmem:$0x1DC00] =	vst v63  }
0x104: {  	s13 =	simm.s32 $0x1;
	s7 =	simm.s32 @p0 $0x4;
	s10 =	simm.s32 @!p0 $0x2000  }
0x105: {  	[spmem:s3] =	stream.indirect.scatter.add.f32 @!p0 [tilespmem:s10], [sflag:$0x5], $0x80, s8, s5, $0xb8;
	[tilespmem:$0x1DC00] =	vst v63  }
0x106: {  	s6 =	simm.s32 $0x1880;
	s8 =	simm.s32 $0x2;
	_ =	swait.ge [sflag:s7], $0x4000  }
0x107: {  	s5 =	simm.s32 $0x900;
	s10 =	sand.u32 $0x1, s13;
	[sflag:s7] =	ssyncset.done $0x0  }
.LBB2_8:
0x108: {  	p1 =	seq.s32 s10, $0x1  }
0x109: {  	[sflag:s7] =	ssyncadd.s32 $0xFFFFC000;
	s10 =	smov.u32 s8;
	s8 =	sadd.s32 $0x1, s8  }
0x10a: {  	p0 =	sne.s32 s8, $0xF;
	s11 =	simm.s32 @p1 $0x3;
	s7 =	simm.s32 @!p1 $0x5  }
0x10b: {  	_ =	swait.ge @p1 [sflag:s11], $0x4000  }
0x10c: {  	[sflag:s11] =	ssyncset.done @p1 $0x0  }
0x10d: {  	s12 =	simm.s32 @p1 $0x2000;
	[sflag:s11] =	ssyncadd.s32 @p1 $0xFFFFC000;
	s11 =	simm.s32 @p1 $0x80  }
0x10e: {  	[tilespmem:s12], [sflag:$0x2] =	stream.indirect.gather @p1 [hbm4b:s1+s11], $0x80, s5, s11, $0xb8;
	[tilespmem:$0x1DC00] =	vst v63  }
0x10f: {  	s13 =	simm.s32 @!p1 $0x2;
	s12 =	simm.s32 @p1 $0x6000  }
0x110: {  	[spmem:s3] =	stream.indirect.scatter.add.f32 @p1 [tilespmem:s12], [sflag:$0x4], $0x80, s6, s11, $0xb8;
	[tilespmem:$0x1DC00] =	vst v63  }
0x111: {  	_ =	swait.ge @!p1 [sflag:s13], $0x4000  }
0x112: {  	[sflag:s13] =	ssyncset.done @!p1 $0x0  }
0x113: {  	s11 =	simm.s32 @!p1 $0x80;
	s12 =	simm.s32 @!p1 $0x6000;
	[sflag:s13] =	ssyncadd.s32 @!p1 $0xFFFFC000  }
0x114: {  	[tilespmem:s12], [sflag:$0x3] =	stream.indirect.gather @!p1 [hbm4b:s1+s11], $0x80, s5, s11, $0xb8;
	[tilespmem:$0x1DC00] =	vst v63  }
.Ltmp3:
0x115: {  	_ = 	snop;
	(pc) =	sbr.rel @p0 .LBB2_8-.Ltmp3, $4  }
0x116: {  	s7 =	simm.s32 @p1 $0x4;
	s12 =	simm.s32 @!p1 $0x2000  }
0x117: {  	[spmem:s3] =	stream.indirect.scatter.add.f32 @!p1 [tilespmem:s12], [sflag:$0x5], $0x80, s6, s11, $0xb8;
	[tilespmem:$0x1DC00] =	vst v63  }
0x118: {  	s5 =	sadd.s32 $0x80, s5;
	_ =	swait.ge [sflag:s7], $0x4000  }
0x119: {  	s10 =	sand.u32 $0x1, s10;
	s6 =	sadd.s32 $0x80, s6;
	[sflag:s7] =	ssyncset.done $0x0  }
0x11a: {  	p0 =	seq.s32 s10, $0x1  }
0x11b: {  	[sflag:s7] =	ssyncadd.s32 $0xFFFFC000;
	s7 =	simm.s32 @p0 $0x3  }
0x11c: {  	_ =	swait.ge @p0 [sflag:s7], $0x4000  }
0x11d: {  	[sflag:s7] =	ssyncset.done @p0 $0x0  }
0x11e: {  	s8 =	simm.s32 @p0 $0x2000;
	[sflag:s7] =	ssyncadd.s32 @p0 $0xFFFFC000;
	s7 =	simm.s32 @p0 $0x80  }
0x11f: {  	[tilespmem:s8], [sflag:$0x2] =	stream.indirect.gather @p0 [hbm4b:s1+s7], $0x80, s5, s7, $0xb8;
	[tilespmem:$0x1DC00] =	vst v63  }
0x120: {  	s10 =	simm.s32 @!p0 $0x2;
	s8 =	simm.s32 @p0 $0x6000  }
0x121: {  	[spmem:s3] =	stream.indirect.scatter.add.f32 @p0 [tilespmem:s8], [sflag:$0x4], $0x80, s6, s7, $0xb8;
	[tilespmem:$0x1DC00] =	vst v63  }
0x122: {  	_ =	swait.ge @!p0 [sflag:s10], $0x4000  }
0x123: {  	s7 =	simm.s32 @!p0 $0x5;
	[sflag:s10] =	ssyncset.done @!p0 $0x0  }
0x124: {  	s8 =	simm.s32 @!p0 $0x80;
	[sflag:s10] =	ssyncadd.s32 @!p0 $0xFFFFC000;
	s10 =	simm.s32 @!p0 $0x6000  }
0x125: {  	[tilespmem:s10], [sflag:$0x3] =	stream.indirect.gather @!p0 [hbm4b:s1+s8], $0x80, s5, s8, $0xb8;
	[tilespmem:$0x1DC00] =	vst v63  }
0x126: {  	s7 =	simm.s32 @p0 $0x4;
	s5 =	simm.s32 @!p0 $0x2000  }
0x127: {  	[spmem:s3] =	stream.indirect.scatter.add.f32 @!p0 [tilespmem:s5], [sflag:$0x5], $0x80, s6, s8, $0xb8;
	[tilespmem:$0x1DC00] =	vst v63  }
0x128: {  	_ =	swait.ge [sflag:s7], $0x4000  }
0x129: {  	[sflag:s7] =	ssyncset.done $0x0  }
0x12a: {  	[sflag:s7] =	ssyncadd.s32 $0xFFFFC000  }
0x12b: {  	_ =	swait.ge [sflag:s25], $0x4000  }
0x12c: {  	[sflag:s25] =	ssyncset.done $0x0  }
0x12d: {  	s5 =	simm.s32 $0x80;
	[sflag:s25] =	ssyncadd.s32 $0xFFFFC000  }
0x12e: {  	[spmem:s3] =	stream.indirect.scatter.add.f32 [tilespmem:s29], [sflag:$0x4], $0x80, s31, s5, $0xb8;
	[tilespmem:$0x1DC00] =	vst v63  }
0x12f: {  	_ =	swait.ge [sflag:s20], $0x4000  }
0x130: {  	[sflag:s20] =	ssyncset.done $0x0  }
0x131: {  	[sflag:s20] =	ssyncadd.s32 $0xFFFFC000  }
0x132: {  	_ =	swait.ge [sflag:s21], $0x800  }
0x133: {  	[sflag:s21] =	ssyncset.done $0x0  }
0x134: {  	s12 =	simm.s32 $0x0;
	[sflag:s21] =	ssyncadd.s32 $0xFFFFF800  }
0x135: {  	s6 =	sand.u32 $0x1, s12;
	_ =	swait.ge [sflag:s21], $0x800  }
0x136: {  	p0 =	seq.s32 s6, $0x1;
	[sflag:s21] =	ssyncset.done $0x0  }
0x137: {  	s6 =	simm.s32 @p0 $0x3;
	[sflag:s21] =	ssyncadd.s32 $0xFFFFF800  }
0x138: {  	[tilespmem:s24], [sflag:$0x2] =	stream.indirect.gather [hbm4b:s1+s5], $0x80, s12, s5, $0xb8;
	[tilespmem:$0x1DC00] =	vst v63  }
0x139: {  	_ =	swait.ge @p0 [sflag:s6], $0x4000  }
0x13a: {  	[sflag:s6] =	ssyncset.done @p0 $0x0  }
0x13b: {  	s7 =	simm.s32 @p0 $0x2000;
	[sflag:s6] =	ssyncadd.s32 @p0 $0xFFFFC000;
	s6 =	simm.s32 @p0 $0x80  }
0x13c: {  	[tilespmem:s7], [sflag:$0x2] =	stream.indirect.gather @p0 [hbm4b:s1+s6], $0x80, s5, s6, $0xb8;
	[tilespmem:$0x1DC00] =	vst v63  }
0x13d: {  	s8 =	simm.s32 $0x1000;
	s10 =	simm.s32 @!p0 $0x2;
	s7 =	simm.s32 @p0 $0x6000  }
0x13e: {  	[spmem:s3] =	stream.indirect.scatter.add.f32 @p0 [tilespmem:s7], [sflag:$0x4], $0x80, s8, s6, $0xb8;
	[tilespmem:$0x1DC00] =	vst v63  }
0x13f: {  	_ =	swait.ge @!p0 [sflag:s10], $0x4000  }
0x140: {  	s7 =	simm.s32 @!p0 $0x5;
	[sflag:s10] =	ssyncset.done @!p0 $0x0  }
0x141: {  	s6 =	simm.s32 @!p0 $0x80;
	[sflag:s10] =	ssyncadd.s32 @!p0 $0xFFFFC000;
	s10 =	simm.s32 @!p0 $0x6000  }
0x142: {  	[tilespmem:s10], [sflag:$0x3] =	stream.indirect.gather @!p0 [hbm4b:s1+s6], $0x80, s5, s6, $0xb8;
	[tilespmem:$0x1DC00] =	vst v63  }
0x143: {  	s13 =	simm.s32 $0x1;
	s7 =	simm.s32 @p0 $0x4;
	s5 =	simm.s32 @!p0 $0x2000  }
0x144: {  	[spmem:s3] =	stream.indirect.scatter.add.f32 @!p0 [tilespmem:s5], [sflag:$0x5], $0x80, s8, s6, $0xb8;
	[tilespmem:$0x1DC00] =	vst v63  }
0x145: {  	s10 =	sand.u32 $0x1, s13;
	s8 =	simm.s32 $0x2;
	_ =	swait.ge [sflag:s7], $0x4000  }
0x146: {  	s5 =	simm.s32 $0x100;
	s6 =	simm.s32 $0x1080;
	[sflag:s7] =	ssyncset.done $0x0  }
.LBB2_10:
0x147: {  	p1 =	seq.s32 s10, $0x1  }
0x148: {  	[sflag:s7] =	ssyncadd.s32 $0xFFFFC000;
	s10 =	smov.u32 s8;
	s8 =	sadd.s32 $0x1, s8  }
0x149: {  	p0 =	sne.s32 s8, $0xF;
	s11 =	simm.s32 @p1 $0x3;
	s7 =	simm.s32 @!p1 $0x5  }
0x14a: {  	_ =	swait.ge @p1 [sflag:s11], $0x4000  }
0x14b: {  	[sflag:s11] =	ssyncset.done @p1 $0x0  }
0x14c: {  	s12 =	simm.s32 @p1 $0x2000;
	[sflag:s11] =	ssyncadd.s32 @p1 $0xFFFFC000;
	s11 =	simm.s32 @p1 $0x80  }
0x14d: {  	[tilespmem:s12], [sflag:$0x2] =	stream.indirect.gather @p1 [hbm4b:s1+s11], $0x80, s5, s11, $0xb8;
	[tilespmem:$0x1DC00] =	vst v63  }
0x14e: {  	s13 =	simm.s32 @!p1 $0x2;
	s12 =	simm.s32 @p1 $0x6000  }
0x14f: {  	[spmem:s3] =	stream.indirect.scatter.add.f32 @p1 [tilespmem:s12], [sflag:$0x4], $0x80, s6, s11, $0xb8;
	[tilespmem:$0x1DC00] =	vst v63  }
0x150: {  	_ =	swait.ge @!p1 [sflag:s13], $0x4000  }
0x151: {  	[sflag:s13] =	ssyncset.done @!p1 $0x0  }
0x152: {  	s11 =	simm.s32 @!p1 $0x80;
	s12 =	simm.s32 @!p1 $0x6000;
	[sflag:s13] =	ssyncadd.s32 @!p1 $0xFFFFC000  }
0x153: {  	[tilespmem:s12], [sflag:$0x3] =	stream.indirect.gather @!p1 [hbm4b:s1+s11], $0x80, s5, s11, $0xb8;
	[tilespmem:$0x1DC00] =	vst v63  }
.Ltmp4:
0x154: {  	_ = 	snop;
	(pc) =	sbr.rel @p0 .LBB2_10-.Ltmp4, $4  }
0x155: {  	s7 =	simm.s32 @p1 $0x4;
	s12 =	simm.s32 @!p1 $0x2000  }
0x156: {  	[spmem:s3] =	stream.indirect.scatter.add.f32 @!p1 [tilespmem:s12], [sflag:$0x5], $0x80, s6, s11, $0xb8;
	[tilespmem:$0x1DC00] =	vst v63  }
0x157: {  	s5 =	sadd.s32 $0x80, s5;
	_ =	swait.ge [sflag:s7], $0x4000  }
0x158: {  	s10 =	sand.u32 $0x1, s10;
	s6 =	sadd.s32 $0x80, s6;
	[sflag:s7] =	ssyncset.done $0x0  }
0x159: {  	p0 =	seq.s32 s10, $0x1  }
0x15a: {  	[sflag:s7] =	ssyncadd.s32 $0xFFFFC000;
	s7 =	simm.s32 @p0 $0x3  }
0x15b: {  	_ =	swait.ge @p0 [sflag:s7], $0x4000  }
0x15c: {  	[sflag:s7] =	ssyncset.done @p0 $0x0  }
0x15d: {  	s8 =	simm.s32 @p0 $0x2000;
	[sflag:s7] =	ssyncadd.s32 @p0 $0xFFFFC000;
	s7 =	simm.s32 @p0 $0x80  }
0x15e: {  	[tilespmem:s8], [sflag:$0x2] =	stream.indirect.gather @p0 [hbm4b:s1+s7], $0x80, s5, s7, $0xb8;
	[tilespmem:$0x1DC00] =	vst v63  }
0x15f: {  	s10 =	simm.s32 @!p0 $0x2;
	s8 =	simm.s32 @p0 $0x6000  }
0x160: {  	[spmem:s3] =	stream.indirect.scatter.add.f32 @p0 [tilespmem:s8], [sflag:$0x4], $0x80, s6, s7, $0xb8;
	[tilespmem:$0x1DC00] =	vst v63  }
0x161: {  	_ =	swait.ge @!p0 [sflag:s10], $0x4000  }
0x162: {  	s7 =	simm.s32 @!p0 $0x5;
	[sflag:s10] =	ssyncset.done @!p0 $0x0  }
0x163: {  	s8 =	simm.s32 @!p0 $0x80;
	[sflag:s10] =	ssyncadd.s32 @!p0 $0xFFFFC000;
	s10 =	simm.s32 @!p0 $0x6000  }
0x164: {  	[tilespmem:s10], [sflag:$0x3] =	stream.indirect.gather @!p0 [hbm4b:s1+s8], $0x80, s5, s8, $0xb8;
	[tilespmem:$0x1DC00] =	vst v63  }
0x165: {  	s7 =	simm.s32 @p0 $0x4;
	s5 =	simm.s32 @!p0 $0x2000  }
0x166: {  	[spmem:s3] =	stream.indirect.scatter.add.f32 @!p0 [tilespmem:s5], [sflag:$0x5], $0x80, s6, s8, $0xb8;
	[tilespmem:$0x1DC00] =	vst v63  }
0x167: {  	_ =	swait.ge [sflag:s7], $0x4000  }
0x168: {  	[sflag:s7] =	ssyncset.done $0x0  }
0x169: {  	[sflag:s7] =	ssyncadd.s32 $0xFFFFC000  }
0x16a: {  	_ =	swait.ge [sflag:s25], $0x4000  }
0x16b: {  	[sflag:s25] =	ssyncset.done $0x0  }
0x16c: {  	[sflag:s25] =	ssyncadd.s32 $0xFFFFC000  }
0x16d: {  	[spmem:s3] =	stream.indirect.scatter.add.f32 [tilespmem:s29], [sflag:$0x4], $0x80, s28, s26, $0xb8;
	[tilespmem:$0x1DC00] =	vst v63  }
0x16e: {  	_ =	swait.ge [sflag:s20], $0x4000  }
0x16f: {  	s0 =	sadd.s32 $0x1, s0;
	[sflag:s20] =	ssyncset.done $0x0  }
0x170: {  	p0 =	sne.s32 s0, s19;
	[sflag:s20] =	ssyncadd.s32 $0xFFFFC000  }
.Ltmp5:
0x171: {  	[bflag:$0x0] =	sbarrier.arrive $0xFFFF;
	(pc) =	sbr.rel @p0 .LBB2_1-.Ltmp5, $4  }
0x172: {  	[hbm:s18], [sflag:s9] =	dma.local [spmem:s2], $0x2780  }
0x173: {  	_ =	swait.ge [sflag:s20], $0x2780  }
0x174: {  	[sflag:s20] =	ssyncset.done $0x0  }
0x175: {  	[sflag:s20] =	ssyncadd.s32 $0xFFFFD880  }
0x176: {  	_ =	sfence.sel $0x180000  }
0x177: {  	[bflag:$0x0] =	sbarrier.arrive $0xFFFF  }
0x178: {  	_ =	strace $0x90000050  }
0x179: {  	s0 =	stileid.u32;
	[bflag:$0x2] =	sbarrier.arrive $0xFFFF  }
0x17a: {  	p0 =	sne.s32 s0, $0x0;
	s0 =	rddreg [dreg:$0x4]  }
0x17b: {  	s0 =	sadd.s32 @!p0 $0x100000, s0  }
0x17c: {  	[sflag:s0] =	ssyncadd.tile.s32 @!p0 $0x1;
	_ =	shalt  }
.Lfunc_end2:
_tile_overlayer_lowered:
.L_overlay_start_2:
0x17d: {  	(tag) =	ssettag $0x2  }
0x17e: {  	s0 =	rddreg [dreg:$0x0];
	s2 =	stileid.u32  }
0x17f: {  	s1 =	rddreg [dreg:$0x1];
	p0 =	sne.s32 s2, $0x0  }
0x180: {  	s3 =	rddreg [dreg:$0x2];
	[bflag:$0x3] =	sbarrier.arrive $0xFFFF;
	s2 =	simm.s32 @!p0 $0x1C04  }
0x181: {  	[timem:s3], [sflag:s2] =	dma.local @!p0 [hbm:s0], s1  }
0x182: {  	s0 =	simm.s32 @!p0 $0x4  }
0x183: {  	_ =	swait.ge @!p0 [sflag:s0], s1  }
0x184: {  	s1 =	ssub.s32 @!p0 $0x0, s1;
	[sflag:s0] =	ssyncset.done @!p0 $0x0  }
0x185: {  	[sflag:s0] =	ssyncadd.s32 @!p0 s1  }
0x186: {  	[bflag:$0x3] =	sbarrier.arrive $0xFFFF  }
0x187: {  	_ =	shalt  }

</sc_bundles>
